<compile_context>
chip_gen: v7x
topology: tpu7x:2x2x1
jax: 0.10.2.dev20260603
libtpu: 0.0.44.dev20260713+nightly
codegen_flags: <defaults>
</compile_context>

<pallas_src>
import functools

import jax
import jax.numpy as jnp
from jax import lax
from jax.experimental import pallas as pl
from jax.experimental.pallas import tpu as pltpu
from jax.experimental.pallas import tpu_sc as plsc

F32 = jnp.float32

H = 128
NA = 50001
NB = 200001
NMOL = 1000
MOLSZ = 50
MAXB = 6
NA_PAD = 53248
NB_PAD = 200704

NC = 2
NS = 16
NW = NC * NS

ATOMS_W = NA_PAD // NW
A_BLK = 64
N_ABLK = ATOMS_W // A_BLK
BONDS_W = NB_PAD // NW
B_BLK = 112
N_BBLK = BONDS_W // B_BLK

ROW_BLK = 2048


def _sc_mesh():
    return plsc.VectorSubcoreMesh(core_axis_name="c", subcore_axis_name="s")


def _sc_gather6(mb, idx_sm):
    G_STRM = 104
    G_BLK = 2 * G_STRM
    GW = MAXB * NA_PAD // NW
    N_GBLK = GW // G_BLK

    scratch = []
    for _ in range(2):
        scratch += [
            pltpu.VMEM((G_STRM,), jnp.int32),
            pltpu.VMEM((G_STRM,), jnp.int32),
            pltpu.VMEM((G_STRM, H), F32),
            pltpu.VMEM((G_STRM, H), F32),
            pltpu.SemaphoreType.DMA,
            pltpu.SemaphoreType.DMA,
        ]

    def body(mb_hbm, idx_hbm, out_hbm, *bufs):
        idx0_v = (bufs[0], bufs[6])
        idx1_v = (bufs[1], bufs[7])
        row0_v = (bufs[2], bufs[8])
        row1_v = (bufs[3], bufs[9])
        gsem = (bufs[4], bufs[10])
        osem = (bufs[5], bufs[11])
        wid = lax.axis_index("s") * NC + lax.axis_index("c")
        e_base = wid * GW

        def gathers(b):
            return [
                pltpu.make_async_copy(mb_hbm.at[idx0_v[b]], row0_v[b],
                                      gsem[b]),
                pltpu.make_async_copy(mb_hbm.at[idx1_v[b]], row1_v[b],
                                      gsem[b]),
            ]

        def issue_block(k, b):
            e0 = e_base + k * G_BLK
            pltpu.sync_copy(idx_hbm.at[pl.ds(e0, G_STRM)], idx0_v[b])
            pltpu.sync_copy(idx_hbm.at[pl.ds(e0 + G_STRM, G_STRM)], idx1_v[b])
            for cp in gathers(b):
                cp.start()

        def out_copies(k, b):
            e0 = e_base + k * G_BLK
            return [
                pltpu.make_async_copy(row0_v[b],
                                      out_hbm.at[pl.ds(e0, G_STRM)], osem[b]),
                pltpu.make_async_copy(row1_v[b],
                                      out_hbm.at[pl.ds(e0 + G_STRM, G_STRM)],
                                      osem[b]),
            ]

        def do_block(k, b, prefetch):
            for cp in gathers(b):
                cp.wait()
            for cp in out_copies(k, b):
                cp.start()
            for cp in out_copies(k, b):
                cp.wait()
            if prefetch:
                issue_block(k + 2, b)

        issue_block(0, 0)
        issue_block(1, 1)

        def pair_body(o, carry):
            for b in range(2):
                do_block(o * 2 + b, b, True)
            return carry

        lax.fori_loop(0, N_GBLK // 2 - 1, pair_body, 0)
        for b in range(2):
            do_block(N_GBLK - 2 + b, b, False)

    kern = pl.kernel(
        body,
        out_type=jax.ShapeDtypeStruct((MAXB * NA_PAD, H), F32),
        mesh=_sc_mesh(),
        scratch_types=scratch,
    )
    return kern(mb, idx_sm)


def _tc_a2b_combine(nei, base):
    with_base = base is not None
    RB = 2048

    def body(*refs):
        nei_ref = refs[0]
        o_ref = refs[-1]
        v = [nei_ref[j] for j in range(MAXB)]
        s = ((v[0] + v[4]) + v[2]) + ((v[1] + v[5]) + v[3])
        m = jnp.maximum(jnp.maximum(jnp.maximum(v[0], v[4]), v[2]),
                        jnp.maximum(jnp.maximum(v[1], v[5]), v[3]))
        r = s * m
        if with_base:
            r = r + refs[1][...]
        o_ref[...] = r

    in_specs = [pl.BlockSpec((MAXB, RB, H), lambda i: (0, i, 0))]
    args = [nei.reshape(MAXB, NA_PAD, H)]
    if with_base:
        in_specs.append(pl.BlockSpec((RB, H), lambda i: (i, 0)))
        args.append(base)

    return pl.pallas_call(
        body,
        grid=(NA_PAD // RB,),
        in_specs=in_specs,
        out_specs=pl.BlockSpec((RB, H), lambda i: (i, 0)),
        out_shape=jax.ShapeDtypeStruct((NA_PAD, H), F32),
    )(*args)


def _sc_a2b_combine(mb, idx_sm, base):
    nei = _sc_gather6(mb, idx_sm)
    return _tc_a2b_combine(nei, base)


def _sc_bond_diff(ma, mb, b2a_p, b2revb_p):

    scratch = []
    for _ in range(2):
        scratch += [
            pltpu.VMEM((B_BLK,), jnp.int32),
            pltpu.VMEM((B_BLK,), jnp.int32),
            pltpu.VMEM((B_BLK, H), F32),
            pltpu.VMEM((B_BLK, H), F32),
            pltpu.SemaphoreType.DMA,
            pltpu.SemaphoreType.DMA,
        ]

    def body(ma_hbm, mb_hbm, b2a_hbm, b2revb_hbm, out_hbm, *bufs):
        aidx_v = (bufs[0], bufs[6])
        ridx_v = (bufs[1], bufs[7])
        arow_v = (bufs[2], bufs[8])
        rrow_v = (bufs[3], bufs[9])
        gsem = (bufs[4], bufs[10])
        osem = (bufs[5], bufs[11])
        wid = lax.axis_index("s") * NC + lax.axis_index("c")
        e_base = wid * BONDS_W

        def gathers(b):
            return [
                pltpu.make_async_copy(ma_hbm.at[aidx_v[b]], arow_v[b],
                                      gsem[b]),
                pltpu.make_async_copy(mb_hbm.at[ridx_v[b]], rrow_v[b],
                                      gsem[b]),
            ]

        def issue_block(k, b):
            e0 = e_base + k * B_BLK
            pltpu.sync_copy(b2a_hbm.at[pl.ds(e0, B_BLK)], aidx_v[b])
            pltpu.sync_copy(b2revb_hbm.at[pl.ds(e0, B_BLK)], ridx_v[b])
            for cp in gathers(b):
                cp.start()

        def out_copy(k, b):
            e0 = e_base + k * B_BLK
            return pltpu.make_async_copy(
                arow_v[b], out_hbm.at[pl.ds(e0, B_BLK)], osem[b])

        def do_block(k, b, prefetch):
            for cp in gathers(b):
                cp.wait()

            def row_body(r, c2):
                for c in range(H // 16):
                    sl = pl.ds(c * 16, 16)
                    arow_v[b][r, sl] = arow_v[b][r, sl] - rrow_v[b][r, sl]
                return c2

            lax.fori_loop(0, B_BLK, row_body, 0)
            out_copy(k, b).start()
            out_copy(k, b).wait()
            if prefetch:
                issue_block(k + 2, b)

        issue_block(0, 0)
        issue_block(1, 1)

        def pair_body(o, carry):
            for b in range(2):
                do_block(o * 2 + b, b, True)
            return carry

        lax.fori_loop(0, N_BBLK // 2 - 1, pair_body, 0)
        for b in range(2):
            do_block(N_BBLK - 2 + b, b, False)

    kern = pl.kernel(
        body,
        out_type=jax.ShapeDtypeStruct((NB_PAD, H), F32),
        mesh=_sc_mesh(),
        scratch_types=scratch,
    )
    return kern(ma, mb, b2a_p, b2revb_p)


def _rowmm(xs, wTs, n_out_rows, adds=(), bias=None, act=False):
    nx = len(xs)
    nadd = len(adds)
    grid = (pl.cdiv(n_out_rows, ROW_BLK),)

    def body(*refs):
        xrefs = refs[:nx]
        wrefs = refs[nx:2 * nx]
        arefs = refs[2 * nx:2 * nx + nadd]
        pos = 2 * nx + nadd
        b_ref = refs[pos] if bias is not None else None
        o_ref = refs[-1]
        acc = jnp.dot(xrefs[0][...], wrefs[0][...],
                      preferred_element_type=F32)
        for i in range(1, nx):
            acc = acc + jnp.dot(xrefs[i][...], wrefs[i][...],
                                preferred_element_type=F32)
        for a_ref in arefs:
            acc = acc + a_ref[...]
        if b_ref is not None:
            acc = acc + b_ref[...]
        if act:
            acc = jnp.maximum(acc, 0.0)
        o_ref[...] = acc

    in_specs = (
        [pl.BlockSpec((ROW_BLK, x.shape[1]), lambda i: (i, 0)) for x in xs]
        + [pl.BlockSpec(wT.shape, lambda i: (0, 0)) for wT in wTs]
        + [pl.BlockSpec((ROW_BLK, H), lambda i: (i, 0)) for _ in adds]
    )
    args = list(xs) + list(wTs) + list(adds)
    if bias is not None:
        in_specs.append(pl.BlockSpec(bias.shape, lambda i: (0, 0)))
        args.append(bias)

    return pl.pallas_call(
        body,
        grid=grid,
        in_specs=in_specs,
        out_specs=pl.BlockSpec((ROW_BLK, H), lambda i: (i, 0)),
        out_shape=jax.ShapeDtypeStruct((n_out_rows, H), F32),
    )(*args)


def _h0_max(hs):
    MB = 40

    def body(h_ref, o_ref):
        m = h_ref[:, 0, :]
        for t in range(1, MOLSZ):
            m = jnp.maximum(m, h_ref[:, t, :])
        o_ref[...] = m

    return pl.pallas_call(
        body,
        grid=(NMOL // MB,),
        in_specs=[pl.BlockSpec((MB, MOLSZ, H), lambda i: (i, 0, 0))],
        out_specs=pl.BlockSpec((MB, H), lambda i: (i, 0)),
        out_shape=jax.ShapeDtypeStruct((NMOL, H), F32),
    )(hs)


def _gru_bidir(hs_t, h0, gbias, wih_f, whh_f, bih_f, bhh_f,
               wih_b, whh_b, bih_b, bhh_b):

    def body(hsf_ref, hsb_ref, h0_ref, gb_ref,
             wihf_ref, whhf_ref, bihf_ref, bhhf_ref,
             wihb_ref, whhb_ref, bihb_ref, bhhb_ref,
             of_ref, ob_ref, hf, hb):
        t = pl.program_id(0)

        @pl.when(t == 0)
        def _():
            hf[...] = h0_ref[...]
            hb[...] = h0_ref[...]

        def cell(x_ref, h_scr, wih, whh, bih, bhh):
            x = jnp.maximum(x_ref[0, :, :] + gb_ref[...], 0.0)
            h = h_scr[...]
            gi = jnp.dot(x, wih[...], preferred_element_type=F32) + bih[...]
            gh = jnp.dot(h, whh[...], preferred_element_type=F32) + bhh[...]
            sig = lambda v: 1.0 / (1.0 + jnp.exp(-v))
            tnh = lambda v: 1.0 - 2.0 / (jnp.exp(2.0 * v) + 1.0)
            r = sig(gi[:, :H] + gh[:, :H])
            z = sig(gi[:, H:2 * H] + gh[:, H:2 * H])
            n = tnh(gi[:, 2 * H:] + r * gh[:, 2 * H:])
            hn = (1.0 - z) * n + z * h
            h_scr[...] = hn
            return hn

        of_ref[0, :, :] = cell(hsf_ref, hf, wihf_ref, whhf_ref,
                               bihf_ref, bhhf_ref)
        ob_ref[0, :, :] = cell(hsb_ref, hb, wihb_ref, whhb_ref,
                               bihb_ref, bhhb_ref)

    full = lambda shape: pl.BlockSpec(shape, lambda t: tuple(0 for _ in shape))
    in_specs = [
        pl.BlockSpec((1, NMOL, H), lambda t: (t, 0, 0)),
        pl.BlockSpec((1, NMOL, H), lambda t: (MOLSZ - 1 - t, 0, 0)),
        full((NMOL, H)),
        full((1, H)),
        full((H, 3 * H)), full((H, 3 * H)), full((1, 3 * H)), full((1, 3 * H)),
        full((H, 3 * H)), full((H, 3 * H)), full((1, 3 * H)), full((1, 3 * H)),
    ]
    out_specs = [
        pl.BlockSpec((1, NMOL, H), lambda t: (t, 0, 0)),
        pl.BlockSpec((1, NMOL, H), lambda t: (MOLSZ - 1 - t, 0, 0)),
    ]
    return pl.pallas_call(
        body,
        grid=(MOLSZ,),
        in_specs=in_specs,
        out_specs=out_specs,
        out_shape=[jax.ShapeDtypeStruct((MOLSZ, NMOL, H), F32)] * 2,
        scratch_shapes=[pltpu.VMEM((NMOL, H), F32),
                        pltpu.VMEM((NMOL, H), F32)],
    )(hs_t, hs_t, h0, gbias, wih_f, whh_f, bih_f, bhh_f,
      wih_b, whh_b, bih_b, bhh_b)


def kernel(f_atoms, f_bonds, a2b, b2a, b2revb, a_scope,
           W_i_atom, W_i_bond, W_h_0, W_h_1, W_lr, W_o_w, W_o_b, gru_bias,
           W_ih_f, W_hh_f, b_ih_f, b_hh_f, W_ih_b, W_hh_b, b_ih_b, b_hh_b):
    a2b_pad = (jnp.arange((NA_PAD - NA) * MAXB, dtype=jnp.int32)
               % NB).reshape(NA_PAD - NA, MAXB)
    a2b_flat = jnp.concatenate([a2b.astype(jnp.int32), a2b_pad],
                               axis=0).T.reshape(-1)
    b2a_p = jnp.concatenate(
        [b2a.astype(jnp.int32),
         jnp.arange(NB_PAD - NB, dtype=jnp.int32) % NA])
    b2revb_p = jnp.concatenate(
        [b2revb.astype(jnp.int32),
         jnp.arange(NB_PAD - NB, dtype=jnp.int32) % NB])

    WiaT = W_i_atom.T
    WibT = W_i_bond.T
    Wh0T = W_h_0.T
    Wh1T = W_h_1.T
    Wl1T = W_lr[:, :H].T
    Wl2T = W_lr[:, H:2 * H].T
    Wl3T = W_lr[:, 2 * H:].T
    Wo1T = W_o_w[:, :H].T
    Wo2T = W_o_w[:, H:].T
    WihT_f = W_ih_f.T
    WhhT_f = W_hh_f.T
    WihT_b = W_ih_b.T
    WhhT_b = W_hh_b.T
    gb = gru_bias.reshape(1, H)
    bihf = b_ih_f.reshape(1, 3 * H)
    bhhf = b_hh_f.reshape(1, 3 * H)
    bihb = b_ih_b.reshape(1, 3 * H)
    bhhb = b_hh_b.reshape(1, 3 * H)
    wob = W_o_b.reshape(1, H)

    f_atoms_p = jnp.pad(f_atoms, ((0, NA_PAD - NA), (0, 0)))
    ia = _rowmm([f_atoms_p], [WiaT], NA_PAD, act=True)
    ib = _rowmm([f_bonds], [WibT], NB_PAD, act=True)

    ma = _sc_a2b_combine(ib, a2b_flat, ia)
    diff = _sc_bond_diff(ma, ib, b2a_p, b2revb_p)
    mb = _rowmm([diff], [Wh0T], NB_PAD, adds=[ib], act=True)

    ma = _sc_a2b_combine(mb, a2b_flat, ma)
    diff = _sc_bond_diff(ma, mb, b2a_p, b2revb_p)
    mb = _rowmm([diff], [Wh1T], NB_PAD, adds=[ib], act=True)

    agg = _sc_a2b_combine(mb, a2b_flat, None)

    hidden = _rowmm([agg, ma, ia], [Wl1T, Wl2T, Wl3T], NA_PAD)

    hs = hidden[1:NA].reshape(NMOL, MOLSZ, H)
    h0 = _h0_max(hs)
    hs_t = hs.transpose(1, 0, 2)
    fwd_t, bwd_t = _gru_bidir(hs_t, h0, gb, WihT_f, WhhT_f, bihf, bhhf,
                              WihT_b, WhhT_b, bihb, bhhb)
    fwd = fwd_t.transpose(1, 0, 2).reshape(NMOL * MOLSZ, H)
    bwd = bwd_t.transpose(1, 0, 2).reshape(NMOL * MOLSZ, H)

    m0 = jnp.maximum(hidden[0:1] + gb, 0.0)
    A = jnp.concatenate([m0, fwd], axis=0)
    B = jnp.concatenate([m0, bwd], axis=0)
    return _rowmm([A, B], [Wo1T, Wo2T], NA, bias=wob, act=True)

# --- scband reference (transcript-rebuilt; emitter-appended) ---
"""Pipeline reference for scband-cmpn-45964740002210 (READ-ONLY COPY).

The authoritative reference and input builder live on the scoring server;
editing this copy changes nothing except your own understanding.
"""

import jax, jax.numpy as jnp
import numpy as np

N_MOLS = 1000
MOL_SZ = 50
N_ATOMS = N_MOLS * MOL_SZ + 1  # 50001, row 0 is padding
N_BONDS = 200001  # row 0 is padding
MAXB = 6
H = 128
ATOM_D = 133
BOND_D = 147


def setup_inputs(seed: int = 0) -> dict:
    key = jax.random.key(seed)
    ks = jax.random.split(key, 24)
    s = 0.05
    inp = {}
    inp["f_atoms"] = jax.random.normal(ks[0], (N_ATOMS, ATOM_D), jnp.float32)
    inp["f_bonds"] = jax.random.normal(ks[1], (N_BONDS, BOND_D), jnp.float32)
    inp["a2b"] = jax.random.randint(ks[2], (N_ATOMS, MAXB), 0, N_BONDS)
    inp["b2a"] = jax.random.randint(ks[3], (N_BONDS,), 0, N_ATOMS)
    inp["b2revb"] = jax.random.randint(ks[4], (N_BONDS,), 0, N_BONDS)
    inp["a_scope"] = jnp.stack([1 + MOL_SZ * jnp.arange(N_MOLS), jnp.full((N_MOLS,), MOL_SZ)], axis=1)
    inp["W_i_atom"] = jax.random.normal(ks[5], (H, ATOM_D), jnp.float32) * s
    inp["W_i_bond"] = jax.random.normal(ks[6], (H, BOND_D), jnp.float32) * s
    inp["W_h_0"] = jax.random.normal(ks[7], (H, H), jnp.float32) * s
    inp["W_h_1"] = jax.random.normal(ks[8], (H, H), jnp.float32) * s
    inp["W_lr"] = jax.random.normal(ks[9], (H, 3 * H), jnp.float32) * s
    inp["W_o_w"] = jax.random.normal(ks[10], (H, 2 * H), jnp.float32) * s
    inp["W_o_b"] = jax.random.normal(ks[11], (H,), jnp.float32) * s
    inp["gru_bias"] = jax.random.uniform(ks[12], (H,), jnp.float32, -1.0 / np.sqrt(H), 1.0 / np.sqrt(H))
    inp["W_ih_f"] = jax.random.normal(ks[13], (3 * H, H), jnp.float32) * s
    inp["W_hh_f"] = jax.random.normal(ks[14], (3 * H, H), jnp.float32) * s
    inp["b_ih_f"] = jax.random.normal(ks[15], (3 * H,), jnp.float32) * s
    inp["b_hh_f"] = jax.random.normal(ks[16], (3 * H,), jnp.float32) * s
    inp["W_ih_b"] = jax.random.normal(ks[17], (3 * H, H), jnp.float32) * s
    inp["W_hh_b"] = jax.random.normal(ks[18], (3 * H, H), jnp.float32) * s
    inp["b_ih_b"] = jax.random.normal(ks[19], (3 * H,), jnp.float32) * s
    inp["b_hh_b"] = jax.random.normal(ks[20], (3 * H,), jnp.float32) * s
    return inp


def _gru_dir(x_seq, h0, W_ih, W_hh, b_ih, b_hh):
    # x_seq: [T, B, H]; PyTorch GRU cell equations
    def step(h, x):
        gi = x @ W_ih.T + b_ih
        gh = h @ W_hh.T + b_hh
        i_r, i_z, i_n = jnp.split(gi, 3, axis=-1)
        h_r, h_z, h_n = jnp.split(gh, 3, axis=-1)
        r = jax.nn.sigmoid(i_r + h_r)
        z = jax.nn.sigmoid(i_z + h_z)
        n = jnp.tanh(i_n + r * h_n)
        h_new = (1.0 - z) * n + z * h
        return h_new, h_new
    _, ys = jax.lax.scan(step, h0, x_seq)
    return ys


def _forward(f_atoms, f_bonds, a2b, b2a, b2revb, W_i_atom, W_i_bond, W_h_0, W_h_1, W_lr, W_o_w, W_o_b, gru_bias, W_ih_f, W_hh_f, b_ih_f, b_hh_f, W_ih_b, W_hh_b, b_ih_b, b_hh_b):
    act = jax.nn.relu  # activation='ReLU'; bias=False on W_i/W_h/lr per mp_bias=False; dropout p=0.0
    input_atom = act(f_atoms @ W_i_atom.T)
    message_atom = input_atom
    input_bond = act(f_bonds @ W_i_bond.T)
    message_bond = input_bond
    for W_h in (W_h_0, W_h_1):  # depth-1 = 2 iterations
        nei = message_bond[a2b]  # gather: [N_ATOMS, MAXB, H]
        agg = nei.sum(axis=1) * nei.max(axis=1)
        message_atom = message_atom + agg
        rev = message_bond[b2revb]
        message_bond = message_atom[b2a] - rev
        message_bond = message_bond @ W_h.T
        message_bond = act(input_bond + message_bond)
    nei = message_bond[a2b]
    agg = nei.sum(axis=1) * nei.max(axis=1)
    agg = jnp.concatenate([agg, message_atom, input_atom], axis=1) @ W_lr.T
    # BatchGRU; a_scope is equal-sized: (1 + i*MOL_SZ, MOL_SZ) so pad/unpad are reshapes
    hidden = agg
    message = jax.nn.relu(agg + gru_bias)
    msg_seq = message[1:].reshape(N_MOLS, MOL_SZ, H)
    h0 = hidden[1:].reshape(N_MOLS, MOL_SZ, H).max(axis=1)  # per-mol max of pre-relu hidden
    x_t = jnp.transpose(msg_seq, (1, 0, 2))  # [T, B, H]
    fwd = _gru_dir(x_t, h0, W_ih_f, W_hh_f, b_ih_f, b_hh_f)
    bwd = _gru_dir(x_t[::-1], h0, W_ih_b, W_hh_b, b_ih_b, b_hh_b)[::-1]
    out = jnp.transpose(jnp.concatenate([fwd, bwd], axis=-1), (1, 0, 2))  # [B, T, 2H]
    unpad = out.reshape(N_MOLS * MOL_SZ, 2 * H)
    first = jnp.concatenate([message[0:1], message[0:1]], axis=1)
    message2 = jnp.concatenate([first, unpad], axis=0)
    atom_hiddens = act(message2 @ W_o_w.T + W_o_b)
    return atom_hiddens


def reference(f_atoms, f_bonds, a2b, b2a, b2revb, a_scope, W_i_atom, W_i_bond, W_h_0, W_h_1, W_lr, W_o_w, W_o_b, gru_bias, W_ih_f, W_hh_f, b_ih_f, b_hh_f, W_ih_b, W_hh_b, b_ih_b, b_hh_b):
    # a_scope is structurally encoded (equal-sized molecules) in the reshapes above
    return _forward(f_atoms, f_bonds, a2b, b2a, b2revb, W_i_atom, W_i_bond, W_h_0, W_h_1, W_lr, W_o_w, W_o_b, gru_bias, W_ih_f, W_hh_f, b_ih_f, b_hh_f, W_ih_b, W_hh_b, b_ih_b, b_hh_b)

if __name__ == "__main__":
    import jax
    _d = setup_inputs()
    print(jax.jit(kernel)(*tuple(_d.values())))

</pallas_src>

<mosaic_0001>
#map = affine_map<(d0, d1) -> (0, 0)>
#map1 = affine_map<(d0, d1) -> (0)>
module attributes {stable_mosaic.version = 14 : i64} {
  func.func @body(%arg0: i32, %arg1: i32, %arg2: memref<53248x128xf32, #tpu.memory_space<hbm>>, %arg3: memref<200704x128xf32, #tpu.memory_space<hbm>>, %arg4: memref<200704xi32, #tpu.memory_space<hbm>>, %arg5: memref<200704xi32, #tpu.memory_space<hbm>>, %arg6: memref<200704x128xf32, #tpu.memory_space<hbm>>, %arg7: memref<112xi32, #tpu.memory_space<vmem>>, %arg8: memref<112xi32, #tpu.memory_space<vmem>>, %arg9: memref<112x128xf32, #tpu.memory_space<vmem>>, %arg10: memref<112x128xf32, #tpu.memory_space<vmem>>, %arg11: memref<!tpu.dma_semaphore, #tpu.memory_space<semaphore_mem>>, %arg12: memref<!tpu.dma_semaphore, #tpu.memory_space<semaphore_mem>>, %arg13: memref<112xi32, #tpu.memory_space<vmem>>, %arg14: memref<112xi32, #tpu.memory_space<vmem>>, %arg15: memref<112x128xf32, #tpu.memory_space<vmem>>, %arg16: memref<112x128xf32, #tpu.memory_space<vmem>>, %arg17: memref<!tpu.dma_semaphore, #tpu.memory_space<semaphore_mem>>, %arg18: memref<!tpu.dma_semaphore, #tpu.memory_space<semaphore_mem>>) attributes {dimension_semantics = [#tpu.dimension_semantics<core_parallel>, #tpu.dimension_semantics<subcore_parallel>], iteration_bounds = array<i64: 2, 16>, scalar_prefetch = 0 : i64, scratch_operands = 12 : i64, tpu.core_type = #tpu.core_type<sc_vector_subcore>, window_params = [{transform_indices = #map}, {transform_indices = #map}, {transform_indices = #map1}, {transform_indices = #map1}, {transform_indices = #map}]} {
    %mul3A = arith.constant 2 : i32
    %mul3A_0 = arith.muli %arg1, %mul3A : i32
    %add3A = arith.addi %mul3A_0, %arg0 : i32
    %mul3A_1 = arith.constant 6272 : i32
    %mul3A_2 = arith.muli %add3A, %mul3A_1 : i32
    %add3A_3 = arith.constant 0 : i32
    %add3A_4 = arith.addi %mul3A_2, %add3A_3 : i32
    "tpu.region"() ({
      %run_scoped3A = tpu.sem_alloc : memref<!tpu.dma_semaphore, #tpu.memory_space<semaphore_mem>>
      %dma_start3A_70 = tpu.memref_slice %arg4[%add3A_4] : memref<200704xi32, #tpu.memory_space<hbm>> -> memref<112xi32, #tpu.memory_space<hbm>>
      %dma_start3A_71 = tpu.memref_slice %arg4[%add3A_4] : memref<200704xi32, #tpu.memory_space<hbm>> -> memref<112xi32, #tpu.memory_space<hbm>>
      tpu.enqueue_dma source(%dma_start3A_71 : memref<112xi32, #tpu.memory_space<hbm>>) target(%arg7 : memref<112xi32, #tpu.memory_space<vmem>>) target_semaphore(%run_scoped3A : memref<!tpu.dma_semaphore, #tpu.memory_space<semaphore_mem>>)
      %dma_wait3A_72 = tpu.memref_slice %arg4[%add3A_4] : memref<200704xi32, #tpu.memory_space<hbm>> -> memref<112xi32, #tpu.memory_space<hbm>>
      %dma_wait3A_73 = tpu.memref_slice %arg4[%add3A_4] : memref<200704xi32, #tpu.memory_space<hbm>> -> memref<112xi32, #tpu.memory_space<hbm>>
      tpu.wait_dma2 semaphore(%run_scoped3A : memref<!tpu.dma_semaphore, #tpu.memory_space<semaphore_mem>>) src(%dma_wait3A_73 : memref<112xi32, #tpu.memory_space<hbm>>) dst(%arg7 : memref<112xi32, #tpu.memory_space<vmem>>)
      tpu.yield
    }) : () -> ()
    "tpu.region"() ({
      %run_scoped3A = tpu.sem_alloc : memref<!tpu.dma_semaphore, #tpu.memory_space<semaphore_mem>>
      %dma_start3A_70 = tpu.memref_slice %arg5[%add3A_4] : memref<200704xi32, #tpu.memory_space<hbm>> -> memref<112xi32, #tpu.memory_space<hbm>>
      %dma_start3A_71 = tpu.memref_slice %arg5[%add3A_4] : memref<200704xi32, #tpu.memory_space<hbm>> -> memref<112xi32, #tpu.memory_space<hbm>>
      tpu.enqueue_dma source(%dma_start3A_71 : memref<112xi32, #tpu.memory_space<hbm>>) target(%arg8 : memref<112xi32, #tpu.memory_space<vmem>>) target_semaphore(%run_scoped3A : memref<!tpu.dma_semaphore, #tpu.memory_space<semaphore_mem>>)
      %dma_wait3A_72 = tpu.memref_slice %arg5[%add3A_4] : memref<200704xi32, #tpu.memory_space<hbm>> -> memref<112xi32, #tpu.memory_space<hbm>>
      %dma_wait3A_73 = tpu.memref_slice %arg5[%add3A_4] : memref<200704xi32, #tpu.memory_space<hbm>> -> memref<112xi32, #tpu.memory_space<hbm>>
      tpu.wait_dma2 semaphore(%run_scoped3A : memref<!tpu.dma_semaphore, #tpu.memory_space<semaphore_mem>>) src(%dma_wait3A_73 : memref<112xi32, #tpu.memory_space<hbm>>) dst(%arg8 : memref<112xi32, #tpu.memory_space<vmem>>)
      tpu.yield
    }) : () -> ()
    %dma_start3A = arith.constant 0 : i32
    %dma_start3A_5 = arith.constant 0 : i32
    %dma_start3A_6 = tpu.memref_slice %arg2[%dma_start3A, %dma_start3A_5] : memref<53248x128xf32, #tpu.memory_space<hbm>> -> memref<53248x128xf32, #tpu.memory_space<hbm>>
    tpu.enqueue_indirect_dma source(%dma_start3A_6 : memref<53248x128xf32, #tpu.memory_space<hbm>>) target(%arg9 : memref<112x128xf32, #tpu.memory_space<vmem>>) offsets(%arg7 : memref<112xi32, #tpu.memory_space<vmem>>) semaphore(%arg11 : memref<!tpu.dma_semaphore, #tpu.memory_space<semaphore_mem>>)
    %dma_start3A_7 = arith.constant 0 : i32
    %dma_start3A_8 = arith.constant 0 : i32
    %dma_start3A_9 = tpu.memref_slice %arg3[%dma_start3A_7, %dma_start3A_8] : memref<200704x128xf32, #tpu.memory_space<hbm>> -> memref<200704x128xf32, #tpu.memory_space<hbm>>
    tpu.enqueue_indirect_dma source(%dma_start3A_9 : memref<200704x128xf32, #tpu.memory_space<hbm>>) target(%arg10 : memref<112x128xf32, #tpu.memory_space<vmem>>) offsets(%arg8 : memref<112xi32, #tpu.memory_space<vmem>>) semaphore(%arg11 : memref<!tpu.dma_semaphore, #tpu.memory_space<semaphore_mem>>)
    %add3A_10 = arith.constant 112 : i32
    %add3A_11 = arith.addi %mul3A_2, %add3A_10 : i32
    "tpu.region"() ({
      %run_scoped3A = tpu.sem_alloc : memref<!tpu.dma_semaphore, #tpu.memory_space<semaphore_mem>>
      %dma_start3A_70 = tpu.memref_slice %arg4[%add3A_11] : memref<200704xi32, #tpu.memory_space<hbm>> -> memref<112xi32, #tpu.memory_space<hbm>>
      %dma_start3A_71 = tpu.memref_slice %arg4[%add3A_11] : memref<200704xi32, #tpu.memory_space<hbm>> -> memref<112xi32, #tpu.memory_space<hbm>>
      tpu.enqueue_dma source(%dma_start3A_71 : memref<112xi32, #tpu.memory_space<hbm>>) target(%arg13 : memref<112xi32, #tpu.memory_space<vmem>>) target_semaphore(%run_scoped3A : memref<!tpu.dma_semaphore, #tpu.memory_space<semaphore_mem>>)
      %dma_wait3A_72 = tpu.memref_slice %arg4[%add3A_11] : memref<200704xi32, #tpu.memory_space<hbm>> -> memref<112xi32, #tpu.memory_space<hbm>>
      %dma_wait3A_73 = tpu.memref_slice %arg4[%add3A_11] : memref<200704xi32, #tpu.memory_space<hbm>> -> memref<112xi32, #tpu.memory_space<hbm>>
      tpu.wait_dma2 semaphore(%run_scoped3A : memref<!tpu.dma_semaphore, #tpu.memory_space<semaphore_mem>>) src(%dma_wait3A_73 : memref<112xi32, #tpu.memory_space<hbm>>) dst(%arg13 : memref<112xi32, #tpu.memory_space<vmem>>)
      tpu.yield
    }) : () -> ()
    "tpu.region"() ({
      %run_scoped3A = tpu.sem_alloc : memref<!tpu.dma_semaphore, #tpu.memory_space<semaphore_mem>>
      %dma_start3A_70 = tpu.memref_slice %arg5[%add3A_11] : memref<200704xi32, #tpu.memory_space<hbm>> -> memref<112xi32, #tpu.memory_space<hbm>>
      %dma_start3A_71 = tpu.memref_slice %arg5[%add3A_11] : memref<200704xi32, #tpu.memory_space<hbm>> -> memref<112xi32, #tpu.memory_space<hbm>>
      tpu.enqueue_dma source(%dma_start3A_71 : memref<112xi32, #tpu.memory_space<hbm>>) target(%arg14 : memref<112xi32, #tpu.memory_space<vmem>>) target_semaphore(%run_scoped3A : memref<!tpu.dma_semaphore, #tpu.memory_space<semaphore_mem>>)
      %dma_wait3A_72 = tpu.memref_slice %arg5[%add3A_11] : memref<200704xi32, #tpu.memory_space<hbm>> -> memref<112xi32, #tpu.memory_space<hbm>>
      %dma_wait3A_73 = tpu.memref_slice %arg5[%add3A_11] : memref<200704xi32, #tpu.memory_space<hbm>> -> memref<112xi32, #tpu.memory_space<hbm>>
      tpu.wait_dma2 semaphore(%run_scoped3A : memref<!tpu.dma_semaphore, #tpu.memory_space<semaphore_mem>>) src(%dma_wait3A_73 : memref<112xi32, #tpu.memory_space<hbm>>) dst(%arg14 : memref<112xi32, #tpu.memory_space<vmem>>)
      tpu.yield
    }) : () -> ()
    %dma_start3A_12 = arith.constant 0 : i32
    %dma_start3A_13 = arith.constant 0 : i32
    %dma_start3A_14 = tpu.memref_slice %arg2[%dma_start3A_12, %dma_start3A_13] : memref<53248x128xf32, #tpu.memory_space<hbm>> -> memref<53248x128xf32, #tpu.memory_space<hbm>>
    tpu.enqueue_indirect_dma source(%dma_start3A_14 : memref<53248x128xf32, #tpu.memory_space<hbm>>) target(%arg15 : memref<112x128xf32, #tpu.memory_space<vmem>>) offsets(%arg13 : memref<112xi32, #tpu.memory_space<vmem>>) semaphore(%arg17 : memref<!tpu.dma_semaphore, #tpu.memory_space<semaphore_mem>>)
    %dma_start3A_15 = arith.constant 0 : i32
    %dma_start3A_16 = arith.constant 0 : i32
    %dma_start3A_17 = tpu.memref_slice %arg3[%dma_start3A_15, %dma_start3A_16] : memref<200704x128xf32, #tpu.memory_space<hbm>> -> memref<200704x128xf32, #tpu.memory_space<hbm>>
    tpu.enqueue_indirect_dma source(%dma_start3A_17 : memref<200704x128xf32, #tpu.memory_space<hbm>>) target(%arg16 : memref<112x128xf32, #tpu.memory_space<vmem>>) offsets(%arg14 : memref<112xi32, #tpu.memory_space<vmem>>) semaphore(%arg17 : memref<!tpu.dma_semaphore, #tpu.memory_space<semaphore_mem>>)
    %scan3A = arith.constant 0 : i32
    %scan3A_18 = arith.constant 0 : i32
    %scan3A_19 = arith.constant 27 : i32
    %scan3A_20 = arith.addi %scan3A_18, %scan3A_19 : i32
    %scan3A_21 = arith.constant 1 : i32
    scf.for %scan3A_70 = %scan3A_18 to %scan3A_20 step %scan3A_21  : i32 {
      %mul3A_71 = arith.constant 2 : i32
      %mul3A_72 = arith.muli %scan3A_70, %mul3A_71 : i32
      %add3A_73 = arith.constant 0 : i32
      %add3A_74 = arith.addi %mul3A_72, %add3A_73 : i32
      %dma_wait3A_75 = arith.constant 0 : i32
      %dma_wait3A_76 = arith.constant 0 : i32
      %dma_wait3A_77 = tpu.memref_slice %arg2[%dma_wait3A_75, %dma_wait3A_76] : memref<53248x128xf32, #tpu.memory_space<hbm>> -> memref<53248x128xf32, #tpu.memory_space<hbm>>
      tpu.wait_indirect_dma semaphore(%arg11 : memref<!tpu.dma_semaphore, #tpu.memory_space<semaphore_mem>>) src(%dma_wait3A_77 : memref<53248x128xf32, #tpu.memory_space<hbm>>) dst(%arg9 : memref<112x128xf32, #tpu.memory_space<vmem>>)
      %dma_wait3A_78 = arith.constant 0 : i32
      %dma_wait3A_79 = arith.constant 0 : i32
      %dma_wait3A_80 = tpu.memref_slice %arg3[%dma_wait3A_78, %dma_wait3A_79] : memref<200704x128xf32, #tpu.memory_space<hbm>> -> memref<200704x128xf32, #tpu.memory_space<hbm>>
      tpu.wait_indirect_dma semaphore(%arg11 : memref<!tpu.dma_semaphore, #tpu.memory_space<semaphore_mem>>) src(%dma_wait3A_80 : memref<200704x128xf32, #tpu.memory_space<hbm>>) dst(%arg10 : memref<112x128xf32, #tpu.memory_space<vmem>>)
      %scan3A_81 = arith.constant 0 : i32
      %scan3A_82 = arith.constant 0 : i32
      %scan3A_83 = arith.constant 112 : i32
      %scan3A_84 = arith.addi %scan3A_82, %scan3A_83 : i32
      %scan3A_85 = arith.constant 1 : i32
      scf.for %scan3A_153 = %scan3A_82 to %scan3A_84 step %scan3A_85  : i32 {
        %get3A = arith.index_cast %scan3A_153 : i32 to index
        %get3A_154 = arith.constant 0 : index
        %get3A_155 = tpu.vector_load %arg9[%get3A, %get3A_154] {strides = array<i32>} : memref<112x128xf32, #tpu.memory_space<vmem>>, vector<1x16xf32>,
        %get3A_156 = vector.shape_cast %get3A_155 : vector<1x16xf32> to vector<16xf32>
        %get3A_157 = arith.index_cast %scan3A_153 : i32 to index
        %get3A_158 = arith.constant 0 : index
        %get3A_159 = tpu.vector_load %arg10[%get3A_157, %get3A_158] {strides = array<i32>} : memref<112x128xf32, #tpu.memory_space<vmem>>, vector<1x16xf32>,
        %get3A_160 = vector.shape_cast %get3A_159 : vector<1x16xf32> to vector<16xf32>
        %sub3A = arith.subf %get3A_156, %get3A_160 : vector<16xf32>
        %swap3A = arith.index_cast %scan3A_153 : i32 to index
        %swap3A_161 = arith.constant 0 : index
        %swap3A_162 = tpu.vector_load %arg9[%swap3A, %swap3A_161] {strides = array<i32>} : memref<112x128xf32, #tpu.memory_space<vmem>>, vector<1x16xf32>,
        %swap3A_163 = vector.shape_cast %swap3A_162 : vector<1x16xf32> to vector<16xf32>
        %swap3A_164 = vector.shape_cast %sub3A : vector<16xf32> to vector<1x16xf32>
        tpu.vector_store %arg9[%swap3A, %swap3A_161], %swap3A_164 {strides = array<i32>} : memref<112x128xf32, #tpu.memory_space<vmem>>, vector<1x16xf32>,
        %get3A_165 = arith.index_cast %scan3A_153 : i32 to index
        %get3A_166 = arith.constant 16 : index
        %get3A_167 = tpu.vector_load %arg9[%get3A_165, %get3A_166] {strides = array<i32>} : memref<112x128xf32, #tpu.memory_space<vmem>>, vector<1x16xf32>,
        %get3A_168 = vector.shape_cast %get3A_167 : vector<1x16xf32> to vector<16xf32>
        %get3A_169 = arith.index_cast %scan3A_153 : i32 to index
        %get3A_170 = arith.constant 16 : index
        %get3A_171 = tpu.vector_load %arg10[%get3A_169, %get3A_170] {strides = array<i32>} : memref<112x128xf32, #tpu.memory_space<vmem>>, vector<1x16xf32>,
        %get3A_172 = vector.shape_cast %get3A_171 : vector<1x16xf32> to vector<16xf32>
        %sub3A_173 = arith.subf %get3A_168, %get3A_172 : vector<16xf32>
        %swap3A_174 = arith.index_cast %scan3A_153 : i32 to index
        %swap3A_175 = arith.constant 16 : index
        %swap3A_176 = tpu.vector_load %arg9[%swap3A_174, %swap3A_175] {strides = array<i32>} : memref<112x128xf32, #tpu.memory_space<vmem>>, vector<1x16xf32>,
        %swap3A_177 = vector.shape_cast %swap3A_176 : vector<1x16xf32> to vector<16xf32>
        %swap3A_178 = vector.shape_cast %sub3A_173 : vector<16xf32> to vector<1x16xf32>
        tpu.vector_store %arg9[%swap3A_174, %swap3A_175], %swap3A_178 {strides = array<i32>} : memref<112x128xf32, #tpu.memory_space<vmem>>, vector<1x16xf32>,
        %get3A_179 = arith.index_cast %scan3A_153 : i32 to index
        %get3A_180 = arith.constant 32 : index
        %get3A_181 = tpu.vector_load %arg9[%get3A_179, %get3A_180] {strides = array<i32>} : memref<112x128xf32, #tpu.memory_space<vmem>>, vector<1x16xf32>,
        %get3A_182 = vector.shape_cast %get3A_181 : vector<1x16xf32> to vector<16xf32>
        %get3A_183 = arith.index_cast %scan3A_153 : i32 to index
        %get3A_184 = arith.constant 32 : index
        %get3A_185 = tpu.vector_load %arg10[%get3A_183, %get3A_184] {strides = array<i32>} : memref<112x128xf32, #tpu.memory_space<vmem>>, vector<1x16xf32>,
        %get3A_186 = vector.shape_cast %get3A_185 : vector<1x16xf32> to vector<16xf32>
        %sub3A_187 = arith.subf %get3A_182, %get3A_186 : vector<16xf32>
        %swap3A_188 = arith.index_cast %scan3A_153 : i32 to index
        %swap3A_189 = arith.constant 32 : index
        %swap3A_190 = tpu.vector_load %arg9[%swap3A_188, %swap3A_189] {strides = array<i32>} : memref<112x128xf32, #tpu.memory_space<vmem>>, vector<1x16xf32>,
        %swap3A_191 = vector.shape_cast %swap3A_190 : vector<1x16xf32> to vector<16xf32>
        %swap3A_192 = vector.shape_cast %sub3A_187 : vector<16xf32> to vector<1x16xf32>
        tpu.vector_store %arg9[%swap3A_188, %swap3A_189], %swap3A_192 {strides = array<i32>} : memref<112x128xf32, #tpu.memory_space<vmem>>, vector<1x16xf32>,
        %get3A_193 = arith.index_cast %scan3A_153 : i32 to index
        %get3A_194 = arith.constant 48 : index
        %get3A_195 = tpu.vector_load %arg9[%get3A_193, %get3A_194] {strides = array<i32>} : memref<112x128xf32, #tpu.memory_space<vmem>>, vector<1x16xf32>,
        %get3A_196 = vector.shape_cast %get3A_195 : vector<1x16xf32> to vector<16xf32>
        %get3A_197 = arith.index_cast %scan3A_153 : i32 to index
        %get3A_198 = arith.constant 48 : index
        %get3A_199 = tpu.vector_load %arg10[%get3A_197, %get3A_198] {strides = array<i32>} : memref<112x128xf32, #tpu.memory_space<vmem>>, vector<1x16xf32>,
        %get3A_200 = vector.shape_cast %get3A_199 : vector<1x16xf32> to vector<16xf32>
        %sub3A_201 = arith.subf %get3A_196, %get3A_200 : vector<16xf32>
        %swap3A_202 = arith.index_cast %scan3A_153 : i32 to index
        %swap3A_203 = arith.constant 48 : index
        %swap3A_204 = tpu.vector_load %arg9[%swap3A_202, %swap3A_203] {strides = array<i32>} : memref<112x128xf32, #tpu.memory_space<vmem>>, vector<1x16xf32>,
        %swap3A_205 = vector.shape_cast %swap3A_204 : vector<1x16xf32> to vector<16xf32>
        %swap3A_206 = vector.shape_cast %sub3A_201 : vector<16xf32> to vector<1x16xf32>
        tpu.vector_store %arg9[%swap3A_202, %swap3A_203], %swap3A_206 {strides = array<i32>} : memref<112x128xf32, #tpu.memory_space<vmem>>, vector<1x16xf32>,
        %get3A_207 = arith.index_cast %scan3A_153 : i32 to index
        %get3A_208 = arith.constant 64 : index
        %get3A_209 = tpu.vector_load %arg9[%get3A_207, %get3A_208] {strides = array<i32>} : memref<112x128xf32, #tpu.memory_space<vmem>>, vector<1x16xf32>,
        %get3A_210 = vector.shape_cast %get3A_209 : vector<1x16xf32> to vector<16xf32>
        %get3A_211 = arith.index_cast %scan3A_153 : i32 to index
        %get3A_212 = arith.constant 64 : index
        %get3A_213 = tpu.vector_load %arg10[%get3A_211, %get3A_212] {strides = array<i32>} : memref<112x128xf32, #tpu.memory_space<vmem>>, vector<1x16xf32>,
        %get3A_214 = vector.shape_cast %get3A_213 : vector<1x16xf32> to vector<16xf32>
        %sub3A_215 = arith.subf %get3A_210, %get3A_214 : vector<16xf32>
        %swap3A_216 = arith.index_cast %scan3A_153 : i32 to index
        %swap3A_217 = arith.constant 64 : index
        %swap3A_218 = tpu.vector_load %arg9[%swap3A_216, %swap3A_217] {strides = array<i32>} : memref<112x128xf32, #tpu.memory_space<vmem>>, vector<1x16xf32>,
        %swap3A_219 = vector.shape_cast %swap3A_218 : vector<1x16xf32> to vector<16xf32>
        %swap3A_220 = vector.shape_cast %sub3A_215 : vector<16xf32> to vector<1x16xf32>
        tpu.vector_store %arg9[%swap3A_216, %swap3A_217], %swap3A_220 {strides = array<i32>} : memref<112x128xf32, #tpu.memory_space<vmem>>, vector<1x16xf32>,
        %get3A_221 = arith.index_cast %scan3A_153 : i32 to index
        %get3A_222 = arith.constant 80 : index
        %get3A_223 = tpu.vector_load %arg9[%get3A_221, %get3A_222] {strides = array<i32>} : memref<112x128xf32, #tpu.memory_space<vmem>>, vector<1x16xf32>,
        %get3A_224 = vector.shape_cast %get3A_223 : vector<1x16xf32> to vector<16xf32>
        %get3A_225 = arith.index_cast %scan3A_153 : i32 to index
        %get3A_226 = arith.constant 80 : index
        %get3A_227 = tpu.vector_load %arg10[%get3A_225, %get3A_226] {strides = array<i32>} : memref<112x128xf32, #tpu.memory_space<vmem>>, vector<1x16xf32>,
        %get3A_228 = vector.shape_cast %get3A_227 : vector<1x16xf32> to vector<16xf32>
        %sub3A_229 = arith.subf %get3A_224, %get3A_228 : vector<16xf32>
        %swap3A_230 = arith.index_cast %scan3A_153 : i32 to index
        %swap3A_231 = arith.constant 80 : index
        %swap3A_232 = tpu.vector_load %arg9[%swap3A_230, %swap3A_231] {strides = array<i32>} : memref<112x128xf32, #tpu.memory_space<vmem>>, vector<1x16xf32>,
        %swap3A_233 = vector.shape_cast %swap3A_232 : vector<1x16xf32> to vector<16xf32>
        %swap3A_234 = vector.shape_cast %sub3A_229 : vector<16xf32> to vector<1x16xf32>
        tpu.vector_store %arg9[%swap3A_230, %swap3A_231], %swap3A_234 {strides = array<i32>} : memref<112x128xf32, #tpu.memory_space<vmem>>, vector<1x16xf32>,
        %get3A_235 = arith.index_cast %scan3A_153 : i32 to index
        %get3A_236 = arith.constant 96 : index
        %get3A_237 = tpu.vector_load %arg9[%get3A_235, %get3A_236] {strides = array<i32>} : memref<112x128xf32, #tpu.memory_space<vmem>>, vector<1x16xf32>,
        %get3A_238 = vector.shape_cast %get3A_237 : vector<1x16xf32> to vector<16xf32>
        %get3A_239 = arith.index_cast %scan3A_153 : i32 to index
        %get3A_240 = arith.constant 96 : index
        %get3A_241 = tpu.vector_load %arg10[%get3A_239, %get3A_240] {strides = array<i32>} : memref<112x128xf32, #tpu.memory_space<vmem>>, vector<1x16xf32>,
        %get3A_242 = vector.shape_cast %get3A_241 : vector<1x16xf32> to vector<16xf32>
        %sub3A_243 = arith.subf %get3A_238, %get3A_242 : vector<16xf32>
        %swap3A_244 = arith.index_cast %scan3A_153 : i32 to index
        %swap3A_245 = arith.constant 96 : index
        %swap3A_246 = tpu.vector_load %arg9[%swap3A_244, %swap3A_245] {strides = array<i32>} : memref<112x128xf32, #tpu.memory_space<vmem>>, vector<1x16xf32>,
        %swap3A_247 = vector.shape_cast %swap3A_246 : vector<1x16xf32> to vector<16xf32>
        %swap3A_248 = vector.shape_cast %sub3A_243 : vector<16xf32> to vector<1x16xf32>
        tpu.vector_store %arg9[%swap3A_244, %swap3A_245], %swap3A_248 {strides = array<i32>} : memref<112x128xf32, #tpu.memory_space<vmem>>, vector<1x16xf32>,
        %get3A_249 = arith.index_cast %scan3A_153 : i32 to index
        %get3A_250 = arith.constant 112 : index
        %get3A_251 = tpu.vector_load %arg9[%get3A_249, %get3A_250] {strides = array<i32>} : memref<112x128xf32, #tpu.memory_space<vmem>>, vector<1x16xf32>,
        %get3A_252 = vector.shape_cast %get3A_251 : vector<1x16xf32> to vector<16xf32>
        %get3A_253 = arith.index_cast %scan3A_153 : i32 to index
        %get3A_254 = arith.constant 112 : index
        %get3A_255 = tpu.vector_load %arg10[%get3A_253, %get3A_254] {strides = array<i32>} : memref<112x128xf32, #tpu.memory_space<vmem>>, vector<1x16xf32>,
        %get3A_256 = vector.shape_cast %get3A_255 : vector<1x16xf32> to vector<16xf32>
        %sub3A_257 = arith.subf %get3A_252, %get3A_256 : vector<16xf32>
        %swap3A_258 = arith.index_cast %scan3A_153 : i32 to index
        %swap3A_259 = arith.constant 112 : index
        %swap3A_260 = tpu.vector_load %arg9[%swap3A_258, %swap3A_259] {strides = array<i32>} : memref<112x128xf32, #tpu.memory_space<vmem>>, vector<1x16xf32>,
        %swap3A_261 = vector.shape_cast %swap3A_260 : vector<1x16xf32> to vector<16xf32>
        %swap3A_262 = vector.shape_cast %sub3A_257 : vector<16xf32> to vector<1x16xf32>
        tpu.vector_store %arg9[%swap3A_258, %swap3A_259], %swap3A_262 {strides = array<i32>} : memref<112x128xf32, #tpu.memory_space<vmem>>, vector<1x16xf32>,
      }
      %scan3A_86 = arith.constant 112 : i32
      %mul3A_87 = arith.constant 112 : i32
      %mul3A_88 = arith.muli %add3A_74, %mul3A_87 : i32
      %add3A_89 = arith.addi %mul3A_2, %mul3A_88 : i32
      %dma_start3A_90 = arith.constant 0 : i32
      %dma_start3A_91 = tpu.memref_slice %arg6[%add3A_89, %dma_start3A_90] : memref<200704x128xf32, #tpu.memory_space<hbm>> -> memref<112x128xf32, #tpu.memory_space<hbm>>
      %dma_start3A_92 = arith.constant 0 : i32
      %dma_start3A_93 = tpu.memref_slice %arg6[%add3A_89, %dma_start3A_92] : memref<200704x128xf32, #tpu.memory_space<hbm>> -> memref<112x128xf32, #tpu.memory_space<hbm>>
      tpu.enqueue_dma source(%arg9 : memref<112x128xf32, #tpu.memory_space<vmem>>) target(%dma_start3A_93 : memref<112x128xf32, #tpu.memory_space<hbm>>) target_semaphore(%arg12 : memref<!tpu.dma_semaphore, #tpu.memory_space<semaphore_mem>>)
      %mul3A_94 = arith.constant 112 : i32
      %mul3A_95 = arith.muli %add3A_74, %mul3A_94 : i32
      %add3A_96 = arith.addi %mul3A_2, %mul3A_95 : i32
      %dma_wait3A_97 = arith.constant 0 : i32
      %dma_wait3A_98 = tpu.memref_slice %arg6[%add3A_96, %dma_wait3A_97] : memref<200704x128xf32, #tpu.memory_space<hbm>> -> memref<112x128xf32, #tpu.memory_space<hbm>>
      %dma_wait3A_99 = arith.constant 0 : i32
      %dma_wait3A_100 = tpu.memref_slice %arg6[%add3A_96, %dma_wait3A_99] : memref<200704x128xf32, #tpu.memory_space<hbm>> -> memref<112x128xf32, #tpu.memory_space<hbm>>
      tpu.wait_dma2 semaphore(%arg12 : memref<!tpu.dma_semaphore, #tpu.memory_space<semaphore_mem>>) src(%arg9 : memref<112x128xf32, #tpu.memory_space<vmem>>) dst(%dma_wait3A_100 : memref<112x128xf32, #tpu.memory_space<hbm>>)
      %add3A_101 = arith.constant 2 : i32
      %add3A_102 = arith.addi %add3A_74, %add3A_101 : i32
      %mul3A_103 = arith.constant 112 : i32
      %mul3A_104 = arith.muli %add3A_102, %mul3A_103 : i32
      %add3A_105 = arith.addi %mul3A_2, %mul3A_104 : i32
      "tpu.region"() ({
        %run_scoped3A = tpu.sem_alloc : memref<!tpu.dma_semaphore, #tpu.memory_space<semaphore_mem>>
        %dma_start3A_153 = tpu.memref_slice %arg4[%add3A_105] : memref<200704xi32, #tpu.memory_space<hbm>> -> memref<112xi32, #tpu.memory_space<hbm>>
        %dma_start3A_154 = tpu.memref_slice %arg4[%add3A_105] : memref<200704xi32, #tpu.memory_space<hbm>> -> memref<112xi32, #tpu.memory_space<hbm>>
        tpu.enqueue_dma source(%dma_start3A_154 : memref<112xi32, #tpu.memory_space<hbm>>) target(%arg7 : memref<112xi32, #tpu.memory_space<vmem>>) target_semaphore(%run_scoped3A : memref<!tpu.dma_semaphore, #tpu.memory_space<semaphore_mem>>)
        %dma_wait3A_155 = tpu.memref_slice %arg4[%add3A_105] : memref<200704xi32, #tpu.memory_space<hbm>> -> memref<112xi32, #tpu.memory_space<hbm>>
        %dma_wait3A_156 = tpu.memref_slice %arg4[%add3A_105] : memref<200704xi32, #tpu.memory_space<hbm>> -> memref<112xi32, #tpu.memory_space<hbm>>
        tpu.wait_dma2 semaphore(%run_scoped3A : memref<!tpu.dma_semaphore, #tpu.memory_space<semaphore_mem>>) src(%dma_wait3A_156 : memref<112xi32, #tpu.memory_space<hbm>>) dst(%arg7 : memref<112xi32, #tpu.memory_space<vmem>>)
        tpu.yield
      }) : () -> ()
      "tpu.region"() ({
        %run_scoped3A = tpu.sem_alloc : memref<!tpu.dma_semaphore, #tpu.memory_space<semaphore_mem>>
        %dma_start3A_153 = tpu.memref_slice %arg5[%add3A_105] : memref<200704xi32, #tpu.memory_space<hbm>> -> memref<112xi32, #tpu.memory_space<hbm>>
        %dma_start3A_154 = tpu.memref_slice %arg5[%add3A_105] : memref<200704xi32, #tpu.memory_space<hbm>> -> memref<112xi32, #tpu.memory_space<hbm>>
        tpu.enqueue_dma source(%dma_start3A_154 : memref<112xi32, #tpu.memory_space<hbm>>) target(%arg8 : memref<112xi32, #tpu.memory_space<vmem>>) target_semaphore(%run_scoped3A : memref<!tpu.dma_semaphore, #tpu.memory_space<semaphore_mem>>)
        %dma_wait3A_155 = tpu.memref_slice %arg5[%add3A_105] : memref<200704xi32, #tpu.memory_space<hbm>> -> memref<112xi32, #tpu.memory_space<hbm>>
        %dma_wait3A_156 = tpu.memref_slice %arg5[%add3A_105] : memref<200704xi32, #tpu.memory_space<hbm>> -> memref<112xi32, #tpu.memory_space<hbm>>
        tpu.wait_dma2 semaphore(%run_scoped3A : memref<!tpu.dma_semaphore, #tpu.memory_space<semaphore_mem>>) src(%dma_wait3A_156 : memref<112xi32, #tpu.memory_space<hbm>>) dst(%arg8 : memref<112xi32, #tpu.memory_space<vmem>>)
        tpu.yield
      }) : () -> ()
      %dma_start3A_106 = arith.constant 0 : i32
      %dma_start3A_107 = arith.constant 0 : i32
      %dma_start3A_108 = tpu.memref_slice %arg2[%dma_start3A_106, %dma_start3A_107] : memref<53248x128xf32, #tpu.memory_space<hbm>> -> memref<53248x128xf32, #tpu.memory_space<hbm>>
      tpu.enqueue_indirect_dma source(%dma_start3A_108 : memref<53248x128xf32, #tpu.memory_space<hbm>>) target(%arg9 : memref<112x128xf32, #tpu.memory_space<vmem>>) offsets(%arg7 : memref<112xi32, #tpu.memory_space<vmem>>) semaphore(%arg11 : memref<!tpu.dma_semaphore, #tpu.memory_space<semaphore_mem>>)
      %dma_start3A_109 = arith.constant 0 : i32
      %dma_start3A_110 = arith.constant 0 : i32
      %dma_start3A_111 = tpu.memref_slice %arg3[%dma_start3A_109, %dma_start3A_110] : memref<200704x128xf32, #tpu.memory_space<hbm>> -> memref<200704x128xf32, #tpu.memory_space<hbm>>
      tpu.enqueue_indirect_dma source(%dma_start3A_111 : memref<200704x128xf32, #tpu.memory_space<hbm>>) target(%arg10 : memref<112x128xf32, #tpu.memory_space<vmem>>) offsets(%arg8 : memref<112xi32, #tpu.memory_space<vmem>>) semaphore(%arg11 : memref<!tpu.dma_semaphore, #tpu.memory_space<semaphore_mem>>)
      %mul3A_112 = arith.constant 2 : i32
      %mul3A_113 = arith.muli %scan3A_70, %mul3A_112 : i32
      %add3A_114 = arith.constant 1 : i32
      %add3A_115 = arith.addi %mul3A_113, %add3A_114 : i32
      %dma_wait3A_116 = arith.constant 0 : i32
      %dma_wait3A_117 = arith.constant 0 : i32
      %dma_wait3A_118 = tpu.memref_slice %arg2[%dma_wait3A_116, %dma_wait3A_117] : memref<53248x128xf32, #tpu.memory_space<hbm>> -> memref<53248x128xf32, #tpu.memory_space<hbm>>
      tpu.wait_indirect_dma semaphore(%arg17 : memref<!tpu.dma_semaphore, #tpu.memory_space<semaphore_mem>>) src(%dma_wait3A_118 : memref<53248x128xf32, #tpu.memory_space<hbm>>) dst(%arg15 : memref<112x128xf32, #tpu.memory_space<vmem>>)
      %dma_wait3A_119 = arith.constant 0 : i32
      %dma_wait3A_120 = arith.constant 0 : i32
      %dma_wait3A_121 = tpu.memref_slice %arg3[%dma_wait3A_119, %dma_wait3A_120] : memref<200704x128xf32, #tpu.memory_space<hbm>> -> memref<200704x128xf32, #tpu.memory_space<hbm>>
      tpu.wait_indirect_dma semaphore(%arg17 : memref<!tpu.dma_semaphore, #tpu.memory_space<semaphore_mem>>) src(%dma_wait3A_121 : memref<200704x128xf32, #tpu.memory_space<hbm>>) dst(%arg16 : memref<112x128xf32, #tpu.memory_space<vmem>>)
      %scan3A_122 = arith.constant 0 : i32
      %scan3A_123 = arith.constant 0 : i32
      %scan3A_124 = arith.constant 112 : i32
      %scan3A_125 = arith.addi %scan3A_123, %scan3A_124 : i32
      %scan3A_126 = arith.constant 1 : i32
      scf.for %scan3A_153 = %scan3A_123 to %scan3A_125 step %scan3A_126  : i32 {
        %get3A = arith.index_cast %scan3A_153 : i32 to index
        %get3A_154 = arith.constant 0 : index
        %get3A_155 = tpu.vector_load %arg15[%get3A, %get3A_154] {strides = array<i32>} : memref<112x128xf32, #tpu.memory_space<vmem>>, vector<1x16xf32>,
        %get3A_156 = vector.shape_cast %get3A_155 : vector<1x16xf32> to vector<16xf32>
        %get3A_157 = arith.index_cast %scan3A_153 : i32 to index
        %get3A_158 = arith.constant 0 : index
        %get3A_159 = tpu.vector_load %arg16[%get3A_157, %get3A_158] {strides = array<i32>} : memref<112x128xf32, #tpu.memory_space<vmem>>, vector<1x16xf32>,
        %get3A_160 = vector.shape_cast %get3A_159 : vector<1x16xf32> to vector<16xf32>
        %sub3A = arith.subf %get3A_156, %get3A_160 : vector<16xf32>
        %swap3A = arith.index_cast %scan3A_153 : i32 to index
        %swap3A_161 = arith.constant 0 : index
        %swap3A_162 = tpu.vector_load %arg15[%swap3A, %swap3A_161] {strides = array<i32>} : memref<112x128xf32, #tpu.memory_space<vmem>>, vector<1x16xf32>,
        %swap3A_163 = vector.shape_cast %swap3A_162 : vector<1x16xf32> to vector<16xf32>
        %swap3A_164 = vector.shape_cast %sub3A : vector<16xf32> to vector<1x16xf32>
        tpu.vector_store %arg15[%swap3A, %swap3A_161], %swap3A_164 {strides = array<i32>} : memref<112x128xf32, #tpu.memory_space<vmem>>, vector<1x16xf32>,
        %get3A_165 = arith.index_cast %scan3A_153 : i32 to index
        %get3A_166 = arith.constant 16 : index
        %get3A_167 = tpu.vector_load %arg15[%get3A_165, %get3A_166] {strides = array<i32>} : memref<112x128xf32, #tpu.memory_space<vmem>>, vector<1x16xf32>,
        %get3A_168 = vector.shape_cast %get3A_167 : vector<1x16xf32> to vector<16xf32>
        %get3A_169 = arith.index_cast %scan3A_153 : i32 to index
        %get3A_170 = arith.constant 16 : index
        %get3A_171 = tpu.vector_load %arg16[%get3A_169, %get3A_170] {strides = array<i32>} : memref<112x128xf32, #tpu.memory_space<vmem>>, vector<1x16xf32>,
        %get3A_172 = vector.shape_cast %get3A_171 : vector<1x16xf32> to vector<16xf32>
        %sub3A_173 = arith.subf %get3A_168, %get3A_172 : vector<16xf32>
        %swap3A_174 = arith.index_cast %scan3A_153 : i32 to index
        %swap3A_175 = arith.constant 16 : index
        %swap3A_176 = tpu.vector_load %arg15[%swap3A_174, %swap3A_175] {strides = array<i32>} : memref<112x128xf32, #tpu.memory_space<vmem>>, vector<1x16xf32>,
        %swap3A_177 = vector.shape_cast %swap3A_176 : vector<1x16xf32> to vector<16xf32>
        %swap3A_178 = vector.shape_cast %sub3A_173 : vector<16xf32> to vector<1x16xf32>
        tpu.vector_store %arg15[%swap3A_174, %swap3A_175], %swap3A_178 {strides = array<i32>} : memref<112x128xf32, #tpu.memory_space<vmem>>, vector<1x16xf32>,
        %get3A_179 = arith.index_cast %scan3A_153 : i32 to index
        %get3A_180 = arith.constant 32 : index
        %get3A_181 = tpu.vector_load %arg15[%get3A_179, %get3A_180] {strides = array<i32>} : memref<112x128xf32, #tpu.memory_space<vmem>>, vector<1x16xf32>,
        %get3A_182 = vector.shape_cast %get3A_181 : vector<1x16xf32> to vector<16xf32>
        %get3A_183 = arith.index_cast %scan3A_153 : i32 to index
        %get3A_184 = arith.constant 32 : index
        %get3A_185 = tpu.vector_load %arg16[%get3A_183, %get3A_184] {strides = array<i32>} : memref<112x128xf32, #tpu.memory_space<vmem>>, vector<1x16xf32>,
        %get3A_186 = vector.shape_cast %get3A_185 : vector<1x16xf32> to vector<16xf32>
        %sub3A_187 = arith.subf %get3A_182, %get3A_186 : vector<16xf32>
        %swap3A_188 = arith.index_cast %scan3A_153 : i32 to index
        %swap3A_189 = arith.constant 32 : index
        %swap3A_190 = tpu.vector_load %arg15[%swap3A_188, %swap3A_189] {strides = array<i32>} : memref<112x128xf32, #tpu.memory_space<vmem>>, vector<1x16xf32>,
        %swap3A_191 = vector.shape_cast %swap3A_190 : vector<1x16xf32> to vector<16xf32>
        %swap3A_192 = vector.shape_cast %sub3A_187 : vector<16xf32> to vector<1x16xf32>
        tpu.vector_store %arg15[%swap3A_188, %swap3A_189], %swap3A_192 {strides = array<i32>} : memref<112x128xf32, #tpu.memory_space<vmem>>, vector<1x16xf32>,
        %get3A_193 = arith.index_cast %scan3A_153 : i32 to index
        %get3A_194 = arith.constant 48 : index
        %get3A_195 = tpu.vector_load %arg15[%get3A_193, %get3A_194] {strides = array<i32>} : memref<112x128xf32, #tpu.memory_space<vmem>>, vector<1x16xf32>,
        %get3A_196 = vector.shape_cast %get3A_195 : vector<1x16xf32> to vector<16xf32>
        %get3A_197 = arith.index_cast %scan3A_153 : i32 to index
        %get3A_198 = arith.constant 48 : index
        %get3A_199 = tpu.vector_load %arg16[%get3A_197, %get3A_198] {strides = array<i32>} : memref<112x128xf32, #tpu.memory_space<vmem>>, vector<1x16xf32>,
        %get3A_200 = vector.shape_cast %get3A_199 : vector<1x16xf32> to vector<16xf32>
        %sub3A_201 = arith.subf %get3A_196, %get3A_200 : vector<16xf32>
        %swap3A_202 = arith.index_cast %scan3A_153 : i32 to index
        %swap3A_203 = arith.constant 48 : index
        %swap3A_204 = tpu.vector_load %arg15[%swap3A_202, %swap3A_203] {strides = array<i32>} : memref<112x128xf32, #tpu.memory_space<vmem>>, vector<1x16xf32>,
        %swap3A_205 = vector.shape_cast %swap3A_204 : vector<1x16xf32> to vector<16xf32>
        %swap3A_206 = vector.shape_cast %sub3A_201 : vector<16xf32> to vector<1x16xf32>
        tpu.vector_store %arg15[%swap3A_202, %swap3A_203], %swap3A_206 {strides = array<i32>} : memref<112x128xf32, #tpu.memory_space<vmem>>, vector<1x16xf32>,
        %get3A_207 = arith.index_cast %scan3A_153 : i32 to index
        %get3A_208 = arith.constant 64 : index
        %get3A_209 = tpu.vector_load %arg15[%get3A_207, %get3A_208] {strides = array<i32>} : memref<112x128xf32, #tpu.memory_space<vmem>>, vector<1x16xf32>,
        %get3A_210 = vector.shape_cast %get3A_209 : vector<1x16xf32> to vector<16xf32>
        %get3A_211 = arith.index_cast %scan3A_153 : i32 to index
        %get3A_212 = arith.constant 64 : index
        %get3A_213 = tpu.vector_load %arg16[%get3A_211, %get3A_212] {strides = array<i32>} : memref<112x128xf32, #tpu.memory_space<vmem>>, vector<1x16xf32>,
        %get3A_214 = vector.shape_cast %get3A_213 : vector<1x16xf32> to vector<16xf32>
        %sub3A_215 = arith.subf %get3A_210, %get3A_214 : vector<16xf32>
        %swap3A_216 = arith.index_cast %scan3A_153 : i32 to index
        %swap3A_217 = arith.constant 64 : index
        %swap3A_218 = tpu.vector_load %arg15[%swap3A_216, %swap3A_217] {strides = array<i32>} : memref<112x128xf32, #tpu.memory_space<vmem>>, vector<1x16xf32>,
        %swap3A_219 = vector.shape_cast %swap3A_218 : vector<1x16xf32> to vector<16xf32>
        %swap3A_220 = vector.shape_cast %sub3A_215 : vector<16xf32> to vector<1x16xf32>
        tpu.vector_store %arg15[%swap3A_216, %swap3A_217], %swap3A_220 {strides = array<i32>} : memref<112x128xf32, #tpu.memory_space<vmem>>, vector<1x16xf32>,
        %get3A_221 = arith.index_cast %scan3A_153 : i32 to index
        %get3A_222 = arith.constant 80 : index
        %get3A_223 = tpu.vector_load %arg15[%get3A_221, %get3A_222] {strides = array<i32>} : memref<112x128xf32, #tpu.memory_space<vmem>>, vector<1x16xf32>,
        %get3A_224 = vector.shape_cast %get3A_223 : vector<1x16xf32> to vector<16xf32>
        %get3A_225 = arith.index_cast %scan3A_153 : i32 to index
        %get3A_226 = arith.constant 80 : index
        %get3A_227 = tpu.vector_load %arg16[%get3A_225, %get3A_226] {strides = array<i32>} : memref<112x128xf32, #tpu.memory_space<vmem>>, vector<1x16xf32>,
        %get3A_228 = vector.shape_cast %get3A_227 : vector<1x16xf32> to vector<16xf32>
        %sub3A_229 = arith.subf %get3A_224, %get3A_228 : vector<16xf32>
        %swap3A_230 = arith.index_cast %scan3A_153 : i32 to index
        %swap3A_231 = arith.constant 80 : index
        %swap3A_232 = tpu.vector_load %arg15[%swap3A_230, %swap3A_231] {strides = array<i32>} : memref<112x128xf32, #tpu.memory_space<vmem>>, vector<1x16xf32>,
        %swap3A_233 = vector.shape_cast %swap3A_232 : vector<1x16xf32> to vector<16xf32>
        %swap3A_234 = vector.shape_cast %sub3A_229 : vector<16xf32> to vector<1x16xf32>
        tpu.vector_store %arg15[%swap3A_230, %swap3A_231], %swap3A_234 {strides = array<i32>} : memref<112x128xf32, #tpu.memory_space<vmem>>, vector<1x16xf32>,
        %get3A_235 = arith.index_cast %scan3A_153 : i32 to index
        %get3A_236 = arith.constant 96 : index
        %get3A_237 = tpu.vector_load %arg15[%get3A_235, %get3A_236] {strides = array<i32>} : memref<112x128xf32, #tpu.memory_space<vmem>>, vector<1x16xf32>,
        %get3A_238 = vector.shape_cast %get3A_237 : vector<1x16xf32> to vector<16xf32>
        %get3A_239 = arith.index_cast %scan3A_153 : i32 to index
        %get3A_240 = arith.constant 96 : index
        %get3A_241 = tpu.vector_load %arg16[%get3A_239, %get3A_240] {strides = array<i32>} : memref<112x128xf32, #tpu.memory_space<vmem>>, vector<1x16xf32>,
        %get3A_242 = vector.shape_cast %get3A_241 : vector<1x16xf32> to vector<16xf32>
        %sub3A_243 = arith.subf %get3A_238, %get3A_242 : vector<16xf32>
        %swap3A_244 = arith.index_cast %scan3A_153 : i32 to index
        %swap3A_245 = arith.constant 96 : index
        %swap3A_246 = tpu.vector_load %arg15[%swap3A_244, %swap3A_245] {strides = array<i32>} : memref<112x128xf32, #tpu.memory_space<vmem>>, vector<1x16xf32>,
        %swap3A_247 = vector.shape_cast %swap3A_246 : vector<1x16xf32> to vector<16xf32>
        %swap3A_248 = vector.shape_cast %sub3A_243 : vector<16xf32> to vector<1x16xf32>
        tpu.vector_store %arg15[%swap3A_244, %swap3A_245], %swap3A_248 {strides = array<i32>} : memref<112x128xf32, #tpu.memory_space<vmem>>, vector<1x16xf32>,
        %get3A_249 = arith.index_cast %scan3A_153 : i32 to index
        %get3A_250 = arith.constant 112 : index
        %get3A_251 = tpu.vector_load %arg15[%get3A_249, %get3A_250] {strides = array<i32>} : memref<112x128xf32, #tpu.memory_space<vmem>>, vector<1x16xf32>,
        %get3A_252 = vector.shape_cast %get3A_251 : vector<1x16xf32> to vector<16xf32>
        %get3A_253 = arith.index_cast %scan3A_153 : i32 to index
        %get3A_254 = arith.constant 112 : index
        %get3A_255 = tpu.vector_load %arg16[%get3A_253, %get3A_254] {strides = array<i32>} : memref<112x128xf32, #tpu.memory_space<vmem>>, vector<1x16xf32>,
        %get3A_256 = vector.shape_cast %get3A_255 : vector<1x16xf32> to vector<16xf32>
        %sub3A_257 = arith.subf %get3A_252, %get3A_256 : vector<16xf32>
        %swap3A_258 = arith.index_cast %scan3A_153 : i32 to index
        %swap3A_259 = arith.constant 112 : index
        %swap3A_260 = tpu.vector_load %arg15[%swap3A_258, %swap3A_259] {strides = array<i32>} : memref<112x128xf32, #tpu.memory_space<vmem>>, vector<1x16xf32>,
        %swap3A_261 = vector.shape_cast %swap3A_260 : vector<1x16xf32> to vector<16xf32>
        %swap3A_262 = vector.shape_cast %sub3A_257 : vector<16xf32> to vector<1x16xf32>
        tpu.vector_store %arg15[%swap3A_258, %swap3A_259], %swap3A_262 {strides = array<i32>} : memref<112x128xf32, #tpu.memory_space<vmem>>, vector<1x16xf32>,
      }
      %scan3A_127 = arith.constant 112 : i32
      %mul3A_128 = arith.constant 112 : i32
      %mul3A_129 = arith.muli %add3A_115, %mul3A_128 : i32
      %add3A_130 = arith.addi %mul3A_2, %mul3A_129 : i32
      %dma_start3A_131 = arith.constant 0 : i32
      %dma_start3A_132 = tpu.memref_slice %arg6[%add3A_130, %dma_start3A_131] : memref<200704x128xf32, #tpu.memory_space<hbm>> -> memref<112x128xf32, #tpu.memory_space<hbm>>
      %dma_start3A_133 = arith.constant 0 : i32
      %dma_start3A_134 = tpu.memref_slice %arg6[%add3A_130, %dma_start3A_133] : memref<200704x128xf32, #tpu.memory_space<hbm>> -> memref<112x128xf32, #tpu.memory_space<hbm>>
      tpu.enqueue_dma source(%arg15 : memref<112x128xf32, #tpu.memory_space<vmem>>) target(%dma_start3A_134 : memref<112x128xf32, #tpu.memory_space<hbm>>) target_semaphore(%arg18 : memref<!tpu.dma_semaphore, #tpu.memory_space<semaphore_mem>>)
      %mul3A_135 = arith.constant 112 : i32
      %mul3A_136 = arith.muli %add3A_115, %mul3A_135 : i32
      %add3A_137 = arith.addi %mul3A_2, %mul3A_136 : i32
      %dma_wait3A_138 = arith.constant 0 : i32
      %dma_wait3A_139 = tpu.memref_slice %arg6[%add3A_137, %dma_wait3A_138] : memref<200704x128xf32, #tpu.memory_space<hbm>> -> memref<112x128xf32, #tpu.memory_space<hbm>>
      %dma_wait3A_140 = arith.constant 0 : i32
      %dma_wait3A_141 = tpu.memref_slice %arg6[%add3A_137, %dma_wait3A_140] : memref<200704x128xf32, #tpu.memory_space<hbm>> -> memref<112x128xf32, #tpu.memory_space<hbm>>
      tpu.wait_dma2 semaphore(%arg18 : memref<!tpu.dma_semaphore, #tpu.memory_space<semaphore_mem>>) src(%arg15 : memref<112x128xf32, #tpu.memory_space<vmem>>) dst(%dma_wait3A_141 : memref<112x128xf32, #tpu.memory_space<hbm>>)
      %add3A_142 = arith.constant 2 : i32
      %add3A_143 = arith.addi %add3A_115, %add3A_142 : i32
      %mul3A_144 = arith.constant 112 : i32
      %mul3A_145 = arith.muli %add3A_143, %mul3A_144 : i32
      %add3A_146 = arith.addi %mul3A_2, %mul3A_145 : i32
      "tpu.region"() ({
        %run_scoped3A = tpu.sem_alloc : memref<!tpu.dma_semaphore, #tpu.memory_space<semaphore_mem>>
        %dma_start3A_153 = tpu.memref_slice %arg4[%add3A_146] : memref<200704xi32, #tpu.memory_space<hbm>> -> memref<112xi32, #tpu.memory_space<hbm>>
        %dma_start3A_154 = tpu.memref_slice %arg4[%add3A_146] : memref<200704xi32, #tpu.memory_space<hbm>> -> memref<112xi32, #tpu.memory_space<hbm>>
        tpu.enqueue_dma source(%dma_start3A_154 : memref<112xi32, #tpu.memory_space<hbm>>) target(%arg13 : memref<112xi32, #tpu.memory_space<vmem>>) target_semaphore(%run_scoped3A : memref<!tpu.dma_semaphore, #tpu.memory_space<semaphore_mem>>)
        %dma_wait3A_155 = tpu.memref_slice %arg4[%add3A_146] : memref<200704xi32, #tpu.memory_space<hbm>> -> memref<112xi32, #tpu.memory_space<hbm>>
        %dma_wait3A_156 = tpu.memref_slice %arg4[%add3A_146] : memref<200704xi32, #tpu.memory_space<hbm>> -> memref<112xi32, #tpu.memory_space<hbm>>
        tpu.wait_dma2 semaphore(%run_scoped3A : memref<!tpu.dma_semaphore, #tpu.memory_space<semaphore_mem>>) src(%dma_wait3A_156 : memref<112xi32, #tpu.memory_space<hbm>>) dst(%arg13 : memref<112xi32, #tpu.memory_space<vmem>>)
        tpu.yield
      }) : () -> ()
      "tpu.region"() ({
        %run_scoped3A = tpu.sem_alloc : memref<!tpu.dma_semaphore, #tpu.memory_space<semaphore_mem>>
        %dma_start3A_153 = tpu.memref_slice %arg5[%add3A_146] : memref<200704xi32, #tpu.memory_space<hbm>> -> memref<112xi32, #tpu.memory_space<hbm>>
        %dma_start3A_154 = tpu.memref_slice %arg5[%add3A_146] : memref<200704xi32, #tpu.memory_space<hbm>> -> memref<112xi32, #tpu.memory_space<hbm>>
        tpu.enqueue_dma source(%dma_start3A_154 : memref<112xi32, #tpu.memory_space<hbm>>) target(%arg14 : memref<112xi32, #tpu.memory_space<vmem>>) target_semaphore(%run_scoped3A : memref<!tpu.dma_semaphore, #tpu.memory_space<semaphore_mem>>)
        %dma_wait3A_155 = tpu.memref_slice %arg5[%add3A_146] : memref<200704xi32, #tpu.memory_space<hbm>> -> memref<112xi32, #tpu.memory_space<hbm>>
        %dma_wait3A_156 = tpu.memref_slice %arg5[%add3A_146] : memref<200704xi32, #tpu.memory_space<hbm>> -> memref<112xi32, #tpu.memory_space<hbm>>
        tpu.wait_dma2 semaphore(%run_scoped3A : memref<!tpu.dma_semaphore, #tpu.memory_space<semaphore_mem>>) src(%dma_wait3A_156 : memref<112xi32, #tpu.memory_space<hbm>>) dst(%arg14 : memref<112xi32, #tpu.memory_space<vmem>>)
        tpu.yield
      }) : () -> ()
      %dma_start3A_147 = arith.constant 0 : i32
      %dma_start3A_148 = arith.constant 0 : i32
      %dma_start3A_149 = tpu.memref_slice %arg2[%dma_start3A_147, %dma_start3A_148] : memref<53248x128xf32, #tpu.memory_space<hbm>> -> memref<53248x128xf32, #tpu.memory_space<hbm>>
      tpu.enqueue_indirect_dma source(%dma_start3A_149 : memref<53248x128xf32, #tpu.memory_space<hbm>>) target(%arg15 : memref<112x128xf32, #tpu.memory_space<vmem>>) offsets(%arg13 : memref<112xi32, #tpu.memory_space<vmem>>) semaphore(%arg17 : memref<!tpu.dma_semaphore, #tpu.memory_space<semaphore_mem>>)
      %dma_start3A_150 = arith.constant 0 : i32
      %dma_start3A_151 = arith.constant 0 : i32
      %dma_start3A_152 = tpu.memref_slice %arg3[%dma_start3A_150, %dma_start3A_151] : memref<200704x128xf32, #tpu.memory_space<hbm>> -> memref<200704x128xf32, #tpu.memory_space<hbm>>
      tpu.enqueue_indirect_dma source(%dma_start3A_152 : memref<200704x128xf32, #tpu.memory_space<hbm>>) target(%arg16 : memref<112x128xf32, #tpu.memory_space<vmem>>) offsets(%arg14 : memref<112xi32, #tpu.memory_space<vmem>>) semaphore(%arg17 : memref<!tpu.dma_semaphore, #tpu.memory_space<semaphore_mem>>)
    }
    %scan3A_22 = arith.constant 27 : i32
    %dma_wait3A = arith.constant 0 : i32
    %dma_wait3A_23 = arith.constant 0 : i32
    %dma_wait3A_24 = tpu.memref_slice %arg2[%dma_wait3A, %dma_wait3A_23] : memref<53248x128xf32, #tpu.memory_space<hbm>> -> memref<53248x128xf32, #tpu.memory_space<hbm>>
    tpu.wait_indirect_dma semaphore(%arg11 : memref<!tpu.dma_semaphore, #tpu.memory_space<semaphore_mem>>) src(%dma_wait3A_24 : memref<53248x128xf32, #tpu.memory_space<hbm>>) dst(%arg9 : memref<112x128xf32, #tpu.memory_space<vmem>>)
    %dma_wait3A_25 = arith.constant 0 : i32
    %dma_wait3A_26 = arith.constant 0 : i32
    %dma_wait3A_27 = tpu.memref_slice %arg3[%dma_wait3A_25, %dma_wait3A_26] : memref<200704x128xf32, #tpu.memory_space<hbm>> -> memref<200704x128xf32, #tpu.memory_space<hbm>>
    tpu.wait_indirect_dma semaphore(%arg11 : memref<!tpu.dma_semaphore, #tpu.memory_space<semaphore_mem>>) src(%dma_wait3A_27 : memref<200704x128xf32, #tpu.memory_space<hbm>>) dst(%arg10 : memref<112x128xf32, #tpu.memory_space<vmem>>)
    %scan3A_28 = arith.constant 0 : i32
    %scan3A_29 = arith.constant 0 : i32
    %scan3A_30 = arith.constant 112 : i32
    %scan3A_31 = arith.addi %scan3A_29, %scan3A_30 : i32
    %scan3A_32 = arith.constant 1 : i32
    scf.for %scan3A_70 = %scan3A_29 to %scan3A_31 step %scan3A_32  : i32 {
      %get3A = arith.index_cast %scan3A_70 : i32 to index
      %get3A_71 = arith.constant 0 : index
      %get3A_72 = tpu.vector_load %arg9[%get3A, %get3A_71] {strides = array<i32>} : memref<112x128xf32, #tpu.memory_space<vmem>>, vector<1x16xf32>,
      %get3A_73 = vector.shape_cast %get3A_72 : vector<1x16xf32> to vector<16xf32>
      %get3A_74 = arith.index_cast %scan3A_70 : i32 to index
      %get3A_75 = arith.constant 0 : index
      %get3A_76 = tpu.vector_load %arg10[%get3A_74, %get3A_75] {strides = array<i32>} : memref<112x128xf32, #tpu.memory_space<vmem>>, vector<1x16xf32>,
      %get3A_77 = vector.shape_cast %get3A_76 : vector<1x16xf32> to vector<16xf32>
      %sub3A = arith.subf %get3A_73, %get3A_77 : vector<16xf32>
      %swap3A = arith.index_cast %scan3A_70 : i32 to index
      %swap3A_78 = arith.constant 0 : index
      %swap3A_79 = tpu.vector_load %arg9[%swap3A, %swap3A_78] {strides = array<i32>} : memref<112x128xf32, #tpu.memory_space<vmem>>, vector<1x16xf32>,
      %swap3A_80 = vector.shape_cast %swap3A_79 : vector<1x16xf32> to vector<16xf32>
      %swap3A_81 = vector.shape_cast %sub3A : vector<16xf32> to vector<1x16xf32>
      tpu.vector_store %arg9[%swap3A, %swap3A_78], %swap3A_81 {strides = array<i32>} : memref<112x128xf32, #tpu.memory_space<vmem>>, vector<1x16xf32>,
      %get3A_82 = arith.index_cast %scan3A_70 : i32 to index
      %get3A_83 = arith.constant 16 : index
      %get3A_84 = tpu.vector_load %arg9[%get3A_82, %get3A_83] {strides = array<i32>} : memref<112x128xf32, #tpu.memory_space<vmem>>, vector<1x16xf32>,
      %get3A_85 = vector.shape_cast %get3A_84 : vector<1x16xf32> to vector<16xf32>
      %get3A_86 = arith.index_cast %scan3A_70 : i32 to index
      %get3A_87 = arith.constant 16 : index
      %get3A_88 = tpu.vector_load %arg10[%get3A_86, %get3A_87] {strides = array<i32>} : memref<112x128xf32, #tpu.memory_space<vmem>>, vector<1x16xf32>,
      %get3A_89 = vector.shape_cast %get3A_88 : vector<1x16xf32> to vector<16xf32>
      %sub3A_90 = arith.subf %get3A_85, %get3A_89 : vector<16xf32>
      %swap3A_91 = arith.index_cast %scan3A_70 : i32 to index
      %swap3A_92 = arith.constant 16 : index
      %swap3A_93 = tpu.vector_load %arg9[%swap3A_91, %swap3A_92] {strides = array<i32>} : memref<112x128xf32, #tpu.memory_space<vmem>>, vector<1x16xf32>,
      %swap3A_94 = vector.shape_cast %swap3A_93 : vector<1x16xf32> to vector<16xf32>
      %swap3A_95 = vector.shape_cast %sub3A_90 : vector<16xf32> to vector<1x16xf32>
      tpu.vector_store %arg9[%swap3A_91, %swap3A_92], %swap3A_95 {strides = array<i32>} : memref<112x128xf32, #tpu.memory_space<vmem>>, vector<1x16xf32>,
      %get3A_96 = arith.index_cast %scan3A_70 : i32 to index
      %get3A_97 = arith.constant 32 : index
      %get3A_98 = tpu.vector_load %arg9[%get3A_96, %get3A_97] {strides = array<i32>} : memref<112x128xf32, #tpu.memory_space<vmem>>, vector<1x16xf32>,
      %get3A_99 = vector.shape_cast %get3A_98 : vector<1x16xf32> to vector<16xf32>
      %get3A_100 = arith.index_cast %scan3A_70 : i32 to index
      %get3A_101 = arith.constant 32 : index
      %get3A_102 = tpu.vector_load %arg10[%get3A_100, %get3A_101] {strides = array<i32>} : memref<112x128xf32, #tpu.memory_space<vmem>>, vector<1x16xf32>,
      %get3A_103 = vector.shape_cast %get3A_102 : vector<1x16xf32> to vector<16xf32>
      %sub3A_104 = arith.subf %get3A_99, %get3A_103 : vector<16xf32>
      %swap3A_105 = arith.index_cast %scan3A_70 : i32 to index
      %swap3A_106 = arith.constant 32 : index
      %swap3A_107 = tpu.vector_load %arg9[%swap3A_105, %swap3A_106] {strides = array<i32>} : memref<112x128xf32, #tpu.memory_space<vmem>>, vector<1x16xf32>,
      %swap3A_108 = vector.shape_cast %swap3A_107 : vector<1x16xf32> to vector<16xf32>
      %swap3A_109 = vector.shape_cast %sub3A_104 : vector<16xf32> to vector<1x16xf32>
      tpu.vector_store %arg9[%swap3A_105, %swap3A_106], %swap3A_109 {strides = array<i32>} : memref<112x128xf32, #tpu.memory_space<vmem>>, vector<1x16xf32>,
      %get3A_110 = arith.index_cast %scan3A_70 : i32 to index
      %get3A_111 = arith.constant 48 : index
      %get3A_112 = tpu.vector_load %arg9[%get3A_110, %get3A_111] {strides = array<i32>} : memref<112x128xf32, #tpu.memory_space<vmem>>, vector<1x16xf32>,
      %get3A_113 = vector.shape_cast %get3A_112 : vector<1x16xf32> to vector<16xf32>
      %get3A_114 = arith.index_cast %scan3A_70 : i32 to index
      %get3A_115 = arith.constant 48 : index
      %get3A_116 = tpu.vector_load %arg10[%get3A_114, %get3A_115] {strides = array<i32>} : memref<112x128xf32, #tpu.memory_space<vmem>>, vector<1x16xf32>,
      %get3A_117 = vector.shape_cast %get3A_116 : vector<1x16xf32> to vector<16xf32>
      %sub3A_118 = arith.subf %get3A_113, %get3A_117 : vector<16xf32>
      %swap3A_119 = arith.index_cast %scan3A_70 : i32 to index
      %swap3A_120 = arith.constant 48 : index
      %swap3A_121 = tpu.vector_load %arg9[%swap3A_119, %swap3A_120] {strides = array<i32>} : memref<112x128xf32, #tpu.memory_space<vmem>>, vector<1x16xf32>,
      %swap3A_122 = vector.shape_cast %swap3A_121 : vector<1x16xf32> to vector<16xf32>
      %swap3A_123 = vector.shape_cast %sub3A_118 : vector<16xf32> to vector<1x16xf32>
      tpu.vector_store %arg9[%swap3A_119, %swap3A_120], %swap3A_123 {strides = array<i32>} : memref<112x128xf32, #tpu.memory_space<vmem>>, vector<1x16xf32>,
      %get3A_124 = arith.index_cast %scan3A_70 : i32 to index
      %get3A_125 = arith.constant 64 : index
      %get3A_126 = tpu.vector_load %arg9[%get3A_124, %get3A_125] {strides = array<i32>} : memref<112x128xf32, #tpu.memory_space<vmem>>, vector<1x16xf32>,
      %get3A_127 = vector.shape_cast %get3A_126 : vector<1x16xf32> to vector<16xf32>
      %get3A_128 = arith.index_cast %scan3A_70 : i32 to index
      %get3A_129 = arith.constant 64 : index
      %get3A_130 = tpu.vector_load %arg10[%get3A_128, %get3A_129] {strides = array<i32>} : memref<112x128xf32, #tpu.memory_space<vmem>>, vector<1x16xf32>,
      %get3A_131 = vector.shape_cast %get3A_130 : vector<1x16xf32> to vector<16xf32>
      %sub3A_132 = arith.subf %get3A_127, %get3A_131 : vector<16xf32>
      %swap3A_133 = arith.index_cast %scan3A_70 : i32 to index
      %swap3A_134 = arith.constant 64 : index
      %swap3A_135 = tpu.vector_load %arg9[%swap3A_133, %swap3A_134] {strides = array<i32>} : memref<112x128xf32, #tpu.memory_space<vmem>>, vector<1x16xf32>,
      %swap3A_136 = vector.shape_cast %swap3A_135 : vector<1x16xf32> to vector<16xf32>
      %swap3A_137 = vector.shape_cast %sub3A_132 : vector<16xf32> to vector<1x16xf32>
      tpu.vector_store %arg9[%swap3A_133, %swap3A_134], %swap3A_137 {strides = array<i32>} : memref<112x128xf32, #tpu.memory_space<vmem>>, vector<1x16xf32>,
      %get3A_138 = arith.index_cast %scan3A_70 : i32 to index
      %get3A_139 = arith.constant 80 : index
      %get3A_140 = tpu.vector_load %arg9[%get3A_138, %get3A_139] {strides = array<i32>} : memref<112x128xf32, #tpu.memory_space<vmem>>, vector<1x16xf32>,
      %get3A_141 = vector.shape_cast %get3A_140 : vector<1x16xf32> to vector<16xf32>
      %get3A_142 = arith.index_cast %scan3A_70 : i32 to index
      %get3A_143 = arith.constant 80 : index
      %get3A_144 = tpu.vector_load %arg10[%get3A_142, %get3A_143] {strides = array<i32>} : memref<112x128xf32, #tpu.memory_space<vmem>>, vector<1x16xf32>,
      %get3A_145 = vector.shape_cast %get3A_144 : vector<1x16xf32> to vector<16xf32>
      %sub3A_146 = arith.subf %get3A_141, %get3A_145 : vector<16xf32>
      %swap3A_147 = arith.index_cast %scan3A_70 : i32 to index
      %swap3A_148 = arith.constant 80 : index
      %swap3A_149 = tpu.vector_load %arg9[%swap3A_147, %swap3A_148] {strides = array<i32>} : memref<112x128xf32, #tpu.memory_space<vmem>>, vector<1x16xf32>,
      %swap3A_150 = vector.shape_cast %swap3A_149 : vector<1x16xf32> to vector<16xf32>
      %swap3A_151 = vector.shape_cast %sub3A_146 : vector<16xf32> to vector<1x16xf32>
      tpu.vector_store %arg9[%swap3A_147, %swap3A_148], %swap3A_151 {strides = array<i32>} : memref<112x128xf32, #tpu.memory_space<vmem>>, vector<1x16xf32>,
      %get3A_152 = arith.index_cast %scan3A_70 : i32 to index
      %get3A_153 = arith.constant 96 : index
      %get3A_154 = tpu.vector_load %arg9[%get3A_152, %get3A_153] {strides = array<i32>} : memref<112x128xf32, #tpu.memory_space<vmem>>, vector<1x16xf32>,
      %get3A_155 = vector.shape_cast %get3A_154 : vector<1x16xf32> to vector<16xf32>
      %get3A_156 = arith.index_cast %scan3A_70 : i32 to index
      %get3A_157 = arith.constant 96 : index
      %get3A_158 = tpu.vector_load %arg10[%get3A_156, %get3A_157] {strides = array<i32>} : memref<112x128xf32, #tpu.memory_space<vmem>>, vector<1x16xf32>,
      %get3A_159 = vector.shape_cast %get3A_158 : vector<1x16xf32> to vector<16xf32>
      %sub3A_160 = arith.subf %get3A_155, %get3A_159 : vector<16xf32>
      %swap3A_161 = arith.index_cast %scan3A_70 : i32 to index
      %swap3A_162 = arith.constant 96 : index
      %swap3A_163 = tpu.vector_load %arg9[%swap3A_161, %swap3A_162] {strides = array<i32>} : memref<112x128xf32, #tpu.memory_space<vmem>>, vector<1x16xf32>,
      %swap3A_164 = vector.shape_cast %swap3A_163 : vector<1x16xf32> to vector<16xf32>
      %swap3A_165 = vector.shape_cast %sub3A_160 : vector<16xf32> to vector<1x16xf32>
      tpu.vector_store %arg9[%swap3A_161, %swap3A_162], %swap3A_165 {strides = array<i32>} : memref<112x128xf32, #tpu.memory_space<vmem>>, vector<1x16xf32>,
      %get3A_166 = arith.index_cast %scan3A_70 : i32 to index
      %get3A_167 = arith.constant 112 : index
      %get3A_168 = tpu.vector_load %arg9[%get3A_166, %get3A_167] {strides = array<i32>} : memref<112x128xf32, #tpu.memory_space<vmem>>, vector<1x16xf32>,
      %get3A_169 = vector.shape_cast %get3A_168 : vector<1x16xf32> to vector<16xf32>
      %get3A_170 = arith.index_cast %scan3A_70 : i32 to index
      %get3A_171 = arith.constant 112 : index
      %get3A_172 = tpu.vector_load %arg10[%get3A_170, %get3A_171] {strides = array<i32>} : memref<112x128xf32, #tpu.memory_space<vmem>>, vector<1x16xf32>,
      %get3A_173 = vector.shape_cast %get3A_172 : vector<1x16xf32> to vector<16xf32>
      %sub3A_174 = arith.subf %get3A_169, %get3A_173 : vector<16xf32>
      %swap3A_175 = arith.index_cast %scan3A_70 : i32 to index
      %swap3A_176 = arith.constant 112 : index
      %swap3A_177 = tpu.vector_load %arg9[%swap3A_175, %swap3A_176] {strides = array<i32>} : memref<112x128xf32, #tpu.memory_space<vmem>>, vector<1x16xf32>,
      %swap3A_178 = vector.shape_cast %swap3A_177 : vector<1x16xf32> to vector<16xf32>
      %swap3A_179 = vector.shape_cast %sub3A_174 : vector<16xf32> to vector<1x16xf32>
      tpu.vector_store %arg9[%swap3A_175, %swap3A_176], %swap3A_179 {strides = array<i32>} : memref<112x128xf32, #tpu.memory_space<vmem>>, vector<1x16xf32>,
    }
    %scan3A_33 = arith.constant 112 : i32
    %add3A_34 = arith.constant 6048 : i32
    %add3A_35 = arith.addi %mul3A_2, %add3A_34 : i32
    %dma_start3A_36 = arith.constant 0 : i32
    %dma_start3A_37 = tpu.memref_slice %arg6[%add3A_35, %dma_start3A_36] : memref<200704x128xf32, #tpu.memory_space<hbm>> -> memref<112x128xf32, #tpu.memory_space<hbm>>
    %dma_start3A_38 = arith.constant 0 : i32
    %dma_start3A_39 = tpu.memref_slice %arg6[%add3A_35, %dma_start3A_38] : memref<200704x128xf32, #tpu.memory_space<hbm>> -> memref<112x128xf32, #tpu.memory_space<hbm>>
    tpu.enqueue_dma source(%arg9 : memref<112x128xf32, #tpu.memory_space<vmem>>) target(%dma_start3A_39 : memref<112x128xf32, #tpu.memory_space<hbm>>) target_semaphore(%arg12 : memref<!tpu.dma_semaphore, #tpu.memory_space<semaphore_mem>>)
    %add3A_40 = arith.constant 6048 : i32
    %add3A_41 = arith.addi %mul3A_2, %add3A_40 : i32
    %dma_wait3A_42 = arith.constant 0 : i32
    %dma_wait3A_43 = tpu.memref_slice %arg6[%add3A_41, %dma_wait3A_42] : memref<200704x128xf32, #tpu.memory_space<hbm>> -> memref<112x128xf32, #tpu.memory_space<hbm>>
    %dma_wait3A_44 = arith.constant 0 : i32
    %dma_wait3A_45 = tpu.memref_slice %arg6[%add3A_41, %dma_wait3A_44] : memref<200704x128xf32, #tpu.memory_space<hbm>> -> memref<112x128xf32, #tpu.memory_space<hbm>>
    tpu.wait_dma2 semaphore(%arg12 : memref<!tpu.dma_semaphore, #tpu.memory_space<semaphore_mem>>) src(%arg9 : memref<112x128xf32, #tpu.memory_space<vmem>>) dst(%dma_wait3A_45 : memref<112x128xf32, #tpu.memory_space<hbm>>)
    %dma_wait3A_46 = arith.constant 0 : i32
    %dma_wait3A_47 = arith.constant 0 : i32
    %dma_wait3A_48 = tpu.memref_slice %arg2[%dma_wait3A_46, %dma_wait3A_47] : memref<53248x128xf32, #tpu.memory_space<hbm>> -> memref<53248x128xf32, #tpu.memory_space<hbm>>
    tpu.wait_indirect_dma semaphore(%arg17 : memref<!tpu.dma_semaphore, #tpu.memory_space<semaphore_mem>>) src(%dma_wait3A_48 : memref<53248x128xf32, #tpu.memory_space<hbm>>) dst(%arg15 : memref<112x128xf32, #tpu.memory_space<vmem>>)
    %dma_wait3A_49 = arith.constant 0 : i32
    %dma_wait3A_50 = arith.constant 0 : i32
    %dma_wait3A_51 = tpu.memref_slice %arg3[%dma_wait3A_49, %dma_wait3A_50] : memref<200704x128xf32, #tpu.memory_space<hbm>> -> memref<200704x128xf32, #tpu.memory_space<hbm>>
    tpu.wait_indirect_dma semaphore(%arg17 : memref<!tpu.dma_semaphore, #tpu.memory_space<semaphore_mem>>) src(%dma_wait3A_51 : memref<200704x128xf32, #tpu.memory_space<hbm>>) dst(%arg16 : memref<112x128xf32, #tpu.memory_space<vmem>>)
    %scan3A_52 = arith.constant 0 : i32
    %scan3A_53 = arith.constant 0 : i32
    %scan3A_54 = arith.constant 112 : i32
    %scan3A_55 = arith.addi %scan3A_53, %scan3A_54 : i32
    %scan3A_56 = arith.constant 1 : i32
    scf.for %scan3A_70 = %scan3A_53 to %scan3A_55 step %scan3A_56  : i32 {
      %get3A = arith.index_cast %scan3A_70 : i32 to index
      %get3A_71 = arith.constant 0 : index
      %get3A_72 = tpu.vector_load %arg15[%get3A, %get3A_71] {strides = array<i32>} : memref<112x128xf32, #tpu.memory_space<vmem>>, vector<1x16xf32>,
      %get3A_73 = vector.shape_cast %get3A_72 : vector<1x16xf32> to vector<16xf32>
      %get3A_74 = arith.index_cast %scan3A_70 : i32 to index
      %get3A_75 = arith.constant 0 : index
      %get3A_76 = tpu.vector_load %arg16[%get3A_74, %get3A_75] {strides = array<i32>} : memref<112x128xf32, #tpu.memory_space<vmem>>, vector<1x16xf32>,
      %get3A_77 = vector.shape_cast %get3A_76 : vector<1x16xf32> to vector<16xf32>
      %sub3A = arith.subf %get3A_73, %get3A_77 : vector<16xf32>
      %swap3A = arith.index_cast %scan3A_70 : i32 to index
      %swap3A_78 = arith.constant 0 : index
      %swap3A_79 = tpu.vector_load %arg15[%swap3A, %swap3A_78] {strides = array<i32>} : memref<112x128xf32, #tpu.memory_space<vmem>>, vector<1x16xf32>,
      %swap3A_80 = vector.shape_cast %swap3A_79 : vector<1x16xf32> to vector<16xf32>
      %swap3A_81 = vector.shape_cast %sub3A : vector<16xf32> to vector<1x16xf32>
      tpu.vector_store %arg15[%swap3A, %swap3A_78], %swap3A_81 {strides = array<i32>} : memref<112x128xf32, #tpu.memory_space<vmem>>, vector<1x16xf32>,
      %get3A_82 = arith.index_cast %scan3A_70 : i32 to index
      %get3A_83 = arith.constant 16 : index
      %get3A_84 = tpu.vector_load %arg15[%get3A_82, %get3A_83] {strides = array<i32>} : memref<112x128xf32, #tpu.memory_space<vmem>>, vector<1x16xf32>,
      %get3A_85 = vector.shape_cast %get3A_84 : vector<1x16xf32> to vector<16xf32>
      %get3A_86 = arith.index_cast %scan3A_70 : i32 to index
      %get3A_87 = arith.constant 16 : index
      %get3A_88 = tpu.vector_load %arg16[%get3A_86, %get3A_87] {strides = array<i32>} : memref<112x128xf32, #tpu.memory_space<vmem>>, vector<1x16xf32>,
      %get3A_89 = vector.shape_cast %get3A_88 : vector<1x16xf32> to vector<16xf32>
      %sub3A_90 = arith.subf %get3A_85, %get3A_89 : vector<16xf32>
      %swap3A_91 = arith.index_cast %scan3A_70 : i32 to index
      %swap3A_92 = arith.constant 16 : index
      %swap3A_93 = tpu.vector_load %arg15[%swap3A_91, %swap3A_92] {strides = array<i32>} : memref<112x128xf32, #tpu.memory_space<vmem>>, vector<1x16xf32>,
      %swap3A_94 = vector.shape_cast %swap3A_93 : vector<1x16xf32> to vector<16xf32>
      %swap3A_95 = vector.shape_cast %sub3A_90 : vector<16xf32> to vector<1x16xf32>
      tpu.vector_store %arg15[%swap3A_91, %swap3A_92], %swap3A_95 {strides = array<i32>} : memref<112x128xf32, #tpu.memory_space<vmem>>, vector<1x16xf32>,
      %get3A_96 = arith.index_cast %scan3A_70 : i32 to index
      %get3A_97 = arith.constant 32 : index
      %get3A_98 = tpu.vector_load %arg15[%get3A_96, %get3A_97] {strides = array<i32>} : memref<112x128xf32, #tpu.memory_space<vmem>>, vector<1x16xf32>,
      %get3A_99 = vector.shape_cast %get3A_98 : vector<1x16xf32> to vector<16xf32>
      %get3A_100 = arith.index_cast %scan3A_70 : i32 to index
      %get3A_101 = arith.constant 32 : index
      %get3A_102 = tpu.vector_load %arg16[%get3A_100, %get3A_101] {strides = array<i32>} : memref<112x128xf32, #tpu.memory_space<vmem>>, vector<1x16xf32>,
      %get3A_103 = vector.shape_cast %get3A_102 : vector<1x16xf32> to vector<16xf32>
      %sub3A_104 = arith.subf %get3A_99, %get3A_103 : vector<16xf32>
      %swap3A_105 = arith.index_cast %scan3A_70 : i32 to index
      %swap3A_106 = arith.constant 32 : index
      %swap3A_107 = tpu.vector_load %arg15[%swap3A_105, %swap3A_106] {strides = array<i32>} : memref<112x128xf32, #tpu.memory_space<vmem>>, vector<1x16xf32>,
      %swap3A_108 = vector.shape_cast %swap3A_107 : vector<1x16xf32> to vector<16xf32>
      %swap3A_109 = vector.shape_cast %sub3A_104 : vector<16xf32> to vector<1x16xf32>
      tpu.vector_store %arg15[%swap3A_105, %swap3A_106], %swap3A_109 {strides = array<i32>} : memref<112x128xf32, #tpu.memory_space<vmem>>, vector<1x16xf32>,
      %get3A_110 = arith.index_cast %scan3A_70 : i32 to index
      %get3A_111 = arith.constant 48 : index
      %get3A_112 = tpu.vector_load %arg15[%get3A_110, %get3A_111] {strides = array<i32>} : memref<112x128xf32, #tpu.memory_space<vmem>>, vector<1x16xf32>,
      %get3A_113 = vector.shape_cast %get3A_112 : vector<1x16xf32> to vector<16xf32>
      %get3A_114 = arith.index_cast %scan3A_70 : i32 to index
      %get3A_115 = arith.constant 48 : index
      %get3A_116 = tpu.vector_load %arg16[%get3A_114, %get3A_115] {strides = array<i32>} : memref<112x128xf32, #tpu.memory_space<vmem>>, vector<1x16xf32>,
      %get3A_117 = vector.shape_cast %get3A_116 : vector<1x16xf32> to vector<16xf32>
      %sub3A_118 = arith.subf %get3A_113, %get3A_117 : vector<16xf32>
      %swap3A_119 = arith.index_cast %scan3A_70 : i32 to index
      %swap3A_120 = arith.constant 48 : index
      %swap3A_121 = tpu.vector_load %arg15[%swap3A_119, %swap3A_120] {strides = array<i32>} : memref<112x128xf32, #tpu.memory_space<vmem>>, vector<1x16xf32>,
      %swap3A_122 = vector.shape_cast %swap3A_121 : vector<1x16xf32> to vector<16xf32>
      %swap3A_123 = vector.shape_cast %sub3A_118 : vector<16xf32> to vector<1x16xf32>
      tpu.vector_store %arg15[%swap3A_119, %swap3A_120], %swap3A_123 {strides = array<i32>} : memref<112x128xf32, #tpu.memory_space<vmem>>, vector<1x16xf32>,
      %get3A_124 = arith.index_cast %scan3A_70 : i32 to index
      %get3A_125 = arith.constant 64 : index
      %get3A_126 = tpu.vector_load %arg15[%get3A_124, %get3A_125] {strides = array<i32>} : memref<112x128xf32, #tpu.memory_space<vmem>>, vector<1x16xf32>,
      %get3A_127 = vector.shape_cast %get3A_126 : vector<1x16xf32> to vector<16xf32>
      %get3A_128 = arith.index_cast %scan3A_70 : i32 to index
      %get3A_129 = arith.constant 64 : index
      %get3A_130 = tpu.vector_load %arg16[%get3A_128, %get3A_129] {strides = array<i32>} : memref<112x128xf32, #tpu.memory_space<vmem>>, vector<1x16xf32>,
      %get3A_131 = vector.shape_cast %get3A_130 : vector<1x16xf32> to vector<16xf32>
      %sub3A_132 = arith.subf %get3A_127, %get3A_131 : vector<16xf32>
      %swap3A_133 = arith.index_cast %scan3A_70 : i32 to index
      %swap3A_134 = arith.constant 64 : index
      %swap3A_135 = tpu.vector_load %arg15[%swap3A_133, %swap3A_134] {strides = array<i32>} : memref<112x128xf32, #tpu.memory_space<vmem>>, vector<1x16xf32>,
      %swap3A_136 = vector.shape_cast %swap3A_135 : vector<1x16xf32> to vector<16xf32>
      %swap3A_137 = vector.shape_cast %sub3A_132 : vector<16xf32> to vector<1x16xf32>
      tpu.vector_store %arg15[%swap3A_133, %swap3A_134], %swap3A_137 {strides = array<i32>} : memref<112x128xf32, #tpu.memory_space<vmem>>, vector<1x16xf32>,
      %get3A_138 = arith.index_cast %scan3A_70 : i32 to index
      %get3A_139 = arith.constant 80 : index
      %get3A_140 = tpu.vector_load %arg15[%get3A_138, %get3A_139] {strides = array<i32>} : memref<112x128xf32, #tpu.memory_space<vmem>>, vector<1x16xf32>,
      %get3A_141 = vector.shape_cast %get3A_140 : vector<1x16xf32> to vector<16xf32>
      %get3A_142 = arith.index_cast %scan3A_70 : i32 to index
      %get3A_143 = arith.constant 80 : index
      %get3A_144 = tpu.vector_load %arg16[%get3A_142, %get3A_143] {strides = array<i32>} : memref<112x128xf32, #tpu.memory_space<vmem>>, vector<1x16xf32>,
      %get3A_145 = vector.shape_cast %get3A_144 : vector<1x16xf32> to vector<16xf32>
      %sub3A_146 = arith.subf %get3A_141, %get3A_145 : vector<16xf32>
      %swap3A_147 = arith.index_cast %scan3A_70 : i32 to index
      %swap3A_148 = arith.constant 80 : index
      %swap3A_149 = tpu.vector_load %arg15[%swap3A_147, %swap3A_148] {strides = array<i32>} : memref<112x128xf32, #tpu.memory_space<vmem>>, vector<1x16xf32>,
      %swap3A_150 = vector.shape_cast %swap3A_149 : vector<1x16xf32> to vector<16xf32>
      %swap3A_151 = vector.shape_cast %sub3A_146 : vector<16xf32> to vector<1x16xf32>
      tpu.vector_store %arg15[%swap3A_147, %swap3A_148], %swap3A_151 {strides = array<i32>} : memref<112x128xf32, #tpu.memory_space<vmem>>, vector<1x16xf32>,
      %get3A_152 = arith.index_cast %scan3A_70 : i32 to index
      %get3A_153 = arith.constant 96 : index
      %get3A_154 = tpu.vector_load %arg15[%get3A_152, %get3A_153] {strides = array<i32>} : memref<112x128xf32, #tpu.memory_space<vmem>>, vector<1x16xf32>,
      %get3A_155 = vector.shape_cast %get3A_154 : vector<1x16xf32> to vector<16xf32>
      %get3A_156 = arith.index_cast %scan3A_70 : i32 to index
      %get3A_157 = arith.constant 96 : index
      %get3A_158 = tpu.vector_load %arg16[%get3A_156, %get3A_157] {strides = array<i32>} : memref<112x128xf32, #tpu.memory_space<vmem>>, vector<1x16xf32>,
      %get3A_159 = vector.shape_cast %get3A_158 : vector<1x16xf32> to vector<16xf32>
      %sub3A_160 = arith.subf %get3A_155, %get3A_159 : vector<16xf32>
      %swap3A_161 = arith.index_cast %scan3A_70 : i32 to index
      %swap3A_162 = arith.constant 96 : index
      %swap3A_163 = tpu.vector_load %arg15[%swap3A_161, %swap3A_162] {strides = array<i32>} : memref<112x128xf32, #tpu.memory_space<vmem>>, vector<1x16xf32>,
      %swap3A_164 = vector.shape_cast %swap3A_163 : vector<1x16xf32> to vector<16xf32>
      %swap3A_165 = vector.shape_cast %sub3A_160 : vector<16xf32> to vector<1x16xf32>
      tpu.vector_store %arg15[%swap3A_161, %swap3A_162], %swap3A_165 {strides = array<i32>} : memref<112x128xf32, #tpu.memory_space<vmem>>, vector<1x16xf32>,
      %get3A_166 = arith.index_cast %scan3A_70 : i32 to index
      %get3A_167 = arith.constant 112 : index
      %get3A_168 = tpu.vector_load %arg15[%get3A_166, %get3A_167] {strides = array<i32>} : memref<112x128xf32, #tpu.memory_space<vmem>>, vector<1x16xf32>,
      %get3A_169 = vector.shape_cast %get3A_168 : vector<1x16xf32> to vector<16xf32>
      %get3A_170 = arith.index_cast %scan3A_70 : i32 to index
      %get3A_171 = arith.constant 112 : index
      %get3A_172 = tpu.vector_load %arg16[%get3A_170, %get3A_171] {strides = array<i32>} : memref<112x128xf32, #tpu.memory_space<vmem>>, vector<1x16xf32>,
      %get3A_173 = vector.shape_cast %get3A_172 : vector<1x16xf32> to vector<16xf32>
      %sub3A_174 = arith.subf %get3A_169, %get3A_173 : vector<16xf32>
      %swap3A_175 = arith.index_cast %scan3A_70 : i32 to index
      %swap3A_176 = arith.constant 112 : index
      %swap3A_177 = tpu.vector_load %arg15[%swap3A_175, %swap3A_176] {strides = array<i32>} : memref<112x128xf32, #tpu.memory_space<vmem>>, vector<1x16xf32>,
      %swap3A_178 = vector.shape_cast %swap3A_177 : vector<1x16xf32> to vector<16xf32>
      %swap3A_179 = vector.shape_cast %sub3A_174 : vector<16xf32> to vector<1x16xf32>
      tpu.vector_store %arg15[%swap3A_175, %swap3A_176], %swap3A_179 {strides = array<i32>} : memref<112x128xf32, #tpu.memory_space<vmem>>, vector<1x16xf32>,
    }
    %scan3A_57 = arith.constant 112 : i32
    %add3A_58 = arith.constant 6160 : i32
    %add3A_59 = arith.addi %mul3A_2, %add3A_58 : i32
    %dma_start3A_60 = arith.constant 0 : i32
    %dma_start3A_61 = tpu.memref_slice %arg6[%add3A_59, %dma_start3A_60] : memref<200704x128xf32, #tpu.memory_space<hbm>> -> memref<112x128xf32, #tpu.memory_space<hbm>>
    %dma_start3A_62 = arith.constant 0 : i32
    %dma_start3A_63 = tpu.memref_slice %arg6[%add3A_59, %dma_start3A_62] : memref<200704x128xf32, #tpu.memory_space<hbm>> -> memref<112x128xf32, #tpu.memory_space<hbm>>
    tpu.enqueue_dma source(%arg15 : memref<112x128xf32, #tpu.memory_space<vmem>>) target(%dma_start3A_63 : memref<112x128xf32, #tpu.memory_space<hbm>>) target_semaphore(%arg18 : memref<!tpu.dma_semaphore, #tpu.memory_space<semaphore_mem>>)
    %add3A_64 = arith.constant 6160 : i32
    %add3A_65 = arith.addi %mul3A_2, %add3A_64 : i32
    %dma_wait3A_66 = arith.constant 0 : i32
    %dma_wait3A_67 = tpu.memref_slice %arg6[%add3A_65, %dma_wait3A_66] : memref<200704x128xf32, #tpu.memory_space<hbm>> -> memref<112x128xf32, #tpu.memory_space<hbm>>
    %dma_wait3A_68 = arith.constant 0 : i32
    %dma_wait3A_69 = tpu.memref_slice %arg6[%add3A_65, %dma_wait3A_68] : memref<200704x128xf32, #tpu.memory_space<hbm>> -> memref<112x128xf32, #tpu.memory_space<hbm>>
    tpu.wait_dma2 semaphore(%arg18 : memref<!tpu.dma_semaphore, #tpu.memory_space<semaphore_mem>>) src(%arg15 : memref<112x128xf32, #tpu.memory_space<vmem>>) dst(%dma_wait3A_69 : memref<112x128xf32, #tpu.memory_space<hbm>>)
    return
  }
}

#map = affine_map<(d0, d1) -> (0, 0)>
#map1 = affine_map<(d0, d1) -> (0)>
module attributes {stable_mosaic.version = 14 : i64} {
  func.func @body(%arg0: i32, %arg1: i32, %arg2: memref<200704x128xf32, #tpu.memory_space<hbm>>, %arg3: memref<319488xi32, #tpu.memory_space<hbm>>, %arg4: memref<319488x128xf32, #tpu.memory_space<hbm>>, %arg5: memref<104xi32, #tpu.memory_space<vmem>>, %arg6: memref<104xi32, #tpu.memory_space<vmem>>, %arg7: memref<104x128xf32, #tpu.memory_space<vmem>>, %arg8: memref<104x128xf32, #tpu.memory_space<vmem>>, %arg9: memref<!tpu.dma_semaphore, #tpu.memory_space<semaphore_mem>>, %arg10: memref<!tpu.dma_semaphore, #tpu.memory_space<semaphore_mem>>, %arg11: memref<104xi32, #tpu.memory_space<vmem>>, %arg12: memref<104xi32, #tpu.memory_space<vmem>>, %arg13: memref<104x128xf32, #tpu.memory_space<vmem>>, %arg14: memref<104x128xf32, #tpu.memory_space<vmem>>, %arg15: memref<!tpu.dma_semaphore, #tpu.memory_space<semaphore_mem>>, %arg16: memref<!tpu.dma_semaphore, #tpu.memory_space<semaphore_mem>>) attributes {dimension_semantics = [#tpu.dimension_semantics<core_parallel>, #tpu.dimension_semantics<subcore_parallel>], iteration_bounds = array<i64: 2, 16>, scalar_prefetch = 0 : i64, scratch_operands = 12 : i64, tpu.core_type = #tpu.core_type<sc_vector_subcore>, window_params = [{transform_indices = #map}, {transform_indices = #map1}, {transform_indices = #map}]} {
    %mul3A = arith.constant 2 : i32
    %mul3A_0 = arith.muli %arg1, %mul3A : i32
    %add3A = arith.addi %mul3A_0, %arg0 : i32
    %mul3A_1 = arith.constant 9984 : i32
    %mul3A_2 = arith.muli %add3A, %mul3A_1 : i32
    %add3A_3 = arith.constant 0 : i32
    %add3A_4 = arith.addi %mul3A_2, %add3A_3 : i32
    "tpu.region"() ({
      %run_scoped3A = tpu.sem_alloc : memref<!tpu.dma_semaphore, #tpu.memory_space<semaphore_mem>>
      %dma_start3A_86 = tpu.memref_slice %arg3[%add3A_4] : memref<319488xi32, #tpu.memory_space<hbm>> -> memref<104xi32, #tpu.memory_space<hbm>>
      %dma_start3A_87 = tpu.memref_slice %arg3[%add3A_4] : memref<319488xi32, #tpu.memory_space<hbm>> -> memref<104xi32, #tpu.memory_space<hbm>>
      tpu.enqueue_dma source(%dma_start3A_87 : memref<104xi32, #tpu.memory_space<hbm>>) target(%arg5 : memref<104xi32, #tpu.memory_space<vmem>>) target_semaphore(%run_scoped3A : memref<!tpu.dma_semaphore, #tpu.memory_space<semaphore_mem>>)
      %dma_wait3A_88 = tpu.memref_slice %arg3[%add3A_4] : memref<319488xi32, #tpu.memory_space<hbm>> -> memref<104xi32, #tpu.memory_space<hbm>>
      %dma_wait3A_89 = tpu.memref_slice %arg3[%add3A_4] : memref<319488xi32, #tpu.memory_space<hbm>> -> memref<104xi32, #tpu.memory_space<hbm>>
      tpu.wait_dma2 semaphore(%run_scoped3A : memref<!tpu.dma_semaphore, #tpu.memory_space<semaphore_mem>>) src(%dma_wait3A_89 : memref<104xi32, #tpu.memory_space<hbm>>) dst(%arg5 : memref<104xi32, #tpu.memory_space<vmem>>)
      tpu.yield
    }) : () -> ()
    %add3A_5 = arith.constant 104 : i32
    %add3A_6 = arith.addi %add3A_4, %add3A_5 : i32
    "tpu.region"() ({
      %run_scoped3A = tpu.sem_alloc : memref<!tpu.dma_semaphore, #tpu.memory_space<semaphore_mem>>
      %dma_start3A_86 = tpu.memref_slice %arg3[%add3A_6] : memref<319488xi32, #tpu.memory_space<hbm>> -> memref<104xi32, #tpu.memory_space<hbm>>
      %dma_start3A_87 = tpu.memref_slice %arg3[%add3A_6] : memref<319488xi32, #tpu.memory_space<hbm>> -> memref<104xi32, #tpu.memory_space<hbm>>
      tpu.enqueue_dma source(%dma_start3A_87 : memref<104xi32, #tpu.memory_space<hbm>>) target(%arg6 : memref<104xi32, #tpu.memory_space<vmem>>) target_semaphore(%run_scoped3A : memref<!tpu.dma_semaphore, #tpu.memory_space<semaphore_mem>>)
      %dma_wait3A_88 = tpu.memref_slice %arg3[%add3A_6] : memref<319488xi32, #tpu.memory_space<hbm>> -> memref<104xi32, #tpu.memory_space<hbm>>
      %dma_wait3A_89 = tpu.memref_slice %arg3[%add3A_6] : memref<319488xi32, #tpu.memory_space<hbm>> -> memref<104xi32, #tpu.memory_space<hbm>>
      tpu.wait_dma2 semaphore(%run_scoped3A : memref<!tpu.dma_semaphore, #tpu.memory_space<semaphore_mem>>) src(%dma_wait3A_89 : memref<104xi32, #tpu.memory_space<hbm>>) dst(%arg6 : memref<104xi32, #tpu.memory_space<vmem>>)
      tpu.yield
    }) : () -> ()
    %dma_start3A = arith.constant 0 : i32
    %dma_start3A_7 = arith.constant 0 : i32
    %dma_start3A_8 = tpu.memref_slice %arg2[%dma_start3A, %dma_start3A_7] : memref<200704x128xf32, #tpu.memory_space<hbm>> -> memref<200704x128xf32, #tpu.memory_space<hbm>>
    tpu.enqueue_indirect_dma source(%dma_start3A_8 : memref<200704x128xf32, #tpu.memory_space<hbm>>) target(%arg7 : memref<104x128xf32, #tpu.memory_space<vmem>>) offsets(%arg5 : memref<104xi32, #tpu.memory_space<vmem>>) semaphore(%arg9 : memref<!tpu.dma_semaphore, #tpu.memory_space<semaphore_mem>>)
    %dma_start3A_9 = arith.constant 0 : i32
    %dma_start3A_10 = arith.constant 0 : i32
    %dma_start3A_11 = tpu.memref_slice %arg2[%dma_start3A_9, %dma_start3A_10] : memref<200704x128xf32, #tpu.memory_space<hbm>> -> memref<200704x128xf32, #tpu.memory_space<hbm>>
    tpu.enqueue_indirect_dma source(%dma_start3A_11 : memref<200704x128xf32, #tpu.memory_space<hbm>>) target(%arg8 : memref<104x128xf32, #tpu.memory_space<vmem>>) offsets(%arg6 : memref<104xi32, #tpu.memory_space<vmem>>) semaphore(%arg9 : memref<!tpu.dma_semaphore, #tpu.memory_space<semaphore_mem>>)
    %add3A_12 = arith.constant 208 : i32
    %add3A_13 = arith.addi %mul3A_2, %add3A_12 : i32
    "tpu.region"() ({
      %run_scoped3A = tpu.sem_alloc : memref<!tpu.dma_semaphore, #tpu.memory_space<semaphore_mem>>
      %dma_start3A_86 = tpu.memref_slice %arg3[%add3A_13] : memref<319488xi32, #tpu.memory_space<hbm>> -> memref<104xi32, #tpu.memory_space<hbm>>
      %dma_start3A_87 = tpu.memref_slice %arg3[%add3A_13] : memref<319488xi32, #tpu.memory_space<hbm>> -> memref<104xi32, #tpu.memory_space<hbm>>
      tpu.enqueue_dma source(%dma_start3A_87 : memref<104xi32, #tpu.memory_space<hbm>>) target(%arg11 : memref<104xi32, #tpu.memory_space<vmem>>) target_semaphore(%run_scoped3A : memref<!tpu.dma_semaphore, #tpu.memory_space<semaphore_mem>>)
      %dma_wait3A_88 = tpu.memref_slice %arg3[%add3A_13] : memref<319488xi32, #tpu.memory_space<hbm>> -> memref<104xi32, #tpu.memory_space<hbm>>
      %dma_wait3A_89 = tpu.memref_slice %arg3[%add3A_13] : memref<319488xi32, #tpu.memory_space<hbm>> -> memref<104xi32, #tpu.memory_space<hbm>>
      tpu.wait_dma2 semaphore(%run_scoped3A : memref<!tpu.dma_semaphore, #tpu.memory_space<semaphore_mem>>) src(%dma_wait3A_89 : memref<104xi32, #tpu.memory_space<hbm>>) dst(%arg11 : memref<104xi32, #tpu.memory_space<vmem>>)
      tpu.yield
    }) : () -> ()
    %add3A_14 = arith.constant 104 : i32
    %add3A_15 = arith.addi %add3A_13, %add3A_14 : i32
    "tpu.region"() ({
      %run_scoped3A = tpu.sem_alloc : memref<!tpu.dma_semaphore, #tpu.memory_space<semaphore_mem>>
      %dma_start3A_86 = tpu.memref_slice %arg3[%add3A_15] : memref<319488xi32, #tpu.memory_space<hbm>> -> memref<104xi32, #tpu.memory_space<hbm>>
      %dma_start3A_87 = tpu.memref_slice %arg3[%add3A_15] : memref<319488xi32, #tpu.memory_space<hbm>> -> memref<104xi32, #tpu.memory_space<hbm>>
      tpu.enqueue_dma source(%dma_start3A_87 : memref<104xi32, #tpu.memory_space<hbm>>) target(%arg12 : memref<104xi32, #tpu.memory_space<vmem>>) target_semaphore(%run_scoped3A : memref<!tpu.dma_semaphore, #tpu.memory_space<semaphore_mem>>)
      %dma_wait3A_88 = tpu.memref_slice %arg3[%add3A_15] : memref<319488xi32, #tpu.memory_space<hbm>> -> memref<104xi32, #tpu.memory_space<hbm>>
      %dma_wait3A_89 = tpu.memref_slice %arg3[%add3A_15] : memref<319488xi32, #tpu.memory_space<hbm>> -> memref<104xi32, #tpu.memory_space<hbm>>
      tpu.wait_dma2 semaphore(%run_scoped3A : memref<!tpu.dma_semaphore, #tpu.memory_space<semaphore_mem>>) src(%dma_wait3A_89 : memref<104xi32, #tpu.memory_space<hbm>>) dst(%arg12 : memref<104xi32, #tpu.memory_space<vmem>>)
      tpu.yield
    }) : () -> ()
    %dma_start3A_16 = arith.constant 0 : i32
    %dma_start3A_17 = arith.constant 0 : i32
    %dma_start3A_18 = tpu.memref_slice %arg2[%dma_start3A_16, %dma_start3A_17] : memref<200704x128xf32, #tpu.memory_space<hbm>> -> memref<200704x128xf32, #tpu.memory_space<hbm>>
    tpu.enqueue_indirect_dma source(%dma_start3A_18 : memref<200704x128xf32, #tpu.memory_space<hbm>>) target(%arg13 : memref<104x128xf32, #tpu.memory_space<vmem>>) offsets(%arg11 : memref<104xi32, #tpu.memory_space<vmem>>) semaphore(%arg15 : memref<!tpu.dma_semaphore, #tpu.memory_space<semaphore_mem>>)
    %dma_start3A_19 = arith.constant 0 : i32
    %dma_start3A_20 = arith.constant 0 : i32
    %dma_start3A_21 = tpu.memref_slice %arg2[%dma_start3A_19, %dma_start3A_20] : memref<200704x128xf32, #tpu.memory_space<hbm>> -> memref<200704x128xf32, #tpu.memory_space<hbm>>
    tpu.enqueue_indirect_dma source(%dma_start3A_21 : memref<200704x128xf32, #tpu.memory_space<hbm>>) target(%arg14 : memref<104x128xf32, #tpu.memory_space<vmem>>) offsets(%arg12 : memref<104xi32, #tpu.memory_space<vmem>>) semaphore(%arg15 : memref<!tpu.dma_semaphore, #tpu.memory_space<semaphore_mem>>)
    %scan3A = arith.constant 0 : i32
    %scan3A_22 = arith.constant 0 : i32
    %scan3A_23 = arith.constant 23 : i32
    %scan3A_24 = arith.addi %scan3A_22, %scan3A_23 : i32
    %scan3A_25 = arith.constant 1 : i32
    scf.for %scan3A_86 = %scan3A_22 to %scan3A_24 step %scan3A_25  : i32 {
      %mul3A_87 = arith.constant 2 : i32
      %mul3A_88 = arith.muli %scan3A_86, %mul3A_87 : i32
      %add3A_89 = arith.constant 0 : i32
      %add3A_90 = arith.addi %mul3A_88, %add3A_89 : i32
      %dma_wait3A_91 = arith.constant 0 : i32
      %dma_wait3A_92 = arith.constant 0 : i32
      %dma_wait3A_93 = tpu.memref_slice %arg2[%dma_wait3A_91, %dma_wait3A_92] : memref<200704x128xf32, #tpu.memory_space<hbm>> -> memref<200704x128xf32, #tpu.memory_space<hbm>>
      tpu.wait_indirect_dma semaphore(%arg9 : memref<!tpu.dma_semaphore, #tpu.memory_space<semaphore_mem>>) src(%dma_wait3A_93 : memref<200704x128xf32, #tpu.memory_space<hbm>>) dst(%arg7 : memref<104x128xf32, #tpu.memory_space<vmem>>)
      %dma_wait3A_94 = arith.constant 0 : i32
      %dma_wait3A_95 = arith.constant 0 : i32
      %dma_wait3A_96 = tpu.memref_slice %arg2[%dma_wait3A_94, %dma_wait3A_95] : memref<200704x128xf32, #tpu.memory_space<hbm>> -> memref<200704x128xf32, #tpu.memory_space<hbm>>
      tpu.wait_indirect_dma semaphore(%arg9 : memref<!tpu.dma_semaphore, #tpu.memory_space<semaphore_mem>>) src(%dma_wait3A_96 : memref<200704x128xf32, #tpu.memory_space<hbm>>) dst(%arg8 : memref<104x128xf32, #tpu.memory_space<vmem>>)
      %mul3A_97 = arith.constant 208 : i32
      %mul3A_98 = arith.muli %add3A_90, %mul3A_97 : i32
      %add3A_99 = arith.addi %mul3A_2, %mul3A_98 : i32
      %add3A_100 = arith.constant 104 : i32
      %add3A_101 = arith.addi %add3A_99, %add3A_100 : i32
      %dma_start3A_102 = arith.constant 0 : i32
      %dma_start3A_103 = tpu.memref_slice %arg4[%add3A_99, %dma_start3A_102] : memref<319488x128xf32, #tpu.memory_space<hbm>> -> memref<104x128xf32, #tpu.memory_space<hbm>>
      %dma_start3A_104 = arith.constant 0 : i32
      %dma_start3A_105 = tpu.memref_slice %arg4[%add3A_99, %dma_start3A_104] : memref<319488x128xf32, #tpu.memory_space<hbm>> -> memref<104x128xf32, #tpu.memory_space<hbm>>
      tpu.enqueue_dma source(%arg7 : memref<104x128xf32, #tpu.memory_space<vmem>>) target(%dma_start3A_105 : memref<104x128xf32, #tpu.memory_space<hbm>>) target_semaphore(%arg10 : memref<!tpu.dma_semaphore, #tpu.memory_space<semaphore_mem>>)
      %dma_start3A_106 = arith.constant 0 : i32
      %dma_start3A_107 = tpu.memref_slice %arg4[%add3A_101, %dma_start3A_106] : memref<319488x128xf32, #tpu.memory_space<hbm>> -> memref<104x128xf32, #tpu.memory_space<hbm>>
      %dma_start3A_108 = arith.constant 0 : i32
      %dma_start3A_109 = tpu.memref_slice %arg4[%add3A_101, %dma_start3A_108] : memref<319488x128xf32, #tpu.memory_space<hbm>> -> memref<104x128xf32, #tpu.memory_space<hbm>>
      tpu.enqueue_dma source(%arg8 : memref<104x128xf32, #tpu.memory_space<vmem>>) target(%dma_start3A_109 : memref<104x128xf32, #tpu.memory_space<hbm>>) target_semaphore(%arg10 : memref<!tpu.dma_semaphore, #tpu.memory_space<semaphore_mem>>)
      %mul3A_110 = arith.constant 208 : i32
      %mul3A_111 = arith.muli %add3A_90, %mul3A_110 : i32
      %add3A_112 = arith.addi %mul3A_2, %mul3A_111 : i32
      %add3A_113 = arith.constant 104 : i32
      %add3A_114 = arith.addi %add3A_112, %add3A_113 : i32
      %dma_wait3A_115 = arith.constant 0 : i32
      %dma_wait3A_116 = tpu.memref_slice %arg4[%add3A_112, %dma_wait3A_115] : memref<319488x128xf32, #tpu.memory_space<hbm>> -> memref<104x128xf32, #tpu.memory_space<hbm>>
      %dma_wait3A_117 = arith.constant 0 : i32
      %dma_wait3A_118 = tpu.memref_slice %arg4[%add3A_112, %dma_wait3A_117] : memref<319488x128xf32, #tpu.memory_space<hbm>> -> memref<104x128xf32, #tpu.memory_space<hbm>>
      tpu.wait_dma2 semaphore(%arg10 : memref<!tpu.dma_semaphore, #tpu.memory_space<semaphore_mem>>) src(%arg7 : memref<104x128xf32, #tpu.memory_space<vmem>>) dst(%dma_wait3A_118 : memref<104x128xf32, #tpu.memory_space<hbm>>)
      %dma_wait3A_119 = arith.constant 0 : i32
      %dma_wait3A_120 = tpu.memref_slice %arg4[%add3A_114, %dma_wait3A_119] : memref<319488x128xf32, #tpu.memory_space<hbm>> -> memref<104x128xf32, #tpu.memory_space<hbm>>
      %dma_wait3A_121 = arith.constant 0 : i32
      %dma_wait3A_122 = tpu.memref_slice %arg4[%add3A_114, %dma_wait3A_121] : memref<319488x128xf32, #tpu.memory_space<hbm>> -> memref<104x128xf32, #tpu.memory_space<hbm>>
      tpu.wait_dma2 semaphore(%arg10 : memref<!tpu.dma_semaphore, #tpu.memory_space<semaphore_mem>>) src(%arg8 : memref<104x128xf32, #tpu.memory_space<vmem>>) dst(%dma_wait3A_122 : memref<104x128xf32, #tpu.memory_space<hbm>>)
      %add3A_123 = arith.constant 2 : i32
      %add3A_124 = arith.addi %add3A_90, %add3A_123 : i32
      %mul3A_125 = arith.constant 208 : i32
      %mul3A_126 = arith.muli %add3A_124, %mul3A_125 : i32
      %add3A_127 = arith.addi %mul3A_2, %mul3A_126 : i32
      "tpu.region"() ({
        %run_scoped3A = tpu.sem_alloc : memref<!tpu.dma_semaphore, #tpu.memory_space<semaphore_mem>>
        %dma_start3A_185 = tpu.memref_slice %arg3[%add3A_127] : memref<319488xi32, #tpu.memory_space<hbm>> -> memref<104xi32, #tpu.memory_space<hbm>>
        %dma_start3A_186 = tpu.memref_slice %arg3[%add3A_127] : memref<319488xi32, #tpu.memory_space<hbm>> -> memref<104xi32, #tpu.memory_space<hbm>>
        tpu.enqueue_dma source(%dma_start3A_186 : memref<104xi32, #tpu.memory_space<hbm>>) target(%arg5 : memref<104xi32, #tpu.memory_space<vmem>>) target_semaphore(%run_scoped3A : memref<!tpu.dma_semaphore, #tpu.memory_space<semaphore_mem>>)
        %dma_wait3A_187 = tpu.memref_slice %arg3[%add3A_127] : memref<319488xi32, #tpu.memory_space<hbm>> -> memref<104xi32, #tpu.memory_space<hbm>>
        %dma_wait3A_188 = tpu.memref_slice %arg3[%add3A_127] : memref<319488xi32, #tpu.memory_space<hbm>> -> memref<104xi32, #tpu.memory_space<hbm>>
        tpu.wait_dma2 semaphore(%run_scoped3A : memref<!tpu.dma_semaphore, #tpu.memory_space<semaphore_mem>>) src(%dma_wait3A_188 : memref<104xi32, #tpu.memory_space<hbm>>) dst(%arg5 : memref<104xi32, #tpu.memory_space<vmem>>)
        tpu.yield
      }) : () -> ()
      %add3A_128 = arith.constant 104 : i32
      %add3A_129 = arith.addi %add3A_127, %add3A_128 : i32
      "tpu.region"() ({
        %run_scoped3A = tpu.sem_alloc : memref<!tpu.dma_semaphore, #tpu.memory_space<semaphore_mem>>
        %dma_start3A_185 = tpu.memref_slice %arg3[%add3A_129] : memref<319488xi32, #tpu.memory_space<hbm>> -> memref<104xi32, #tpu.memory_space<hbm>>
        %dma_start3A_186 = tpu.memref_slice %arg3[%add3A_129] : memref<319488xi32, #tpu.memory_space<hbm>> -> memref<104xi32, #tpu.memory_space<hbm>>
        tpu.enqueue_dma source(%dma_start3A_186 : memref<104xi32, #tpu.memory_space<hbm>>) target(%arg6 : memref<104xi32, #tpu.memory_space<vmem>>) target_semaphore(%run_scoped3A : memref<!tpu.dma_semaphore, #tpu.memory_space<semaphore_mem>>)
        %dma_wait3A_187 = tpu.memref_slice %arg3[%add3A_129] : memref<319488xi32, #tpu.memory_space<hbm>> -> memref<104xi32, #tpu.memory_space<hbm>>
        %dma_wait3A_188 = tpu.memref_slice %arg3[%add3A_129] : memref<319488xi32, #tpu.memory_space<hbm>> -> memref<104xi32, #tpu.memory_space<hbm>>
        tpu.wait_dma2 semaphore(%run_scoped3A : memref<!tpu.dma_semaphore, #tpu.memory_space<semaphore_mem>>) src(%dma_wait3A_188 : memref<104xi32, #tpu.memory_space<hbm>>) dst(%arg6 : memref<104xi32, #tpu.memory_space<vmem>>)
        tpu.yield
      }) : () -> ()
      %dma_start3A_130 = arith.constant 0 : i32
      %dma_start3A_131 = arith.constant 0 : i32
      %dma_start3A_132 = tpu.memref_slice %arg2[%dma_start3A_130, %dma_start3A_131] : memref<200704x128xf32, #tpu.memory_space<hbm>> -> memref<200704x128xf32, #tpu.memory_space<hbm>>
      tpu.enqueue_indirect_dma source(%dma_start3A_132 : memref<200704x128xf32, #tpu.memory_space<hbm>>) target(%arg7 : memref<104x128xf32, #tpu.memory_space<vmem>>) offsets(%arg5 : memref<104xi32, #tpu.memory_space<vmem>>) semaphore(%arg9 : memref<!tpu.dma_semaphore, #tpu.memory_space<semaphore_mem>>)
      %dma_start3A_133 = arith.constant 0 : i32
      %dma_start3A_134 = arith.constant 0 : i32
      %dma_start3A_135 = tpu.memref_slice %arg2[%dma_start3A_133, %dma_start3A_134] : memref<200704x128xf32, #tpu.memory_space<hbm>> -> memref<200704x128xf32, #tpu.memory_space<hbm>>
      tpu.enqueue_indirect_dma source(%dma_start3A_135 : memref<200704x128xf32, #tpu.memory_space<hbm>>) target(%arg8 : memref<104x128xf32, #tpu.memory_space<vmem>>) offsets(%arg6 : memref<104xi32, #tpu.memory_space<vmem>>) semaphore(%arg9 : memref<!tpu.dma_semaphore, #tpu.memory_space<semaphore_mem>>)
      %mul3A_136 = arith.constant 2 : i32
      %mul3A_137 = arith.muli %scan3A_86, %mul3A_136 : i32
      %add3A_138 = arith.constant 1 : i32
      %add3A_139 = arith.addi %mul3A_137, %add3A_138 : i32
      %dma_wait3A_140 = arith.constant 0 : i32
      %dma_wait3A_141 = arith.constant 0 : i32
      %dma_wait3A_142 = tpu.memref_slice %arg2[%dma_wait3A_140, %dma_wait3A_141] : memref<200704x128xf32, #tpu.memory_space<hbm>> -> memref<200704x128xf32, #tpu.memory_space<hbm>>
      tpu.wait_indirect_dma semaphore(%arg15 : memref<!tpu.dma_semaphore, #tpu.memory_space<semaphore_mem>>) src(%dma_wait3A_142 : memref<200704x128xf32, #tpu.memory_space<hbm>>) dst(%arg13 : memref<104x128xf32, #tpu.memory_space<vmem>>)
      %dma_wait3A_143 = arith.constant 0 : i32
      %dma_wait3A_144 = arith.constant 0 : i32
      %dma_wait3A_145 = tpu.memref_slice %arg2[%dma_wait3A_143, %dma_wait3A_144] : memref<200704x128xf32, #tpu.memory_space<hbm>> -> memref<200704x128xf32, #tpu.memory_space<hbm>>
      tpu.wait_indirect_dma semaphore(%arg15 : memref<!tpu.dma_semaphore, #tpu.memory_space<semaphore_mem>>) src(%dma_wait3A_145 : memref<200704x128xf32, #tpu.memory_space<hbm>>) dst(%arg14 : memref<104x128xf32, #tpu.memory_space<vmem>>)
      %mul3A_146 = arith.constant 208 : i32
      %mul3A_147 = arith.muli %add3A_139, %mul3A_146 : i32
      %add3A_148 = arith.addi %mul3A_2, %mul3A_147 : i32
      %add3A_149 = arith.constant 104 : i32
      %add3A_150 = arith.addi %add3A_148, %add3A_149 : i32
      %dma_start3A_151 = arith.constant 0 : i32
      %dma_start3A_152 = tpu.memref_slice %arg4[%add3A_148, %dma_start3A_151] : memref<319488x128xf32, #tpu.memory_space<hbm>> -> memref<104x128xf32, #tpu.memory_space<hbm>>
      %dma_start3A_153 = arith.constant 0 : i32
      %dma_start3A_154 = tpu.memref_slice %arg4[%add3A_148, %dma_start3A_153] : memref<319488x128xf32, #tpu.memory_space<hbm>> -> memref<104x128xf32, #tpu.memory_space<hbm>>
      tpu.enqueue_dma source(%arg13 : memref<104x128xf32, #tpu.memory_space<vmem>>) target(%dma_start3A_154 : memref<104x128xf32, #tpu.memory_space<hbm>>) target_semaphore(%arg16 : memref<!tpu.dma_semaphore, #tpu.memory_space<semaphore_mem>>)
      %dma_start3A_155 = arith.constant 0 : i32
      %dma_start3A_156 = tpu.memref_slice %arg4[%add3A_150, %dma_start3A_155] : memref<319488x128xf32, #tpu.memory_space<hbm>> -> memref<104x128xf32, #tpu.memory_space<hbm>>
      %dma_start3A_157 = arith.constant 0 : i32
      %dma_start3A_158 = tpu.memref_slice %arg4[%add3A_150, %dma_start3A_157] : memref<319488x128xf32, #tpu.memory_space<hbm>> -> memref<104x128xf32, #tpu.memory_space<hbm>>
      tpu.enqueue_dma source(%arg14 : memref<104x128xf32, #tpu.memory_space<vmem>>) target(%dma_start3A_158 : memref<104x128xf32, #tpu.memory_space<hbm>>) target_semaphore(%arg16 : memref<!tpu.dma_semaphore, #tpu.memory_space<semaphore_mem>>)
      %mul3A_159 = arith.constant 208 : i32
      %mul3A_160 = arith.muli %add3A_139, %mul3A_159 : i32
      %add3A_161 = arith.addi %mul3A_2, %mul3A_160 : i32
      %add3A_162 = arith.constant 104 : i32
      %add3A_163 = arith.addi %add3A_161, %add3A_162 : i32
      %dma_wait3A_164 = arith.constant 0 : i32
      %dma_wait3A_165 = tpu.memref_slice %arg4[%add3A_161, %dma_wait3A_164] : memref<319488x128xf32, #tpu.memory_space<hbm>> -> memref<104x128xf32, #tpu.memory_space<hbm>>
      %dma_wait3A_166 = arith.constant 0 : i32
      %dma_wait3A_167 = tpu.memref_slice %arg4[%add3A_161, %dma_wait3A_166] : memref<319488x128xf32, #tpu.memory_space<hbm>> -> memref<104x128xf32, #tpu.memory_space<hbm>>
      tpu.wait_dma2 semaphore(%arg16 : memref<!tpu.dma_semaphore, #tpu.memory_space<semaphore_mem>>) src(%arg13 : memref<104x128xf32, #tpu.memory_space<vmem>>) dst(%dma_wait3A_167 : memref<104x128xf32, #tpu.memory_space<hbm>>)
      %dma_wait3A_168 = arith.constant 0 : i32
      %dma_wait3A_169 = tpu.memref_slice %arg4[%add3A_163, %dma_wait3A_168] : memref<319488x128xf32, #tpu.memory_space<hbm>> -> memref<104x128xf32, #tpu.memory_space<hbm>>
      %dma_wait3A_170 = arith.constant 0 : i32
      %dma_wait3A_171 = tpu.memref_slice %arg4[%add3A_163, %dma_wait3A_170] : memref<319488x128xf32, #tpu.memory_space<hbm>> -> memref<104x128xf32, #tpu.memory_space<hbm>>
      tpu.wait_dma2 semaphore(%arg16 : memref<!tpu.dma_semaphore, #tpu.memory_space<semaphore_mem>>) src(%arg14 : memref<104x128xf32, #tpu.memory_space<vmem>>) dst(%dma_wait3A_171 : memref<104x128xf32, #tpu.memory_space<hbm>>)
      %add3A_172 = arith.constant 2 : i32
      %add3A_173 = arith.addi %add3A_139, %add3A_172 : i32
      %mul3A_174 = arith.constant 208 : i32
      %mul3A_175 = arith.muli %add3A_173, %mul3A_174 : i32
      %add3A_176 = arith.addi %mul3A_2, %mul3A_175 : i32
      "tpu.region"() ({
        %run_scoped3A = tpu.sem_alloc : memref<!tpu.dma_semaphore, #tpu.memory_space<semaphore_mem>>
        %dma_start3A_185 = tpu.memref_slice %arg3[%add3A_176] : memref<319488xi32, #tpu.memory_space<hbm>> -> memref<104xi32, #tpu.memory_space<hbm>>
        %dma_start3A_186 = tpu.memref_slice %arg3[%add3A_176] : memref<319488xi32, #tpu.memory_space<hbm>> -> memref<104xi32, #tpu.memory_space<hbm>>
        tpu.enqueue_dma source(%dma_start3A_186 : memref<104xi32, #tpu.memory_space<hbm>>) target(%arg11 : memref<104xi32, #tpu.memory_space<vmem>>) target_semaphore(%run_scoped3A : memref<!tpu.dma_semaphore, #tpu.memory_space<semaphore_mem>>)
        %dma_wait3A_187 = tpu.memref_slice %arg3[%add3A_176] : memref<319488xi32, #tpu.memory_space<hbm>> -> memref<104xi32, #tpu.memory_space<hbm>>
        %dma_wait3A_188 = tpu.memref_slice %arg3[%add3A_176] : memref<319488xi32, #tpu.memory_space<hbm>> -> memref<104xi32, #tpu.memory_space<hbm>>
        tpu.wait_dma2 semaphore(%run_scoped3A : memref<!tpu.dma_semaphore, #tpu.memory_space<semaphore_mem>>) src(%dma_wait3A_188 : memref<104xi32, #tpu.memory_space<hbm>>) dst(%arg11 : memref<104xi32, #tpu.memory_space<vmem>>)
        tpu.yield
      }) : () -> ()
      %add3A_177 = arith.constant 104 : i32
      %add3A_178 = arith.addi %add3A_176, %add3A_177 : i32
      "tpu.region"() ({
        %run_scoped3A = tpu.sem_alloc : memref<!tpu.dma_semaphore, #tpu.memory_space<semaphore_mem>>
        %dma_start3A_185 = tpu.memref_slice %arg3[%add3A_178] : memref<319488xi32, #tpu.memory_space<hbm>> -> memref<104xi32, #tpu.memory_space<hbm>>
        %dma_start3A_186 = tpu.memref_slice %arg3[%add3A_178] : memref<319488xi32, #tpu.memory_space<hbm>> -> memref<104xi32, #tpu.memory_space<hbm>>
        tpu.enqueue_dma source(%dma_start3A_186 : memref<104xi32, #tpu.memory_space<hbm>>) target(%arg12 : memref<104xi32, #tpu.memory_space<vmem>>) target_semaphore(%run_scoped3A : memref<!tpu.dma_semaphore, #tpu.memory_space<semaphore_mem>>)
        %dma_wait3A_187 = tpu.memref_slice %arg3[%add3A_178] : memref<319488xi32, #tpu.memory_space<hbm>> -> memref<104xi32, #tpu.memory_space<hbm>>
        %dma_wait3A_188 = tpu.memref_slice %arg3[%add3A_178] : memref<319488xi32, #tpu.memory_space<hbm>> -> memref<104xi32, #tpu.memory_space<hbm>>
        tpu.wait_dma2 semaphore(%run_scoped3A : memref<!tpu.dma_semaphore, #tpu.memory_space<semaphore_mem>>) src(%dma_wait3A_188 : memref<104xi32, #tpu.memory_space<hbm>>) dst(%arg12 : memref<104xi32, #tpu.memory_space<vmem>>)
        tpu.yield
      }) : () -> ()
      %dma_start3A_179 = arith.constant 0 : i32
      %dma_start3A_180 = arith.constant 0 : i32
      %dma_start3A_181 = tpu.memref_slice %arg2[%dma_start3A_179, %dma_start3A_180] : memref<200704x128xf32, #tpu.memory_space<hbm>> -> memref<200704x128xf32, #tpu.memory_space<hbm>>
      tpu.enqueue_indirect_dma source(%dma_start3A_181 : memref<200704x128xf32, #tpu.memory_space<hbm>>) target(%arg13 : memref<104x128xf32, #tpu.memory_space<vmem>>) offsets(%arg11 : memref<104xi32, #tpu.memory_space<vmem>>) semaphore(%arg15 : memref<!tpu.dma_semaphore, #tpu.memory_space<semaphore_mem>>)
      %dma_start3A_182 = arith.constant 0 : i32
      %dma_start3A_183 = arith.constant 0 : i32
      %dma_start3A_184 = tpu.memref_slice %arg2[%dma_start3A_182, %dma_start3A_183] : memref<200704x128xf32, #tpu.memory_space<hbm>> -> memref<200704x128xf32, #tpu.memory_space<hbm>>
      tpu.enqueue_indirect_dma source(%dma_start3A_184 : memref<200704x128xf32, #tpu.memory_space<hbm>>) target(%arg14 : memref<104x128xf32, #tpu.memory_space<vmem>>) offsets(%arg12 : memref<104xi32, #tpu.memory_space<vmem>>) semaphore(%arg15 : memref<!tpu.dma_semaphore, #tpu.memory_space<semaphore_mem>>)
    }
    %scan3A_26 = arith.constant 23 : i32
    %dma_wait3A = arith.constant 0 : i32
    %dma_wait3A_27 = arith.constant 0 : i32
    %dma_wait3A_28 = tpu.memref_slice %arg2[%dma_wait3A, %dma_wait3A_27] : memref<200704x128xf32, #tpu.memory_space<hbm>> -> memref<200704x128xf32, #tpu.memory_space<hbm>>
    tpu.wait_indirect_dma semaphore(%arg9 : memref<!tpu.dma_semaphore, #tpu.memory_space<semaphore_mem>>) src(%dma_wait3A_28 : memref<200704x128xf32, #tpu.memory_space<hbm>>) dst(%arg7 : memref<104x128xf32, #tpu.memory_space<vmem>>)
    %dma_wait3A_29 = arith.constant 0 : i32
    %dma_wait3A_30 = arith.constant 0 : i32
    %dma_wait3A_31 = tpu.memref_slice %arg2[%dma_wait3A_29, %dma_wait3A_30] : memref<200704x128xf32, #tpu.memory_space<hbm>> -> memref<200704x128xf32, #tpu.memory_space<hbm>>
    tpu.wait_indirect_dma semaphore(%arg9 : memref<!tpu.dma_semaphore, #tpu.memory_space<semaphore_mem>>) src(%dma_wait3A_31 : memref<200704x128xf32, #tpu.memory_space<hbm>>) dst(%arg8 : memref<104x128xf32, #tpu.memory_space<vmem>>)
    %add3A_32 = arith.constant 9568 : i32
    %add3A_33 = arith.addi %mul3A_2, %add3A_32 : i32
    %add3A_34 = arith.constant 104 : i32
    %add3A_35 = arith.addi %add3A_33, %add3A_34 : i32
    %dma_start3A_36 = arith.constant 0 : i32
    %dma_start3A_37 = tpu.memref_slice %arg4[%add3A_33, %dma_start3A_36] : memref<319488x128xf32, #tpu.memory_space<hbm>> -> memref<104x128xf32, #tpu.memory_space<hbm>>
    %dma_start3A_38 = arith.constant 0 : i32
    %dma_start3A_39 = tpu.memref_slice %arg4[%add3A_33, %dma_start3A_38] : memref<319488x128xf32, #tpu.memory_space<hbm>> -> memref<104x128xf32, #tpu.memory_space<hbm>>
    tpu.enqueue_dma source(%arg7 : memref<104x128xf32, #tpu.memory_space<vmem>>) target(%dma_start3A_39 : memref<104x128xf32, #tpu.memory_space<hbm>>) target_semaphore(%arg10 : memref<!tpu.dma_semaphore, #tpu.memory_space<semaphore_mem>>)
    %dma_start3A_40 = arith.constant 0 : i32
    %dma_start3A_41 = tpu.memref_slice %arg4[%add3A_35, %dma_start3A_40] : memref<319488x128xf32, #tpu.memory_space<hbm>> -> memref<104x128xf32, #tpu.memory_space<hbm>>
    %dma_start3A_42 = arith.constant 0 : i32
    %dma_start3A_43 = tpu.memref_slice %arg4[%add3A_35, %dma_start3A_42] : memref<319488x128xf32, #tpu.memory_space<hbm>> -> memref<104x128xf32, #tpu.memory_space<hbm>>
    tpu.enqueue_dma source(%arg8 : memref<104x128xf32, #tpu.memory_space<vmem>>) target(%dma_start3A_43 : memref<104x128xf32, #tpu.memory_space<hbm>>) target_semaphore(%arg10 : memref<!tpu.dma_semaphore, #tpu.memory_space<semaphore_mem>>)
    %add3A_44 = arith.constant 9568 : i32
    %add3A_45 = arith.addi %mul3A_2, %add3A_44 : i32
    %add3A_46 = arith.constant 104 : i32
    %add3A_47 = arith.addi %add3A_45, %add3A_46 : i32
    %dma_wait3A_48 = arith.constant 0 : i32
    %dma_wait3A_49 = tpu.memref_slice %arg4[%add3A_45, %dma_wait3A_48] : memref<319488x128xf32, #tpu.memory_space<hbm>> -> memref<104x128xf32, #tpu.memory_space<hbm>>
    %dma_wait3A_50 = arith.constant 0 : i32
    %dma_wait3A_51 = tpu.memref_slice %arg4[%add3A_45, %dma_wait3A_50] : memref<319488x128xf32, #tpu.memory_space<hbm>> -> memref<104x128xf32, #tpu.memory_space<hbm>>
    tpu.wait_dma2 semaphore(%arg10 : memref<!tpu.dma_semaphore, #tpu.memory_space<semaphore_mem>>) src(%arg7 : memref<104x128xf32, #tpu.memory_space<vmem>>) dst(%dma_wait3A_51 : memref<104x128xf32, #tpu.memory_space<hbm>>)
    %dma_wait3A_52 = arith.constant 0 : i32
    %dma_wait3A_53 = tpu.memref_slice %arg4[%add3A_47, %dma_wait3A_52] : memref<319488x128xf32, #tpu.memory_space<hbm>> -> memref<104x128xf32, #tpu.memory_space<hbm>>
    %dma_wait3A_54 = arith.constant 0 : i32
    %dma_wait3A_55 = tpu.memref_slice %arg4[%add3A_47, %dma_wait3A_54] : memref<319488x128xf32, #tpu.memory_space<hbm>> -> memref<104x128xf32, #tpu.memory_space<hbm>>
    tpu.wait_dma2 semaphore(%arg10 : memref<!tpu.dma_semaphore, #tpu.memory_space<semaphore_mem>>) src(%arg8 : memref<104x128xf32, #tpu.memory_space<vmem>>) dst(%dma_wait3A_55 : memref<104x128xf32, #tpu.memory_space<hbm>>)
    %dma_wait3A_56 = arith.constant 0 : i32
    %dma_wait3A_57 = arith.constant 0 : i32
    %dma_wait3A_58 = tpu.memref_slice %arg2[%dma_wait3A_56, %dma_wait3A_57] : memref<200704x128xf32, #tpu.memory_space<hbm>> -> memref<200704x128xf32, #tpu.memory_space<hbm>>
    tpu.wait_indirect_dma semaphore(%arg15 : memref<!tpu.dma_semaphore, #tpu.memory_space<semaphore_mem>>) src(%dma_wait3A_58 : memref<200704x128xf32, #tpu.memory_space<hbm>>) dst(%arg13 : memref<104x128xf32, #tpu.memory_space<vmem>>)
    %dma_wait3A_59 = arith.constant 0 : i32
    %dma_wait3A_60 = arith.constant 0 : i32
    %dma_wait3A_61 = tpu.memref_slice %arg2[%dma_wait3A_59, %dma_wait3A_60] : memref<200704x128xf32, #tpu.memory_space<hbm>> -> memref<200704x128xf32, #tpu.memory_space<hbm>>
    tpu.wait_indirect_dma semaphore(%arg15 : memref<!tpu.dma_semaphore, #tpu.memory_space<semaphore_mem>>) src(%dma_wait3A_61 : memref<200704x128xf32, #tpu.memory_space<hbm>>) dst(%arg14 : memref<104x128xf32, #tpu.memory_space<vmem>>)
    %add3A_62 = arith.constant 9776 : i32
    %add3A_63 = arith.addi %mul3A_2, %add3A_62 : i32
    %add3A_64 = arith.constant 104 : i32
    %add3A_65 = arith.addi %add3A_63, %add3A_64 : i32
    %dma_start3A_66 = arith.constant 0 : i32
    %dma_start3A_67 = tpu.memref_slice %arg4[%add3A_63, %dma_start3A_66] : memref<319488x128xf32, #tpu.memory_space<hbm>> -> memref<104x128xf32, #tpu.memory_space<hbm>>
    %dma_start3A_68 = arith.constant 0 : i32
    %dma_start3A_69 = tpu.memref_slice %arg4[%add3A_63, %dma_start3A_68] : memref<319488x128xf32, #tpu.memory_space<hbm>> -> memref<104x128xf32, #tpu.memory_space<hbm>>
    tpu.enqueue_dma source(%arg13 : memref<104x128xf32, #tpu.memory_space<vmem>>) target(%dma_start3A_69 : memref<104x128xf32, #tpu.memory_space<hbm>>) target_semaphore(%arg16 : memref<!tpu.dma_semaphore, #tpu.memory_space<semaphore_mem>>)
    %dma_start3A_70 = arith.constant 0 : i32
    %dma_start3A_71 = tpu.memref_slice %arg4[%add3A_65, %dma_start3A_70] : memref<319488x128xf32, #tpu.memory_space<hbm>> -> memref<104x128xf32, #tpu.memory_space<hbm>>
    %dma_start3A_72 = arith.constant 0 : i32
    %dma_start3A_73 = tpu.memref_slice %arg4[%add3A_65, %dma_start3A_72] : memref<319488x128xf32, #tpu.memory_space<hbm>> -> memref<104x128xf32, #tpu.memory_space<hbm>>
    tpu.enqueue_dma source(%arg14 : memref<104x128xf32, #tpu.memory_space<vmem>>) target(%dma_start3A_73 : memref<104x128xf32, #tpu.memory_space<hbm>>) target_semaphore(%arg16 : memref<!tpu.dma_semaphore, #tpu.memory_space<semaphore_mem>>)
    %add3A_74 = arith.constant 9776 : i32
    %add3A_75 = arith.addi %mul3A_2, %add3A_74 : i32
    %add3A_76 = arith.constant 104 : i32
    %add3A_77 = arith.addi %add3A_75, %add3A_76 : i32
    %dma_wait3A_78 = arith.constant 0 : i32
    %dma_wait3A_79 = tpu.memref_slice %arg4[%add3A_75, %dma_wait3A_78] : memref<319488x128xf32, #tpu.memory_space<hbm>> -> memref<104x128xf32, #tpu.memory_space<hbm>>
    %dma_wait3A_80 = arith.constant 0 : i32
    %dma_wait3A_81 = tpu.memref_slice %arg4[%add3A_75, %dma_wait3A_80] : memref<319488x128xf32, #tpu.memory_space<hbm>> -> memref<104x128xf32, #tpu.memory_space<hbm>>
    tpu.wait_dma2 semaphore(%arg16 : memref<!tpu.dma_semaphore, #tpu.memory_space<semaphore_mem>>) src(%arg13 : memref<104x128xf32, #tpu.memory_space<vmem>>) dst(%dma_wait3A_81 : memref<104x128xf32, #tpu.memory_space<hbm>>)
    %dma_wait3A_82 = arith.constant 0 : i32
    %dma_wait3A_83 = tpu.memref_slice %arg4[%add3A_77, %dma_wait3A_82] : memref<319488x128xf32, #tpu.memory_space<hbm>> -> memref<104x128xf32, #tpu.memory_space<hbm>>
    %dma_wait3A_84 = arith.constant 0 : i32
    %dma_wait3A_85 = tpu.memref_slice %arg4[%add3A_77, %dma_wait3A_84] : memref<319488x128xf32, #tpu.memory_space<hbm>> -> memref<104x128xf32, #tpu.memory_space<hbm>>
    tpu.wait_dma2 semaphore(%arg16 : memref<!tpu.dma_semaphore, #tpu.memory_space<semaphore_mem>>) src(%arg14 : memref<104x128xf32, #tpu.memory_space<vmem>>) dst(%dma_wait3A_85 : memref<104x128xf32, #tpu.memory_space<hbm>>)
    return
  }
}

#map = affine_map<(d0, d1) -> (0, 0)>
#map1 = affine_map<(d0, d1) -> (0)>
module attributes {stable_mosaic.version = 14 : i64} {
  func.func @body(%arg0: i32, %arg1: i32, %arg2: memref<53248x128xf32, #tpu.memory_space<hbm>>, %arg3: memref<200704x128xf32, #tpu.memory_space<hbm>>, %arg4: memref<200704xi32, #tpu.memory_space<hbm>>, %arg5: memref<200704xi32, #tpu.memory_space<hbm>>, %arg6: memref<200704x128xf32, #tpu.memory_space<hbm>>, %arg7: memref<112xi32, #tpu.memory_space<vmem>>, %arg8: memref<112xi32, #tpu.memory_space<vmem>>, %arg9: memref<112x128xf32, #tpu.memory_space<vmem>>, %arg10: memref<112x128xf32, #tpu.memory_space<vmem>>, %arg11: memref<!tpu.dma_semaphore, #tpu.memory_space<semaphore_mem>>, %arg12: memref<!tpu.dma_semaphore, #tpu.memory_space<semaphore_mem>>, %arg13: memref<112xi32, #tpu.memory_space<vmem>>, %arg14: memref<112xi32, #tpu.memory_space<vmem>>, %arg15: memref<112x128xf32, #tpu.memory_space<vmem>>, %arg16: memref<112x128xf32, #tpu.memory_space<vmem>>, %arg17: memref<!tpu.dma_semaphore, #tpu.memory_space<semaphore_mem>>, %arg18: memref<!tpu.dma_semaphore, #tpu.memory_space<semaphore_mem>>) attributes {dimension_semantics = [#tpu.dimension_semantics<core_parallel>, #tpu.dimension_semantics<subcore_parallel>], iteration_bounds = array<i64: 2, 16>, scalar_prefetch = 0 : i64, scratch_operands = 12 : i64, tpu.core_type = #tpu.core_type<sc_vector_subcore>, window_params = [{transform_indices = #map}, {transform_indices = #map}, {transform_indices = #map1}, {transform_indices = #map1}, {transform_indices = #map}]} {
    %mul3A = arith.constant 2 : i32
    %mul3A_0 = arith.muli %arg1, %mul3A : i32
    %add3A = arith.addi %mul3A_0, %arg0 : i32
    %mul3A_1 = arith.constant 6272 : i32
    %mul3A_2 = arith.muli %add3A, %mul3A_1 : i32
    %add3A_3 = arith.constant 0 : i32
    %add3A_4 = arith.addi %mul3A_2, %add3A_3 : i32
    "tpu.region"() ({
      %run_scoped3A = tpu.sem_alloc : memref<!tpu.dma_semaphore, #tpu.memory_space<semaphore_mem>>
      %dma_start3A_70 = tpu.memref_slice %arg4[%add3A_4] : memref<200704xi32, #tpu.memory_space<hbm>> -> memref<112xi32, #tpu.memory_space<hbm>>
      %dma_start3A_71 = tpu.memref_slice %arg4[%add3A_4] : memref<200704xi32, #tpu.memory_space<hbm>> -> memref<112xi32, #tpu.memory_space<hbm>>
      tpu.enqueue_dma source(%dma_start3A_71 : memref<112xi32, #tpu.memory_space<hbm>>) target(%arg7 : memref<112xi32, #tpu.memory_space<vmem>>) target_semaphore(%run_scoped3A : memref<!tpu.dma_semaphore, #tpu.memory_space<semaphore_mem>>)
      %dma_wait3A_72 = tpu.memref_slice %arg4[%add3A_4] : memref<200704xi32, #tpu.memory_space<hbm>> -> memref<112xi32, #tpu.memory_space<hbm>>
      %dma_wait3A_73 = tpu.memref_slice %arg4[%add3A_4] : memref<200704xi32, #tpu.memory_space<hbm>> -> memref<112xi32, #tpu.memory_space<hbm>>
      tpu.wait_dma2 semaphore(%run_scoped3A : memref<!tpu.dma_semaphore, #tpu.memory_space<semaphore_mem>>) src(%dma_wait3A_73 : memref<112xi32, #tpu.memory_space<hbm>>) dst(%arg7 : memref<112xi32, #tpu.memory_space<vmem>>)
      tpu.yield
    }) : () -> ()
    "tpu.region"() ({
      %run_scoped3A = tpu.sem_alloc : memref<!tpu.dma_semaphore, #tpu.memory_space<semaphore_mem>>
      %dma_start3A_70 = tpu.memref_slice %arg5[%add3A_4] : memref<200704xi32, #tpu.memory_space<hbm>> -> memref<112xi32, #tpu.memory_space<hbm>>
      %dma_start3A_71 = tpu.memref_slice %arg5[%add3A_4] : memref<200704xi32, #tpu.memory_space<hbm>> -> memref<112xi32, #tpu.memory_space<hbm>>
      tpu.enqueue_dma source(%dma_start3A_71 : memref<112xi32, #tpu.memory_space<hbm>>) target(%arg8 : memref<112xi32, #tpu.memory_space<vmem>>) target_semaphore(%run_scoped3A : memref<!tpu.dma_semaphore, #tpu.memory_space<semaphore_mem>>)
      %dma_wait3A_72 = tpu.memref_slice %arg5[%add3A_4] : memref<200704xi32, #tpu.memory_space<hbm>> -> memref<112xi32, #tpu.memory_space<hbm>>
      %dma_wait3A_73 = tpu.memref_slice %arg5[%add3A_4] : memref<200704xi32, #tpu.memory_space<hbm>> -> memref<112xi32, #tpu.memory_space<hbm>>
      tpu.wait_dma2 semaphore(%run_scoped3A : memref<!tpu.dma_semaphore, #tpu.memory_space<semaphore_mem>>) src(%dma_wait3A_73 : memref<112xi32, #tpu.memory_space<hbm>>) dst(%arg8 : memref<112xi32, #tpu.memory_space<vmem>>)
      tpu.yield
    }) : () -> ()
    %dma_start3A = arith.constant 0 : i32
    %dma_start3A_5 = arith.constant 0 : i32
    %dma_start3A_6 = tpu.memref_slice %arg2[%dma_start3A, %dma_start3A_5] : memref<53248x128xf32, #tpu.memory_space<hbm>> -> memref<53248x128xf32, #tpu.memory_space<hbm>>
    tpu.enqueue_indirect_dma source(%dma_start3A_6 : memref<53248x128xf32, #tpu.memory_space<hbm>>) target(%arg9 : memref<112x128xf32, #tpu.memory_space<vmem>>) offsets(%arg7 : memref<112xi32, #tpu.memory_space<vmem>>) semaphore(%arg11 : memref<!tpu.dma_semaphore, #tpu.memory_space<semaphore_mem>>)
    %dma_start3A_7 = arith.constant 0 : i32
    %dma_start3A_8 = arith.constant 0 : i32
    %dma_start3A_9 = tpu.memref_slice %arg3[%dma_start3A_7, %dma_start3A_8] : memref<200704x128xf32, #tpu.memory_space<hbm>> -> memref<200704x128xf32, #tpu.memory_space<hbm>>
    tpu.enqueue_indirect_dma source(%dma_start3A_9 : memref<200704x128xf32, #tpu.memory_space<hbm>>) target(%arg10 : memref<112x128xf32, #tpu.memory_space<vmem>>) offsets(%arg8 : memref<112xi32, #tpu.memory_space<vmem>>) semaphore(%arg11 : memref<!tpu.dma_semaphore, #tpu.memory_space<semaphore_mem>>)
    %add3A_10 = arith.constant 112 : i32
    %add3A_11 = arith.addi %mul3A_2, %add3A_10 : i32
    "tpu.region"() ({
      %run_scoped3A = tpu.sem_alloc : memref<!tpu.dma_semaphore, #tpu.memory_space<semaphore_mem>>
      %dma_start3A_70 = tpu.memref_slice %arg4[%add3A_11] : memref<200704xi32, #tpu.memory_space<hbm>> -> memref<112xi32, #tpu.memory_space<hbm>>
      %dma_start3A_71 = tpu.memref_slice %arg4[%add3A_11] : memref<200704xi32, #tpu.memory_space<hbm>> -> memref<112xi32, #tpu.memory_space<hbm>>
      tpu.enqueue_dma source(%dma_start3A_71 : memref<112xi32, #tpu.memory_space<hbm>>) target(%arg13 : memref<112xi32, #tpu.memory_space<vmem>>) target_semaphore(%run_scoped3A : memref<!tpu.dma_semaphore, #tpu.memory_space<semaphore_mem>>)
      %dma_wait3A_72 = tpu.memref_slice %arg4[%add3A_11] : memref<200704xi32, #tpu.memory_space<hbm>> -> memref<112xi32, #tpu.memory_space<hbm>>
      %dma_wait3A_73 = tpu.memref_slice %arg4[%add3A_11] : memref<200704xi32, #tpu.memory_space<hbm>> -> memref<112xi32, #tpu.memory_space<hbm>>
      tpu.wait_dma2 semaphore(%run_scoped3A : memref<!tpu.dma_semaphore, #tpu.memory_space<semaphore_mem>>) src(%dma_wait3A_73 : memref<112xi32, #tpu.memory_space<hbm>>) dst(%arg13 : memref<112xi32, #tpu.memory_space<vmem>>)
      tpu.yield
    }) : () -> ()
    "tpu.region"() ({
      %run_scoped3A = tpu.sem_alloc : memref<!tpu.dma_semaphore, #tpu.memory_space<semaphore_mem>>
      %dma_start3A_70 = tpu.memref_slice %arg5[%add3A_11] : memref<200704xi32, #tpu.memory_space<hbm>> -> memref<112xi32, #tpu.memory_space<hbm>>
      %dma_start3A_71 = tpu.memref_slice %arg5[%add3A_11] : memref<200704xi32, #tpu.memory_space<hbm>> -> memref<112xi32, #tpu.memory_space<hbm>>
      tpu.enqueue_dma source(%dma_start3A_71 : memref<112xi32, #tpu.memory_space<hbm>>) target(%arg14 : memref<112xi32, #tpu.memory_space<vmem>>) target_semaphore(%run_scoped3A : memref<!tpu.dma_semaphore, #tpu.memory_space<semaphore_mem>>)
      %dma_wait3A_72 = tpu.memref_slice %arg5[%add3A_11] : memref<200704xi32, #tpu.memory_space<hbm>> -> memref<112xi32, #tpu.memory_space<hbm>>
      %dma_wait3A_73 = tpu.memref_slice %arg5[%add3A_11] : memref<200704xi32, #tpu.memory_space<hbm>> -> memref<112xi32, #tpu.memory_space<hbm>>
      tpu.wait_dma2 semaphore(%run_scoped3A : memref<!tpu.dma_semaphore, #tpu.memory_space<semaphore_mem>>) src(%dma_wait3A_73 : memref<112xi32, #tpu.memory_space<hbm>>) dst(%arg14 : memref<112xi32, #tpu.memory_space<vmem>>)
      tpu.yield
    }) : () -> ()
    %dma_start3A_12 = arith.constant 0 : i32
    %dma_start3A_13 = arith.constant 0 : i32
    %dma_start3A_14 = tpu.memref_slice %arg2[%dma_start3A_12, %dma_start3A_13] : memref<53248x128xf32, #tpu.memory_space<hbm>> -> memref<53248x128xf32, #tpu.memory_space<hbm>>
    tpu.enqueue_indirect_dma source(%dma_start3A_14 : memref<53248x128xf32, #tpu.memory_space<hbm>>) target(%arg15 : memref<112x128xf32, #tpu.memory_space<vmem>>) offsets(%arg13 : memref<112xi32, #tpu.memory_space<vmem>>) semaphore(%arg17 : memref<!tpu.dma_semaphore, #tpu.memory_space<semaphore_mem>>)
    %dma_start3A_15 = arith.constant 0 : i32
    %dma_start3A_16 = arith.constant 0 : i32
    %dma_start3A_17 = tpu.memref_slice %arg3[%dma_start3A_15, %dma_start3A_16] : memref<200704x128xf32, #tpu.memory_space<hbm>> -> memref<200704x128xf32, #tpu.memory_space<hbm>>
    tpu.enqueue_indirect_dma source(%dma_start3A_17 : memref<200704x128xf32, #tpu.memory_space<hbm>>) target(%arg16 : memref<112x128xf32, #tpu.memory_space<vmem>>) offsets(%arg14 : memref<112xi32, #tpu.memory_space<vmem>>) semaphore(%arg17 : memref<!tpu.dma_semaphore, #tpu.memory_space<semaphore_mem>>)
    %scan3A = arith.constant 0 : i32
    %scan3A_18 = arith.constant 0 : i32
    %scan3A_19 = arith.constant 27 : i32
    %scan3A_20 = arith.addi %scan3A_18, %scan3A_19 : i32
    %scan3A_21 = arith.constant 1 : i32
    scf.for %scan3A_70 = %scan3A_18 to %scan3A_20 step %scan3A_21  : i32 {
      %mul3A_71 = arith.constant 2 : i32
      %mul3A_72 = arith.muli %scan3A_70, %mul3A_71 : i32
      %add3A_73 = arith.constant 0 : i32
      %add3A_74 = arith.addi %mul3A_72, %add3A_73 : i32
      %dma_wait3A_75 = arith.constant 0 : i32
      %dma_wait3A_76 = arith.constant 0 : i32
      %dma_wait3A_77 = tpu.memref_slice %arg2[%dma_wait3A_75, %dma_wait3A_76] : memref<53248x128xf32, #tpu.memory_space<hbm>> -> memref<53248x128xf32, #tpu.memory_space<hbm>>
      tpu.wait_indirect_dma semaphore(%arg11 : memref<!tpu.dma_semaphore, #tpu.memory_space<semaphore_mem>>) src(%dma_wait3A_77 : memref<53248x128xf32, #tpu.memory_space<hbm>>) dst(%arg9 : memref<112x128xf32, #tpu.memory_space<vmem>>)
      %dma_wait3A_78 = arith.constant 0 : i32
      %dma_wait3A_79 = arith.constant 0 : i32
      %dma_wait3A_80 = tpu.memref_slice %arg3[%dma_wait3A_78, %dma_wait3A_79] : memref<200704x128xf32, #tpu.memory_space<hbm>> -> memref<200704x128xf32, #tpu.memory_space<hbm>>
      tpu.wait_indirect_dma semaphore(%arg11 : memref<!tpu.dma_semaphore, #tpu.memory_space<semaphore_mem>>) src(%dma_wait3A_80 : memref<200704x128xf32, #tpu.memory_space<hbm>>) dst(%arg10 : memref<112x128xf32, #tpu.memory_space<vmem>>)
      %scan3A_81 = arith.constant 0 : i32
      %scan3A_82 = arith.constant 0 : i32
      %scan3A_83 = arith.constant 112 : i32
      %scan3A_84 = arith.addi %scan3A_82, %scan3A_83 : i32
      %scan3A_85 = arith.constant 1 : i32
      scf.for %scan3A_153 = %scan3A_82 to %scan3A_84 step %scan3A_85  : i32 {
        %get3A = arith.index_cast %scan3A_153 : i32 to index
        %get3A_154 = arith.constant 0 : index
        %get3A_155 = tpu.vector_load %arg9[%get3A, %get3A_154] {strides = array<i32>} : memref<112x128xf32, #tpu.memory_space<vmem>>, vector<1x16xf32>,
        %get3A_156 = vector.shape_cast %get3A_155 : vector<1x16xf32> to vector<16xf32>
        %get3A_157 = arith.index_cast %scan3A_153 : i32 to index
        %get3A_158 = arith.constant 0 : index
        %get3A_159 = tpu.vector_load %arg10[%get3A_157, %get3A_158] {strides = array<i32>} : memref<112x128xf32, #tpu.memory_space<vmem>>, vector<1x16xf32>,
        %get3A_160 = vector.shape_cast %get3A_159 : vector<1x16xf32> to vector<16xf32>
        %sub3A = arith.subf %get3A_156, %get3A_160 : vector<16xf32>
        %swap3A = arith.index_cast %scan3A_153 : i32 to index
        %swap3A_161 = arith.constant 0 : index
        %swap3A_162 = tpu.vector_load %arg9[%swap3A, %swap3A_161] {strides = array<i32>} : memref<112x128xf32, #tpu.memory_space<vmem>>, vector<1x16xf32>,
        %swap3A_163 = vector.shape_cast %swap3A_162 : vector<1x16xf32> to vector<16xf32>
        %swap3A_164 = vector.shape_cast %sub3A : vector<16xf32> to vector<1x16xf32>
        tpu.vector_store %arg9[%swap3A, %swap3A_161], %swap3A_164 {strides = array<i32>} : memref<112x128xf32, #tpu.memory_space<vmem>>, vector<1x16xf32>,
        %get3A_165 = arith.index_cast %scan3A_153 : i32 to index
        %get3A_166 = arith.constant 16 : index
        %get3A_167 = tpu.vector_load %arg9[%get3A_165, %get3A_166] {strides = array<i32>} : memref<112x128xf32, #tpu.memory_space<vmem>>, vector<1x16xf32>,
        %get3A_168 = vector.shape_cast %get3A_167 : vector<1x16xf32> to vector<16xf32>
        %get3A_169 = arith.index_cast %scan3A_153 : i32 to index
        %get3A_170 = arith.constant 16 : index
        %get3A_171 = tpu.vector_load %arg10[%get3A_169, %get3A_170] {strides = array<i32>} : memref<112x128xf32, #tpu.memory_space<vmem>>, vector<1x16xf32>,
        %get3A_172 = vector.shape_cast %get3A_171 : vector<1x16xf32> to vector<16xf32>
        %sub3A_173 = arith.subf %get3A_168, %get3A_172 : vector<16xf32>
        %swap3A_174 = arith.index_cast %scan3A_153 : i32 to index
        %swap3A_175 = arith.constant 16 : index
        %swap3A_176 = tpu.vector_load %arg9[%swap3A_174, %swap3A_175] {strides = array<i32>} : memref<112x128xf32, #tpu.memory_space<vmem>>, vector<1x16xf32>,
        %swap3A_177 = vector.shape_cast %swap3A_176 : vector<1x16xf32> to vector<16xf32>
        %swap3A_178 = vector.shape_cast %sub3A_173 : vector<16xf32> to vector<1x16xf32>
        tpu.vector_store %arg9[%swap3A_174, %swap3A_175], %swap3A_178 {strides = array<i32>} : memref<112x128xf32, #tpu.memory_space<vmem>>, vector<1x16xf32>,
        %get3A_179 = arith.index_cast %scan3A_153 : i32 to index
        %get3A_180 = arith.constant 32 : index
        %get3A_181 = tpu.vector_load %arg9[%get3A_179, %get3A_180] {strides = array<i32>} : memref<112x128xf32, #tpu.memory_space<vmem>>, vector<1x16xf32>,
        %get3A_182 = vector.shape_cast %get3A_181 : vector<1x16xf32> to vector<16xf32>
        %get3A_183 = arith.index_cast %scan3A_153 : i32 to index
        %get3A_184 = arith.constant 32 : index
        %get3A_185 = tpu.vector_load %arg10[%get3A_183, %get3A_184] {strides = array<i32>} : memref<112x128xf32, #tpu.memory_space<vmem>>, vector<1x16xf32>,
        %get3A_186 = vector.shape_cast %get3A_185 : vector<1x16xf32> to vector<16xf32>
        %sub3A_187 = arith.subf %get3A_182, %get3A_186 : vector<16xf32>
        %swap3A_188 = arith.index_cast %scan3A_153 : i32 to index
        %swap3A_189 = arith.constant 32 : index
        %swap3A_190 = tpu.vector_load %arg9[%swap3A_188, %swap3A_189] {strides = array<i32>} : memref<112x128xf32, #tpu.memory_space<vmem>>, vector<1x16xf32>,
        %swap3A_191 = vector.shape_cast %swap3A_190 : vector<1x16xf32> to vector<16xf32>
        %swap3A_192 = vector.shape_cast %sub3A_187 : vector<16xf32> to vector<1x16xf32>
        tpu.vector_store %arg9[%swap3A_188, %swap3A_189], %swap3A_192 {strides = array<i32>} : memref<112x128xf32, #tpu.memory_space<vmem>>, vector<1x16xf32>,
        %get3A_193 = arith.index_cast %scan3A_153 : i32 to index
        %get3A_194 = arith.constant 48 : index
        %get3A_195 = tpu.vector_load %arg9[%get3A_193, %get3A_194] {strides = array<i32>} : memref<112x128xf32, #tpu.memory_space<vmem>>, vector<1x16xf32>,
        %get3A_196 = vector.shape_cast %get3A_195 : vector<1x16xf32> to vector<16xf32>
        %get3A_197 = arith.index_cast %scan3A_153 : i32 to index
        %get3A_198 = arith.constant 48 : index
        %get3A_199 = tpu.vector_load %arg10[%get3A_197, %get3A_198] {strides = array<i32>} : memref<112x128xf32, #tpu.memory_space<vmem>>, vector<1x16xf32>,
        %get3A_200 = vector.shape_cast %get3A_199 : vector<1x16xf32> to vector<16xf32>
        %sub3A_201 = arith.subf %get3A_196, %get3A_200 : vector<16xf32>
        %swap3A_202 = arith.index_cast %scan3A_153 : i32 to index
        %swap3A_203 = arith.constant 48 : index
        %swap3A_204 = tpu.vector_load %arg9[%swap3A_202, %swap3A_203] {strides = array<i32>} : memref<112x128xf32, #tpu.memory_space<vmem>>, vector<1x16xf32>,
        %swap3A_205 = vector.shape_cast %swap3A_204 : vector<1x16xf32> to vector<16xf32>
        %swap3A_206 = vector.shape_cast %sub3A_201 : vector<16xf32> to vector<1x16xf32>
        tpu.vector_store %arg9[%swap3A_202, %swap3A_203], %swap3A_206 {strides = array<i32>} : memref<112x128xf32, #tpu.memory_space<vmem>>, vector<1x16xf32>,
        %get3A_207 = arith.index_cast %scan3A_153 : i32 to index
        %get3A_208 = arith.constant 64 : index
        %get3A_209 = tpu.vector_load %arg9[%get3A_207, %get3A_208] {strides = array<i32>} : memref<112x128xf32, #tpu.memory_space<vmem>>, vector<1x16xf32>,
        %get3A_210 = vector.shape_cast %get3A_209 : vector<1x16xf32> to vector<16xf32>
        %get3A_211 = arith.index_cast %scan3A_153 : i32 to index
        %get3A_212 = arith.constant 64 : index
        %get3A_213 = tpu.vector_load %arg10[%get3A_211, %get3A_212] {strides = array<i32>} : memref<112x128xf32, #tpu.memory_space<vmem>>, vector<1x16xf32>,
        %get3A_214 = vector.shape_cast %get3A_213 : vector<1x16xf32> to vector<16xf32>
        %sub3A_215 = arith.subf %get3A_210, %get3A_214 : vector<16xf32>
        %swap3A_216 = arith.index_cast %scan3A_153 : i32 to index
        %swap3A_217 = arith.constant 64 : index
        %swap3A_218 = tpu.vector_load %arg9[%swap3A_216, %swap3A_217] {strides = array<i32>} : memref<112x128xf32, #tpu.memory_space<vmem>>, vector<1x16xf32>,
        %swap3A_219 = vector.shape_cast %swap3A_218 : vector<1x16xf32> to vector<16xf32>
        %swap3A_220 = vector.shape_cast %sub3A_215 : vector<16xf32> to vector<1x16xf32>
        tpu.vector_store %arg9[%swap3A_216, %swap3A_217], %swap3A_220 {strides = array<i32>} : memref<112x128xf32, #tpu.memory_space<vmem>>, vector<1x16xf32>,
        %get3A_221 = arith.index_cast %scan3A_153 : i32 to index
        %get3A_222 = arith.constant 80 : index
        %get3A_223 = tpu.vector_load %arg9[%get3A_221, %get3A_222] {strides = array<i32>} : memref<112x128xf32, #tpu.memory_space<vmem>>, vector<1x16xf32>,
        %get3A_224 = vector.shape_cast %get3A_223 : vector<1x16xf32> to vector<16xf32>
        %get3A_225 = arith.index_cast %scan3A_153 : i32 to index
        %get3A_226 = arith.constant 80 : index
        %get3A_227 = tpu.vector_load %arg10[%get3A_225, %get3A_226] {strides = array<i32>} : memref<112x128xf32, #tpu.memory_space<vmem>>, vector<1x16xf32>,
        %get3A_228 = vector.shape_cast %get3A_227 : vector<1x16xf32> to vector<16xf32>
        %sub3A_229 = arith.subf %get3A_224, %get3A_228 : vector<16xf32>
        %swap3A_230 = arith.index_cast %scan3A_153 : i32 to index
        %swap3A_231 = arith.constant 80 : index
        %swap3A_232 = tpu.vector_load %arg9[%swap3A_230, %swap3A_231] {strides = array<i32>} : memref<112x128xf32, #tpu.memory_space<vmem>>, vector<1x16xf32>,
        %swap3A_233 = vector.shape_cast %swap3A_232 : vector<1x16xf32> to vector<16xf32>
        %swap3A_234 = vector.shape_cast %sub3A_229 : vector<16xf32> to vector<1x16xf32>
        tpu.vector_store %arg9[%swap3A_230, %swap3A_231], %swap3A_234 {strides = array<i32>} : memref<112x128xf32, #tpu.memory_space<vmem>>, vector<1x16xf32>,
        %get3A_235 = arith.index_cast %scan3A_153 : i32 to index
        %get3A_236 = arith.constant 96 : index
        %get3A_237 = tpu.vector_load %arg9[%get3A_235, %get3A_236] {strides = array<i32>} : memref<112x128xf32, #tpu.memory_space<vmem>>, vector<1x16xf32>,
        %get3A_238 = vector.shape_cast %get3A_237 : vector<1x16xf32> to vector<16xf32>
        %get3A_239 = arith.index_cast %scan3A_153 : i32 to index
        %get3A_240 = arith.constant 96 : index
        %get3A_241 = tpu.vector_load %arg10[%get3A_239, %get3A_240] {strides = array<i32>} : memref<112x128xf32, #tpu.memory_space<vmem>>, vector<1x16xf32>,
        %get3A_242 = vector.shape_cast %get3A_241 : vector<1x16xf32> to vector<16xf32>
        %sub3A_243 = arith.subf %get3A_238, %get3A_242 : vector<16xf32>
        %swap3A_244 = arith.index_cast %scan3A_153 : i32 to index
        %swap3A_245 = arith.constant 96 : index
        %swap3A_246 = tpu.vector_load %arg9[%swap3A_244, %swap3A_245] {strides = array<i32>} : memref<112x128xf32, #tpu.memory_space<vmem>>, vector<1x16xf32>,
        %swap3A_247 = vector.shape_cast %swap3A_246 : vector<1x16xf32> to vector<16xf32>
        %swap3A_248 = vector.shape_cast %sub3A_243 : vector<16xf32> to vector<1x16xf32>
        tpu.vector_store %arg9[%swap3A_244, %swap3A_245], %swap3A_248 {strides = array<i32>} : memref<112x128xf32, #tpu.memory_space<vmem>>, vector<1x16xf32>,
        %get3A_249 = arith.index_cast %scan3A_153 : i32 to index
        %get3A_250 = arith.constant 112 : index
        %get3A_251 = tpu.vector_load %arg9[%get3A_249, %get3A_250] {strides = array<i32>} : memref<112x128xf32, #tpu.memory_space<vmem>>, vector<1x16xf32>,
        %get3A_252 = vector.shape_cast %get3A_251 : vector<1x16xf32> to vector<16xf32>
        %get3A_253 = arith.index_cast %scan3A_153 : i32 to index
        %get3A_254 = arith.constant 112 : index
        %get3A_255 = tpu.vector_load %arg10[%get3A_253, %get3A_254] {strides = array<i32>} : memref<112x128xf32, #tpu.memory_space<vmem>>, vector<1x16xf32>,
        %get3A_256 = vector.shape_cast %get3A_255 : vector<1x16xf32> to vector<16xf32>
        %sub3A_257 = arith.subf %get3A_252, %get3A_256 : vector<16xf32>
        %swap3A_258 = arith.index_cast %scan3A_153 : i32 to index
        %swap3A_259 = arith.constant 112 : index
        %swap3A_260 = tpu.vector_load %arg9[%swap3A_258, %swap3A_259] {strides = array<i32>} : memref<112x128xf32, #tpu.memory_space<vmem>>, vector<1x16xf32>,
        %swap3A_261 = vector.shape_cast %swap3A_260 : vector<1x16xf32> to vector<16xf32>
        %swap3A_262 = vector.shape_cast %sub3A_257 : vector<16xf32> to vector<1x16xf32>
        tpu.vector_store %arg9[%swap3A_258, %swap3A_259], %swap3A_262 {strides = array<i32>} : memref<112x128xf32, #tpu.memory_space<vmem>>, vector<1x16xf32>,
      }
      %scan3A_86 = arith.constant 112 : i32
      %mul3A_87 = arith.constant 112 : i32
      %mul3A_88 = arith.muli %add3A_74, %mul3A_87 : i32
      %add3A_89 = arith.addi %mul3A_2, %mul3A_88 : i32
      %dma_start3A_90 = arith.constant 0 : i32
      %dma_start3A_91 = tpu.memref_slice %arg6[%add3A_89, %dma_start3A_90] : memref<200704x128xf32, #tpu.memory_space<hbm>> -> memref<112x128xf32, #tpu.memory_space<hbm>>
      %dma_start3A_92 = arith.constant 0 : i32
      %dma_start3A_93 = tpu.memref_slice %arg6[%add3A_89, %dma_start3A_92] : memref<200704x128xf32, #tpu.memory_space<hbm>> -> memref<112x128xf32, #tpu.memory_space<hbm>>
      tpu.enqueue_dma source(%arg9 : memref<112x128xf32, #tpu.memory_space<vmem>>) target(%dma_start3A_93 : memref<112x128xf32, #tpu.memory_space<hbm>>) target_semaphore(%arg12 : memref<!tpu.dma_semaphore, #tpu.memory_space<semaphore_mem>>)
      %mul3A_94 = arith.constant 112 : i32
      %mul3A_95 = arith.muli %add3A_74, %mul3A_94 : i32
      %add3A_96 = arith.addi %mul3A_2, %mul3A_95 : i32
      %dma_wait3A_97 = arith.constant 0 : i32
      %dma_wait3A_98 = tpu.memref_slice %arg6[%add3A_96, %dma_wait3A_97] : memref<200704x128xf32, #tpu.memory_space<hbm>> -> memref<112x128xf32, #tpu.memory_space<hbm>>
      %dma_wait3A_99 = arith.constant 0 : i32
      %dma_wait3A_100 = tpu.memref_slice %arg6[%add3A_96, %dma_wait3A_99] : memref<200704x128xf32, #tpu.memory_space<hbm>> -> memref<112x128xf32, #tpu.memory_space<hbm>>
      tpu.wait_dma2 semaphore(%arg12 : memref<!tpu.dma_semaphore, #tpu.memory_space<semaphore_mem>>) src(%arg9 : memref<112x128xf32, #tpu.memory_space<vmem>>) dst(%dma_wait3A_100 : memref<112x128xf32, #tpu.memory_space<hbm>>)
      %add3A_101 = arith.constant 2 : i32
      %add3A_102 = arith.addi %add3A_74, %add3A_101 : i32
      %mul3A_103 = arith.constant 112 : i32
      %mul3A_104 = arith.muli %add3A_102, %mul3A_103 : i32
      %add3A_105 = arith.addi %mul3A_2, %mul3A_104 : i32
      "tpu.region"() ({
        %run_scoped3A = tpu.sem_alloc : memref<!tpu.dma_semaphore, #tpu.memory_space<semaphore_mem>>
        %dma_start3A_153 = tpu.memref_slice %arg4[%add3A_105] : memref<200704xi32, #tpu.memory_space<hbm>> -> memref<112xi32, #tpu.memory_space<hbm>>
        %dma_start3A_154 = tpu.memref_slice %arg4[%add3A_105] : memref<200704xi32, #tpu.memory_space<hbm>> -> memref<112xi32, #tpu.memory_space<hbm>>
        tpu.enqueue_dma source(%dma_start3A_154 : memref<112xi32, #tpu.memory_space<hbm>>) target(%arg7 : memref<112xi32, #tpu.memory_space<vmem>>) target_semaphore(%run_scoped3A : memref<!tpu.dma_semaphore, #tpu.memory_space<semaphore_mem>>)
        %dma_wait3A_155 = tpu.memref_slice %arg4[%add3A_105] : memref<200704xi32, #tpu.memory_space<hbm>> -> memref<112xi32, #tpu.memory_space<hbm>>
        %dma_wait3A_156 = tpu.memref_slice %arg4[%add3A_105] : memref<200704xi32, #tpu.memory_space<hbm>> -> memref<112xi32, #tpu.memory_space<hbm>>
        tpu.wait_dma2 semaphore(%run_scoped3A : memref<!tpu.dma_semaphore, #tpu.memory_space<semaphore_mem>>) src(%dma_wait3A_156 : memref<112xi32, #tpu.memory_space<hbm>>) dst(%arg7 : memref<112xi32, #tpu.memory_space<vmem>>)
        tpu.yield
      }) : () -> ()
      "tpu.region"() ({
        %run_scoped3A = tpu.sem_alloc : memref<!tpu.dma_semaphore, #tpu.memory_space<semaphore_mem>>
        %dma_start3A_153 = tpu.memref_slice %arg5[%add3A_105] : memref<200704xi32, #tpu.memory_space<hbm>> -> memref<112xi32, #tpu.memory_space<hbm>>
        %dma_start3A_154 = tpu.memref_slice %arg5[%add3A_105] : memref<200704xi32, #tpu.memory_space<hbm>> -> memref<112xi32, #tpu.memory_space<hbm>>
        tpu.enqueue_dma source(%dma_start3A_154 : memref<112xi32, #tpu.memory_space<hbm>>) target(%arg8 : memref<112xi32, #tpu.memory_space<vmem>>) target_semaphore(%run_scoped3A : memref<!tpu.dma_semaphore, #tpu.memory_space<semaphore_mem>>)
        %dma_wait3A_155 = tpu.memref_slice %arg5[%add3A_105] : memref<200704xi32, #tpu.memory_space<hbm>> -> memref<112xi32, #tpu.memory_space<hbm>>
        %dma_wait3A_156 = tpu.memref_slice %arg5[%add3A_105] : memref<200704xi32, #tpu.memory_space<hbm>> -> memref<112xi32, #tpu.memory_space<hbm>>
        tpu.wait_dma2 semaphore(%run_scoped3A : memref<!tpu.dma_semaphore, #tpu.memory_space<semaphore_mem>>) src(%dma_wait3A_156 : memref<112xi32, #tpu.memory_space<hbm>>) dst(%arg8 : memref<112xi32, #tpu.memory_space<vmem>>)
        tpu.yield
      }) : () -> ()
      %dma_start3A_106 = arith.constant 0 : i32
      %dma_start3A_107 = arith.constant 0 : i32
      %dma_start3A_108 = tpu.memref_slice %arg2[%dma_start3A_106, %dma_start3A_107] : memref<53248x128xf32, #tpu.memory_space<hbm>> -> memref<53248x128xf32, #tpu.memory_space<hbm>>
      tpu.enqueue_indirect_dma source(%dma_start3A_108 : memref<53248x128xf32, #tpu.memory_space<hbm>>) target(%arg9 : memref<112x128xf32, #tpu.memory_space<vmem>>) offsets(%arg7 : memref<112xi32, #tpu.memory_space<vmem>>) semaphore(%arg11 : memref<!tpu.dma_semaphore, #tpu.memory_space<semaphore_mem>>)
      %dma_start3A_109 = arith.constant 0 : i32
      %dma_start3A_110 = arith.constant 0 : i32
      %dma_start3A_111 = tpu.memref_slice %arg3[%dma_start3A_109, %dma_start3A_110] : memref<200704x128xf32, #tpu.memory_space<hbm>> -> memref<200704x128xf32, #tpu.memory_space<hbm>>
      tpu.enqueue_indirect_dma source(%dma_start3A_111 : memref<200704x128xf32, #tpu.memory_space<hbm>>) target(%arg10 : memref<112x128xf32, #tpu.memory_space<vmem>>) offsets(%arg8 : memref<112xi32, #tpu.memory_space<vmem>>) semaphore(%arg11 : memref<!tpu.dma_semaphore, #tpu.memory_space<semaphore_mem>>)
      %mul3A_112 = arith.constant 2 : i32
      %mul3A_113 = arith.muli %scan3A_70, %mul3A_112 : i32
      %add3A_114 = arith.constant 1 : i32
      %add3A_115 = arith.addi %mul3A_113, %add3A_114 : i32
      %dma_wait3A_116 = arith.constant 0 : i32
      %dma_wait3A_117 = arith.constant 0 : i32
      %dma_wait3A_118 = tpu.memref_slice %arg2[%dma_wait3A_116, %dma_wait3A_117] : memref<53248x128xf32, #tpu.memory_space<hbm>> -> memref<53248x128xf32, #tpu.memory_space<hbm>>
      tpu.wait_indirect_dma semaphore(%arg17 : memref<!tpu.dma_semaphore, #tpu.memory_space<semaphore_mem>>) src(%dma_wait3A_118 : memref<53248x128xf32, #tpu.memory_space<hbm>>) dst(%arg15 : memref<112x128xf32, #tpu.memory_space<vmem>>)
      %dma_wait3A_119 = arith.constant 0 : i32
      %dma_wait3A_120 = arith.constant 0 : i32
      %dma_wait3A_121 = tpu.memref_slice %arg3[%dma_wait3A_119, %dma_wait3A_120] : memref<200704x128xf32, #tpu.memory_space<hbm>> -> memref<200704x128xf32, #tpu.memory_space<hbm>>
      tpu.wait_indirect_dma semaphore(%arg17 : memref<!tpu.dma_semaphore, #tpu.memory_space<semaphore_mem>>) src(%dma_wait3A_121 : memref<200704x128xf32, #tpu.memory_space<hbm>>) dst(%arg16 : memref<112x128xf32, #tpu.memory_space<vmem>>)
      %scan3A_122 = arith.constant 0 : i32
      %scan3A_123 = arith.constant 0 : i32
      %scan3A_124 = arith.constant 112 : i32
      %scan3A_125 = arith.addi %scan3A_123, %scan3A_124 : i32
      %scan3A_126 = arith.constant 1 : i32
      scf.for %scan3A_153 = %scan3A_123 to %scan3A_125 step %scan3A_126  : i32 {
        %get3A = arith.index_cast %scan3A_153 : i32 to index
        %get3A_154 = arith.constant 0 : index
        %get3A_155 = tpu.vector_load %arg15[%get3A, %get3A_154] {strides = array<i32>} : memref<112x128xf32, #tpu.memory_space<vmem>>, vector<1x16xf32>,
        %get3A_156 = vector.shape_cast %get3A_155 : vector<1x16xf32> to vector<16xf32>
        %get3A_157 = arith.index_cast %scan3A_153 : i32 to index
        %get3A_158 = arith.constant 0 : index
        %get3A_159 = tpu.vector_load %arg16[%get3A_157, %get3A_158] {strides = array<i32>} : memref<112x128xf32, #tpu.memory_space<vmem>>, vector<1x16xf32>,
        %get3A_160 = vector.shape_cast %get3A_159 : vector<1x16xf32> to vector<16xf32>
        %sub3A = arith.subf %get3A_156, %get3A_160 : vector<16xf32>
        %swap3A = arith.index_cast %scan3A_153 : i32 to index
        %swap3A_161 = arith.constant 0 : index
        %swap3A_162 = tpu.vector_load %arg15[%swap3A, %swap3A_161] {strides = array<i32>} : memref<112x128xf32, #tpu.memory_space<vmem>>, vector<1x16xf32>,
        %swap3A_163 = vector.shape_cast %swap3A_162 : vector<1x16xf32> to vector<16xf32>
        %swap3A_164 = vector.shape_cast %sub3A : vector<16xf32> to vector<1x16xf32>
        tpu.vector_store %arg15[%swap3A, %swap3A_161], %swap3A_164 {strides = array<i32>} : memref<112x128xf32, #tpu.memory_space<vmem>>, vector<1x16xf32>,
        %get3A_165 = arith.index_cast %scan3A_153 : i32 to index
        %get3A_166 = arith.constant 16 : index
        %get3A_167 = tpu.vector_load %arg15[%get3A_165, %get3A_166] {strides = array<i32>} : memref<112x128xf32, #tpu.memory_space<vmem>>, vector<1x16xf32>,
        %get3A_168 = vector.shape_cast %get3A_167 : vector<1x16xf32> to vector<16xf32>
        %get3A_169 = arith.index_cast %scan3A_153 : i32 to index
        %get3A_170 = arith.constant 16 : index
        %get3A_171 = tpu.vector_load %arg16[%get3A_169, %get3A_170] {strides = array<i32>} : memref<112x128xf32, #tpu.memory_space<vmem>>, vector<1x16xf32>,
        %get3A_172 = vector.shape_cast %get3A_171 : vector<1x16xf32> to vector<16xf32>
        %sub3A_173 = arith.subf %get3A_168, %get3A_172 : vector<16xf32>
        %swap3A_174 = arith.index_cast %scan3A_153 : i32 to index
        %swap3A_175 = arith.constant 16 : index
        %swap3A_176 = tpu.vector_load %arg15[%swap3A_174, %swap3A_175] {strides = array<i32>} : memref<112x128xf32, #tpu.memory_space<vmem>>, vector<1x16xf32>,
        %swap3A_177 = vector.shape_cast %swap3A_176 : vector<1x16xf32> to vector<16xf32>
        %swap3A_178 = vector.shape_cast %sub3A_173 : vector<16xf32> to vector<1x16xf32>
        tpu.vector_store %arg15[%swap3A_174, %swap3A_175], %swap3A_178 {strides = array<i32>} : memref<112x128xf32, #tpu.memory_space<vmem>>, vector<1x16xf32>,
        %get3A_179 = arith.index_cast %scan3A_153 : i32 to index
        %get3A_180 = arith.constant 32 : index
        %get3A_181 = tpu.vector_load %arg15[%get3A_179, %get3A_180] {strides = array<i32>} : memref<112x128xf32, #tpu.memory_space<vmem>>, vector<1x16xf32>,
        %get3A_182 = vector.shape_cast %get3A_181 : vector<1x16xf32> to vector<16xf32>
        %get3A_183 = arith.index_cast %scan3A_153 : i32 to index
        %get3A_184 = arith.constant 32 : index
        %get3A_185 = tpu.vector_load %arg16[%get3A_183, %get3A_184] {strides = array<i32>} : memref<112x128xf32, #tpu.memory_space<vmem>>, vector<1x16xf32>,
        %get3A_186 = vector.shape_cast %get3A_185 : vector<1x16xf32> to vector<16xf32>
        %sub3A_187 = arith.subf %get3A_182, %get3A_186 : vector<16xf32>
        %swap3A_188 = arith.index_cast %scan3A_153 : i32 to index
        %swap3A_189 = arith.constant 32 : index
        %swap3A_190 = tpu.vector_load %arg15[%swap3A_188, %swap3A_189] {strides = array<i32>} : memref<112x128xf32, #tpu.memory_space<vmem>>, vector<1x16xf32>,
        %swap3A_191 = vector.shape_cast %swap3A_190 : vector<1x16xf32> to vector<16xf32>
        %swap3A_192 = vector.shape_cast %sub3A_187 : vector<16xf32> to vector<1x16xf32>
        tpu.vector_store %arg15[%swap3A_188, %swap3A_189], %swap3A_192 {strides = array<i32>} : memref<112x128xf32, #tpu.memory_space<vmem>>, vector<1x16xf32>,
        %get3A_193 = arith.index_cast %scan3A_153 : i32 to index
        %get3A_194 = arith.constant 48 : index
        %get3A_195 = tpu.vector_load %arg15[%get3A_193, %get3A_194] {strides = array<i32>} : memref<112x128xf32, #tpu.memory_space<vmem>>, vector<1x16xf32>,
        %get3A_196 = vector.shape_cast %get3A_195 : vector<1x16xf32> to vector<16xf32>
        %get3A_197 = arith.index_cast %scan3A_153 : i32 to index
        %get3A_198 = arith.constant 48 : index
        %get3A_199 = tpu.vector_load %arg16[%get3A_197, %get3A_198] {strides = array<i32>} : memref<112x128xf32, #tpu.memory_space<vmem>>, vector<1x16xf32>,
        %get3A_200 = vector.shape_cast %get3A_199 : vector<1x16xf32> to vector<16xf32>
        %sub3A_201 = arith.subf %get3A_196, %get3A_200 : vector<16xf32>
        %swap3A_202 = arith.index_cast %scan3A_153 : i32 to index
        %swap3A_203 = arith.constant 48 : index
        %swap3A_204 = tpu.vector_load %arg15[%swap3A_202, %swap3A_203] {strides = array<i32>} : memref<112x128xf32, #tpu.memory_space<vmem>>, vector<1x16xf32>,
        %swap3A_205 = vector.shape_cast %swap3A_204 : vector<1x16xf32> to vector<16xf32>
        %swap3A_206 = vector.shape_cast %sub3A_201 : vector<16xf32> to vector<1x16xf32>
        tpu.vector_store %arg15[%swap3A_202, %swap3A_203], %swap3A_206 {strides = array<i32>} : memref<112x128xf32, #tpu.memory_space<vmem>>, vector<1x16xf32>,
        %get3A_207 = arith.index_cast %scan3A_153 : i32 to index
        %get3A_208 = arith.constant 64 : index
        %get3A_209 = tpu.vector_load %arg15[%get3A_207, %get3A_208] {strides = array<i32>} : memref<112x128xf32, #tpu.memory_space<vmem>>, vector<1x16xf32>,
        %get3A_210 = vector.shape_cast %get3A_209 : vector<1x16xf32> to vector<16xf32>
        %get3A_211 = arith.index_cast %scan3A_153 : i32 to index
        %get3A_212 = arith.constant 64 : index
        %get3A_213 = tpu.vector_load %arg16[%get3A_211, %get3A_212] {strides = array<i32>} : memref<112x128xf32, #tpu.memory_space<vmem>>, vector<1x16xf32>,
        %get3A_214 = vector.shape_cast %get3A_213 : vector<1x16xf32> to vector<16xf32>
        %sub3A_215 = arith.subf %get3A_210, %get3A_214 : vector<16xf32>
        %swap3A_216 = arith.index_cast %scan3A_153 : i32 to index
        %swap3A_217 = arith.constant 64 : index
        %swap3A_218 = tpu.vector_load %arg15[%swap3A_216, %swap3A_217] {strides = array<i32>} : memref<112x128xf32, #tpu.memory_space<vmem>>, vector<1x16xf32>,
        %swap3A_219 = vector.shape_cast %swap3A_218 : vector<1x16xf32> to vector<16xf32>
        %swap3A_220 = vector.shape_cast %sub3A_215 : vector<16xf32> to vector<1x16xf32>
        tpu.vector_store %arg15[%swap3A_216, %swap3A_217], %swap3A_220 {strides = array<i32>} : memref<112x128xf32, #tpu.memory_space<vmem>>, vector<1x16xf32>,
        %get3A_221 = arith.index_cast %scan3A_153 : i32 to index
        %get3A_222 = arith.constant 80 : index
        %get3A_223 = tpu.vector_load %arg15[%get3A_221, %get3A_222] {strides = array<i32>} : memref<112x128xf32, #tpu.memory_space<vmem>>, vector<1x16xf32>,
        %get3A_224 = vector.shape_cast %get3A_223 : vector<1x16xf32> to vector<16xf32>
        %get3A_225 = arith.index_cast %scan3A_153 : i32 to index
        %get3A_226 = arith.constant 80 : index
        %get3A_227 = tpu.vector_load %arg16[%get3A_225, %get3A_226] {strides = array<i32>} : memref<112x128xf32, #tpu.memory_space<vmem>>, vector<1x16xf32>,
        %get3A_228 = vector.shape_cast %get3A_227 : vector<1x16xf32> to vector<16xf32>
        %sub3A_229 = arith.subf %get3A_224, %get3A_228 : vector<16xf32>
        %swap3A_230 = arith.index_cast %scan3A_153 : i32 to index
        %swap3A_231 = arith.constant 80 : index
        %swap3A_232 = tpu.vector_load %arg15[%swap3A_230, %swap3A_231] {strides = array<i32>} : memref<112x128xf32, #tpu.memory_space<vmem>>, vector<1x16xf32>,
        %swap3A_233 = vector.shape_cast %swap3A_232 : vector<1x16xf32> to vector<16xf32>
        %swap3A_234 = vector.shape_cast %sub3A_229 : vector<16xf32> to vector<1x16xf32>
        tpu.vector_store %arg15[%swap3A_230, %swap3A_231], %swap3A_234 {strides = array<i32>} : memref<112x128xf32, #tpu.memory_space<vmem>>, vector<1x16xf32>,
        %get3A_235 = arith.index_cast %scan3A_153 : i32 to index
        %get3A_236 = arith.constant 96 : index
        %get3A_237 = tpu.vector_load %arg15[%get3A_235, %get3A_236] {strides = array<i32>} : memref<112x128xf32, #tpu.memory_space<vmem>>, vector<1x16xf32>,
        %get3A_238 = vector.shape_cast %get3A_237 : vector<1x16xf32> to vector<16xf32>
        %get3A_239 = arith.index_cast %scan3A_153 : i32 to index
        %get3A_240 = arith.constant 96 : index
        %get3A_241 = tpu.vector_load %arg16[%get3A_239, %get3A_240] {strides = array<i32>} : memref<112x128xf32, #tpu.memory_space<vmem>>, vector<1x16xf32>,
        %get3A_242 = vector.shape_cast %get3A_241 : vector<1x16xf32> to vector<16xf32>
        %sub3A_243 = arith.subf %get3A_238, %get3A_242 : vector<16xf32>
        %swap3A_244 = arith.index_cast %scan3A_153 : i32 to index
        %swap3A_245 = arith.constant 96 : index
        %swap3A_246 = tpu.vector_load %arg15[%swap3A_244, %swap3A_245] {strides = array<i32>} : memref<112x128xf32, #tpu.memory_space<vmem>>, vector<1x16xf32>,
        %swap3A_247 = vector.shape_cast %swap3A_246 : vector<1x16xf32> to vector<16xf32>
        %swap3A_248 = vector.shape_cast %sub3A_243 : vector<16xf32> to vector<1x16xf32>
        tpu.vector_store %arg15[%swap3A_244, %swap3A_245], %swap3A_248 {strides = array<i32>} : memref<112x128xf32, #tpu.memory_space<vmem>>, vector<1x16xf32>,
        %get3A_249 = arith.index_cast %scan3A_153 : i32 to index
        %get3A_250 = arith.constant 112 : index
        %get3A_251 = tpu.vector_load %arg15[%get3A_249, %get3A_250] {strides = array<i32>} : memref<112x128xf32, #tpu.memory_space<vmem>>, vector<1x16xf32>,
        %get3A_252 = vector.shape_cast %get3A_251 : vector<1x16xf32> to vector<16xf32>
        %get3A_253 = arith.index_cast %scan3A_153 : i32 to index
        %get3A_254 = arith.constant 112 : index
        %get3A_255 = tpu.vector_load %arg16[%get3A_253, %get3A_254] {strides = array<i32>} : memref<112x128xf32, #tpu.memory_space<vmem>>, vector<1x16xf32>,
        %get3A_256 = vector.shape_cast %get3A_255 : vector<1x16xf32> to vector<16xf32>
        %sub3A_257 = arith.subf %get3A_252, %get3A_256 : vector<16xf32>
        %swap3A_258 = arith.index_cast %scan3A_153 : i32 to index
        %swap3A_259 = arith.constant 112 : index
        %swap3A_260 = tpu.vector_load %arg15[%swap3A_258, %swap3A_259] {strides = array<i32>} : memref<112x128xf32, #tpu.memory_space<vmem>>, vector<1x16xf32>,
        %swap3A_261 = vector.shape_cast %swap3A_260 : vector<1x16xf32> to vector<16xf32>
        %swap3A_262 = vector.shape_cast %sub3A_257 : vector<16xf32> to vector<1x16xf32>
        tpu.vector_store %arg15[%swap3A_258, %swap3A_259], %swap3A_262 {strides = array<i32>} : memref<112x128xf32, #tpu.memory_space<vmem>>, vector<1x16xf32>,
      }
      %scan3A_127 = arith.constant 112 : i32
      %mul3A_128 = arith.constant 112 : i32
      %mul3A_129 = arith.muli %add3A_115, %mul3A_128 : i32
      %add3A_130 = arith.addi %mul3A_2, %mul3A_129 : i32
      %dma_start3A_131 = arith.constant 0 : i32
      %dma_start3A_132 = tpu.memref_slice %arg6[%add3A_130, %dma_start3A_131] : memref<200704x128xf32, #tpu.memory_space<hbm>> -> memref<112x128xf32, #tpu.memory_space<hbm>>
      %dma_start3A_133 = arith.constant 0 : i32
      %dma_start3A_134 = tpu.memref_slice %arg6[%add3A_130, %dma_start3A_133] : memref<200704x128xf32, #tpu.memory_space<hbm>> -> memref<112x128xf32, #tpu.memory_space<hbm>>
      tpu.enqueue_dma source(%arg15 : memref<112x128xf32, #tpu.memory_space<vmem>>) target(%dma_start3A_134 : memref<112x128xf32, #tpu.memory_space<hbm>>) target_semaphore(%arg18 : memref<!tpu.dma_semaphore, #tpu.memory_space<semaphore_mem>>)
      %mul3A_135 = arith.constant 112 : i32
      %mul3A_136 = arith.muli %add3A_115, %mul3A_135 : i32
      %add3A_137 = arith.addi %mul3A_2, %mul3A_136 : i32
      %dma_wait3A_138 = arith.constant 0 : i32
      %dma_wait3A_139 = tpu.memref_slice %arg6[%add3A_137, %dma_wait3A_138] : memref<200704x128xf32, #tpu.memory_space<hbm>> -> memref<112x128xf32, #tpu.memory_space<hbm>>
      %dma_wait3A_140 = arith.constant 0 : i32
      %dma_wait3A_141 = tpu.memref_slice %arg6[%add3A_137, %dma_wait3A_140] : memref<200704x128xf32, #tpu.memory_space<hbm>> -> memref<112x128xf32, #tpu.memory_space<hbm>>
      tpu.wait_dma2 semaphore(%arg18 : memref<!tpu.dma_semaphore, #tpu.memory_space<semaphore_mem>>) src(%arg15 : memref<112x128xf32, #tpu.memory_space<vmem>>) dst(%dma_wait3A_141 : memref<112x128xf32, #tpu.memory_space<hbm>>)
      %add3A_142 = arith.constant 2 : i32
      %add3A_143 = arith.addi %add3A_115, %add3A_142 : i32
      %mul3A_144 = arith.constant 112 : i32
      %mul3A_145 = arith.muli %add3A_143, %mul3A_144 : i32
      %add3A_146 = arith.addi %mul3A_2, %mul3A_145 : i32
      "tpu.region"() ({
        %run_scoped3A = tpu.sem_alloc : memref<!tpu.dma_semaphore, #tpu.memory_space<semaphore_mem>>
        %dma_start3A_153 = tpu.memref_slice %arg4[%add3A_146] : memref<200704xi32, #tpu.memory_space<hbm>> -> memref<112xi32, #tpu.memory_space<hbm>>
        %dma_start3A_154 = tpu.memref_slice %arg4[%add3A_146] : memref<200704xi32, #tpu.memory_space<hbm>> -> memref<112xi32, #tpu.memory_space<hbm>>
        tpu.enqueue_dma source(%dma_start3A_154 : memref<112xi32, #tpu.memory_space<hbm>>) target(%arg13 : memref<112xi32, #tpu.memory_space<vmem>>) target_semaphore(%run_scoped3A : memref<!tpu.dma_semaphore, #tpu.memory_space<semaphore_mem>>)
        %dma_wait3A_155 = tpu.memref_slice %arg4[%add3A_146] : memref<200704xi32, #tpu.memory_space<hbm>> -> memref<112xi32, #tpu.memory_space<hbm>>
        %dma_wait3A_156 = tpu.memref_slice %arg4[%add3A_146] : memref<200704xi32, #tpu.memory_space<hbm>> -> memref<112xi32, #tpu.memory_space<hbm>>
        tpu.wait_dma2 semaphore(%run_scoped3A : memref<!tpu.dma_semaphore, #tpu.memory_space<semaphore_mem>>) src(%dma_wait3A_156 : memref<112xi32, #tpu.memory_space<hbm>>) dst(%arg13 : memref<112xi32, #tpu.memory_space<vmem>>)
        tpu.yield
      }) : () -> ()
      "tpu.region"() ({
        %run_scoped3A = tpu.sem_alloc : memref<!tpu.dma_semaphore, #tpu.memory_space<semaphore_mem>>
        %dma_start3A_153 = tpu.memref_slice %arg5[%add3A_146] : memref<200704xi32, #tpu.memory_space<hbm>> -> memref<112xi32, #tpu.memory_space<hbm>>
        %dma_start3A_154 = tpu.memref_slice %arg5[%add3A_146] : memref<200704xi32, #tpu.memory_space<hbm>> -> memref<112xi32, #tpu.memory_space<hbm>>
        tpu.enqueue_dma source(%dma_start3A_154 : memref<112xi32, #tpu.memory_space<hbm>>) target(%arg14 : memref<112xi32, #tpu.memory_space<vmem>>) target_semaphore(%run_scoped3A : memref<!tpu.dma_semaphore, #tpu.memory_space<semaphore_mem>>)
        %dma_wait3A_155 = tpu.memref_slice %arg5[%add3A_146] : memref<200704xi32, #tpu.memory_space<hbm>> -> memref<112xi32, #tpu.memory_space<hbm>>
        %dma_wait3A_156 = tpu.memref_slice %arg5[%add3A_146] : memref<200704xi32, #tpu.memory_space<hbm>> -> memref<112xi32, #tpu.memory_space<hbm>>
        tpu.wait_dma2 semaphore(%run_scoped3A : memref<!tpu.dma_semaphore, #tpu.memory_space<semaphore_mem>>) src(%dma_wait3A_156 : memref<112xi32, #tpu.memory_space<hbm>>) dst(%arg14 : memref<112xi32, #tpu.memory_space<vmem>>)
        tpu.yield
      }) : () -> ()
      %dma_start3A_147 = arith.constant 0 : i32
      %dma_start3A_148 = arith.constant 0 : i32
      %dma_start3A_149 = tpu.memref_slice %arg2[%dma_start3A_147, %dma_start3A_148] : memref<53248x128xf32, #tpu.memory_space<hbm>> -> memref<53248x128xf32, #tpu.memory_space<hbm>>
      tpu.enqueue_indirect_dma source(%dma_start3A_149 : memref<53248x128xf32, #tpu.memory_space<hbm>>) target(%arg15 : memref<112x128xf32, #tpu.memory_space<vmem>>) offsets(%arg13 : memref<112xi32, #tpu.memory_space<vmem>>) semaphore(%arg17 : memref<!tpu.dma_semaphore, #tpu.memory_space<semaphore_mem>>)
      %dma_start3A_150 = arith.constant 0 : i32
      %dma_start3A_151 = arith.constant 0 : i32
      %dma_start3A_152 = tpu.memref_slice %arg3[%dma_start3A_150, %dma_start3A_151] : memref<200704x128xf32, #tpu.memory_space<hbm>> -> memref<200704x128xf32, #tpu.memory_space<hbm>>
      tpu.enqueue_indirect_dma source(%dma_start3A_152 : memref<200704x128xf32, #tpu.memory_space<hbm>>) target(%arg16 : memref<112x128xf32, #tpu.memory_space<vmem>>) offsets(%arg14 : memref<112xi32, #tpu.memory_space<vmem>>) semaphore(%arg17 : memref<!tpu.dma_semaphore, #tpu.memory_space<semaphore_mem>>)
    }
    %scan3A_22 = arith.constant 27 : i32
    %dma_wait3A = arith.constant 0 : i32
    %dma_wait3A_23 = arith.constant 0 : i32
    %dma_wait3A_24 = tpu.memref_slice %arg2[%dma_wait3A, %dma_wait3A_23] : memref<53248x128xf32, #tpu.memory_space<hbm>> -> memref<53248x128xf32, #tpu.memory_space<hbm>>
    tpu.wait_indirect_dma semaphore(%arg11 : memref<!tpu.dma_semaphore, #tpu.memory_space<semaphore_mem>>) src(%dma_wait3A_24 : memref<53248x128xf32, #tpu.memory_space<hbm>>) dst(%arg9 : memref<112x128xf32, #tpu.memory_space<vmem>>)
    %dma_wait3A_25 = arith.constant 0 : i32
    %dma_wait3A_26 = arith.constant 0 : i32
    %dma_wait3A_27 = tpu.memref_slice %arg3[%dma_wait3A_25, %dma_wait3A_26] : memref<200704x128xf32, #tpu.memory_space<hbm>> -> memref<200704x128xf32, #tpu.memory_space<hbm>>
    tpu.wait_indirect_dma semaphore(%arg11 : memref<!tpu.dma_semaphore, #tpu.memory_space<semaphore_mem>>) src(%dma_wait3A_27 : memref<200704x128xf32, #tpu.memory_space<hbm>>) dst(%arg10 : memref<112x128xf32, #tpu.memory_space<vmem>>)
    %scan3A_28 = arith.constant 0 : i32
    %scan3A_29 = arith.constant 0 : i32
    %scan3A_30 = arith.constant 112 : i32
    %scan3A_31 = arith.addi %scan3A_29, %scan3A_30 : i32
    %scan3A_32 = arith.constant 1 : i32
    scf.for %scan3A_70 = %scan3A_29 to %scan3A_31 step %scan3A_32  : i32 {
      %get3A = arith.index_cast %scan3A_70 : i32 to index
      %get3A_71 = arith.constant 0 : index
      %get3A_72 = tpu.vector_load %arg9[%get3A, %get3A_71] {strides = array<i32>} : memref<112x128xf32, #tpu.memory_space<vmem>>, vector<1x16xf32>,
      %get3A_73 = vector.shape_cast %get3A_72 : vector<1x16xf32> to vector<16xf32>
      %get3A_74 = arith.index_cast %scan3A_70 : i32 to index
      %get3A_75 = arith.constant 0 : index
      %get3A_76 = tpu.vector_load %arg10[%get3A_74, %get3A_75] {strides = array<i32>} : memref<112x128xf32, #tpu.memory_space<vmem>>, vector<1x16xf32>,
      %get3A_77 = vector.shape_cast %get3A_76 : vector<1x16xf32> to vector<16xf32>
      %sub3A = arith.subf %get3A_73, %get3A_77 : vector<16xf32>
      %swap3A = arith.index_cast %scan3A_70 : i32 to index
      %swap3A_78 = arith.constant 0 : index
      %swap3A_79 = tpu.vector_load %arg9[%swap3A, %swap3A_78] {strides = array<i32>} : memref<112x128xf32, #tpu.memory_space<vmem>>, vector<1x16xf32>,
      %swap3A_80 = vector.shape_cast %swap3A_79 : vector<1x16xf32> to vector<16xf32>
      %swap3A_81 = vector.shape_cast %sub3A : vector<16xf32> to vector<1x16xf32>
      tpu.vector_store %arg9[%swap3A, %swap3A_78], %swap3A_81 {strides = array<i32>} : memref<112x128xf32, #tpu.memory_space<vmem>>, vector<1x16xf32>,
      %get3A_82 = arith.index_cast %scan3A_70 : i32 to index
      %get3A_83 = arith.constant 16 : index
      %get3A_84 = tpu.vector_load %arg9[%get3A_82, %get3A_83] {strides = array<i32>} : memref<112x128xf32, #tpu.memory_space<vmem>>, vector<1x16xf32>,
      %get3A_85 = vector.shape_cast %get3A_84 : vector<1x16xf32> to vector<16xf32>
      %get3A_86 = arith.index_cast %scan3A_70 : i32 to index
      %get3A_87 = arith.constant 16 : index
      %get3A_88 = tpu.vector_load %arg10[%get3A_86, %get3A_87] {strides = array<i32>} : memref<112x128xf32, #tpu.memory_space<vmem>>, vector<1x16xf32>,
      %get3A_89 = vector.shape_cast %get3A_88 : vector<1x16xf32> to vector<16xf32>
      %sub3A_90 = arith.subf %get3A_85, %get3A_89 : vector<16xf32>
      %swap3A_91 = arith.index_cast %scan3A_70 : i32 to index
      %swap3A_92 = arith.constant 16 : index
      %swap3A_93 = tpu.vector_load %arg9[%swap3A_91, %swap3A_92] {strides = array<i32>} : memref<112x128xf32, #tpu.memory_space<vmem>>, vector<1x16xf32>,
      %swap3A_94 = vector.shape_cast %swap3A_93 : vector<1x16xf32> to vector<16xf32>
      %swap3A_95 = vector.shape_cast %sub3A_90 : vector<16xf32> to vector<1x16xf32>
      tpu.vector_store %arg9[%swap3A_91, %swap3A_92], %swap3A_95 {strides = array<i32>} : memref<112x128xf32, #tpu.memory_space<vmem>>, vector<1x16xf32>,
      %get3A_96 = arith.index_cast %scan3A_70 : i32 to index
      %get3A_97 = arith.constant 32 : index
      %get3A_98 = tpu.vector_load %arg9[%get3A_96, %get3A_97] {strides = array<i32>} : memref<112x128xf32, #tpu.memory_space<vmem>>, vector<1x16xf32>,
      %get3A_99 = vector.shape_cast %get3A_98 : vector<1x16xf32> to vector<16xf32>
      %get3A_100 = arith.index_cast %scan3A_70 : i32 to index
      %get3A_101 = arith.constant 32 : index
      %get3A_102 = tpu.vector_load %arg10[%get3A_100, %get3A_101] {strides = array<i32>} : memref<112x128xf32, #tpu.memory_space<vmem>>, vector<1x16xf32>,
      %get3A_103 = vector.shape_cast %get3A_102 : vector<1x16xf32> to vector<16xf32>
      %sub3A_104 = arith.subf %get3A_99, %get3A_103 : vector<16xf32>
      %swap3A_105 = arith.index_cast %scan3A_70 : i32 to index
      %swap3A_106 = arith.constant 32 : index
      %swap3A_107 = tpu.vector_load %arg9[%swap3A_105, %swap3A_106] {strides = array<i32>} : memref<112x128xf32, #tpu.memory_space<vmem>>, vector<1x16xf32>,
      %swap3A_108 = vector.shape_cast %swap3A_107 : vector<1x16xf32> to vector<16xf32>
      %swap3A_109 = vector.shape_cast %sub3A_104 : vector<16xf32> to vector<1x16xf32>
      tpu.vector_store %arg9[%swap3A_105, %swap3A_106], %swap3A_109 {strides = array<i32>} : memref<112x128xf32, #tpu.memory_space<vmem>>, vector<1x16xf32>,
      %get3A_110 = arith.index_cast %scan3A_70 : i32 to index
      %get3A_111 = arith.constant 48 : index
      %get3A_112 = tpu.vector_load %arg9[%get3A_110, %get3A_111] {strides = array<i32>} : memref<112x128xf32, #tpu.memory_space<vmem>>, vector<1x16xf32>,
      %get3A_113 = vector.shape_cast %get3A_112 : vector<1x16xf32> to vector<16xf32>
      %get3A_114 = arith.index_cast %scan3A_70 : i32 to index
      %get3A_115 = arith.constant 48 : index
      %get3A_116 = tpu.vector_load %arg10[%get3A_114, %get3A_115] {strides = array<i32>} : memref<112x128xf32, #tpu.memory_space<vmem>>, vector<1x16xf32>,
      %get3A_117 = vector.shape_cast %get3A_116 : vector<1x16xf32> to vector<16xf32>
      %sub3A_118 = arith.subf %get3A_113, %get3A_117 : vector<16xf32>
      %swap3A_119 = arith.index_cast %scan3A_70 : i32 to index
      %swap3A_120 = arith.constant 48 : index
      %swap3A_121 = tpu.vector_load %arg9[%swap3A_119, %swap3A_120] {strides = array<i32>} : memref<112x128xf32, #tpu.memory_space<vmem>>, vector<1x16xf32>,
      %swap3A_122 = vector.shape_cast %swap3A_121 : vector<1x16xf32> to vector<16xf32>
      %swap3A_123 = vector.shape_cast %sub3A_118 : vector<16xf32> to vector<1x16xf32>
      tpu.vector_store %arg9[%swap3A_119, %swap3A_120], %swap3A_123 {strides = array<i32>} : memref<112x128xf32, #tpu.memory_space<vmem>>, vector<1x16xf32>,
      %get3A_124 = arith.index_cast %scan3A_70 : i32 to index
      %get3A_125 = arith.constant 64 : index
      %get3A_126 = tpu.vector_load %arg9[%get3A_124, %get3A_125] {strides = array<i32>} : memref<112x128xf32, #tpu.memory_space<vmem>>, vector<1x16xf32>,
      %get3A_127 = vector.shape_cast %get3A_126 : vector<1x16xf32> to vector<16xf32>
      %get3A_128 = arith.index_cast %scan3A_70 : i32 to index
      %get3A_129 = arith.constant 64 : index
      %get3A_130 = tpu.vector_load %arg10[%get3A_128, %get3A_129] {strides = array<i32>} : memref<112x128xf32, #tpu.memory_space<vmem>>, vector<1x16xf32>,
      %get3A_131 = vector.shape_cast %get3A_130 : vector<1x16xf32> to vector<16xf32>
      %sub3A_132 = arith.subf %get3A_127, %get3A_131 : vector<16xf32>
      %swap3A_133 = arith.index_cast %scan3A_70 : i32 to index
      %swap3A_134 = arith.constant 64 : index
      %swap3A_135 = tpu.vector_load %arg9[%swap3A_133, %swap3A_134] {strides = array<i32>} : memref<112x128xf32, #tpu.memory_space<vmem>>, vector<1x16xf32>,
      %swap3A_136 = vector.shape_cast %swap3A_135 : vector<1x16xf32> to vector<16xf32>
      %swap3A_137 = vector.shape_cast %sub3A_132 : vector<16xf32> to vector<1x16xf32>
      tpu.vector_store %arg9[%swap3A_133, %swap3A_134], %swap3A_137 {strides = array<i32>} : memref<112x128xf32, #tpu.memory_space<vmem>>, vector<1x16xf32>,
      %get3A_138 = arith.index_cast %scan3A_70 : i32 to index
      %get3A_139 = arith.constant 80 : index
      %get3A_140 = tpu.vector_load %arg9[%get3A_138, %get3A_139] {strides = array<i32>} : memref<112x128xf32, #tpu.memory_space<vmem>>, vector<1x16xf32>,
      %get3A_141 = vector.shape_cast %get3A_140 : vector<1x16xf32> to vector<16xf32>
      %get3A_142 = arith.index_cast %scan3A_70 : i32 to index
      %get3A_143 = arith.constant 80 : index
      %get3A_144 = tpu.vector_load %arg10[%get3A_142, %get3A_143] {strides = array<i32>} : memref<112x128xf32, #tpu.memory_space<vmem>>, vector<1x16xf32>,
      %get3A_145 = vector.shape_cast %get3A_144 : vector<1x16xf32> to vector<16xf32>
      %sub3A_146 = arith.subf %get3A_141, %get3A_145 : vector<16xf32>
      %swap3A_147 = arith.index_cast %scan3A_70 : i32 to index
      %swap3A_148 = arith.constant 80 : index
      %swap3A_149 = tpu.vector_load %arg9[%swap3A_147, %swap3A_148] {strides = array<i32>} : memref<112x128xf32, #tpu.memory_space<vmem>>, vector<1x16xf32>,
      %swap3A_150 = vector.shape_cast %swap3A_149 : vector<1x16xf32> to vector<16xf32>
      %swap3A_151 = vector.shape_cast %sub3A_146 : vector<16xf32> to vector<1x16xf32>
      tpu.vector_store %arg9[%swap3A_147, %swap3A_148], %swap3A_151 {strides = array<i32>} : memref<112x128xf32, #tpu.memory_space<vmem>>, vector<1x16xf32>,
      %get3A_152 = arith.index_cast %scan3A_70 : i32 to index
      %get3A_153 = arith.constant 96 : index
      %get3A_154 = tpu.vector_load %arg9[%get3A_152, %get3A_153] {strides = array<i32>} : memref<112x128xf32, #tpu.memory_space<vmem>>, vector<1x16xf32>,
      %get3A_155 = vector.shape_cast %get3A_154 : vector<1x16xf32> to vector<16xf32>
      %get3A_156 = arith.index_cast %scan3A_70 : i32 to index
      %get3A_157 = arith.constant 96 : index
      %get3A_158 = tpu.vector_load %arg10[%get3A_156, %get3A_157] {strides = array<i32>} : memref<112x128xf32, #tpu.memory_space<vmem>>, vector<1x16xf32>,
      %get3A_159 = vector.shape_cast %get3A_158 : vector<1x16xf32> to vector<16xf32>
      %sub3A_160 = arith.subf %get3A_155, %get3A_159 : vector<16xf32>
      %swap3A_161 = arith.index_cast %scan3A_70 : i32 to index
      %swap3A_162 = arith.constant 96 : index
      %swap3A_163 = tpu.vector_load %arg9[%swap3A_161, %swap3A_162] {strides = array<i32>} : memref<112x128xf32, #tpu.memory_space<vmem>>, vector<1x16xf32>,
      %swap3A_164 = vector.shape_cast %swap3A_163 : vector<1x16xf32> to vector<16xf32>
      %swap3A_165 = vector.shape_cast %sub3A_160 : vector<16xf32> to vector<1x16xf32>
      tpu.vector_store %arg9[%swap3A_161, %swap3A_162], %swap3A_165 {strides = array<i32>} : memref<112x128xf32, #tpu.memory_space<vmem>>, vector<1x16xf32>,
      %get3A_166 = arith.index_cast %scan3A_70 : i32 to index
      %get3A_167 = arith.constant 112 : index
      %get3A_168 = tpu.vector_load %arg9[%get3A_166, %get3A_167] {strides = array<i32>} : memref<112x128xf32, #tpu.memory_space<vmem>>, vector<1x16xf32>,
      %get3A_169 = vector.shape_cast %get3A_168 : vector<1x16xf32> to vector<16xf32>
      %get3A_170 = arith.index_cast %scan3A_70 : i32 to index
      %get3A_171 = arith.constant 112 : index
      %get3A_172 = tpu.vector_load %arg10[%get3A_170, %get3A_171] {strides = array<i32>} : memref<112x128xf32, #tpu.memory_space<vmem>>, vector<1x16xf32>,
      %get3A_173 = vector.shape_cast %get3A_172 : vector<1x16xf32> to vector<16xf32>
      %sub3A_174 = arith.subf %get3A_169, %get3A_173 : vector<16xf32>
      %swap3A_175 = arith.index_cast %scan3A_70 : i32 to index
      %swap3A_176 = arith.constant 112 : index
      %swap3A_177 = tpu.vector_load %arg9[%swap3A_175, %swap3A_176] {strides = array<i32>} : memref<112x128xf32, #tpu.memory_space<vmem>>, vector<1x16xf32>,
      %swap3A_178 = vector.shape_cast %swap3A_177 : vector<1x16xf32> to vector<16xf32>
      %swap3A_179 = vector.shape_cast %sub3A_174 : vector<16xf32> to vector<1x16xf32>
      tpu.vector_store %arg9[%swap3A_175, %swap3A_176], %swap3A_179 {strides = array<i32>} : memref<112x128xf32, #tpu.memory_space<vmem>>, vector<1x16xf32>,
    }
    %scan3A_33 = arith.constant 112 : i32
    %add3A_34 = arith.constant 6048 : i32
    %add3A_35 = arith.addi %mul3A_2, %add3A_34 : i32
    %dma_start3A_36 = arith.constant 0 : i32
    %dma_start3A_37 = tpu.memref_slice %arg6[%add3A_35, %dma_start3A_36] : memref<200704x128xf32, #tpu.memory_space<hbm>> -> memref<112x128xf32, #tpu.memory_space<hbm>>
    %dma_start3A_38 = arith.constant 0 : i32
    %dma_start3A_39 = tpu.memref_slice %arg6[%add3A_35, %dma_start3A_38] : memref<200704x128xf32, #tpu.memory_space<hbm>> -> memref<112x128xf32, #tpu.memory_space<hbm>>
    tpu.enqueue_dma source(%arg9 : memref<112x128xf32, #tpu.memory_space<vmem>>) target(%dma_start3A_39 : memref<112x128xf32, #tpu.memory_space<hbm>>) target_semaphore(%arg12 : memref<!tpu.dma_semaphore, #tpu.memory_space<semaphore_mem>>)
    %add3A_40 = arith.constant 6048 : i32
    %add3A_41 = arith.addi %mul3A_2, %add3A_40 : i32
    %dma_wait3A_42 = arith.constant 0 : i32
    %dma_wait3A_43 = tpu.memref_slice %arg6[%add3A_41, %dma_wait3A_42] : memref<200704x128xf32, #tpu.memory_space<hbm>> -> memref<112x128xf32, #tpu.memory_space<hbm>>
    %dma_wait3A_44 = arith.constant 0 : i32
    %dma_wait3A_45 = tpu.memref_slice %arg6[%add3A_41, %dma_wait3A_44] : memref<200704x128xf32, #tpu.memory_space<hbm>> -> memref<112x128xf32, #tpu.memory_space<hbm>>
    tpu.wait_dma2 semaphore(%arg12 : memref<!tpu.dma_semaphore, #tpu.memory_space<semaphore_mem>>) src(%arg9 : memref<112x128xf32, #tpu.memory_space<vmem>>) dst(%dma_wait3A_45 : memref<112x128xf32, #tpu.memory_space<hbm>>)
    %dma_wait3A_46 = arith.constant 0 : i32
    %dma_wait3A_47 = arith.constant 0 : i32
    %dma_wait3A_48 = tpu.memref_slice %arg2[%dma_wait3A_46, %dma_wait3A_47] : memref<53248x128xf32, #tpu.memory_space<hbm>> -> memref<53248x128xf32, #tpu.memory_space<hbm>>
    tpu.wait_indirect_dma semaphore(%arg17 : memref<!tpu.dma_semaphore, #tpu.memory_space<semaphore_mem>>) src(%dma_wait3A_48 : memref<53248x128xf32, #tpu.memory_space<hbm>>) dst(%arg15 : memref<112x128xf32, #tpu.memory_space<vmem>>)
    %dma_wait3A_49 = arith.constant 0 : i32
    %dma_wait3A_50 = arith.constant 0 : i32
    %dma_wait3A_51 = tpu.memref_slice %arg3[%dma_wait3A_49, %dma_wait3A_50] : memref<200704x128xf32, #tpu.memory_space<hbm>> -> memref<200704x128xf32, #tpu.memory_space<hbm>>
    tpu.wait_indirect_dma semaphore(%arg17 : memref<!tpu.dma_semaphore, #tpu.memory_space<semaphore_mem>>) src(%dma_wait3A_51 : memref<200704x128xf32, #tpu.memory_space<hbm>>) dst(%arg16 : memref<112x128xf32, #tpu.memory_space<vmem>>)
    %scan3A_52 = arith.constant 0 : i32
    %scan3A_53 = arith.constant 0 : i32
    %scan3A_54 = arith.constant 112 : i32
    %scan3A_55 = arith.addi %scan3A_53, %scan3A_54 : i32
    %scan3A_56 = arith.constant 1 : i32
    scf.for %scan3A_70 = %scan3A_53 to %scan3A_55 step %scan3A_56  : i32 {
      %get3A = arith.index_cast %scan3A_70 : i32 to index
      %get3A_71 = arith.constant 0 : index
      %get3A_72 = tpu.vector_load %arg15[%get3A, %get3A_71] {strides = array<i32>} : memref<112x128xf32, #tpu.memory_space<vmem>>, vector<1x16xf32>,
      %get3A_73 = vector.shape_cast %get3A_72 : vector<1x16xf32> to vector<16xf32>
      %get3A_74 = arith.index_cast %scan3A_70 : i32 to index
      %get3A_75 = arith.constant 0 : index
      %get3A_76 = tpu.vector_load %arg16[%get3A_74, %get3A_75] {strides = array<i32>} : memref<112x128xf32, #tpu.memory_space<vmem>>, vector<1x16xf32>,
      %get3A_77 = vector.shape_cast %get3A_76 : vector<1x16xf32> to vector<16xf32>
      %sub3A = arith.subf %get3A_73, %get3A_77 : vector<16xf32>
      %swap3A = arith.index_cast %scan3A_70 : i32 to index
      %swap3A_78 = arith.constant 0 : index
      %swap3A_79 = tpu.vector_load %arg15[%swap3A, %swap3A_78] {strides = array<i32>} : memref<112x128xf32, #tpu.memory_space<vmem>>, vector<1x16xf32>,
      %swap3A_80 = vector.shape_cast %swap3A_79 : vector<1x16xf32> to vector<16xf32>
      %swap3A_81 = vector.shape_cast %sub3A : vector<16xf32> to vector<1x16xf32>
      tpu.vector_store %arg15[%swap3A, %swap3A_78], %swap3A_81 {strides = array<i32>} : memref<112x128xf32, #tpu.memory_space<vmem>>, vector<1x16xf32>,
      %get3A_82 = arith.index_cast %scan3A_70 : i32 to index
      %get3A_83 = arith.constant 16 : index
      %get3A_84 = tpu.vector_load %arg15[%get3A_82, %get3A_83] {strides = array<i32>} : memref<112x128xf32, #tpu.memory_space<vmem>>, vector<1x16xf32>,
      %get3A_85 = vector.shape_cast %get3A_84 : vector<1x16xf32> to vector<16xf32>
      %get3A_86 = arith.index_cast %scan3A_70 : i32 to index
      %get3A_87 = arith.constant 16 : index
      %get3A_88 = tpu.vector_load %arg16[%get3A_86, %get3A_87] {strides = array<i32>} : memref<112x128xf32, #tpu.memory_space<vmem>>, vector<1x16xf32>,
      %get3A_89 = vector.shape_cast %get3A_88 : vector<1x16xf32> to vector<16xf32>
      %sub3A_90 = arith.subf %get3A_85, %get3A_89 : vector<16xf32>
      %swap3A_91 = arith.index_cast %scan3A_70 : i32 to index
      %swap3A_92 = arith.constant 16 : index
      %swap3A_93 = tpu.vector_load %arg15[%swap3A_91, %swap3A_92] {strides = array<i32>} : memref<112x128xf32, #tpu.memory_space<vmem>>, vector<1x16xf32>,
      %swap3A_94 = vector.shape_cast %swap3A_93 : vector<1x16xf32> to vector<16xf32>
      %swap3A_95 = vector.shape_cast %sub3A_90 : vector<16xf32> to vector<1x16xf32>
      tpu.vector_store %arg15[%swap3A_91, %swap3A_92], %swap3A_95 {strides = array<i32>} : memref<112x128xf32, #tpu.memory_space<vmem>>, vector<1x16xf32>,
      %get3A_96 = arith.index_cast %scan3A_70 : i32 to index
      %get3A_97 = arith.constant 32 : index
      %get3A_98 = tpu.vector_load %arg15[%get3A_96, %get3A_97] {strides = array<i32>} : memref<112x128xf32, #tpu.memory_space<vmem>>, vector<1x16xf32>,
      %get3A_99 = vector.shape_cast %get3A_98 : vector<1x16xf32> to vector<16xf32>
      %get3A_100 = arith.index_cast %scan3A_70 : i32 to index
      %get3A_101 = arith.constant 32 : index
      %get3A_102 = tpu.vector_load %arg16[%get3A_100, %get3A_101] {strides = array<i32>} : memref<112x128xf32, #tpu.memory_space<vmem>>, vector<1x16xf32>,
      %get3A_103 = vector.shape_cast %get3A_102 : vector<1x16xf32> to vector<16xf32>
      %sub3A_104 = arith.subf %get3A_99, %get3A_103 : vector<16xf32>
      %swap3A_105 = arith.index_cast %scan3A_70 : i32 to index
      %swap3A_106 = arith.constant 32 : index
      %swap3A_107 = tpu.vector_load %arg15[%swap3A_105, %swap3A_106] {strides = array<i32>} : memref<112x128xf32, #tpu.memory_space<vmem>>, vector<1x16xf32>,
      %swap3A_108 = vector.shape_cast %swap3A_107 : vector<1x16xf32> to vector<16xf32>
      %swap3A_109 = vector.shape_cast %sub3A_104 : vector<16xf32> to vector<1x16xf32>
      tpu.vector_store %arg15[%swap3A_105, %swap3A_106], %swap3A_109 {strides = array<i32>} : memref<112x128xf32, #tpu.memory_space<vmem>>, vector<1x16xf32>,
      %get3A_110 = arith.index_cast %scan3A_70 : i32 to index
      %get3A_111 = arith.constant 48 : index
      %get3A_112 = tpu.vector_load %arg15[%get3A_110, %get3A_111] {strides = array<i32>} : memref<112x128xf32, #tpu.memory_space<vmem>>, vector<1x16xf32>,
      %get3A_113 = vector.shape_cast %get3A_112 : vector<1x16xf32> to vector<16xf32>
      %get3A_114 = arith.index_cast %scan3A_70 : i32 to index
      %get3A_115 = arith.constant 48 : index
      %get3A_116 = tpu.vector_load %arg16[%get3A_114, %get3A_115] {strides = array<i32>} : memref<112x128xf32, #tpu.memory_space<vmem>>, vector<1x16xf32>,
      %get3A_117 = vector.shape_cast %get3A_116 : vector<1x16xf32> to vector<16xf32>
      %sub3A_118 = arith.subf %get3A_113, %get3A_117 : vector<16xf32>
      %swap3A_119 = arith.index_cast %scan3A_70 : i32 to index
      %swap3A_120 = arith.constant 48 : index
      %swap3A_121 = tpu.vector_load %arg15[%swap3A_119, %swap3A_120] {strides = array<i32>} : memref<112x128xf32, #tpu.memory_space<vmem>>, vector<1x16xf32>,
      %swap3A_122 = vector.shape_cast %swap3A_121 : vector<1x16xf32> to vector<16xf32>
      %swap3A_123 = vector.shape_cast %sub3A_118 : vector<16xf32> to vector<1x16xf32>
      tpu.vector_store %arg15[%swap3A_119, %swap3A_120], %swap3A_123 {strides = array<i32>} : memref<112x128xf32, #tpu.memory_space<vmem>>, vector<1x16xf32>,
      %get3A_124 = arith.index_cast %scan3A_70 : i32 to index
      %get3A_125 = arith.constant 64 : index
      %get3A_126 = tpu.vector_load %arg15[%get3A_124, %get3A_125] {strides = array<i32>} : memref<112x128xf32, #tpu.memory_space<vmem>>, vector<1x16xf32>,
      %get3A_127 = vector.shape_cast %get3A_126 : vector<1x16xf32> to vector<16xf32>
      %get3A_128 = arith.index_cast %scan3A_70 : i32 to index
      %get3A_129 = arith.constant 64 : index
      %get3A_130 = tpu.vector_load %arg16[%get3A_128, %get3A_129] {strides = array<i32>} : memref<112x128xf32, #tpu.memory_space<vmem>>, vector<1x16xf32>,
      %get3A_131 = vector.shape_cast %get3A_130 : vector<1x16xf32> to vector<16xf32>
      %sub3A_132 = arith.subf %get3A_127, %get3A_131 : vector<16xf32>
      %swap3A_133 = arith.index_cast %scan3A_70 : i32 to index
      %swap3A_134 = arith.constant 64 : index
      %swap3A_135 = tpu.vector_load %arg15[%swap3A_133, %swap3A_134] {strides = array<i32>} : memref<112x128xf32, #tpu.memory_space<vmem>>, vector<1x16xf32>,
      %swap3A_136 = vector.shape_cast %swap3A_135 : vector<1x16xf32> to vector<16xf32>
      %swap3A_137 = vector.shape_cast %sub3A_132 : vector<16xf32> to vector<1x16xf32>
      tpu.vector_store %arg15[%swap3A_133, %swap3A_134], %swap3A_137 {strides = array<i32>} : memref<112x128xf32, #tpu.memory_space<vmem>>, vector<1x16xf32>,
      %get3A_138 = arith.index_cast %scan3A_70 : i32 to index
      %get3A_139 = arith.constant 80 : index
      %get3A_140 = tpu.vector_load %arg15[%get3A_138, %get3A_139] {strides = array<i32>} : memref<112x128xf32, #tpu.memory_space<vmem>>, vector<1x16xf32>,
      %get3A_141 = vector.shape_cast %get3A_140 : vector<1x16xf32> to vector<16xf32>
      %get3A_142 = arith.index_cast %scan3A_70 : i32 to index
      %get3A_143 = arith.constant 80 : index
      %get3A_144 = tpu.vector_load %arg16[%get3A_142, %get3A_143] {strides = array<i32>} : memref<112x128xf32, #tpu.memory_space<vmem>>, vector<1x16xf32>,
      %get3A_145 = vector.shape_cast %get3A_144 : vector<1x16xf32> to vector<16xf32>
      %sub3A_146 = arith.subf %get3A_141, %get3A_145 : vector<16xf32>
      %swap3A_147 = arith.index_cast %scan3A_70 : i32 to index
      %swap3A_148 = arith.constant 80 : index
      %swap3A_149 = tpu.vector_load %arg15[%swap3A_147, %swap3A_148] {strides = array<i32>} : memref<112x128xf32, #tpu.memory_space<vmem>>, vector<1x16xf32>,
      %swap3A_150 = vector.shape_cast %swap3A_149 : vector<1x16xf32> to vector<16xf32>
      %swap3A_151 = vector.shape_cast %sub3A_146 : vector<16xf32> to vector<1x16xf32>
      tpu.vector_store %arg15[%swap3A_147, %swap3A_148], %swap3A_151 {strides = array<i32>} : memref<112x128xf32, #tpu.memory_space<vmem>>, vector<1x16xf32>,
      %get3A_152 = arith.index_cast %scan3A_70 : i32 to index
      %get3A_153 = arith.constant 96 : index
      %get3A_154 = tpu.vector_load %arg15[%get3A_152, %get3A_153] {strides = array<i32>} : memref<112x128xf32, #tpu.memory_space<vmem>>, vector<1x16xf32>,
      %get3A_155 = vector.shape_cast %get3A_154 : vector<1x16xf32> to vector<16xf32>
      %get3A_156 = arith.index_cast %scan3A_70 : i32 to index
      %get3A_157 = arith.constant 96 : index
      %get3A_158 = tpu.vector_load %arg16[%get3A_156, %get3A_157] {strides = array<i32>} : memref<112x128xf32, #tpu.memory_space<vmem>>, vector<1x16xf32>,
      %get3A_159 = vector.shape_cast %get3A_158 : vector<1x16xf32> to vector<16xf32>
      %sub3A_160 = arith.subf %get3A_155, %get3A_159 : vector<16xf32>
      %swap3A_161 = arith.index_cast %scan3A_70 : i32 to index
      %swap3A_162 = arith.constant 96 : index
      %swap3A_163 = tpu.vector_load %arg15[%swap3A_161, %swap3A_162] {strides = array<i32>} : memref<112x128xf32, #tpu.memory_space<vmem>>, vector<1x16xf32>,
      %swap3A_164 = vector.shape_cast %swap3A_163 : vector<1x16xf32> to vector<16xf32>
      %swap3A_165 = vector.shape_cast %sub3A_160 : vector<16xf32> to vector<1x16xf32>
      tpu.vector_store %arg15[%swap3A_161, %swap3A_162], %swap3A_165 {strides = array<i32>} : memref<112x128xf32, #tpu.memory_space<vmem>>, vector<1x16xf32>,
      %get3A_166 = arith.index_cast %scan3A_70 : i32 to index
      %get3A_167 = arith.constant 112 : index
      %get3A_168 = tpu.vector_load %arg15[%get3A_166, %get3A_167] {strides = array<i32>} : memref<112x128xf32, #tpu.memory_space<vmem>>, vector<1x16xf32>,
      %get3A_169 = vector.shape_cast %get3A_168 : vector<1x16xf32> to vector<16xf32>
      %get3A_170 = arith.index_cast %scan3A_70 : i32 to index
      %get3A_171 = arith.constant 112 : index
      %get3A_172 = tpu.vector_load %arg16[%get3A_170, %get3A_171] {strides = array<i32>} : memref<112x128xf32, #tpu.memory_space<vmem>>, vector<1x16xf32>,
      %get3A_173 = vector.shape_cast %get3A_172 : vector<1x16xf32> to vector<16xf32>
      %sub3A_174 = arith.subf %get3A_169, %get3A_173 : vector<16xf32>
      %swap3A_175 = arith.index_cast %scan3A_70 : i32 to index
      %swap3A_176 = arith.constant 112 : index
      %swap3A_177 = tpu.vector_load %arg15[%swap3A_175, %swap3A_176] {strides = array<i32>} : memref<112x128xf32, #tpu.memory_space<vmem>>, vector<1x16xf32>,
      %swap3A_178 = vector.shape_cast %swap3A_177 : vector<1x16xf32> to vector<16xf32>
      %swap3A_179 = vector.shape_cast %sub3A_174 : vector<16xf32> to vector<1x16xf32>
      tpu.vector_store %arg15[%swap3A_175, %swap3A_176], %swap3A_179 {strides = array<i32>} : memref<112x128xf32, #tpu.memory_space<vmem>>, vector<1x16xf32>,
    }
    %scan3A_57 = arith.constant 112 : i32
    %add3A_58 = arith.constant 6160 : i32
    %add3A_59 = arith.addi %mul3A_2, %add3A_58 : i32
    %dma_start3A_60 = arith.constant 0 : i32
    %dma_start3A_61 = tpu.memref_slice %arg6[%add3A_59, %dma_start3A_60] : memref<200704x128xf32, #tpu.memory_space<hbm>> -> memref<112x128xf32, #tpu.memory_space<hbm>>
    %dma_start3A_62 = arith.constant 0 : i32
    %dma_start3A_63 = tpu.memref_slice %arg6[%add3A_59, %dma_start3A_62] : memref<200704x128xf32, #tpu.memory_space<hbm>> -> memref<112x128xf32, #tpu.memory_space<hbm>>
    tpu.enqueue_dma source(%arg15 : memref<112x128xf32, #tpu.memory_space<vmem>>) target(%dma_start3A_63 : memref<112x128xf32, #tpu.memory_space<hbm>>) target_semaphore(%arg18 : memref<!tpu.dma_semaphore, #tpu.memory_space<semaphore_mem>>)
    %add3A_64 = arith.constant 6160 : i32
    %add3A_65 = arith.addi %mul3A_2, %add3A_64 : i32
    %dma_wait3A_66 = arith.constant 0 : i32
    %dma_wait3A_67 = tpu.memref_slice %arg6[%add3A_65, %dma_wait3A_66] : memref<200704x128xf32, #tpu.memory_space<hbm>> -> memref<112x128xf32, #tpu.memory_space<hbm>>
    %dma_wait3A_68 = arith.constant 0 : i32
    %dma_wait3A_69 = tpu.memref_slice %arg6[%add3A_65, %dma_wait3A_68] : memref<200704x128xf32, #tpu.memory_space<hbm>> -> memref<112x128xf32, #tpu.memory_space<hbm>>
    tpu.wait_dma2 semaphore(%arg18 : memref<!tpu.dma_semaphore, #tpu.memory_space<semaphore_mem>>) src(%arg15 : memref<112x128xf32, #tpu.memory_space<vmem>>) dst(%dma_wait3A_69 : memref<112x128xf32, #tpu.memory_space<hbm>>)
    return
  }
}

#map = affine_map<(d0, d1) -> (0, 0)>
#map1 = affine_map<(d0, d1) -> (0)>
module attributes {stable_mosaic.version = 14 : i64} {
  func.func @body(%arg0: i32, %arg1: i32, %arg2: memref<200704x128xf32, #tpu.memory_space<hbm>>, %arg3: memref<319488xi32, #tpu.memory_space<hbm>>, %arg4: memref<319488x128xf32, #tpu.memory_space<hbm>>, %arg5: memref<104xi32, #tpu.memory_space<vmem>>, %arg6: memref<104xi32, #tpu.memory_space<vmem>>, %arg7: memref<104x128xf32, #tpu.memory_space<vmem>>, %arg8: memref<104x128xf32, #tpu.memory_space<vmem>>, %arg9: memref<!tpu.dma_semaphore, #tpu.memory_space<semaphore_mem>>, %arg10: memref<!tpu.dma_semaphore, #tpu.memory_space<semaphore_mem>>, %arg11: memref<104xi32, #tpu.memory_space<vmem>>, %arg12: memref<104xi32, #tpu.memory_space<vmem>>, %arg13: memref<104x128xf32, #tpu.memory_space<vmem>>, %arg14: memref<104x128xf32, #tpu.memory_space<vmem>>, %arg15: memref<!tpu.dma_semaphore, #tpu.memory_space<semaphore_mem>>, %arg16: memref<!tpu.dma_semaphore, #tpu.memory_space<semaphore_mem>>) attributes {dimension_semantics = [#tpu.dimension_semantics<core_parallel>, #tpu.dimension_semantics<subcore_parallel>], iteration_bounds = array<i64: 2, 16>, scalar_prefetch = 0 : i64, scratch_operands = 12 : i64, tpu.core_type = #tpu.core_type<sc_vector_subcore>, window_params = [{transform_indices = #map}, {transform_indices = #map1}, {transform_indices = #map}]} {
    %mul3A = arith.constant 2 : i32
    %mul3A_0 = arith.muli %arg1, %mul3A : i32
    %add3A = arith.addi %mul3A_0, %arg0 : i32
    %mul3A_1 = arith.constant 9984 : i32
    %mul3A_2 = arith.muli %add3A, %mul3A_1 : i32
    %add3A_3 = arith.constant 0 : i32
    %add3A_4 = arith.addi %mul3A_2, %add3A_3 : i32
    "tpu.region"() ({
      %run_scoped3A = tpu.sem_alloc : memref<!tpu.dma_semaphore, #tpu.memory_space<semaphore_mem>>
      %dma_start3A_86 = tpu.memref_slice %arg3[%add3A_4] : memref<319488xi32, #tpu.memory_space<hbm>> -> memref<104xi32, #tpu.memory_space<hbm>>
      %dma_start3A_87 = tpu.memref_slice %arg3[%add3A_4] : memref<319488xi32, #tpu.memory_space<hbm>> -> memref<104xi32, #tpu.memory_space<hbm>>
      tpu.enqueue_dma source(%dma_start3A_87 : memref<104xi32, #tpu.memory_space<hbm>>) target(%arg5 : memref<104xi32, #tpu.memory_space<vmem>>) target_semaphore(%run_scoped3A : memref<!tpu.dma_semaphore, #tpu.memory_space<semaphore_mem>>)
      %dma_wait3A_88 = tpu.memref_slice %arg3[%add3A_4] : memref<319488xi32, #tpu.memory_space<hbm>> -> memref<104xi32, #tpu.memory_space<hbm>>
      %dma_wait3A_89 = tpu.memref_slice %arg3[%add3A_4] : memref<319488xi32, #tpu.memory_space<hbm>> -> memref<104xi32, #tpu.memory_space<hbm>>
      tpu.wait_dma2 semaphore(%run_scoped3A : memref<!tpu.dma_semaphore, #tpu.memory_space<semaphore_mem>>) src(%dma_wait3A_89 : memref<104xi32, #tpu.memory_space<hbm>>) dst(%arg5 : memref<104xi32, #tpu.memory_space<vmem>>)
      tpu.yield
    }) : () -> ()
    %add3A_5 = arith.constant 104 : i32
    %add3A_6 = arith.addi %add3A_4, %add3A_5 : i32
    "tpu.region"() ({
      %run_scoped3A = tpu.sem_alloc : memref<!tpu.dma_semaphore, #tpu.memory_space<semaphore_mem>>
      %dma_start3A_86 = tpu.memref_slice %arg3[%add3A_6] : memref<319488xi32, #tpu.memory_space<hbm>> -> memref<104xi32, #tpu.memory_space<hbm>>
      %dma_start3A_87 = tpu.memref_slice %arg3[%add3A_6] : memref<319488xi32, #tpu.memory_space<hbm>> -> memref<104xi32, #tpu.memory_space<hbm>>
      tpu.enqueue_dma source(%dma_start3A_87 : memref<104xi32, #tpu.memory_space<hbm>>) target(%arg6 : memref<104xi32, #tpu.memory_space<vmem>>) target_semaphore(%run_scoped3A : memref<!tpu.dma_semaphore, #tpu.memory_space<semaphore_mem>>)
      %dma_wait3A_88 = tpu.memref_slice %arg3[%add3A_6] : memref<319488xi32, #tpu.memory_space<hbm>> -> memref<104xi32, #tpu.memory_space<hbm>>
      %dma_wait3A_89 = tpu.memref_slice %arg3[%add3A_6] : memref<319488xi32, #tpu.memory_space<hbm>> -> memref<104xi32, #tpu.memory_space<hbm>>
      tpu.wait_dma2 semaphore(%run_scoped3A : memref<!tpu.dma_semaphore, #tpu.memory_space<semaphore_mem>>) src(%dma_wait3A_89 : memref<104xi32, #tpu.memory_space<hbm>>) dst(%arg6 : memref<104xi32, #tpu.memory_space<vmem>>)
      tpu.yield
    }) : () -> ()
    %dma_start3A = arith.constant 0 : i32
    %dma_start3A_7 = arith.constant 0 : i32
    %dma_start3A_8 = tpu.memref_slice %arg2[%dma_start3A, %dma_start3A_7] : memref<200704x128xf32, #tpu.memory_space<hbm>> -> memref<200704x128xf32, #tpu.memory_space<hbm>>
    tpu.enqueue_indirect_dma source(%dma_start3A_8 : memref<200704x128xf32, #tpu.memory_space<hbm>>) target(%arg7 : memref<104x128xf32, #tpu.memory_space<vmem>>) offsets(%arg5 : memref<104xi32, #tpu.memory_space<vmem>>) semaphore(%arg9 : memref<!tpu.dma_semaphore, #tpu.memory_space<semaphore_mem>>)
    %dma_start3A_9 = arith.constant 0 : i32
    %dma_start3A_10 = arith.constant 0 : i32
    %dma_start3A_11 = tpu.memref_slice %arg2[%dma_start3A_9, %dma_start3A_10] : memref<200704x128xf32, #tpu.memory_space<hbm>> -> memref<200704x128xf32, #tpu.memory_space<hbm>>
    tpu.enqueue_indirect_dma source(%dma_start3A_11 : memref<200704x128xf32, #tpu.memory_space<hbm>>) target(%arg8 : memref<104x128xf32, #tpu.memory_space<vmem>>) offsets(%arg6 : memref<104xi32, #tpu.memory_space<vmem>>) semaphore(%arg9 : memref<!tpu.dma_semaphore, #tpu.memory_space<semaphore_mem>>)
    %add3A_12 = arith.constant 208 : i32
    %add3A_13 = arith.addi %mul3A_2, %add3A_12 : i32
    "tpu.region"() ({
      %run_scoped3A = tpu.sem_alloc : memref<!tpu.dma_semaphore, #tpu.memory_space<semaphore_mem>>
      %dma_start3A_86 = tpu.memref_slice %arg3[%add3A_13] : memref<319488xi32, #tpu.memory_space<hbm>> -> memref<104xi32, #tpu.memory_space<hbm>>
      %dma_start3A_87 = tpu.memref_slice %arg3[%add3A_13] : memref<319488xi32, #tpu.memory_space<hbm>> -> memref<104xi32, #tpu.memory_space<hbm>>
      tpu.enqueue_dma source(%dma_start3A_87 : memref<104xi32, #tpu.memory_space<hbm>>) target(%arg11 : memref<104xi32, #tpu.memory_space<vmem>>) target_semaphore(%run_scoped3A : memref<!tpu.dma_semaphore, #tpu.memory_space<semaphore_mem>>)
      %dma_wait3A_88 = tpu.memref_slice %arg3[%add3A_13] : memref<319488xi32, #tpu.memory_space<hbm>> -> memref<104xi32, #tpu.memory_space<hbm>>
      %dma_wait3A_89 = tpu.memref_slice %arg3[%add3A_13] : memref<319488xi32, #tpu.memory_space<hbm>> -> memref<104xi32, #tpu.memory_space<hbm>>
      tpu.wait_dma2 semaphore(%run_scoped3A : memref<!tpu.dma_semaphore, #tpu.memory_space<semaphore_mem>>) src(%dma_wait3A_89 : memref<104xi32, #tpu.memory_space<hbm>>) dst(%arg11 : memref<104xi32, #tpu.memory_space<vmem>>)
      tpu.yield
    }) : () -> ()
    %add3A_14 = arith.constant 104 : i32
    %add3A_15 = arith.addi %add3A_13, %add3A_14 : i32
    "tpu.region"() ({
      %run_scoped3A = tpu.sem_alloc : memref<!tpu.dma_semaphore, #tpu.memory_space<semaphore_mem>>
      %dma_start3A_86 = tpu.memref_slice %arg3[%add3A_15] : memref<319488xi32, #tpu.memory_space<hbm>> -> memref<104xi32, #tpu.memory_space<hbm>>
      %dma_start3A_87 = tpu.memref_slice %arg3[%add3A_15] : memref<319488xi32, #tpu.memory_space<hbm>> -> memref<104xi32, #tpu.memory_space<hbm>>
      tpu.enqueue_dma source(%dma_start3A_87 : memref<104xi32, #tpu.memory_space<hbm>>) target(%arg12 : memref<104xi32, #tpu.memory_space<vmem>>) target_semaphore(%run_scoped3A : memref<!tpu.dma_semaphore, #tpu.memory_space<semaphore_mem>>)
      %dma_wait3A_88 = tpu.memref_slice %arg3[%add3A_15] : memref<319488xi32, #tpu.memory_space<hbm>> -> memref<104xi32, #tpu.memory_space<hbm>>
      %dma_wait3A_89 = tpu.memref_slice %arg3[%add3A_15] : memref<319488xi32, #tpu.memory_space<hbm>> -> memref<104xi32, #tpu.memory_space<hbm>>
      tpu.wait_dma2 semaphore(%run_scoped3A : memref<!tpu.dma_semaphore, #tpu.memory_space<semaphore_mem>>) src(%dma_wait3A_89 : memref<104xi32, #tpu.memory_space<hbm>>) dst(%arg12 : memref<104xi32, #tpu.memory_space<vmem>>)
      tpu.yield
    }) : () -> ()
    %dma_start3A_16 = arith.constant 0 : i32
    %dma_start3A_17 = arith.constant 0 : i32
    %dma_start3A_18 = tpu.memref_slice %arg2[%dma_start3A_16, %dma_start3A_17] : memref<200704x128xf32, #tpu.memory_space<hbm>> -> memref<200704x128xf32, #tpu.memory_space<hbm>>
    tpu.enqueue_indirect_dma source(%dma_start3A_18 : memref<200704x128xf32, #tpu.memory_space<hbm>>) target(%arg13 : memref<104x128xf32, #tpu.memory_space<vmem>>) offsets(%arg11 : memref<104xi32, #tpu.memory_space<vmem>>) semaphore(%arg15 : memref<!tpu.dma_semaphore, #tpu.memory_space<semaphore_mem>>)
    %dma_start3A_19 = arith.constant 0 : i32
    %dma_start3A_20 = arith.constant 0 : i32
    %dma_start3A_21 = tpu.memref_slice %arg2[%dma_start3A_19, %dma_start3A_20] : memref<200704x128xf32, #tpu.memory_space<hbm>> -> memref<200704x128xf32, #tpu.memory_space<hbm>>
    tpu.enqueue_indirect_dma source(%dma_start3A_21 : memref<200704x128xf32, #tpu.memory_space<hbm>>) target(%arg14 : memref<104x128xf32, #tpu.memory_space<vmem>>) offsets(%arg12 : memref<104xi32, #tpu.memory_space<vmem>>) semaphore(%arg15 : memref<!tpu.dma_semaphore, #tpu.memory_space<semaphore_mem>>)
    %scan3A = arith.constant 0 : i32
    %scan3A_22 = arith.constant 0 : i32
    %scan3A_23 = arith.constant 23 : i32
    %scan3A_24 = arith.addi %scan3A_22, %scan3A_23 : i32
    %scan3A_25 = arith.constant 1 : i32
    scf.for %scan3A_86 = %scan3A_22 to %scan3A_24 step %scan3A_25  : i32 {
      %mul3A_87 = arith.constant 2 : i32
      %mul3A_88 = arith.muli %scan3A_86, %mul3A_87 : i32
      %add3A_89 = arith.constant 0 : i32
      %add3A_90 = arith.addi %mul3A_88, %add3A_89 : i32
      %dma_wait3A_91 = arith.constant 0 : i32
      %dma_wait3A_92 = arith.constant 0 : i32
      %dma_wait3A_93 = tpu.memref_slice %arg2[%dma_wait3A_91, %dma_wait3A_92] : memref<200704x128xf32, #tpu.memory_space<hbm>> -> memref<200704x128xf32, #tpu.memory_space<hbm>>
      tpu.wait_indirect_dma semaphore(%arg9 : memref<!tpu.dma_semaphore, #tpu.memory_space<semaphore_mem>>) src(%dma_wait3A_93 : memref<200704x128xf32, #tpu.memory_space<hbm>>) dst(%arg7 : memref<104x128xf32, #tpu.memory_space<vmem>>)
      %dma_wait3A_94 = arith.constant 0 : i32
      %dma_wait3A_95 = arith.constant 0 : i32
      %dma_wait3A_96 = tpu.memref_slice %arg2[%dma_wait3A_94, %dma_wait3A_95] : memref<200704x128xf32, #tpu.memory_space<hbm>> -> memref<200704x128xf32, #tpu.memory_space<hbm>>
      tpu.wait_indirect_dma semaphore(%arg9 : memref<!tpu.dma_semaphore, #tpu.memory_space<semaphore_mem>>) src(%dma_wait3A_96 : memref<200704x128xf32, #tpu.memory_space<hbm>>) dst(%arg8 : memref<104x128xf32, #tpu.memory_space<vmem>>)
      %mul3A_97 = arith.constant 208 : i32
      %mul3A_98 = arith.muli %add3A_90, %mul3A_97 : i32
      %add3A_99 = arith.addi %mul3A_2, %mul3A_98 : i32
      %add3A_100 = arith.constant 104 : i32
      %add3A_101 = arith.addi %add3A_99, %add3A_100 : i32
      %dma_start3A_102 = arith.constant 0 : i32
      %dma_start3A_103 = tpu.memref_slice %arg4[%add3A_99, %dma_start3A_102] : memref<319488x128xf32, #tpu.memory_space<hbm>> -> memref<104x128xf32, #tpu.memory_space<hbm>>
      %dma_start3A_104 = arith.constant 0 : i32
      %dma_start3A_105 = tpu.memref_slice %arg4[%add3A_99, %dma_start3A_104] : memref<319488x128xf32, #tpu.memory_space<hbm>> -> memref<104x128xf32, #tpu.memory_space<hbm>>
      tpu.enqueue_dma source(%arg7 : memref<104x128xf32, #tpu.memory_space<vmem>>) target(%dma_start3A_105 : memref<104x128xf32, #tpu.memory_space<hbm>>) target_semaphore(%arg10 : memref<!tpu.dma_semaphore, #tpu.memory_space<semaphore_mem>>)
      %dma_start3A_106 = arith.constant 0 : i32
      %dma_start3A_107 = tpu.memref_slice %arg4[%add3A_101, %dma_start3A_106] : memref<319488x128xf32, #tpu.memory_space<hbm>> -> memref<104x128xf32, #tpu.memory_space<hbm>>
      %dma_start3A_108 = arith.constant 0 : i32
      %dma_start3A_109 = tpu.memref_slice %arg4[%add3A_101, %dma_start3A_108] : memref<319488x128xf32, #tpu.memory_space<hbm>> -> memref<104x128xf32, #tpu.memory_space<hbm>>
      tpu.enqueue_dma source(%arg8 : memref<104x128xf32, #tpu.memory_space<vmem>>) target(%dma_start3A_109 : memref<104x128xf32, #tpu.memory_space<hbm>>) target_semaphore(%arg10 : memref<!tpu.dma_semaphore, #tpu.memory_space<semaphore_mem>>)
      %mul3A_110 = arith.constant 208 : i32
      %mul3A_111 = arith.muli %add3A_90, %mul3A_110 : i32
      %add3A_112 = arith.addi %mul3A_2, %mul3A_111 : i32
      %add3A_113 = arith.constant 104 : i32
      %add3A_114 = arith.addi %add3A_112, %add3A_113 : i32
      %dma_wait3A_115 = arith.constant 0 : i32
      %dma_wait3A_116 = tpu.memref_slice %arg4[%add3A_112, %dma_wait3A_115] : memref<319488x128xf32, #tpu.memory_space<hbm>> -> memref<104x128xf32, #tpu.memory_space<hbm>>
      %dma_wait3A_117 = arith.constant 0 : i32
      %dma_wait3A_118 = tpu.memref_slice %arg4[%add3A_112, %dma_wait3A_117] : memref<319488x128xf32, #tpu.memory_space<hbm>> -> memref<104x128xf32, #tpu.memory_space<hbm>>
      tpu.wait_dma2 semaphore(%arg10 : memref<!tpu.dma_semaphore, #tpu.memory_space<semaphore_mem>>) src(%arg7 : memref<104x128xf32, #tpu.memory_space<vmem>>) dst(%dma_wait3A_118 : memref<104x128xf32, #tpu.memory_space<hbm>>)
      %dma_wait3A_119 = arith.constant 0 : i32
      %dma_wait3A_120 = tpu.memref_slice %arg4[%add3A_114, %dma_wait3A_119] : memref<319488x128xf32, #tpu.memory_space<hbm>> -> memref<104x128xf32, #tpu.memory_space<hbm>>
      %dma_wait3A_121 = arith.constant 0 : i32
      %dma_wait3A_122 = tpu.memref_slice %arg4[%add3A_114, %dma_wait3A_121] : memref<319488x128xf32, #tpu.memory_space<hbm>> -> memref<104x128xf32, #tpu.memory_space<hbm>>
      tpu.wait_dma2 semaphore(%arg10 : memref<!tpu.dma_semaphore, #tpu.memory_space<semaphore_mem>>) src(%arg8 : memref<104x128xf32, #tpu.memory_space<vmem>>) dst(%dma_wait3A_122 : memref<104x128xf32, #tpu.memory_space<hbm>>)
      %add3A_123 = arith.constant 2 : i32
      %add3A_124 = arith.addi %add3A_90, %add3A_123 : i32
      %mul3A_125 = arith.constant 208 : i32
      %mul3A_126 = arith.muli %add3A_124, %mul3A_125 : i32
      %add3A_127 = arith.addi %mul3A_2, %mul3A_126 : i32
      "tpu.region"() ({
        %run_scoped3A = tpu.sem_alloc : memref<!tpu.dma_semaphore, #tpu.memory_space<semaphore_mem>>
        %dma_start3A_185 = tpu.memref_slice %arg3[%add3A_127] : memref<319488xi32, #tpu.memory_space<hbm>> -> memref<104xi32, #tpu.memory_space<hbm>>
        %dma_start3A_186 = tpu.memref_slice %arg3[%add3A_127] : memref<319488xi32, #tpu.memory_space<hbm>> -> memref<104xi32, #tpu.memory_space<hbm>>
        tpu.enqueue_dma source(%dma_start3A_186 : memref<104xi32, #tpu.memory_space<hbm>>) target(%arg5 : memref<104xi32, #tpu.memory_space<vmem>>) target_semaphore(%run_scoped3A : memref<!tpu.dma_semaphore, #tpu.memory_space<semaphore_mem>>)
        %dma_wait3A_187 = tpu.memref_slice %arg3[%add3A_127] : memref<319488xi32, #tpu.memory_space<hbm>> -> memref<104xi32, #tpu.memory_space<hbm>>
        %dma_wait3A_188 = tpu.memref_slice %arg3[%add3A_127] : memref<319488xi32, #tpu.memory_space<hbm>> -> memref<104xi32, #tpu.memory_space<hbm>>
        tpu.wait_dma2 semaphore(%run_scoped3A : memref<!tpu.dma_semaphore, #tpu.memory_space<semaphore_mem>>) src(%dma_wait3A_188 : memref<104xi32, #tpu.memory_space<hbm>>) dst(%arg5 : memref<104xi32, #tpu.memory_space<vmem>>)
        tpu.yield
      }) : () -> ()
      %add3A_128 = arith.constant 104 : i32
      %add3A_129 = arith.addi %add3A_127, %add3A_128 : i32
      "tpu.region"() ({
        %run_scoped3A = tpu.sem_alloc : memref<!tpu.dma_semaphore, #tpu.memory_space<semaphore_mem>>
        %dma_start3A_185 = tpu.memref_slice %arg3[%add3A_129] : memref<319488xi32, #tpu.memory_space<hbm>> -> memref<104xi32, #tpu.memory_space<hbm>>
        %dma_start3A_186 = tpu.memref_slice %arg3[%add3A_129] : memref<319488xi32, #tpu.memory_space<hbm>> -> memref<104xi32, #tpu.memory_space<hbm>>
        tpu.enqueue_dma source(%dma_start3A_186 : memref<104xi32, #tpu.memory_space<hbm>>) target(%arg6 : memref<104xi32, #tpu.memory_space<vmem>>) target_semaphore(%run_scoped3A : memref<!tpu.dma_semaphore, #tpu.memory_space<semaphore_mem>>)
        %dma_wait3A_187 = tpu.memref_slice %arg3[%add3A_129] : memref<319488xi32, #tpu.memory_space<hbm>> -> memref<104xi32, #tpu.memory_space<hbm>>
        %dma_wait3A_188 = tpu.memref_slice %arg3[%add3A_129] : memref<319488xi32, #tpu.memory_space<hbm>> -> memref<104xi32, #tpu.memory_space<hbm>>
        tpu.wait_dma2 semaphore(%run_scoped3A : memref<!tpu.dma_semaphore, #tpu.memory_space<semaphore_mem>>) src(%dma_wait3A_188 : memref<104xi32, #tpu.memory_space<hbm>>) dst(%arg6 : memref<104xi32, #tpu.memory_space<vmem>>)
        tpu.yield
      }) : () -> ()
      %dma_start3A_130 = arith.constant 0 : i32
      %dma_start3A_131 = arith.constant 0 : i32
      %dma_start3A_132 = tpu.memref_slice %arg2[%dma_start3A_130, %dma_start3A_131] : memref<200704x128xf32, #tpu.memory_space<hbm>> -> memref<200704x128xf32, #tpu.memory_space<hbm>>
      tpu.enqueue_indirect_dma source(%dma_start3A_132 : memref<200704x128xf32, #tpu.memory_space<hbm>>) target(%arg7 : memref<104x128xf32, #tpu.memory_space<vmem>>) offsets(%arg5 : memref<104xi32, #tpu.memory_space<vmem>>) semaphore(%arg9 : memref<!tpu.dma_semaphore, #tpu.memory_space<semaphore_mem>>)
      %dma_start3A_133 = arith.constant 0 : i32
      %dma_start3A_134 = arith.constant 0 : i32
      %dma_start3A_135 = tpu.memref_slice %arg2[%dma_start3A_133, %dma_start3A_134] : memref<200704x128xf32, #tpu.memory_space<hbm>> -> memref<200704x128xf32, #tpu.memory_space<hbm>>
      tpu.enqueue_indirect_dma source(%dma_start3A_135 : memref<200704x128xf32, #tpu.memory_space<hbm>>) target(%arg8 : memref<104x128xf32, #tpu.memory_space<vmem>>) offsets(%arg6 : memref<104xi32, #tpu.memory_space<vmem>>) semaphore(%arg9 : memref<!tpu.dma_semaphore, #tpu.memory_space<semaphore_mem>>)
      %mul3A_136 = arith.constant 2 : i32
      %mul3A_137 = arith.muli %scan3A_86, %mul3A_136 : i32
      %add3A_138 = arith.constant 1 : i32
      %add3A_139 = arith.addi %mul3A_137, %add3A_138 : i32
      %dma_wait3A_140 = arith.constant 0 : i32
      %dma_wait3A_141 = arith.constant 0 : i32
      %dma_wait3A_142 = tpu.memref_slice %arg2[%dma_wait3A_140, %dma_wait3A_141] : memref<200704x128xf32, #tpu.memory_space<hbm>> -> memref<200704x128xf32, #tpu.memory_space<hbm>>
      tpu.wait_indirect_dma semaphore(%arg15 : memref<!tpu.dma_semaphore, #tpu.memory_space<semaphore_mem>>) src(%dma_wait3A_142 : memref<200704x128xf32, #tpu.memory_space<hbm>>) dst(%arg13 : memref<104x128xf32, #tpu.memory_space<vmem>>)
      %dma_wait3A_143 = arith.constant 0 : i32
      %dma_wait3A_144 = arith.constant 0 : i32
      %dma_wait3A_145 = tpu.memref_slice %arg2[%dma_wait3A_143, %dma_wait3A_144] : memref<200704x128xf32, #tpu.memory_space<hbm>> -> memref<200704x128xf32, #tpu.memory_space<hbm>>
      tpu.wait_indirect_dma semaphore(%arg15 : memref<!tpu.dma_semaphore, #tpu.memory_space<semaphore_mem>>) src(%dma_wait3A_145 : memref<200704x128xf32, #tpu.memory_space<hbm>>) dst(%arg14 : memref<104x128xf32, #tpu.memory_space<vmem>>)
      %mul3A_146 = arith.constant 208 : i32
      %mul3A_147 = arith.muli %add3A_139, %mul3A_146 : i32
      %add3A_148 = arith.addi %mul3A_2, %mul3A_147 : i32
      %add3A_149 = arith.constant 104 : i32
      %add3A_150 = arith.addi %add3A_148, %add3A_149 : i32
      %dma_start3A_151 = arith.constant 0 : i32
      %dma_start3A_152 = tpu.memref_slice %arg4[%add3A_148, %dma_start3A_151] : memref<319488x128xf32, #tpu.memory_space<hbm>> -> memref<104x128xf32, #tpu.memory_space<hbm>>
      %dma_start3A_153 = arith.constant 0 : i32
      %dma_start3A_154 = tpu.memref_slice %arg4[%add3A_148, %dma_start3A_153] : memref<319488x128xf32, #tpu.memory_space<hbm>> -> memref<104x128xf32, #tpu.memory_space<hbm>>
      tpu.enqueue_dma source(%arg13 : memref<104x128xf32, #tpu.memory_space<vmem>>) target(%dma_start3A_154 : memref<104x128xf32, #tpu.memory_space<hbm>>) target_semaphore(%arg16 : memref<!tpu.dma_semaphore, #tpu.memory_space<semaphore_mem>>)
      %dma_start3A_155 = arith.constant 0 : i32
      %dma_start3A_156 = tpu.memref_slice %arg4[%add3A_150, %dma_start3A_155] : memref<319488x128xf32, #tpu.memory_space<hbm>> -> memref<104x128xf32, #tpu.memory_space<hbm>>
      %dma_start3A_157 = arith.constant 0 : i32
      %dma_start3A_158 = tpu.memref_slice %arg4[%add3A_150, %dma_start3A_157] : memref<319488x128xf32, #tpu.memory_space<hbm>> -> memref<104x128xf32, #tpu.memory_space<hbm>>
      tpu.enqueue_dma source(%arg14 : memref<104x128xf32, #tpu.memory_space<vmem>>) target(%dma_start3A_158 : memref<104x128xf32, #tpu.memory_space<hbm>>) target_semaphore(%arg16 : memref<!tpu.dma_semaphore, #tpu.memory_space<semaphore_mem>>)
      %mul3A_159 = arith.constant 208 : i32
      %mul3A_160 = arith.muli %add3A_139, %mul3A_159 : i32
      %add3A_161 = arith.addi %mul3A_2, %mul3A_160 : i32
      %add3A_162 = arith.constant 104 : i32
      %add3A_163 = arith.addi %add3A_161, %add3A_162 : i32
      %dma_wait3A_164 = arith.constant 0 : i32
      %dma_wait3A_165 = tpu.memref_slice %arg4[%add3A_161, %dma_wait3A_164] : memref<319488x128xf32, #tpu.memory_space<hbm>> -> memref<104x128xf32, #tpu.memory_space<hbm>>
      %dma_wait3A_166 = arith.constant 0 : i32
      %dma_wait3A_167 = tpu.memref_slice %arg4[%add3A_161, %dma_wait3A_166] : memref<319488x128xf32, #tpu.memory_space<hbm>> -> memref<104x128xf32, #tpu.memory_space<hbm>>
      tpu.wait_dma2 semaphore(%arg16 : memref<!tpu.dma_semaphore, #tpu.memory_space<semaphore_mem>>) src(%arg13 : memref<104x128xf32, #tpu.memory_space<vmem>>) dst(%dma_wait3A_167 : memref<104x128xf32, #tpu.memory_space<hbm>>)
      %dma_wait3A_168 = arith.constant 0 : i32
      %dma_wait3A_169 = tpu.memref_slice %arg4[%add3A_163, %dma_wait3A_168] : memref<319488x128xf32, #tpu.memory_space<hbm>> -> memref<104x128xf32, #tpu.memory_space<hbm>>
      %dma_wait3A_170 = arith.constant 0 : i32
      %dma_wait3A_171 = tpu.memref_slice %arg4[%add3A_163, %dma_wait3A_170] : memref<319488x128xf32, #tpu.memory_space<hbm>> -> memref<104x128xf32, #tpu.memory_space<hbm>>
      tpu.wait_dma2 semaphore(%arg16 : memref<!tpu.dma_semaphore, #tpu.memory_space<semaphore_mem>>) src(%arg14 : memref<104x128xf32, #tpu.memory_space<vmem>>) dst(%dma_wait3A_171 : memref<104x128xf32, #tpu.memory_space<hbm>>)
      %add3A_172 = arith.constant 2 : i32
      %add3A_173 = arith.addi %add3A_139, %add3A_172 : i32
      %mul3A_174 = arith.constant 208 : i32
      %mul3A_175 = arith.muli %add3A_173, %mul3A_174 : i32
      %add3A_176 = arith.addi %mul3A_2, %mul3A_175 : i32
      "tpu.region"() ({
        %run_scoped3A = tpu.sem_alloc : memref<!tpu.dma_semaphore, #tpu.memory_space<semaphore_mem>>
        %dma_start3A_185 = tpu.memref_slice %arg3[%add3A_176] : memref<319488xi32, #tpu.memory_space<hbm>> -> memref<104xi32, #tpu.memory_space<hbm>>
        %dma_start3A_186 = tpu.memref_slice %arg3[%add3A_176] : memref<319488xi32, #tpu.memory_space<hbm>> -> memref<104xi32, #tpu.memory_space<hbm>>
        tpu.enqueue_dma source(%dma_start3A_186 : memref<104xi32, #tpu.memory_space<hbm>>) target(%arg11 : memref<104xi32, #tpu.memory_space<vmem>>) target_semaphore(%run_scoped3A : memref<!tpu.dma_semaphore, #tpu.memory_space<semaphore_mem>>)
        %dma_wait3A_187 = tpu.memref_slice %arg3[%add3A_176] : memref<319488xi32, #tpu.memory_space<hbm>> -> memref<104xi32, #tpu.memory_space<hbm>>
        %dma_wait3A_188 = tpu.memref_slice %arg3[%add3A_176] : memref<319488xi32, #tpu.memory_space<hbm>> -> memref<104xi32, #tpu.memory_space<hbm>>
        tpu.wait_dma2 semaphore(%run_scoped3A : memref<!tpu.dma_semaphore, #tpu.memory_space<semaphore_mem>>) src(%dma_wait3A_188 : memref<104xi32, #tpu.memory_space<hbm>>) dst(%arg11 : memref<104xi32, #tpu.memory_space<vmem>>)
        tpu.yield
      }) : () -> ()
      %add3A_177 = arith.constant 104 : i32
      %add3A_178 = arith.addi %add3A_176, %add3A_177 : i32
      "tpu.region"() ({
        %run_scoped3A = tpu.sem_alloc : memref<!tpu.dma_semaphore, #tpu.memory_space<semaphore_mem>>
        %dma_start3A_185 = tpu.memref_slice %arg3[%add3A_178] : memref<319488xi32, #tpu.memory_space<hbm>> -> memref<104xi32, #tpu.memory_space<hbm>>
        %dma_start3A_186 = tpu.memref_slice %arg3[%add3A_178] : memref<319488xi32, #tpu.memory_space<hbm>> -> memref<104xi32, #tpu.memory_space<hbm>>
        tpu.enqueue_dma source(%dma_start3A_186 : memref<104xi32, #tpu.memory_space<hbm>>) target(%arg12 : memref<104xi32, #tpu.memory_space<vmem>>) target_semaphore(%run_scoped3A : memref<!tpu.dma_semaphore, #tpu.memory_space<semaphore_mem>>)
        %dma_wait3A_187 = tpu.memref_slice %arg3[%add3A_178] : memref<319488xi32, #tpu.memory_space<hbm>> -> memref<104xi32, #tpu.memory_space<hbm>>
        %dma_wait3A_188 = tpu.memref_slice %arg3[%add3A_178] : memref<319488xi32, #tpu.memory_space<hbm>> -> memref<104xi32, #tpu.memory_space<hbm>>
        tpu.wait_dma2 semaphore(%run_scoped3A : memref<!tpu.dma_semaphore, #tpu.memory_space<semaphore_mem>>) src(%dma_wait3A_188 : memref<104xi32, #tpu.memory_space<hbm>>) dst(%arg12 : memref<104xi32, #tpu.memory_space<vmem>>)
        tpu.yield
      }) : () -> ()
      %dma_start3A_179 = arith.constant 0 : i32
      %dma_start3A_180 = arith.constant 0 : i32
      %dma_start3A_181 = tpu.memref_slice %arg2[%dma_start3A_179, %dma_start3A_180] : memref<200704x128xf32, #tpu.memory_space<hbm>> -> memref<200704x128xf32, #tpu.memory_space<hbm>>
      tpu.enqueue_indirect_dma source(%dma_start3A_181 : memref<200704x128xf32, #tpu.memory_space<hbm>>) target(%arg13 : memref<104x128xf32, #tpu.memory_space<vmem>>) offsets(%arg11 : memref<104xi32, #tpu.memory_space<vmem>>) semaphore(%arg15 : memref<!tpu.dma_semaphore, #tpu.memory_space<semaphore_mem>>)
      %dma_start3A_182 = arith.constant 0 : i32
      %dma_start3A_183 = arith.constant 0 : i32
      %dma_start3A_184 = tpu.memref_slice %arg2[%dma_start3A_182, %dma_start3A_183] : memref<200704x128xf32, #tpu.memory_space<hbm>> -> memref<200704x128xf32, #tpu.memory_space<hbm>>
      tpu.enqueue_indirect_dma source(%dma_start3A_184 : memref<200704x128xf32, #tpu.memory_space<hbm>>) target(%arg14 : memref<104x128xf32, #tpu.memory_space<vmem>>) offsets(%arg12 : memref<104xi32, #tpu.memory_space<vmem>>) semaphore(%arg15 : memref<!tpu.dma_semaphore, #tpu.memory_space<semaphore_mem>>)
    }
    %scan3A_26 = arith.constant 23 : i32
    %dma_wait3A = arith.constant 0 : i32
    %dma_wait3A_27 = arith.constant 0 : i32
    %dma_wait3A_28 = tpu.memref_slice %arg2[%dma_wait3A, %dma_wait3A_27] : memref<200704x128xf32, #tpu.memory_space<hbm>> -> memref<200704x128xf32, #tpu.memory_space<hbm>>
    tpu.wait_indirect_dma semaphore(%arg9 : memref<!tpu.dma_semaphore, #tpu.memory_space<semaphore_mem>>) src(%dma_wait3A_28 : memref<200704x128xf32, #tpu.memory_space<hbm>>) dst(%arg7 : memref<104x128xf32, #tpu.memory_space<vmem>>)
    %dma_wait3A_29 = arith.constant 0 : i32
    %dma_wait3A_30 = arith.constant 0 : i32
    %dma_wait3A_31 = tpu.memref_slice %arg2[%dma_wait3A_29, %dma_wait3A_30] : memref<200704x128xf32, #tpu.memory_space<hbm>> -> memref<200704x128xf32, #tpu.memory_space<hbm>>
    tpu.wait_indirect_dma semaphore(%arg9 : memref<!tpu.dma_semaphore, #tpu.memory_space<semaphore_mem>>) src(%dma_wait3A_31 : memref<200704x128xf32, #tpu.memory_space<hbm>>) dst(%arg8 : memref<104x128xf32, #tpu.memory_space<vmem>>)
    %add3A_32 = arith.constant 9568 : i32
    %add3A_33 = arith.addi %mul3A_2, %add3A_32 : i32
    %add3A_34 = arith.constant 104 : i32
    %add3A_35 = arith.addi %add3A_33, %add3A_34 : i32
    %dma_start3A_36 = arith.constant 0 : i32
    %dma_start3A_37 = tpu.memref_slice %arg4[%add3A_33, %dma_start3A_36] : memref<319488x128xf32, #tpu.memory_space<hbm>> -> memref<104x128xf32, #tpu.memory_space<hbm>>
    %dma_start3A_38 = arith.constant 0 : i32
    %dma_start3A_39 = tpu.memref_slice %arg4[%add3A_33, %dma_start3A_38] : memref<319488x128xf32, #tpu.memory_space<hbm>> -> memref<104x128xf32, #tpu.memory_space<hbm>>
    tpu.enqueue_dma source(%arg7 : memref<104x128xf32, #tpu.memory_space<vmem>>) target(%dma_start3A_39 : memref<104x128xf32, #tpu.memory_space<hbm>>) target_semaphore(%arg10 : memref<!tpu.dma_semaphore, #tpu.memory_space<semaphore_mem>>)
    %dma_start3A_40 = arith.constant 0 : i32
    %dma_start3A_41 = tpu.memref_slice %arg4[%add3A_35, %dma_start3A_40] : memref<319488x128xf32, #tpu.memory_space<hbm>> -> memref<104x128xf32, #tpu.memory_space<hbm>>
    %dma_start3A_42 = arith.constant 0 : i32
    %dma_start3A_43 = tpu.memref_slice %arg4[%add3A_35, %dma_start3A_42] : memref<319488x128xf32, #tpu.memory_space<hbm>> -> memref<104x128xf32, #tpu.memory_space<hbm>>
    tpu.enqueue_dma source(%arg8 : memref<104x128xf32, #tpu.memory_space<vmem>>) target(%dma_start3A_43 : memref<104x128xf32, #tpu.memory_space<hbm>>) target_semaphore(%arg10 : memref<!tpu.dma_semaphore, #tpu.memory_space<semaphore_mem>>)
    %add3A_44 = arith.constant 9568 : i32
    %add3A_45 = arith.addi %mul3A_2, %add3A_44 : i32
    %add3A_46 = arith.constant 104 : i32
    %add3A_47 = arith.addi %add3A_45, %add3A_46 : i32
    %dma_wait3A_48 = arith.constant 0 : i32
    %dma_wait3A_49 = tpu.memref_slice %arg4[%add3A_45, %dma_wait3A_48] : memref<319488x128xf32, #tpu.memory_space<hbm>> -> memref<104x128xf32, #tpu.memory_space<hbm>>
    %dma_wait3A_50 = arith.constant 0 : i32
    %dma_wait3A_51 = tpu.memref_slice %arg4[%add3A_45, %dma_wait3A_50] : memref<319488x128xf32, #tpu.memory_space<hbm>> -> memref<104x128xf32, #tpu.memory_space<hbm>>
    tpu.wait_dma2 semaphore(%arg10 : memref<!tpu.dma_semaphore, #tpu.memory_space<semaphore_mem>>) src(%arg7 : memref<104x128xf32, #tpu.memory_space<vmem>>) dst(%dma_wait3A_51 : memref<104x128xf32, #tpu.memory_space<hbm>>)
    %dma_wait3A_52 = arith.constant 0 : i32
    %dma_wait3A_53 = tpu.memref_slice %arg4[%add3A_47, %dma_wait3A_52] : memref<319488x128xf32, #tpu.memory_space<hbm>> -> memref<104x128xf32, #tpu.memory_space<hbm>>
    %dma_wait3A_54 = arith.constant 0 : i32
    %dma_wait3A_55 = tpu.memref_slice %arg4[%add3A_47, %dma_wait3A_54] : memref<319488x128xf32, #tpu.memory_space<hbm>> -> memref<104x128xf32, #tpu.memory_space<hbm>>
    tpu.wait_dma2 semaphore(%arg10 : memref<!tpu.dma_semaphore, #tpu.memory_space<semaphore_mem>>) src(%arg8 : memref<104x128xf32, #tpu.memory_space<vmem>>) dst(%dma_wait3A_55 : memref<104x128xf32, #tpu.memory_space<hbm>>)
    %dma_wait3A_56 = arith.constant 0 : i32
    %dma_wait3A_57 = arith.constant 0 : i32
    %dma_wait3A_58 = tpu.memref_slice %arg2[%dma_wait3A_56, %dma_wait3A_57] : memref<200704x128xf32, #tpu.memory_space<hbm>> -> memref<200704x128xf32, #tpu.memory_space<hbm>>
    tpu.wait_indirect_dma semaphore(%arg15 : memref<!tpu.dma_semaphore, #tpu.memory_space<semaphore_mem>>) src(%dma_wait3A_58 : memref<200704x128xf32, #tpu.memory_space<hbm>>) dst(%arg13 : memref<104x128xf32, #tpu.memory_space<vmem>>)
    %dma_wait3A_59 = arith.constant 0 : i32
    %dma_wait3A_60 = arith.constant 0 : i32
    %dma_wait3A_61 = tpu.memref_slice %arg2[%dma_wait3A_59, %dma_wait3A_60] : memref<200704x128xf32, #tpu.memory_space<hbm>> -> memref<200704x128xf32, #tpu.memory_space<hbm>>
    tpu.wait_indirect_dma semaphore(%arg15 : memref<!tpu.dma_semaphore, #tpu.memory_space<semaphore_mem>>) src(%dma_wait3A_61 : memref<200704x128xf32, #tpu.memory_space<hbm>>) dst(%arg14 : memref<104x128xf32, #tpu.memory_space<vmem>>)
    %add3A_62 = arith.constant 9776 : i32
    %add3A_63 = arith.addi %mul3A_2, %add3A_62 : i32
    %add3A_64 = arith.constant 104 : i32
    %add3A_65 = arith.addi %add3A_63, %add3A_64 : i32
    %dma_start3A_66 = arith.constant 0 : i32
    %dma_start3A_67 = tpu.memref_slice %arg4[%add3A_63, %dma_start3A_66] : memref<319488x128xf32, #tpu.memory_space<hbm>> -> memref<104x128xf32, #tpu.memory_space<hbm>>
    %dma_start3A_68 = arith.constant 0 : i32
    %dma_start3A_69 = tpu.memref_slice %arg4[%add3A_63, %dma_start3A_68] : memref<319488x128xf32, #tpu.memory_space<hbm>> -> memref<104x128xf32, #tpu.memory_space<hbm>>
    tpu.enqueue_dma source(%arg13 : memref<104x128xf32, #tpu.memory_space<vmem>>) target(%dma_start3A_69 : memref<104x128xf32, #tpu.memory_space<hbm>>) target_semaphore(%arg16 : memref<!tpu.dma_semaphore, #tpu.memory_space<semaphore_mem>>)
    %dma_start3A_70 = arith.constant 0 : i32
    %dma_start3A_71 = tpu.memref_slice %arg4[%add3A_65, %dma_start3A_70] : memref<319488x128xf32, #tpu.memory_space<hbm>> -> memref<104x128xf32, #tpu.memory_space<hbm>>
    %dma_start3A_72 = arith.constant 0 : i32
    %dma_start3A_73 = tpu.memref_slice %arg4[%add3A_65, %dma_start3A_72] : memref<319488x128xf32, #tpu.memory_space<hbm>> -> memref<104x128xf32, #tpu.memory_space<hbm>>
    tpu.enqueue_dma source(%arg14 : memref<104x128xf32, #tpu.memory_space<vmem>>) target(%dma_start3A_73 : memref<104x128xf32, #tpu.memory_space<hbm>>) target_semaphore(%arg16 : memref<!tpu.dma_semaphore, #tpu.memory_space<semaphore_mem>>)
    %add3A_74 = arith.constant 9776 : i32
    %add3A_75 = arith.addi %mul3A_2, %add3A_74 : i32
    %add3A_76 = arith.constant 104 : i32
    %add3A_77 = arith.addi %add3A_75, %add3A_76 : i32
    %dma_wait3A_78 = arith.constant 0 : i32
    %dma_wait3A_79 = tpu.memref_slice %arg4[%add3A_75, %dma_wait3A_78] : memref<319488x128xf32, #tpu.memory_space<hbm>> -> memref<104x128xf32, #tpu.memory_space<hbm>>
    %dma_wait3A_80 = arith.constant 0 : i32
    %dma_wait3A_81 = tpu.memref_slice %arg4[%add3A_75, %dma_wait3A_80] : memref<319488x128xf32, #tpu.memory_space<hbm>> -> memref<104x128xf32, #tpu.memory_space<hbm>>
    tpu.wait_dma2 semaphore(%arg16 : memref<!tpu.dma_semaphore, #tpu.memory_space<semaphore_mem>>) src(%arg13 : memref<104x128xf32, #tpu.memory_space<vmem>>) dst(%dma_wait3A_81 : memref<104x128xf32, #tpu.memory_space<hbm>>)
    %dma_wait3A_82 = arith.constant 0 : i32
    %dma_wait3A_83 = tpu.memref_slice %arg4[%add3A_77, %dma_wait3A_82] : memref<319488x128xf32, #tpu.memory_space<hbm>> -> memref<104x128xf32, #tpu.memory_space<hbm>>
    %dma_wait3A_84 = arith.constant 0 : i32
    %dma_wait3A_85 = tpu.memref_slice %arg4[%add3A_77, %dma_wait3A_84] : memref<319488x128xf32, #tpu.memory_space<hbm>> -> memref<104x128xf32, #tpu.memory_space<hbm>>
    tpu.wait_dma2 semaphore(%arg16 : memref<!tpu.dma_semaphore, #tpu.memory_space<semaphore_mem>>) src(%arg14 : memref<104x128xf32, #tpu.memory_space<vmem>>) dst(%dma_wait3A_85 : memref<104x128xf32, #tpu.memory_space<hbm>>)
    return
  }
}

#map = affine_map<(d0, d1) -> (0, 0)>
#map1 = affine_map<(d0, d1) -> (0)>
module attributes {stable_mosaic.version = 14 : i64} {
  func.func @body(%arg0: i32, %arg1: i32, %arg2: memref<200704x128xf32, #tpu.memory_space<hbm>>, %arg3: memref<319488xi32, #tpu.memory_space<hbm>>, %arg4: memref<319488x128xf32, #tpu.memory_space<hbm>>, %arg5: memref<104xi32, #tpu.memory_space<vmem>>, %arg6: memref<104xi32, #tpu.memory_space<vmem>>, %arg7: memref<104x128xf32, #tpu.memory_space<vmem>>, %arg8: memref<104x128xf32, #tpu.memory_space<vmem>>, %arg9: memref<!tpu.dma_semaphore, #tpu.memory_space<semaphore_mem>>, %arg10: memref<!tpu.dma_semaphore, #tpu.memory_space<semaphore_mem>>, %arg11: memref<104xi32, #tpu.memory_space<vmem>>, %arg12: memref<104xi32, #tpu.memory_space<vmem>>, %arg13: memref<104x128xf32, #tpu.memory_space<vmem>>, %arg14: memref<104x128xf32, #tpu.memory_space<vmem>>, %arg15: memref<!tpu.dma_semaphore, #tpu.memory_space<semaphore_mem>>, %arg16: memref<!tpu.dma_semaphore, #tpu.memory_space<semaphore_mem>>) attributes {dimension_semantics = [#tpu.dimension_semantics<core_parallel>, #tpu.dimension_semantics<subcore_parallel>], iteration_bounds = array<i64: 2, 16>, scalar_prefetch = 0 : i64, scratch_operands = 12 : i64, tpu.core_type = #tpu.core_type<sc_vector_subcore>, window_params = [{transform_indices = #map}, {transform_indices = #map1}, {transform_indices = #map}]} {
    %mul3A = arith.constant 2 : i32
    %mul3A_0 = arith.muli %arg1, %mul3A : i32
    %add3A = arith.addi %mul3A_0, %arg0 : i32
    %mul3A_1 = arith.constant 9984 : i32
    %mul3A_2 = arith.muli %add3A, %mul3A_1 : i32
    %add3A_3 = arith.constant 0 : i32
    %add3A_4 = arith.addi %mul3A_2, %add3A_3 : i32
    "tpu.region"() ({
      %run_scoped3A = tpu.sem_alloc : memref<!tpu.dma_semaphore, #tpu.memory_space<semaphore_mem>>
      %dma_start3A_86 = tpu.memref_slice %arg3[%add3A_4] : memref<319488xi32, #tpu.memory_space<hbm>> -> memref<104xi32, #tpu.memory_space<hbm>>
      %dma_start3A_87 = tpu.memref_slice %arg3[%add3A_4] : memref<319488xi32, #tpu.memory_space<hbm>> -> memref<104xi32, #tpu.memory_space<hbm>>
      tpu.enqueue_dma source(%dma_start3A_87 : memref<104xi32, #tpu.memory_space<hbm>>) target(%arg5 : memref<104xi32, #tpu.memory_space<vmem>>) target_semaphore(%run_scoped3A : memref<!tpu.dma_semaphore, #tpu.memory_space<semaphore_mem>>)
      %dma_wait3A_88 = tpu.memref_slice %arg3[%add3A_4] : memref<319488xi32, #tpu.memory_space<hbm>> -> memref<104xi32, #tpu.memory_space<hbm>>
      %dma_wait3A_89 = tpu.memref_slice %arg3[%add3A_4] : memref<319488xi32, #tpu.memory_space<hbm>> -> memref<104xi32, #tpu.memory_space<hbm>>
      tpu.wait_dma2 semaphore(%run_scoped3A : memref<!tpu.dma_semaphore, #tpu.memory_space<semaphore_mem>>) src(%dma_wait3A_89 : memref<104xi32, #tpu.memory_space<hbm>>) dst(%arg5 : memref<104xi32, #tpu.memory_space<vmem>>)
      tpu.yield
    }) : () -> ()
    %add3A_5 = arith.constant 104 : i32
    %add3A_6 = arith.addi %add3A_4, %add3A_5 : i32
    "tpu.region"() ({
      %run_scoped3A = tpu.sem_alloc : memref<!tpu.dma_semaphore, #tpu.memory_space<semaphore_mem>>
      %dma_start3A_86 = tpu.memref_slice %arg3[%add3A_6] : memref<319488xi32, #tpu.memory_space<hbm>> -> memref<104xi32, #tpu.memory_space<hbm>>
      %dma_start3A_87 = tpu.memref_slice %arg3[%add3A_6] : memref<319488xi32, #tpu.memory_space<hbm>> -> memref<104xi32, #tpu.memory_space<hbm>>
      tpu.enqueue_dma source(%dma_start3A_87 : memref<104xi32, #tpu.memory_space<hbm>>) target(%arg6 : memref<104xi32, #tpu.memory_space<vmem>>) target_semaphore(%run_scoped3A : memref<!tpu.dma_semaphore, #tpu.memory_space<semaphore_mem>>)
      %dma_wait3A_88 = tpu.memref_slice %arg3[%add3A_6] : memref<319488xi32, #tpu.memory_space<hbm>> -> memref<104xi32, #tpu.memory_space<hbm>>
      %dma_wait3A_89 = tpu.memref_slice %arg3[%add3A_6] : memref<319488xi32, #tpu.memory_space<hbm>> -> memref<104xi32, #tpu.memory_space<hbm>>
      tpu.wait_dma2 semaphore(%run_scoped3A : memref<!tpu.dma_semaphore, #tpu.memory_space<semaphore_mem>>) src(%dma_wait3A_89 : memref<104xi32, #tpu.memory_space<hbm>>) dst(%arg6 : memref<104xi32, #tpu.memory_space<vmem>>)
      tpu.yield
    }) : () -> ()
    %dma_start3A = arith.constant 0 : i32
    %dma_start3A_7 = arith.constant 0 : i32
    %dma_start3A_8 = tpu.memref_slice %arg2[%dma_start3A, %dma_start3A_7] : memref<200704x128xf32, #tpu.memory_space<hbm>> -> memref<200704x128xf32, #tpu.memory_space<hbm>>
    tpu.enqueue_indirect_dma source(%dma_start3A_8 : memref<200704x128xf32, #tpu.memory_space<hbm>>) target(%arg7 : memref<104x128xf32, #tpu.memory_space<vmem>>) offsets(%arg5 : memref<104xi32, #tpu.memory_space<vmem>>) semaphore(%arg9 : memref<!tpu.dma_semaphore, #tpu.memory_space<semaphore_mem>>)
    %dma_start3A_9 = arith.constant 0 : i32
    %dma_start3A_10 = arith.constant 0 : i32
    %dma_start3A_11 = tpu.memref_slice %arg2[%dma_start3A_9, %dma_start3A_10] : memref<200704x128xf32, #tpu.memory_space<hbm>> -> memref<200704x128xf32, #tpu.memory_space<hbm>>
    tpu.enqueue_indirect_dma source(%dma_start3A_11 : memref<200704x128xf32, #tpu.memory_space<hbm>>) target(%arg8 : memref<104x128xf32, #tpu.memory_space<vmem>>) offsets(%arg6 : memref<104xi32, #tpu.memory_space<vmem>>) semaphore(%arg9 : memref<!tpu.dma_semaphore, #tpu.memory_space<semaphore_mem>>)
    %add3A_12 = arith.constant 208 : i32
    %add3A_13 = arith.addi %mul3A_2, %add3A_12 : i32
    "tpu.region"() ({
      %run_scoped3A = tpu.sem_alloc : memref<!tpu.dma_semaphore, #tpu.memory_space<semaphore_mem>>
      %dma_start3A_86 = tpu.memref_slice %arg3[%add3A_13] : memref<319488xi32, #tpu.memory_space<hbm>> -> memref<104xi32, #tpu.memory_space<hbm>>
      %dma_start3A_87 = tpu.memref_slice %arg3[%add3A_13] : memref<319488xi32, #tpu.memory_space<hbm>> -> memref<104xi32, #tpu.memory_space<hbm>>
      tpu.enqueue_dma source(%dma_start3A_87 : memref<104xi32, #tpu.memory_space<hbm>>) target(%arg11 : memref<104xi32, #tpu.memory_space<vmem>>) target_semaphore(%run_scoped3A : memref<!tpu.dma_semaphore, #tpu.memory_space<semaphore_mem>>)
      %dma_wait3A_88 = tpu.memref_slice %arg3[%add3A_13] : memref<319488xi32, #tpu.memory_space<hbm>> -> memref<104xi32, #tpu.memory_space<hbm>>
      %dma_wait3A_89 = tpu.memref_slice %arg3[%add3A_13] : memref<319488xi32, #tpu.memory_space<hbm>> -> memref<104xi32, #tpu.memory_space<hbm>>
      tpu.wait_dma2 semaphore(%run_scoped3A : memref<!tpu.dma_semaphore, #tpu.memory_space<semaphore_mem>>) src(%dma_wait3A_89 : memref<104xi32, #tpu.memory_space<hbm>>) dst(%arg11 : memref<104xi32, #tpu.memory_space<vmem>>)
      tpu.yield
    }) : () -> ()
    %add3A_14 = arith.constant 104 : i32
    %add3A_15 = arith.addi %add3A_13, %add3A_14 : i32
    "tpu.region"() ({
      %run_scoped3A = tpu.sem_alloc : memref<!tpu.dma_semaphore, #tpu.memory_space<semaphore_mem>>
      %dma_start3A_86 = tpu.memref_slice %arg3[%add3A_15] : memref<319488xi32, #tpu.memory_space<hbm>> -> memref<104xi32, #tpu.memory_space<hbm>>
      %dma_start3A_87 = tpu.memref_slice %arg3[%add3A_15] : memref<319488xi32, #tpu.memory_space<hbm>> -> memref<104xi32, #tpu.memory_space<hbm>>
      tpu.enqueue_dma source(%dma_start3A_87 : memref<104xi32, #tpu.memory_space<hbm>>) target(%arg12 : memref<104xi32, #tpu.memory_space<vmem>>) target_semaphore(%run_scoped3A : memref<!tpu.dma_semaphore, #tpu.memory_space<semaphore_mem>>)
      %dma_wait3A_88 = tpu.memref_slice %arg3[%add3A_15] : memref<319488xi32, #tpu.memory_space<hbm>> -> memref<104xi32, #tpu.memory_space<hbm>>
      %dma_wait3A_89 = tpu.memref_slice %arg3[%add3A_15] : memref<319488xi32, #tpu.memory_space<hbm>> -> memref<104xi32, #tpu.memory_space<hbm>>
      tpu.wait_dma2 semaphore(%run_scoped3A : memref<!tpu.dma_semaphore, #tpu.memory_space<semaphore_mem>>) src(%dma_wait3A_89 : memref<104xi32, #tpu.memory_space<hbm>>) dst(%arg12 : memref<104xi32, #tpu.memory_space<vmem>>)
      tpu.yield
    }) : () -> ()
    %dma_start3A_16 = arith.constant 0 : i32
    %dma_start3A_17 = arith.constant 0 : i32
    %dma_start3A_18 = tpu.memref_slice %arg2[%dma_start3A_16, %dma_start3A_17] : memref<200704x128xf32, #tpu.memory_space<hbm>> -> memref<200704x128xf32, #tpu.memory_space<hbm>>
    tpu.enqueue_indirect_dma source(%dma_start3A_18 : memref<200704x128xf32, #tpu.memory_space<hbm>>) target(%arg13 : memref<104x128xf32, #tpu.memory_space<vmem>>) offsets(%arg11 : memref<104xi32, #tpu.memory_space<vmem>>) semaphore(%arg15 : memref<!tpu.dma_semaphore, #tpu.memory_space<semaphore_mem>>)
    %dma_start3A_19 = arith.constant 0 : i32
    %dma_start3A_20 = arith.constant 0 : i32
    %dma_start3A_21 = tpu.memref_slice %arg2[%dma_start3A_19, %dma_start3A_20] : memref<200704x128xf32, #tpu.memory_space<hbm>> -> memref<200704x128xf32, #tpu.memory_space<hbm>>
    tpu.enqueue_indirect_dma source(%dma_start3A_21 : memref<200704x128xf32, #tpu.memory_space<hbm>>) target(%arg14 : memref<104x128xf32, #tpu.memory_space<vmem>>) offsets(%arg12 : memref<104xi32, #tpu.memory_space<vmem>>) semaphore(%arg15 : memref<!tpu.dma_semaphore, #tpu.memory_space<semaphore_mem>>)
    %scan3A = arith.constant 0 : i32
    %scan3A_22 = arith.constant 0 : i32
    %scan3A_23 = arith.constant 23 : i32
    %scan3A_24 = arith.addi %scan3A_22, %scan3A_23 : i32
    %scan3A_25 = arith.constant 1 : i32
    scf.for %scan3A_86 = %scan3A_22 to %scan3A_24 step %scan3A_25  : i32 {
      %mul3A_87 = arith.constant 2 : i32
      %mul3A_88 = arith.muli %scan3A_86, %mul3A_87 : i32
      %add3A_89 = arith.constant 0 : i32
      %add3A_90 = arith.addi %mul3A_88, %add3A_89 : i32
      %dma_wait3A_91 = arith.constant 0 : i32
      %dma_wait3A_92 = arith.constant 0 : i32
      %dma_wait3A_93 = tpu.memref_slice %arg2[%dma_wait3A_91, %dma_wait3A_92] : memref<200704x128xf32, #tpu.memory_space<hbm>> -> memref<200704x128xf32, #tpu.memory_space<hbm>>
      tpu.wait_indirect_dma semaphore(%arg9 : memref<!tpu.dma_semaphore, #tpu.memory_space<semaphore_mem>>) src(%dma_wait3A_93 : memref<200704x128xf32, #tpu.memory_space<hbm>>) dst(%arg7 : memref<104x128xf32, #tpu.memory_space<vmem>>)
      %dma_wait3A_94 = arith.constant 0 : i32
      %dma_wait3A_95 = arith.constant 0 : i32
      %dma_wait3A_96 = tpu.memref_slice %arg2[%dma_wait3A_94, %dma_wait3A_95] : memref<200704x128xf32, #tpu.memory_space<hbm>> -> memref<200704x128xf32, #tpu.memory_space<hbm>>
      tpu.wait_indirect_dma semaphore(%arg9 : memref<!tpu.dma_semaphore, #tpu.memory_space<semaphore_mem>>) src(%dma_wait3A_96 : memref<200704x128xf32, #tpu.memory_space<hbm>>) dst(%arg8 : memref<104x128xf32, #tpu.memory_space<vmem>>)
      %mul3A_97 = arith.constant 208 : i32
      %mul3A_98 = arith.muli %add3A_90, %mul3A_97 : i32
      %add3A_99 = arith.addi %mul3A_2, %mul3A_98 : i32
      %add3A_100 = arith.constant 104 : i32
      %add3A_101 = arith.addi %add3A_99, %add3A_100 : i32
      %dma_start3A_102 = arith.constant 0 : i32
      %dma_start3A_103 = tpu.memref_slice %arg4[%add3A_99, %dma_start3A_102] : memref<319488x128xf32, #tpu.memory_space<hbm>> -> memref<104x128xf32, #tpu.memory_space<hbm>>
      %dma_start3A_104 = arith.constant 0 : i32
      %dma_start3A_105 = tpu.memref_slice %arg4[%add3A_99, %dma_start3A_104] : memref<319488x128xf32, #tpu.memory_space<hbm>> -> memref<104x128xf32, #tpu.memory_space<hbm>>
      tpu.enqueue_dma source(%arg7 : memref<104x128xf32, #tpu.memory_space<vmem>>) target(%dma_start3A_105 : memref<104x128xf32, #tpu.memory_space<hbm>>) target_semaphore(%arg10 : memref<!tpu.dma_semaphore, #tpu.memory_space<semaphore_mem>>)
      %dma_start3A_106 = arith.constant 0 : i32
      %dma_start3A_107 = tpu.memref_slice %arg4[%add3A_101, %dma_start3A_106] : memref<319488x128xf32, #tpu.memory_space<hbm>> -> memref<104x128xf32, #tpu.memory_space<hbm>>
      %dma_start3A_108 = arith.constant 0 : i32
      %dma_start3A_109 = tpu.memref_slice %arg4[%add3A_101, %dma_start3A_108] : memref<319488x128xf32, #tpu.memory_space<hbm>> -> memref<104x128xf32, #tpu.memory_space<hbm>>
      tpu.enqueue_dma source(%arg8 : memref<104x128xf32, #tpu.memory_space<vmem>>) target(%dma_start3A_109 : memref<104x128xf32, #tpu.memory_space<hbm>>) target_semaphore(%arg10 : memref<!tpu.dma_semaphore, #tpu.memory_space<semaphore_mem>>)
      %mul3A_110 = arith.constant 208 : i32
      %mul3A_111 = arith.muli %add3A_90, %mul3A_110 : i32
      %add3A_112 = arith.addi %mul3A_2, %mul3A_111 : i32
      %add3A_113 = arith.constant 104 : i32
      %add3A_114 = arith.addi %add3A_112, %add3A_113 : i32
      %dma_wait3A_115 = arith.constant 0 : i32
      %dma_wait3A_116 = tpu.memref_slice %arg4[%add3A_112, %dma_wait3A_115] : memref<319488x128xf32, #tpu.memory_space<hbm>> -> memref<104x128xf32, #tpu.memory_space<hbm>>
      %dma_wait3A_117 = arith.constant 0 : i32
      %dma_wait3A_118 = tpu.memref_slice %arg4[%add3A_112, %dma_wait3A_117] : memref<319488x128xf32, #tpu.memory_space<hbm>> -> memref<104x128xf32, #tpu.memory_space<hbm>>
      tpu.wait_dma2 semaphore(%arg10 : memref<!tpu.dma_semaphore, #tpu.memory_space<semaphore_mem>>) src(%arg7 : memref<104x128xf32, #tpu.memory_space<vmem>>) dst(%dma_wait3A_118 : memref<104x128xf32, #tpu.memory_space<hbm>>)
      %dma_wait3A_119 = arith.constant 0 : i32
      %dma_wait3A_120 = tpu.memref_slice %arg4[%add3A_114, %dma_wait3A_119] : memref<319488x128xf32, #tpu.memory_space<hbm>> -> memref<104x128xf32, #tpu.memory_space<hbm>>
      %dma_wait3A_121 = arith.constant 0 : i32
      %dma_wait3A_122 = tpu.memref_slice %arg4[%add3A_114, %dma_wait3A_121] : memref<319488x128xf32, #tpu.memory_space<hbm>> -> memref<104x128xf32, #tpu.memory_space<hbm>>
      tpu.wait_dma2 semaphore(%arg10 : memref<!tpu.dma_semaphore, #tpu.memory_space<semaphore_mem>>) src(%arg8 : memref<104x128xf32, #tpu.memory_space<vmem>>) dst(%dma_wait3A_122 : memref<104x128xf32, #tpu.memory_space<hbm>>)
      %add3A_123 = arith.constant 2 : i32
      %add3A_124 = arith.addi %add3A_90, %add3A_123 : i32
      %mul3A_125 = arith.constant 208 : i32
      %mul3A_126 = arith.muli %add3A_124, %mul3A_125 : i32
      %add3A_127 = arith.addi %mul3A_2, %mul3A_126 : i32
      "tpu.region"() ({
        %run_scoped3A = tpu.sem_alloc : memref<!tpu.dma_semaphore, #tpu.memory_space<semaphore_mem>>
        %dma_start3A_185 = tpu.memref_slice %arg3[%add3A_127] : memref<319488xi32, #tpu.memory_space<hbm>> -> memref<104xi32, #tpu.memory_space<hbm>>
        %dma_start3A_186 = tpu.memref_slice %arg3[%add3A_127] : memref<319488xi32, #tpu.memory_space<hbm>> -> memref<104xi32, #tpu.memory_space<hbm>>
        tpu.enqueue_dma source(%dma_start3A_186 : memref<104xi32, #tpu.memory_space<hbm>>) target(%arg5 : memref<104xi32, #tpu.memory_space<vmem>>) target_semaphore(%run_scoped3A : memref<!tpu.dma_semaphore, #tpu.memory_space<semaphore_mem>>)
        %dma_wait3A_187 = tpu.memref_slice %arg3[%add3A_127] : memref<319488xi32, #tpu.memory_space<hbm>> -> memref<104xi32, #tpu.memory_space<hbm>>
        %dma_wait3A_188 = tpu.memref_slice %arg3[%add3A_127] : memref<319488xi32, #tpu.memory_space<hbm>> -> memref<104xi32, #tpu.memory_space<hbm>>
        tpu.wait_dma2 semaphore(%run_scoped3A : memref<!tpu.dma_semaphore, #tpu.memory_space<semaphore_mem>>) src(%dma_wait3A_188 : memref<104xi32, #tpu.memory_space<hbm>>) dst(%arg5 : memref<104xi32, #tpu.memory_space<vmem>>)
        tpu.yield
      }) : () -> ()
      %add3A_128 = arith.constant 104 : i32
      %add3A_129 = arith.addi %add3A_127, %add3A_128 : i32
      "tpu.region"() ({
        %run_scoped3A = tpu.sem_alloc : memref<!tpu.dma_semaphore, #tpu.memory_space<semaphore_mem>>
        %dma_start3A_185 = tpu.memref_slice %arg3[%add3A_129] : memref<319488xi32, #tpu.memory_space<hbm>> -> memref<104xi32, #tpu.memory_space<hbm>>
        %dma_start3A_186 = tpu.memref_slice %arg3[%add3A_129] : memref<319488xi32, #tpu.memory_space<hbm>> -> memref<104xi32, #tpu.memory_space<hbm>>
        tpu.enqueue_dma source(%dma_start3A_186 : memref<104xi32, #tpu.memory_space<hbm>>) target(%arg6 : memref<104xi32, #tpu.memory_space<vmem>>) target_semaphore(%run_scoped3A : memref<!tpu.dma_semaphore, #tpu.memory_space<semaphore_mem>>)
        %dma_wait3A_187 = tpu.memref_slice %arg3[%add3A_129] : memref<319488xi32, #tpu.memory_space<hbm>> -> memref<104xi32, #tpu.memory_space<hbm>>
        %dma_wait3A_188 = tpu.memref_slice %arg3[%add3A_129] : memref<319488xi32, #tpu.memory_space<hbm>> -> memref<104xi32, #tpu.memory_space<hbm>>
        tpu.wait_dma2 semaphore(%run_scoped3A : memref<!tpu.dma_semaphore, #tpu.memory_space<semaphore_mem>>) src(%dma_wait3A_188 : memref<104xi32, #tpu.memory_space<hbm>>) dst(%arg6 : memref<104xi32, #tpu.memory_space<vmem>>)
        tpu.yield
      }) : () -> ()
      %dma_start3A_130 = arith.constant 0 : i32
      %dma_start3A_131 = arith.constant 0 : i32
      %dma_start3A_132 = tpu.memref_slice %arg2[%dma_start3A_130, %dma_start3A_131] : memref<200704x128xf32, #tpu.memory_space<hbm>> -> memref<200704x128xf32, #tpu.memory_space<hbm>>
      tpu.enqueue_indirect_dma source(%dma_start3A_132 : memref<200704x128xf32, #tpu.memory_space<hbm>>) target(%arg7 : memref<104x128xf32, #tpu.memory_space<vmem>>) offsets(%arg5 : memref<104xi32, #tpu.memory_space<vmem>>) semaphore(%arg9 : memref<!tpu.dma_semaphore, #tpu.memory_space<semaphore_mem>>)
      %dma_start3A_133 = arith.constant 0 : i32
      %dma_start3A_134 = arith.constant 0 : i32
      %dma_start3A_135 = tpu.memref_slice %arg2[%dma_start3A_133, %dma_start3A_134] : memref<200704x128xf32, #tpu.memory_space<hbm>> -> memref<200704x128xf32, #tpu.memory_space<hbm>>
      tpu.enqueue_indirect_dma source(%dma_start3A_135 : memref<200704x128xf32, #tpu.memory_space<hbm>>) target(%arg8 : memref<104x128xf32, #tpu.memory_space<vmem>>) offsets(%arg6 : memref<104xi32, #tpu.memory_space<vmem>>) semaphore(%arg9 : memref<!tpu.dma_semaphore, #tpu.memory_space<semaphore_mem>>)
      %mul3A_136 = arith.constant 2 : i32
      %mul3A_137 = arith.muli %scan3A_86, %mul3A_136 : i32
      %add3A_138 = arith.constant 1 : i32
      %add3A_139 = arith.addi %mul3A_137, %add3A_138 : i32
      %dma_wait3A_140 = arith.constant 0 : i32
      %dma_wait3A_141 = arith.constant 0 : i32
      %dma_wait3A_142 = tpu.memref_slice %arg2[%dma_wait3A_140, %dma_wait3A_141] : memref<200704x128xf32, #tpu.memory_space<hbm>> -> memref<200704x128xf32, #tpu.memory_space<hbm>>
      tpu.wait_indirect_dma semaphore(%arg15 : memref<!tpu.dma_semaphore, #tpu.memory_space<semaphore_mem>>) src(%dma_wait3A_142 : memref<200704x128xf32, #tpu.memory_space<hbm>>) dst(%arg13 : memref<104x128xf32, #tpu.memory_space<vmem>>)
      %dma_wait3A_143 = arith.constant 0 : i32
      %dma_wait3A_144 = arith.constant 0 : i32
      %dma_wait3A_145 = tpu.memref_slice %arg2[%dma_wait3A_143, %dma_wait3A_144] : memref<200704x128xf32, #tpu.memory_space<hbm>> -> memref<200704x128xf32, #tpu.memory_space<hbm>>
      tpu.wait_indirect_dma semaphore(%arg15 : memref<!tpu.dma_semaphore, #tpu.memory_space<semaphore_mem>>) src(%dma_wait3A_145 : memref<200704x128xf32, #tpu.memory_space<hbm>>) dst(%arg14 : memref<104x128xf32, #tpu.memory_space<vmem>>)
      %mul3A_146 = arith.constant 208 : i32
      %mul3A_147 = arith.muli %add3A_139, %mul3A_146 : i32
      %add3A_148 = arith.addi %mul3A_2, %mul3A_147 : i32
      %add3A_149 = arith.constant 104 : i32
      %add3A_150 = arith.addi %add3A_148, %add3A_149 : i32
      %dma_start3A_151 = arith.constant 0 : i32
      %dma_start3A_152 = tpu.memref_slice %arg4[%add3A_148, %dma_start3A_151] : memref<319488x128xf32, #tpu.memory_space<hbm>> -> memref<104x128xf32, #tpu.memory_space<hbm>>
      %dma_start3A_153 = arith.constant 0 : i32
      %dma_start3A_154 = tpu.memref_slice %arg4[%add3A_148, %dma_start3A_153] : memref<319488x128xf32, #tpu.memory_space<hbm>> -> memref<104x128xf32, #tpu.memory_space<hbm>>
      tpu.enqueue_dma source(%arg13 : memref<104x128xf32, #tpu.memory_space<vmem>>) target(%dma_start3A_154 : memref<104x128xf32, #tpu.memory_space<hbm>>) target_semaphore(%arg16 : memref<!tpu.dma_semaphore, #tpu.memory_space<semaphore_mem>>)
      %dma_start3A_155 = arith.constant 0 : i32
      %dma_start3A_156 = tpu.memref_slice %arg4[%add3A_150, %dma_start3A_155] : memref<319488x128xf32, #tpu.memory_space<hbm>> -> memref<104x128xf32, #tpu.memory_space<hbm>>
      %dma_start3A_157 = arith.constant 0 : i32
      %dma_start3A_158 = tpu.memref_slice %arg4[%add3A_150, %dma_start3A_157] : memref<319488x128xf32, #tpu.memory_space<hbm>> -> memref<104x128xf32, #tpu.memory_space<hbm>>
      tpu.enqueue_dma source(%arg14 : memref<104x128xf32, #tpu.memory_space<vmem>>) target(%dma_start3A_158 : memref<104x128xf32, #tpu.memory_space<hbm>>) target_semaphore(%arg16 : memref<!tpu.dma_semaphore, #tpu.memory_space<semaphore_mem>>)
      %mul3A_159 = arith.constant 208 : i32
      %mul3A_160 = arith.muli %add3A_139, %mul3A_159 : i32
      %add3A_161 = arith.addi %mul3A_2, %mul3A_160 : i32
      %add3A_162 = arith.constant 104 : i32
      %add3A_163 = arith.addi %add3A_161, %add3A_162 : i32
      %dma_wait3A_164 = arith.constant 0 : i32
      %dma_wait3A_165 = tpu.memref_slice %arg4[%add3A_161, %dma_wait3A_164] : memref<319488x128xf32, #tpu.memory_space<hbm>> -> memref<104x128xf32, #tpu.memory_space<hbm>>
      %dma_wait3A_166 = arith.constant 0 : i32
      %dma_wait3A_167 = tpu.memref_slice %arg4[%add3A_161, %dma_wait3A_166] : memref<319488x128xf32, #tpu.memory_space<hbm>> -> memref<104x128xf32, #tpu.memory_space<hbm>>
      tpu.wait_dma2 semaphore(%arg16 : memref<!tpu.dma_semaphore, #tpu.memory_space<semaphore_mem>>) src(%arg13 : memref<104x128xf32, #tpu.memory_space<vmem>>) dst(%dma_wait3A_167 : memref<104x128xf32, #tpu.memory_space<hbm>>)
      %dma_wait3A_168 = arith.constant 0 : i32
      %dma_wait3A_169 = tpu.memref_slice %arg4[%add3A_163, %dma_wait3A_168] : memref<319488x128xf32, #tpu.memory_space<hbm>> -> memref<104x128xf32, #tpu.memory_space<hbm>>
      %dma_wait3A_170 = arith.constant 0 : i32
      %dma_wait3A_171 = tpu.memref_slice %arg4[%add3A_163, %dma_wait3A_170] : memref<319488x128xf32, #tpu.memory_space<hbm>> -> memref<104x128xf32, #tpu.memory_space<hbm>>
      tpu.wait_dma2 semaphore(%arg16 : memref<!tpu.dma_semaphore, #tpu.memory_space<semaphore_mem>>) src(%arg14 : memref<104x128xf32, #tpu.memory_space<vmem>>) dst(%dma_wait3A_171 : memref<104x128xf32, #tpu.memory_space<hbm>>)
      %add3A_172 = arith.constant 2 : i32
      %add3A_173 = arith.addi %add3A_139, %add3A_172 : i32
      %mul3A_174 = arith.constant 208 : i32
      %mul3A_175 = arith.muli %add3A_173, %mul3A_174 : i32
      %add3A_176 = arith.addi %mul3A_2, %mul3A_175 : i32
      "tpu.region"() ({
        %run_scoped3A = tpu.sem_alloc : memref<!tpu.dma_semaphore, #tpu.memory_space<semaphore_mem>>
        %dma_start3A_185 = tpu.memref_slice %arg3[%add3A_176] : memref<319488xi32, #tpu.memory_space<hbm>> -> memref<104xi32, #tpu.memory_space<hbm>>
        %dma_start3A_186 = tpu.memref_slice %arg3[%add3A_176] : memref<319488xi32, #tpu.memory_space<hbm>> -> memref<104xi32, #tpu.memory_space<hbm>>
        tpu.enqueue_dma source(%dma_start3A_186 : memref<104xi32, #tpu.memory_space<hbm>>) target(%arg11 : memref<104xi32, #tpu.memory_space<vmem>>) target_semaphore(%run_scoped3A : memref<!tpu.dma_semaphore, #tpu.memory_space<semaphore_mem>>)
        %dma_wait3A_187 = tpu.memref_slice %arg3[%add3A_176] : memref<319488xi32, #tpu.memory_space<hbm>> -> memref<104xi32, #tpu.memory_space<hbm>>
        %dma_wait3A_188 = tpu.memref_slice %arg3[%add3A_176] : memref<319488xi32, #tpu.memory_space<hbm>> -> memref<104xi32, #tpu.memory_space<hbm>>
        tpu.wait_dma2 semaphore(%run_scoped3A : memref<!tpu.dma_semaphore, #tpu.memory_space<semaphore_mem>>) src(%dma_wait3A_188 : memref<104xi32, #tpu.memory_space<hbm>>) dst(%arg11 : memref<104xi32, #tpu.memory_space<vmem>>)
        tpu.yield
      }) : () -> ()
      %add3A_177 = arith.constant 104 : i32
      %add3A_178 = arith.addi %add3A_176, %add3A_177 : i32
      "tpu.region"() ({
        %run_scoped3A = tpu.sem_alloc : memref<!tpu.dma_semaphore, #tpu.memory_space<semaphore_mem>>
        %dma_start3A_185 = tpu.memref_slice %arg3[%add3A_178] : memref<319488xi32, #tpu.memory_space<hbm>> -> memref<104xi32, #tpu.memory_space<hbm>>
        %dma_start3A_186 = tpu.memref_slice %arg3[%add3A_178] : memref<319488xi32, #tpu.memory_space<hbm>> -> memref<104xi32, #tpu.memory_space<hbm>>
        tpu.enqueue_dma source(%dma_start3A_186 : memref<104xi32, #tpu.memory_space<hbm>>) target(%arg12 : memref<104xi32, #tpu.memory_space<vmem>>) target_semaphore(%run_scoped3A : memref<!tpu.dma_semaphore, #tpu.memory_space<semaphore_mem>>)
        %dma_wait3A_187 = tpu.memref_slice %arg3[%add3A_178] : memref<319488xi32, #tpu.memory_space<hbm>> -> memref<104xi32, #tpu.memory_space<hbm>>
        %dma_wait3A_188 = tpu.memref_slice %arg3[%add3A_178] : memref<319488xi32, #tpu.memory_space<hbm>> -> memref<104xi32, #tpu.memory_space<hbm>>
        tpu.wait_dma2 semaphore(%run_scoped3A : memref<!tpu.dma_semaphore, #tpu.memory_space<semaphore_mem>>) src(%dma_wait3A_188 : memref<104xi32, #tpu.memory_space<hbm>>) dst(%arg12 : memref<104xi32, #tpu.memory_space<vmem>>)
        tpu.yield
      }) : () -> ()
      %dma_start3A_179 = arith.constant 0 : i32
      %dma_start3A_180 = arith.constant 0 : i32
      %dma_start3A_181 = tpu.memref_slice %arg2[%dma_start3A_179, %dma_start3A_180] : memref<200704x128xf32, #tpu.memory_space<hbm>> -> memref<200704x128xf32, #tpu.memory_space<hbm>>
      tpu.enqueue_indirect_dma source(%dma_start3A_181 : memref<200704x128xf32, #tpu.memory_space<hbm>>) target(%arg13 : memref<104x128xf32, #tpu.memory_space<vmem>>) offsets(%arg11 : memref<104xi32, #tpu.memory_space<vmem>>) semaphore(%arg15 : memref<!tpu.dma_semaphore, #tpu.memory_space<semaphore_mem>>)
      %dma_start3A_182 = arith.constant 0 : i32
      %dma_start3A_183 = arith.constant 0 : i32
      %dma_start3A_184 = tpu.memref_slice %arg2[%dma_start3A_182, %dma_start3A_183] : memref<200704x128xf32, #tpu.memory_space<hbm>> -> memref<200704x128xf32, #tpu.memory_space<hbm>>
      tpu.enqueue_indirect_dma source(%dma_start3A_184 : memref<200704x128xf32, #tpu.memory_space<hbm>>) target(%arg14 : memref<104x128xf32, #tpu.memory_space<vmem>>) offsets(%arg12 : memref<104xi32, #tpu.memory_space<vmem>>) semaphore(%arg15 : memref<!tpu.dma_semaphore, #tpu.memory_space<semaphore_mem>>)
    }
    %scan3A_26 = arith.constant 23 : i32
    %dma_wait3A = arith.constant 0 : i32
    %dma_wait3A_27 = arith.constant 0 : i32
    %dma_wait3A_28 = tpu.memref_slice %arg2[%dma_wait3A, %dma_wait3A_27] : memref<200704x128xf32, #tpu.memory_space<hbm>> -> memref<200704x128xf32, #tpu.memory_space<hbm>>
    tpu.wait_indirect_dma semaphore(%arg9 : memref<!tpu.dma_semaphore, #tpu.memory_space<semaphore_mem>>) src(%dma_wait3A_28 : memref<200704x128xf32, #tpu.memory_space<hbm>>) dst(%arg7 : memref<104x128xf32, #tpu.memory_space<vmem>>)
    %dma_wait3A_29 = arith.constant 0 : i32
    %dma_wait3A_30 = arith.constant 0 : i32
    %dma_wait3A_31 = tpu.memref_slice %arg2[%dma_wait3A_29, %dma_wait3A_30] : memref<200704x128xf32, #tpu.memory_space<hbm>> -> memref<200704x128xf32, #tpu.memory_space<hbm>>
    tpu.wait_indirect_dma semaphore(%arg9 : memref<!tpu.dma_semaphore, #tpu.memory_space<semaphore_mem>>) src(%dma_wait3A_31 : memref<200704x128xf32, #tpu.memory_space<hbm>>) dst(%arg8 : memref<104x128xf32, #tpu.memory_space<vmem>>)
    %add3A_32 = arith.constant 9568 : i32
    %add3A_33 = arith.addi %mul3A_2, %add3A_32 : i32
    %add3A_34 = arith.constant 104 : i32
    %add3A_35 = arith.addi %add3A_33, %add3A_34 : i32
    %dma_start3A_36 = arith.constant 0 : i32
    %dma_start3A_37 = tpu.memref_slice %arg4[%add3A_33, %dma_start3A_36] : memref<319488x128xf32, #tpu.memory_space<hbm>> -> memref<104x128xf32, #tpu.memory_space<hbm>>
    %dma_start3A_38 = arith.constant 0 : i32
    %dma_start3A_39 = tpu.memref_slice %arg4[%add3A_33, %dma_start3A_38] : memref<319488x128xf32, #tpu.memory_space<hbm>> -> memref<104x128xf32, #tpu.memory_space<hbm>>
    tpu.enqueue_dma source(%arg7 : memref<104x128xf32, #tpu.memory_space<vmem>>) target(%dma_start3A_39 : memref<104x128xf32, #tpu.memory_space<hbm>>) target_semaphore(%arg10 : memref<!tpu.dma_semaphore, #tpu.memory_space<semaphore_mem>>)
    %dma_start3A_40 = arith.constant 0 : i32
    %dma_start3A_41 = tpu.memref_slice %arg4[%add3A_35, %dma_start3A_40] : memref<319488x128xf32, #tpu.memory_space<hbm>> -> memref<104x128xf32, #tpu.memory_space<hbm>>
    %dma_start3A_42 = arith.constant 0 : i32
    %dma_start3A_43 = tpu.memref_slice %arg4[%add3A_35, %dma_start3A_42] : memref<319488x128xf32, #tpu.memory_space<hbm>> -> memref<104x128xf32, #tpu.memory_space<hbm>>
    tpu.enqueue_dma source(%arg8 : memref<104x128xf32, #tpu.memory_space<vmem>>) target(%dma_start3A_43 : memref<104x128xf32, #tpu.memory_space<hbm>>) target_semaphore(%arg10 : memref<!tpu.dma_semaphore, #tpu.memory_space<semaphore_mem>>)
    %add3A_44 = arith.constant 9568 : i32
    %add3A_45 = arith.addi %mul3A_2, %add3A_44 : i32
    %add3A_46 = arith.constant 104 : i32
    %add3A_47 = arith.addi %add3A_45, %add3A_46 : i32
    %dma_wait3A_48 = arith.constant 0 : i32
    %dma_wait3A_49 = tpu.memref_slice %arg4[%add3A_45, %dma_wait3A_48] : memref<319488x128xf32, #tpu.memory_space<hbm>> -> memref<104x128xf32, #tpu.memory_space<hbm>>
    %dma_wait3A_50 = arith.constant 0 : i32
    %dma_wait3A_51 = tpu.memref_slice %arg4[%add3A_45, %dma_wait3A_50] : memref<319488x128xf32, #tpu.memory_space<hbm>> -> memref<104x128xf32, #tpu.memory_space<hbm>>
    tpu.wait_dma2 semaphore(%arg10 : memref<!tpu.dma_semaphore, #tpu.memory_space<semaphore_mem>>) src(%arg7 : memref<104x128xf32, #tpu.memory_space<vmem>>) dst(%dma_wait3A_51 : memref<104x128xf32, #tpu.memory_space<hbm>>)
    %dma_wait3A_52 = arith.constant 0 : i32
    %dma_wait3A_53 = tpu.memref_slice %arg4[%add3A_47, %dma_wait3A_52] : memref<319488x128xf32, #tpu.memory_space<hbm>> -> memref<104x128xf32, #tpu.memory_space<hbm>>
    %dma_wait3A_54 = arith.constant 0 : i32
    %dma_wait3A_55 = tpu.memref_slice %arg4[%add3A_47, %dma_wait3A_54] : memref<319488x128xf32, #tpu.memory_space<hbm>> -> memref<104x128xf32, #tpu.memory_space<hbm>>
    tpu.wait_dma2 semaphore(%arg10 : memref<!tpu.dma_semaphore, #tpu.memory_space<semaphore_mem>>) src(%arg8 : memref<104x128xf32, #tpu.memory_space<vmem>>) dst(%dma_wait3A_55 : memref<104x128xf32, #tpu.memory_space<hbm>>)
    %dma_wait3A_56 = arith.constant 0 : i32
    %dma_wait3A_57 = arith.constant 0 : i32
    %dma_wait3A_58 = tpu.memref_slice %arg2[%dma_wait3A_56, %dma_wait3A_57] : memref<200704x128xf32, #tpu.memory_space<hbm>> -> memref<200704x128xf32, #tpu.memory_space<hbm>>
    tpu.wait_indirect_dma semaphore(%arg15 : memref<!tpu.dma_semaphore, #tpu.memory_space<semaphore_mem>>) src(%dma_wait3A_58 : memref<200704x128xf32, #tpu.memory_space<hbm>>) dst(%arg13 : memref<104x128xf32, #tpu.memory_space<vmem>>)
    %dma_wait3A_59 = arith.constant 0 : i32
    %dma_wait3A_60 = arith.constant 0 : i32
    %dma_wait3A_61 = tpu.memref_slice %arg2[%dma_wait3A_59, %dma_wait3A_60] : memref<200704x128xf32, #tpu.memory_space<hbm>> -> memref<200704x128xf32, #tpu.memory_space<hbm>>
    tpu.wait_indirect_dma semaphore(%arg15 : memref<!tpu.dma_semaphore, #tpu.memory_space<semaphore_mem>>) src(%dma_wait3A_61 : memref<200704x128xf32, #tpu.memory_space<hbm>>) dst(%arg14 : memref<104x128xf32, #tpu.memory_space<vmem>>)
    %add3A_62 = arith.constant 9776 : i32
    %add3A_63 = arith.addi %mul3A_2, %add3A_62 : i32
    %add3A_64 = arith.constant 104 : i32
    %add3A_65 = arith.addi %add3A_63, %add3A_64 : i32
    %dma_start3A_66 = arith.constant 0 : i32
    %dma_start3A_67 = tpu.memref_slice %arg4[%add3A_63, %dma_start3A_66] : memref<319488x128xf32, #tpu.memory_space<hbm>> -> memref<104x128xf32, #tpu.memory_space<hbm>>
    %dma_start3A_68 = arith.constant 0 : i32
    %dma_start3A_69 = tpu.memref_slice %arg4[%add3A_63, %dma_start3A_68] : memref<319488x128xf32, #tpu.memory_space<hbm>> -> memref<104x128xf32, #tpu.memory_space<hbm>>
    tpu.enqueue_dma source(%arg13 : memref<104x128xf32, #tpu.memory_space<vmem>>) target(%dma_start3A_69 : memref<104x128xf32, #tpu.memory_space<hbm>>) target_semaphore(%arg16 : memref<!tpu.dma_semaphore, #tpu.memory_space<semaphore_mem>>)
    %dma_start3A_70 = arith.constant 0 : i32
    %dma_start3A_71 = tpu.memref_slice %arg4[%add3A_65, %dma_start3A_70] : memref<319488x128xf32, #tpu.memory_space<hbm>> -> memref<104x128xf32, #tpu.memory_space<hbm>>
    %dma_start3A_72 = arith.constant 0 : i32
    %dma_start3A_73 = tpu.memref_slice %arg4[%add3A_65, %dma_start3A_72] : memref<319488x128xf32, #tpu.memory_space<hbm>> -> memref<104x128xf32, #tpu.memory_space<hbm>>
    tpu.enqueue_dma source(%arg14 : memref<104x128xf32, #tpu.memory_space<vmem>>) target(%dma_start3A_73 : memref<104x128xf32, #tpu.memory_space<hbm>>) target_semaphore(%arg16 : memref<!tpu.dma_semaphore, #tpu.memory_space<semaphore_mem>>)
    %add3A_74 = arith.constant 9776 : i32
    %add3A_75 = arith.addi %mul3A_2, %add3A_74 : i32
    %add3A_76 = arith.constant 104 : i32
    %add3A_77 = arith.addi %add3A_75, %add3A_76 : i32
    %dma_wait3A_78 = arith.constant 0 : i32
    %dma_wait3A_79 = tpu.memref_slice %arg4[%add3A_75, %dma_wait3A_78] : memref<319488x128xf32, #tpu.memory_space<hbm>> -> memref<104x128xf32, #tpu.memory_space<hbm>>
    %dma_wait3A_80 = arith.constant 0 : i32
    %dma_wait3A_81 = tpu.memref_slice %arg4[%add3A_75, %dma_wait3A_80] : memref<319488x128xf32, #tpu.memory_space<hbm>> -> memref<104x128xf32, #tpu.memory_space<hbm>>
    tpu.wait_dma2 semaphore(%arg16 : memref<!tpu.dma_semaphore, #tpu.memory_space<semaphore_mem>>) src(%arg13 : memref<104x128xf32, #tpu.memory_space<vmem>>) dst(%dma_wait3A_81 : memref<104x128xf32, #tpu.memory_space<hbm>>)
    %dma_wait3A_82 = arith.constant 0 : i32
    %dma_wait3A_83 = tpu.memref_slice %arg4[%add3A_77, %dma_wait3A_82] : memref<319488x128xf32, #tpu.memory_space<hbm>> -> memref<104x128xf32, #tpu.memory_space<hbm>>
    %dma_wait3A_84 = arith.constant 0 : i32
    %dma_wait3A_85 = tpu.memref_slice %arg4[%add3A_77, %dma_wait3A_84] : memref<319488x128xf32, #tpu.memory_space<hbm>> -> memref<104x128xf32, #tpu.memory_space<hbm>>
    tpu.wait_dma2 semaphore(%arg16 : memref<!tpu.dma_semaphore, #tpu.memory_space<semaphore_mem>>) src(%arg14 : memref<104x128xf32, #tpu.memory_space<vmem>>) dst(%dma_wait3A_85 : memref<104x128xf32, #tpu.memory_space<hbm>>)
    return
  }
}

module attributes {stable_mosaic.version = 14 : i64} {
  func.func @body(%arg0: i32, %arg1: memref<2048x147xf32, #tpu.memory_space<vmem>>, %arg2: memref<147x128xf32, #tpu.memory_space<vmem>>, %arg3: memref<2048x128xf32, #tpu.memory_space<vmem>>) attributes {dimension_semantics = [#tpu.dimension_semantics<arbitrary>], iteration_bounds = array<i64: 98>, scalar_prefetch = 0 : i64, scratch_operands = 0 : i64, tpu.core_type = #tpu.core_type<tc>, window_params = [{transform_indices = @transform_0, window_bounds = array<i64: 2048, 147>}, {pipeline_mode = #tpu.pipeline_mode<synchronous>, transform_indices = @transform_1, window_bounds = array<i64: 147, 128>}, {transform_indices = @transform_2, window_bounds = array<i64: 2048, 128>}]} {
    %get3A = arith.constant 0 : index
    %get3A_0 = arith.constant 0 : index
    %get3A_1 = vector.load %arg1[%get3A, %get3A_0] : memref<2048x147xf32, #tpu.memory_space<vmem>>, vector<2048x147xf32>
    %get3A_2 = arith.constant 0 : index
    %get3A_3 = arith.constant 0 : index
    %get3A_4 = vector.load %arg2[%get3A_2, %get3A_3] : memref<147x128xf32, #tpu.memory_space<vmem>>, vector<147x128xf32>
    %dot_general3A = arith.constant dense<0.000000e+00> : vector<2048x128xf32>
    %dot_general3A_5 = tpu.matmul %get3A_1, %get3A_4, %dot_general3A {dimension_numbers = #tpu.dot_dimension_numbers<[1], [0], [0], [1], [0, 0, 1, 1], [], []>, transpose_lhs_hint = false} : vector<2048x147xf32>, vector<147x128xf32>, vector<2048x128xf32> -> vector<2048x128xf32>
    %max3A = arith.constant 0.000000e+00 : f32
    %max3A_6 = vector.broadcast %max3A : f32 to vector<2048x128xf32>
    %max3A_7 = arith.maximumf %dot_general3A_5, %max3A_6 : vector<2048x128xf32>
    %swap3A = arith.constant 0 : index
    %swap3A_8 = arith.constant 0 : index
    %swap3A_9 = vector.load %arg3[%swap3A, %swap3A_8] : memref<2048x128xf32, #tpu.memory_space<vmem>>, vector<2048x128xf32>
    tpu.vector_store %arg3[%swap3A, %swap3A_8], %max3A_7 {strides = array<i32>} : memref<2048x128xf32, #tpu.memory_space<vmem>>, vector<2048x128xf32>,
    return
  }
  func.func @transform_0(%arg0: i32) -> (i32, i32) {
    %c0_i32 = arith.constant 0 : i32
    %c0_i32_0 = arith.constant 0 : i32
    return %arg0, %c0_i32 : i32, i32
  }
  func.func @transform_1(%arg0: i32) -> (i32, i32) {
    %c0_i32 = arith.constant 0 : i32
    %c0_i32_0 = arith.constant 0 : i32
    %c0_i32_1 = arith.constant 0 : i32
    return %c0_i32, %c0_i32_0 : i32, i32
  }
  func.func @transform_2(%arg0: i32) -> (i32, i32) {
    %c0_i32 = arith.constant 0 : i32
    %c0_i32_0 = arith.constant 0 : i32
    return %arg0, %c0_i32 : i32, i32
  }
}

module attributes {stable_mosaic.version = 14 : i64} {
  func.func @body(%arg0: i32, %arg1: memref<2048x133xf32, #tpu.memory_space<vmem>>, %arg2: memref<133x128xf32, #tpu.memory_space<vmem>>, %arg3: memref<2048x128xf32, #tpu.memory_space<vmem>>) attributes {dimension_semantics = [#tpu.dimension_semantics<arbitrary>], iteration_bounds = array<i64: 26>, scalar_prefetch = 0 : i64, scratch_operands = 0 : i64, tpu.core_type = #tpu.core_type<tc>, window_params = [{transform_indices = @transform_0, window_bounds = array<i64: 2048, 133>}, {pipeline_mode = #tpu.pipeline_mode<synchronous>, transform_indices = @transform_1, window_bounds = array<i64: 133, 128>}, {transform_indices = @transform_2, window_bounds = array<i64: 2048, 128>}]} {
    %get3A = arith.constant 0 : index
    %get3A_0 = arith.constant 0 : index
    %get3A_1 = vector.load %arg1[%get3A, %get3A_0] : memref<2048x133xf32, #tpu.memory_space<vmem>>, vector<2048x133xf32>
    %get3A_2 = arith.constant 0 : index
    %get3A_3 = arith.constant 0 : index
    %get3A_4 = vector.load %arg2[%get3A_2, %get3A_3] : memref<133x128xf32, #tpu.memory_space<vmem>>, vector<133x128xf32>
    %dot_general3A = arith.constant dense<0.000000e+00> : vector<2048x128xf32>
    %dot_general3A_5 = tpu.matmul %get3A_1, %get3A_4, %dot_general3A {dimension_numbers = #tpu.dot_dimension_numbers<[1], [0], [0], [1], [0, 0, 1, 1], [], []>, transpose_lhs_hint = false} : vector<2048x133xf32>, vector<133x128xf32>, vector<2048x128xf32> -> vector<2048x128xf32>
    %max3A = arith.constant 0.000000e+00 : f32
    %max3A_6 = vector.broadcast %max3A : f32 to vector<2048x128xf32>
    %max3A_7 = arith.maximumf %dot_general3A_5, %max3A_6 : vector<2048x128xf32>
    %swap3A = arith.constant 0 : index
    %swap3A_8 = arith.constant 0 : index
    %swap3A_9 = vector.load %arg3[%swap3A, %swap3A_8] : memref<2048x128xf32, #tpu.memory_space<vmem>>, vector<2048x128xf32>
    tpu.vector_store %arg3[%swap3A, %swap3A_8], %max3A_7 {strides = array<i32>} : memref<2048x128xf32, #tpu.memory_space<vmem>>, vector<2048x128xf32>,
    return
  }
  func.func @transform_0(%arg0: i32) -> (i32, i32) {
    %c0_i32 = arith.constant 0 : i32
    %c0_i32_0 = arith.constant 0 : i32
    return %arg0, %c0_i32 : i32, i32
  }
  func.func @transform_1(%arg0: i32) -> (i32, i32) {
    %c0_i32 = arith.constant 0 : i32
    %c0_i32_0 = arith.constant 0 : i32
    %c0_i32_1 = arith.constant 0 : i32
    return %c0_i32, %c0_i32_0 : i32, i32
  }
  func.func @transform_2(%arg0: i32) -> (i32, i32) {
    %c0_i32 = arith.constant 0 : i32
    %c0_i32_0 = arith.constant 0 : i32
    return %arg0, %c0_i32 : i32, i32
  }
}

module attributes {stable_mosaic.version = 14 : i64} {
  func.func @body(%arg0: i32, %arg1: memref<6x2048x128xf32, #tpu.memory_space<vmem>>, %arg2: memref<2048x128xf32, #tpu.memory_space<vmem>>, %arg3: memref<2048x128xf32, #tpu.memory_space<vmem>>) attributes {dimension_semantics = [#tpu.dimension_semantics<arbitrary>], iteration_bounds = array<i64: 26>, scalar_prefetch = 0 : i64, scratch_operands = 0 : i64, tpu.core_type = #tpu.core_type<tc>, window_params = [{transform_indices = @transform_0, window_bounds = array<i64: 6, 2048, 128>}, {transform_indices = @transform_1, window_bounds = array<i64: 2048, 128>}, {transform_indices = @transform_2, window_bounds = array<i64: 2048, 128>}]} {
    %get3A = arith.constant 0 : index
    %get3A_0 = arith.constant 0 : index
    %get3A_1 = arith.constant 0 : index
    %get3A_2 = vector.load %arg1[%get3A, %get3A_0, %get3A_1] : memref<6x2048x128xf32, #tpu.memory_space<vmem>>, vector<1x2048x128xf32>
    %get3A_3 = vector.shape_cast %get3A_2 : vector<1x2048x128xf32> to vector<2048x128xf32>
    %get3A_4 = arith.constant 1 : index
    %get3A_5 = arith.constant 0 : index
    %get3A_6 = arith.constant 0 : index
    %get3A_7 = vector.load %arg1[%get3A_4, %get3A_5, %get3A_6] : memref<6x2048x128xf32, #tpu.memory_space<vmem>>, vector<1x2048x128xf32>
    %get3A_8 = vector.shape_cast %get3A_7 : vector<1x2048x128xf32> to vector<2048x128xf32>
    %get3A_9 = arith.constant 2 : index
    %get3A_10 = arith.constant 0 : index
    %get3A_11 = arith.constant 0 : index
    %get3A_12 = vector.load %arg1[%get3A_9, %get3A_10, %get3A_11] : memref<6x2048x128xf32, #tpu.memory_space<vmem>>, vector<1x2048x128xf32>
    %get3A_13 = vector.shape_cast %get3A_12 : vector<1x2048x128xf32> to vector<2048x128xf32>
    %get3A_14 = arith.constant 3 : index
    %get3A_15 = arith.constant 0 : index
    %get3A_16 = arith.constant 0 : index
    %get3A_17 = vector.load %arg1[%get3A_14, %get3A_15, %get3A_16] : memref<6x2048x128xf32, #tpu.memory_space<vmem>>, vector<1x2048x128xf32>
    %get3A_18 = vector.shape_cast %get3A_17 : vector<1x2048x128xf32> to vector<2048x128xf32>
    %get3A_19 = arith.constant 4 : index
    %get3A_20 = arith.constant 0 : index
    %get3A_21 = arith.constant 0 : index
    %get3A_22 = vector.load %arg1[%get3A_19, %get3A_20, %get3A_21] : memref<6x2048x128xf32, #tpu.memory_space<vmem>>, vector<1x2048x128xf32>
    %get3A_23 = vector.shape_cast %get3A_22 : vector<1x2048x128xf32> to vector<2048x128xf32>
    %get3A_24 = arith.constant 5 : index
    %get3A_25 = arith.constant 0 : index
    %get3A_26 = arith.constant 0 : index
    %get3A_27 = vector.load %arg1[%get3A_24, %get3A_25, %get3A_26] : memref<6x2048x128xf32, #tpu.memory_space<vmem>>, vector<1x2048x128xf32>
    %get3A_28 = vector.shape_cast %get3A_27 : vector<1x2048x128xf32> to vector<2048x128xf32>
    %add3A = arith.addf %get3A_3, %get3A_23 : vector<2048x128xf32>
    %add3A_29 = arith.addf %add3A, %get3A_13 : vector<2048x128xf32>
    %add3A_30 = arith.addf %get3A_8, %get3A_28 : vector<2048x128xf32>
    %add3A_31 = arith.addf %add3A_30, %get3A_18 : vector<2048x128xf32>
    %add3A_32 = arith.addf %add3A_29, %add3A_31 : vector<2048x128xf32>
    %max3A = arith.maximumf %get3A_3, %get3A_23 : vector<2048x128xf32>
    %max3A_33 = arith.maximumf %max3A, %get3A_13 : vector<2048x128xf32>
    %max3A_34 = arith.maximumf %get3A_8, %get3A_28 : vector<2048x128xf32>
    %max3A_35 = arith.maximumf %max3A_34, %get3A_18 : vector<2048x128xf32>
    %max3A_36 = arith.maximumf %max3A_33, %max3A_35 : vector<2048x128xf32>
    %mul3A = arith.mulf %add3A_32, %max3A_36 : vector<2048x128xf32>
    %get3A_37 = arith.constant 0 : index
    %get3A_38 = arith.constant 0 : index
    %get3A_39 = vector.load %arg2[%get3A_37, %get3A_38] : memref<2048x128xf32, #tpu.memory_space<vmem>>, vector<2048x128xf32>
    %add3A_40 = arith.addf %mul3A, %get3A_39 : vector<2048x128xf32>
    %swap3A = arith.constant 0 : index
    %swap3A_41 = arith.constant 0 : index
    %swap3A_42 = vector.load %arg3[%swap3A, %swap3A_41] : memref<2048x128xf32, #tpu.memory_space<vmem>>, vector<2048x128xf32>
    tpu.vector_store %arg3[%swap3A, %swap3A_41], %add3A_40 {strides = array<i32>} : memref<2048x128xf32, #tpu.memory_space<vmem>>, vector<2048x128xf32>,
    return
  }
  func.func @transform_0(%arg0: i32) -> (i32, i32, i32) {
    %c0_i32 = arith.constant 0 : i32
    %c0_i32_0 = arith.constant 0 : i32
    %c0_i32_1 = arith.constant 0 : i32
    return %c0_i32, %arg0, %c0_i32_0 : i32, i32, i32
  }
  func.func @transform_1(%arg0: i32) -> (i32, i32) {
    %c0_i32 = arith.constant 0 : i32
    %c0_i32_0 = arith.constant 0 : i32
    return %arg0, %c0_i32 : i32, i32
  }
  func.func @transform_2(%arg0: i32) -> (i32, i32) {
    %c0_i32 = arith.constant 0 : i32
    %c0_i32_0 = arith.constant 0 : i32
    return %arg0, %c0_i32 : i32, i32
  }
}

module attributes {stable_mosaic.version = 14 : i64} {
  func.func @body(%arg0: i32, %arg1: memref<2048x128xf32, #tpu.memory_space<vmem>>, %arg2: memref<128x128xf32, #tpu.memory_space<vmem>>, %arg3: memref<2048x128xf32, #tpu.memory_space<vmem>>, %arg4: memref<2048x128xf32, #tpu.memory_space<vmem>>) attributes {dimension_semantics = [#tpu.dimension_semantics<arbitrary>], iteration_bounds = array<i64: 98>, scalar_prefetch = 0 : i64, scratch_operands = 0 : i64, tpu.core_type = #tpu.core_type<tc>, window_params = [{transform_indices = @transform_0, window_bounds = array<i64: 2048, 128>}, {pipeline_mode = #tpu.pipeline_mode<synchronous>, transform_indices = @transform_1, window_bounds = array<i64: 128, 128>}, {transform_indices = @transform_2, window_bounds = array<i64: 2048, 128>}, {transform_indices = @transform_3, window_bounds = array<i64: 2048, 128>}]} {
    %get3A = arith.constant 0 : index
    %get3A_0 = arith.constant 0 : index
    %get3A_1 = vector.load %arg1[%get3A, %get3A_0] : memref<2048x128xf32, #tpu.memory_space<vmem>>, vector<2048x128xf32>
    %get3A_2 = arith.constant 0 : index
    %get3A_3 = arith.constant 0 : index
    %get3A_4 = vector.load %arg2[%get3A_2, %get3A_3] : memref<128x128xf32, #tpu.memory_space<vmem>>, vector<128x128xf32>
    %dot_general3A = arith.constant dense<0.000000e+00> : vector<2048x128xf32>
    %dot_general3A_5 = tpu.matmul %get3A_1, %get3A_4, %dot_general3A {dimension_numbers = #tpu.dot_dimension_numbers<[1], [0], [0], [1], [0, 0, 1, 1], [], []>, transpose_lhs_hint = false} : vector<2048x128xf32>, vector<128x128xf32>, vector<2048x128xf32> -> vector<2048x128xf32>
    %get3A_6 = arith.constant 0 : index
    %get3A_7 = arith.constant 0 : index
    %get3A_8 = vector.load %arg3[%get3A_6, %get3A_7] : memref<2048x128xf32, #tpu.memory_space<vmem>>, vector<2048x128xf32>
    %add3A = arith.addf %dot_general3A_5, %get3A_8 : vector<2048x128xf32>
    %max3A = arith.constant 0.000000e+00 : f32
    %max3A_9 = vector.broadcast %max3A : f32 to vector<2048x128xf32>
    %max3A_10 = arith.maximumf %add3A, %max3A_9 : vector<2048x128xf32>
    %swap3A = arith.constant 0 : index
    %swap3A_11 = arith.constant 0 : index
    %swap3A_12 = vector.load %arg4[%swap3A, %swap3A_11] : memref<2048x128xf32, #tpu.memory_space<vmem>>, vector<2048x128xf32>
    tpu.vector_store %arg4[%swap3A, %swap3A_11], %max3A_10 {strides = array<i32>} : memref<2048x128xf32, #tpu.memory_space<vmem>>, vector<2048x128xf32>,
    return
  }
  func.func @transform_0(%arg0: i32) -> (i32, i32) {
    %c0_i32 = arith.constant 0 : i32
    %c0_i32_0 = arith.constant 0 : i32
    return %arg0, %c0_i32 : i32, i32
  }
  func.func @transform_1(%arg0: i32) -> (i32, i32) {
    %c0_i32 = arith.constant 0 : i32
    %c0_i32_0 = arith.constant 0 : i32
    %c0_i32_1 = arith.constant 0 : i32
    return %c0_i32, %c0_i32_0 : i32, i32
  }
  func.func @transform_2(%arg0: i32) -> (i32, i32) {
    %c0_i32 = arith.constant 0 : i32
    %c0_i32_0 = arith.constant 0 : i32
    return %arg0, %c0_i32 : i32, i32
  }
  func.func @transform_3(%arg0: i32) -> (i32, i32) {
    %c0_i32 = arith.constant 0 : i32
    %c0_i32_0 = arith.constant 0 : i32
    return %arg0, %c0_i32 : i32, i32
  }
}

module attributes {stable_mosaic.version = 14 : i64} {
  func.func @body(%arg0: i32, %arg1: memref<6x2048x128xf32, #tpu.memory_space<vmem>>, %arg2: memref<2048x128xf32, #tpu.memory_space<vmem>>) attributes {dimension_semantics = [#tpu.dimension_semantics<arbitrary>], iteration_bounds = array<i64: 26>, scalar_prefetch = 0 : i64, scratch_operands = 0 : i64, tpu.core_type = #tpu.core_type<tc>, window_params = [{transform_indices = @transform_0, window_bounds = array<i64: 6, 2048, 128>}, {transform_indices = @transform_1, window_bounds = array<i64: 2048, 128>}]} {
    %get3A = arith.constant 0 : index
    %get3A_0 = arith.constant 0 : index
    %get3A_1 = arith.constant 0 : index
    %get3A_2 = vector.load %arg1[%get3A, %get3A_0, %get3A_1] : memref<6x2048x128xf32, #tpu.memory_space<vmem>>, vector<1x2048x128xf32>
    %get3A_3 = vector.shape_cast %get3A_2 : vector<1x2048x128xf32> to vector<2048x128xf32>
    %get3A_4 = arith.constant 1 : index
    %get3A_5 = arith.constant 0 : index
    %get3A_6 = arith.constant 0 : index
    %get3A_7 = vector.load %arg1[%get3A_4, %get3A_5, %get3A_6] : memref<6x2048x128xf32, #tpu.memory_space<vmem>>, vector<1x2048x128xf32>
    %get3A_8 = vector.shape_cast %get3A_7 : vector<1x2048x128xf32> to vector<2048x128xf32>
    %get3A_9 = arith.constant 2 : index
    %get3A_10 = arith.constant 0 : index
    %get3A_11 = arith.constant 0 : index
    %get3A_12 = vector.load %arg1[%get3A_9, %get3A_10, %get3A_11] : memref<6x2048x128xf32, #tpu.memory_space<vmem>>, vector<1x2048x128xf32>
    %get3A_13 = vector.shape_cast %get3A_12 : vector<1x2048x128xf32> to vector<2048x128xf32>
    %get3A_14 = arith.constant 3 : index
    %get3A_15 = arith.constant 0 : index
    %get3A_16 = arith.constant 0 : index
    %get3A_17 = vector.load %arg1[%get3A_14, %get3A_15, %get3A_16] : memref<6x2048x128xf32, #tpu.memory_space<vmem>>, vector<1x2048x128xf32>
    %get3A_18 = vector.shape_cast %get3A_17 : vector<1x2048x128xf32> to vector<2048x128xf32>
    %get3A_19 = arith.constant 4 : index
    %get3A_20 = arith.constant 0 : index
    %get3A_21 = arith.constant 0 : index
    %get3A_22 = vector.load %arg1[%get3A_19, %get3A_20, %get3A_21] : memref<6x2048x128xf32, #tpu.memory_space<vmem>>, vector<1x2048x128xf32>
    %get3A_23 = vector.shape_cast %get3A_22 : vector<1x2048x128xf32> to vector<2048x128xf32>
    %get3A_24 = arith.constant 5 : index
    %get3A_25 = arith.constant 0 : index
    %get3A_26 = arith.constant 0 : index
    %get3A_27 = vector.load %arg1[%get3A_24, %get3A_25, %get3A_26] : memref<6x2048x128xf32, #tpu.memory_space<vmem>>, vector<1x2048x128xf32>
    %get3A_28 = vector.shape_cast %get3A_27 : vector<1x2048x128xf32> to vector<2048x128xf32>
    %add3A = arith.addf %get3A_3, %get3A_23 : vector<2048x128xf32>
    %add3A_29 = arith.addf %add3A, %get3A_13 : vector<2048x128xf32>
    %add3A_30 = arith.addf %get3A_8, %get3A_28 : vector<2048x128xf32>
    %add3A_31 = arith.addf %add3A_30, %get3A_18 : vector<2048x128xf32>
    %add3A_32 = arith.addf %add3A_29, %add3A_31 : vector<2048x128xf32>
    %max3A = arith.maximumf %get3A_3, %get3A_23 : vector<2048x128xf32>
    %max3A_33 = arith.maximumf %max3A, %get3A_13 : vector<2048x128xf32>
    %max3A_34 = arith.maximumf %get3A_8, %get3A_28 : vector<2048x128xf32>
    %max3A_35 = arith.maximumf %max3A_34, %get3A_18 : vector<2048x128xf32>
    %max3A_36 = arith.maximumf %max3A_33, %max3A_35 : vector<2048x128xf32>
    %mul3A = arith.mulf %add3A_32, %max3A_36 : vector<2048x128xf32>
    %swap3A = arith.constant 0 : index
    %swap3A_37 = arith.constant 0 : index
    %swap3A_38 = vector.load %arg2[%swap3A, %swap3A_37] : memref<2048x128xf32, #tpu.memory_space<vmem>>, vector<2048x128xf32>
    tpu.vector_store %arg2[%swap3A, %swap3A_37], %mul3A {strides = array<i32>} : memref<2048x128xf32, #tpu.memory_space<vmem>>, vector<2048x128xf32>,
    return
  }
  func.func @transform_0(%arg0: i32) -> (i32, i32, i32) {
    %c0_i32 = arith.constant 0 : i32
    %c0_i32_0 = arith.constant 0 : i32
    %c0_i32_1 = arith.constant 0 : i32
    return %c0_i32, %arg0, %c0_i32_0 : i32, i32, i32
  }
  func.func @transform_1(%arg0: i32) -> (i32, i32) {
    %c0_i32 = arith.constant 0 : i32
    %c0_i32_0 = arith.constant 0 : i32
    return %arg0, %c0_i32 : i32, i32
  }
}

module attributes {stable_mosaic.version = 14 : i64} {
  func.func @body(%arg0: i32, %arg1: memref<2048x128xf32, #tpu.memory_space<vmem>>, %arg2: memref<2048x128xf32, #tpu.memory_space<vmem>>, %arg3: memref<2048x128xf32, #tpu.memory_space<vmem>>, %arg4: memref<128x128xf32, #tpu.memory_space<vmem>>, %arg5: memref<128x128xf32, #tpu.memory_space<vmem>>, %arg6: memref<128x128xf32, #tpu.memory_space<vmem>>, %arg7: memref<2048x128xf32, #tpu.memory_space<vmem>>) attributes {dimension_semantics = [#tpu.dimension_semantics<arbitrary>], iteration_bounds = array<i64: 26>, scalar_prefetch = 0 : i64, scratch_operands = 0 : i64, tpu.core_type = #tpu.core_type<tc>, window_params = [{transform_indices = @transform_0, window_bounds = array<i64: 2048, 128>}, {transform_indices = @transform_1, window_bounds = array<i64: 2048, 128>}, {transform_indices = @transform_2, window_bounds = array<i64: 2048, 128>}, {pipeline_mode = #tpu.pipeline_mode<synchronous>, transform_indices = @transform_3, window_bounds = array<i64: 128, 128>}, {pipeline_mode = #tpu.pipeline_mode<synchronous>, transform_indices = @transform_4, window_bounds = array<i64: 128, 128>}, {pipeline_mode = #tpu.pipeline_mode<synchronous>, transform_indices = @transform_5, window_bounds = array<i64: 128, 128>}, {transform_indices = @transform_6, window_bounds = array<i64: 2048, 128>}]} {
    %get3A = arith.constant 0 : index
    %get3A_0 = arith.constant 0 : index
    %get3A_1 = vector.load %arg1[%get3A, %get3A_0] : memref<2048x128xf32, #tpu.memory_space<vmem>>, vector<2048x128xf32>
    %get3A_2 = arith.constant 0 : index
    %get3A_3 = arith.constant 0 : index
    %get3A_4 = vector.load %arg4[%get3A_2, %get3A_3] : memref<128x128xf32, #tpu.memory_space<vmem>>, vector<128x128xf32>
    %dot_general3A = arith.constant dense<0.000000e+00> : vector<2048x128xf32>
    %dot_general3A_5 = tpu.matmul %get3A_1, %get3A_4, %dot_general3A {dimension_numbers = #tpu.dot_dimension_numbers<[1], [0], [0], [1], [0, 0, 1, 1], [], []>, transpose_lhs_hint = false} : vector<2048x128xf32>, vector<128x128xf32>, vector<2048x128xf32> -> vector<2048x128xf32>
    %get3A_6 = arith.constant 0 : index
    %get3A_7 = arith.constant 0 : index
    %get3A_8 = vector.load %arg2[%get3A_6, %get3A_7] : memref<2048x128xf32, #tpu.memory_space<vmem>>, vector<2048x128xf32>
    %get3A_9 = arith.constant 0 : index
    %get3A_10 = arith.constant 0 : index
    %get3A_11 = vector.load %arg5[%get3A_9, %get3A_10] : memref<128x128xf32, #tpu.memory_space<vmem>>, vector<128x128xf32>
    %dot_general3A_12 = arith.constant dense<0.000000e+00> : vector<2048x128xf32>
    %dot_general3A_13 = tpu.matmul %get3A_8, %get3A_11, %dot_general3A_12 {dimension_numbers = #tpu.dot_dimension_numbers<[1], [0], [0], [1], [0, 0, 1, 1], [], []>, transpose_lhs_hint = false} : vector<2048x128xf32>, vector<128x128xf32>, vector<2048x128xf32> -> vector<2048x128xf32>
    %add3A = arith.addf %dot_general3A_5, %dot_general3A_13 : vector<2048x128xf32>
    %get3A_14 = arith.constant 0 : index
    %get3A_15 = arith.constant 0 : index
    %get3A_16 = vector.load %arg3[%get3A_14, %get3A_15] : memref<2048x128xf32, #tpu.memory_space<vmem>>, vector<2048x128xf32>
    %get3A_17 = arith.constant 0 : index
    %get3A_18 = arith.constant 0 : index
    %get3A_19 = vector.load %arg6[%get3A_17, %get3A_18] : memref<128x128xf32, #tpu.memory_space<vmem>>, vector<128x128xf32>
    %dot_general3A_20 = arith.constant dense<0.000000e+00> : vector<2048x128xf32>
    %dot_general3A_21 = tpu.matmul %get3A_16, %get3A_19, %dot_general3A_20 {dimension_numbers = #tpu.dot_dimension_numbers<[1], [0], [0], [1], [0, 0, 1, 1], [], []>, transpose_lhs_hint = false} : vector<2048x128xf32>, vector<128x128xf32>, vector<2048x128xf32> -> vector<2048x128xf32>
    %add3A_22 = arith.addf %add3A, %dot_general3A_21 : vector<2048x128xf32>
    %swap3A = arith.constant 0 : index
    %swap3A_23 = arith.constant 0 : index
    %swap3A_24 = vector.load %arg7[%swap3A, %swap3A_23] : memref<2048x128xf32, #tpu.memory_space<vmem>>, vector<2048x128xf32>
    tpu.vector_store %arg7[%swap3A, %swap3A_23], %add3A_22 {strides = array<i32>} : memref<2048x128xf32, #tpu.memory_space<vmem>>, vector<2048x128xf32>,
    return
  }
  func.func @transform_0(%arg0: i32) -> (i32, i32) {
    %c0_i32 = arith.constant 0 : i32
    %c0_i32_0 = arith.constant 0 : i32
    return %arg0, %c0_i32 : i32, i32
  }
  func.func @transform_1(%arg0: i32) -> (i32, i32) {
    %c0_i32 = arith.constant 0 : i32
    %c0_i32_0 = arith.constant 0 : i32
    return %arg0, %c0_i32 : i32, i32
  }
  func.func @transform_2(%arg0: i32) -> (i32, i32) {
    %c0_i32 = arith.constant 0 : i32
    %c0_i32_0 = arith.constant 0 : i32
    return %arg0, %c0_i32 : i32, i32
  }
  func.func @transform_3(%arg0: i32) -> (i32, i32) {
    %c0_i32 = arith.constant 0 : i32
    %c0_i32_0 = arith.constant 0 : i32
    %c0_i32_1 = arith.constant 0 : i32
    return %c0_i32, %c0_i32_0 : i32, i32
  }
  func.func @transform_4(%arg0: i32) -> (i32, i32) {
    %c0_i32 = arith.constant 0 : i32
    %c0_i32_0 = arith.constant 0 : i32
    %c0_i32_1 = arith.constant 0 : i32
    return %c0_i32, %c0_i32_0 : i32, i32
  }
  func.func @transform_5(%arg0: i32) -> (i32, i32) {
    %c0_i32 = arith.constant 0 : i32
    %c0_i32_0 = arith.constant 0 : i32
    %c0_i32_1 = arith.constant 0 : i32
    return %c0_i32, %c0_i32_0 : i32, i32
  }
  func.func @transform_6(%arg0: i32) -> (i32, i32) {
    %c0_i32 = arith.constant 0 : i32
    %c0_i32_0 = arith.constant 0 : i32
    return %arg0, %c0_i32 : i32, i32
  }
}

module attributes {stable_mosaic.version = 14 : i64} {
  func.func @body(%arg0: i32, %arg1: memref<40x50x128xf32, #tpu.memory_space<vmem>>, %arg2: memref<40x128xf32, #tpu.memory_space<vmem>>) attributes {dimension_semantics = [#tpu.dimension_semantics<arbitrary>], iteration_bounds = array<i64: 25>, scalar_prefetch = 0 : i64, scratch_operands = 0 : i64, tpu.core_type = #tpu.core_type<tc>, window_params = [{transform_indices = @transform_0, window_bounds = array<i64: 40, 50, 128>}, {transform_indices = @transform_1, window_bounds = array<i64: 40, 128>}]} {
    %get3A = arith.constant 0 : index
    %get3A_0 = arith.constant 0 : index
    %get3A_1 = arith.constant 0 : index
    %get3A_2 = vector.load %arg1[%get3A, %get3A_0, %get3A_1] : memref<40x50x128xf32, #tpu.memory_space<vmem>>, vector<40x1x128xf32>
    %get3A_3 = vector.shape_cast %get3A_2 : vector<40x1x128xf32> to vector<40x128xf32>
    %get3A_4 = arith.constant 0 : index
    %get3A_5 = arith.constant 1 : index
    %get3A_6 = arith.constant 0 : index
    %get3A_7 = vector.load %arg1[%get3A_4, %get3A_5, %get3A_6] : memref<40x50x128xf32, #tpu.memory_space<vmem>>, vector<40x1x128xf32>
    %get3A_8 = vector.shape_cast %get3A_7 : vector<40x1x128xf32> to vector<40x128xf32>
    %max3A = arith.maximumf %get3A_3, %get3A_8 : vector<40x128xf32>
    %get3A_9 = arith.constant 0 : index
    %get3A_10 = arith.constant 2 : index
    %get3A_11 = arith.constant 0 : index
    %get3A_12 = vector.load %arg1[%get3A_9, %get3A_10, %get3A_11] : memref<40x50x128xf32, #tpu.memory_space<vmem>>, vector<40x1x128xf32>
    %get3A_13 = vector.shape_cast %get3A_12 : vector<40x1x128xf32> to vector<40x128xf32>
    %max3A_14 = arith.maximumf %max3A, %get3A_13 : vector<40x128xf32>
    %get3A_15 = arith.constant 0 : index
    %get3A_16 = arith.constant 3 : index
    %get3A_17 = arith.constant 0 : index
    %get3A_18 = vector.load %arg1[%get3A_15, %get3A_16, %get3A_17] : memref<40x50x128xf32, #tpu.memory_space<vmem>>, vector<40x1x128xf32>
    %get3A_19 = vector.shape_cast %get3A_18 : vector<40x1x128xf32> to vector<40x128xf32>
    %max3A_20 = arith.maximumf %max3A_14, %get3A_19 : vector<40x128xf32>
    %get3A_21 = arith.constant 0 : index
    %get3A_22 = arith.constant 4 : index
    %get3A_23 = arith.constant 0 : index
    %get3A_24 = vector.load %arg1[%get3A_21, %get3A_22, %get3A_23] : memref<40x50x128xf32, #tpu.memory_space<vmem>>, vector<40x1x128xf32>
    %get3A_25 = vector.shape_cast %get3A_24 : vector<40x1x128xf32> to vector<40x128xf32>
    %max3A_26 = arith.maximumf %max3A_20, %get3A_25 : vector<40x128xf32>
    %get3A_27 = arith.constant 0 : index
    %get3A_28 = arith.constant 5 : index
    %get3A_29 = arith.constant 0 : index
    %get3A_30 = vector.load %arg1[%get3A_27, %get3A_28, %get3A_29] : memref<40x50x128xf32, #tpu.memory_space<vmem>>, vector<40x1x128xf32>
    %get3A_31 = vector.shape_cast %get3A_30 : vector<40x1x128xf32> to vector<40x128xf32>
    %max3A_32 = arith.maximumf %max3A_26, %get3A_31 : vector<40x128xf32>
    %get3A_33 = arith.constant 0 : index
    %get3A_34 = arith.constant 6 : index
    %get3A_35 = arith.constant 0 : index
    %get3A_36 = vector.load %arg1[%get3A_33, %get3A_34, %get3A_35] : memref<40x50x128xf32, #tpu.memory_space<vmem>>, vector<40x1x128xf32>
    %get3A_37 = vector.shape_cast %get3A_36 : vector<40x1x128xf32> to vector<40x128xf32>
    %max3A_38 = arith.maximumf %max3A_32, %get3A_37 : vector<40x128xf32>
    %get3A_39 = arith.constant 0 : index
    %get3A_40 = arith.constant 7 : index
    %get3A_41 = arith.constant 0 : index
    %get3A_42 = vector.load %arg1[%get3A_39, %get3A_40, %get3A_41] : memref<40x50x128xf32, #tpu.memory_space<vmem>>, vector<40x1x128xf32>
    %get3A_43 = vector.shape_cast %get3A_42 : vector<40x1x128xf32> to vector<40x128xf32>
    %max3A_44 = arith.maximumf %max3A_38, %get3A_43 : vector<40x128xf32>
    %get3A_45 = arith.constant 0 : index
    %get3A_46 = arith.constant 8 : index
    %get3A_47 = arith.constant 0 : index
    %get3A_48 = vector.load %arg1[%get3A_45, %get3A_46, %get3A_47] : memref<40x50x128xf32, #tpu.memory_space<vmem>>, vector<40x1x128xf32>
    %get3A_49 = vector.shape_cast %get3A_48 : vector<40x1x128xf32> to vector<40x128xf32>
    %max3A_50 = arith.maximumf %max3A_44, %get3A_49 : vector<40x128xf32>
    %get3A_51 = arith.constant 0 : index
    %get3A_52 = arith.constant 9 : index
    %get3A_53 = arith.constant 0 : index
    %get3A_54 = vector.load %arg1[%get3A_51, %get3A_52, %get3A_53] : memref<40x50x128xf32, #tpu.memory_space<vmem>>, vector<40x1x128xf32>
    %get3A_55 = vector.shape_cast %get3A_54 : vector<40x1x128xf32> to vector<40x128xf32>
    %max3A_56 = arith.maximumf %max3A_50, %get3A_55 : vector<40x128xf32>
    %get3A_57 = arith.constant 0 : index
    %get3A_58 = arith.constant 10 : index
    %get3A_59 = arith.constant 0 : index
    %get3A_60 = vector.load %arg1[%get3A_57, %get3A_58, %get3A_59] : memref<40x50x128xf32, #tpu.memory_space<vmem>>, vector<40x1x128xf32>
    %get3A_61 = vector.shape_cast %get3A_60 : vector<40x1x128xf32> to vector<40x128xf32>
    %max3A_62 = arith.maximumf %max3A_56, %get3A_61 : vector<40x128xf32>
    %get3A_63 = arith.constant 0 : index
    %get3A_64 = arith.constant 11 : index
    %get3A_65 = arith.constant 0 : index
    %get3A_66 = vector.load %arg1[%get3A_63, %get3A_64, %get3A_65] : memref<40x50x128xf32, #tpu.memory_space<vmem>>, vector<40x1x128xf32>
    %get3A_67 = vector.shape_cast %get3A_66 : vector<40x1x128xf32> to vector<40x128xf32>
    %max3A_68 = arith.maximumf %max3A_62, %get3A_67 : vector<40x128xf32>
    %get3A_69 = arith.constant 0 : index
    %get3A_70 = arith.constant 12 : index
    %get3A_71 = arith.constant 0 : index
    %get3A_72 = vector.load %arg1[%get3A_69, %get3A_70, %get3A_71] : memref<40x50x128xf32, #tpu.memory_space<vmem>>, vector<40x1x128xf32>
    %get3A_73 = vector.shape_cast %get3A_72 : vector<40x1x128xf32> to vector<40x128xf32>
    %max3A_74 = arith.maximumf %max3A_68, %get3A_73 : vector<40x128xf32>
    %get3A_75 = arith.constant 0 : index
    %get3A_76 = arith.constant 13 : index
    %get3A_77 = arith.constant 0 : index
    %get3A_78 = vector.load %arg1[%get3A_75, %get3A_76, %get3A_77] : memref<40x50x128xf32, #tpu.memory_space<vmem>>, vector<40x1x128xf32>
    %get3A_79 = vector.shape_cast %get3A_78 : vector<40x1x128xf32> to vector<40x128xf32>
    %max3A_80 = arith.maximumf %max3A_74, %get3A_79 : vector<40x128xf32>
    %get3A_81 = arith.constant 0 : index
    %get3A_82 = arith.constant 14 : index
    %get3A_83 = arith.constant 0 : index
    %get3A_84 = vector.load %arg1[%get3A_81, %get3A_82, %get3A_83] : memref<40x50x128xf32, #tpu.memory_space<vmem>>, vector<40x1x128xf32>
    %get3A_85 = vector.shape_cast %get3A_84 : vector<40x1x128xf32> to vector<40x128xf32>
    %max3A_86 = arith.maximumf %max3A_80, %get3A_85 : vector<40x128xf32>
    %get3A_87 = arith.constant 0 : index
    %get3A_88 = arith.constant 15 : index
    %get3A_89 = arith.constant 0 : index
    %get3A_90 = vector.load %arg1[%get3A_87, %get3A_88, %get3A_89] : memref<40x50x128xf32, #tpu.memory_space<vmem>>, vector<40x1x128xf32>
    %get3A_91 = vector.shape_cast %get3A_90 : vector<40x1x128xf32> to vector<40x128xf32>
    %max3A_92 = arith.maximumf %max3A_86, %get3A_91 : vector<40x128xf32>
    %get3A_93 = arith.constant 0 : index
    %get3A_94 = arith.constant 16 : index
    %get3A_95 = arith.constant 0 : index
    %get3A_96 = vector.load %arg1[%get3A_93, %get3A_94, %get3A_95] : memref<40x50x128xf32, #tpu.memory_space<vmem>>, vector<40x1x128xf32>
    %get3A_97 = vector.shape_cast %get3A_96 : vector<40x1x128xf32> to vector<40x128xf32>
    %max3A_98 = arith.maximumf %max3A_92, %get3A_97 : vector<40x128xf32>
    %get3A_99 = arith.constant 0 : index
    %get3A_100 = arith.constant 17 : index
    %get3A_101 = arith.constant 0 : index
    %get3A_102 = vector.load %arg1[%get3A_99, %get3A_100, %get3A_101] : memref<40x50x128xf32, #tpu.memory_space<vmem>>, vector<40x1x128xf32>
    %get3A_103 = vector.shape_cast %get3A_102 : vector<40x1x128xf32> to vector<40x128xf32>
    %max3A_104 = arith.maximumf %max3A_98, %get3A_103 : vector<40x128xf32>
    %get3A_105 = arith.constant 0 : index
    %get3A_106 = arith.constant 18 : index
    %get3A_107 = arith.constant 0 : index
    %get3A_108 = vector.load %arg1[%get3A_105, %get3A_106, %get3A_107] : memref<40x50x128xf32, #tpu.memory_space<vmem>>, vector<40x1x128xf32>
    %get3A_109 = vector.shape_cast %get3A_108 : vector<40x1x128xf32> to vector<40x128xf32>
    %max3A_110 = arith.maximumf %max3A_104, %get3A_109 : vector<40x128xf32>
    %get3A_111 = arith.constant 0 : index
    %get3A_112 = arith.constant 19 : index
    %get3A_113 = arith.constant 0 : index
    %get3A_114 = vector.load %arg1[%get3A_111, %get3A_112, %get3A_113] : memref<40x50x128xf32, #tpu.memory_space<vmem>>, vector<40x1x128xf32>
    %get3A_115 = vector.shape_cast %get3A_114 : vector<40x1x128xf32> to vector<40x128xf32>
    %max3A_116 = arith.maximumf %max3A_110, %get3A_115 : vector<40x128xf32>
    %get3A_117 = arith.constant 0 : index
    %get3A_118 = arith.constant 20 : index
    %get3A_119 = arith.constant 0 : index
    %get3A_120 = vector.load %arg1[%get3A_117, %get3A_118, %get3A_119] : memref<40x50x128xf32, #tpu.memory_space<vmem>>, vector<40x1x128xf32>
    %get3A_121 = vector.shape_cast %get3A_120 : vector<40x1x128xf32> to vector<40x128xf32>
    %max3A_122 = arith.maximumf %max3A_116, %get3A_121 : vector<40x128xf32>
    %get3A_123 = arith.constant 0 : index
    %get3A_124 = arith.constant 21 : index
    %get3A_125 = arith.constant 0 : index
    %get3A_126 = vector.load %arg1[%get3A_123, %get3A_124, %get3A_125] : memref<40x50x128xf32, #tpu.memory_space<vmem>>, vector<40x1x128xf32>
    %get3A_127 = vector.shape_cast %get3A_126 : vector<40x1x128xf32> to vector<40x128xf32>
    %max3A_128 = arith.maximumf %max3A_122, %get3A_127 : vector<40x128xf32>
    %get3A_129 = arith.constant 0 : index
    %get3A_130 = arith.constant 22 : index
    %get3A_131 = arith.constant 0 : index
    %get3A_132 = vector.load %arg1[%get3A_129, %get3A_130, %get3A_131] : memref<40x50x128xf32, #tpu.memory_space<vmem>>, vector<40x1x128xf32>
    %get3A_133 = vector.shape_cast %get3A_132 : vector<40x1x128xf32> to vector<40x128xf32>
    %max3A_134 = arith.maximumf %max3A_128, %get3A_133 : vector<40x128xf32>
    %get3A_135 = arith.constant 0 : index
    %get3A_136 = arith.constant 23 : index
    %get3A_137 = arith.constant 0 : index
    %get3A_138 = vector.load %arg1[%get3A_135, %get3A_136, %get3A_137] : memref<40x50x128xf32, #tpu.memory_space<vmem>>, vector<40x1x128xf32>
    %get3A_139 = vector.shape_cast %get3A_138 : vector<40x1x128xf32> to vector<40x128xf32>
    %max3A_140 = arith.maximumf %max3A_134, %get3A_139 : vector<40x128xf32>
    %get3A_141 = arith.constant 0 : index
    %get3A_142 = arith.constant 24 : index
    %get3A_143 = arith.constant 0 : index
    %get3A_144 = vector.load %arg1[%get3A_141, %get3A_142, %get3A_143] : memref<40x50x128xf32, #tpu.memory_space<vmem>>, vector<40x1x128xf32>
    %get3A_145 = vector.shape_cast %get3A_144 : vector<40x1x128xf32> to vector<40x128xf32>
    %max3A_146 = arith.maximumf %max3A_140, %get3A_145 : vector<40x128xf32>
    %get3A_147 = arith.constant 0 : index
    %get3A_148 = arith.constant 25 : index
    %get3A_149 = arith.constant 0 : index
    %get3A_150 = vector.load %arg1[%get3A_147, %get3A_148, %get3A_149] : memref<40x50x128xf32, #tpu.memory_space<vmem>>, vector<40x1x128xf32>
    %get3A_151 = vector.shape_cast %get3A_150 : vector<40x1x128xf32> to vector<40x128xf32>
    %max3A_152 = arith.maximumf %max3A_146, %get3A_151 : vector<40x128xf32>
    %get3A_153 = arith.constant 0 : index
    %get3A_154 = arith.constant 26 : index
    %get3A_155 = arith.constant 0 : index
    %get3A_156 = vector.load %arg1[%get3A_153, %get3A_154, %get3A_155] : memref<40x50x128xf32, #tpu.memory_space<vmem>>, vector<40x1x128xf32>
    %get3A_157 = vector.shape_cast %get3A_156 : vector<40x1x128xf32> to vector<40x128xf32>
    %max3A_158 = arith.maximumf %max3A_152, %get3A_157 : vector<40x128xf32>
    %get3A_159 = arith.constant 0 : index
    %get3A_160 = arith.constant 27 : index
    %get3A_161 = arith.constant 0 : index
    %get3A_162 = vector.load %arg1[%get3A_159, %get3A_160, %get3A_161] : memref<40x50x128xf32, #tpu.memory_space<vmem>>, vector<40x1x128xf32>
    %get3A_163 = vector.shape_cast %get3A_162 : vector<40x1x128xf32> to vector<40x128xf32>
    %max3A_164 = arith.maximumf %max3A_158, %get3A_163 : vector<40x128xf32>
    %get3A_165 = arith.constant 0 : index
    %get3A_166 = arith.constant 28 : index
    %get3A_167 = arith.constant 0 : index
    %get3A_168 = vector.load %arg1[%get3A_165, %get3A_166, %get3A_167] : memref<40x50x128xf32, #tpu.memory_space<vmem>>, vector<40x1x128xf32>
    %get3A_169 = vector.shape_cast %get3A_168 : vector<40x1x128xf32> to vector<40x128xf32>
    %max3A_170 = arith.maximumf %max3A_164, %get3A_169 : vector<40x128xf32>
    %get3A_171 = arith.constant 0 : index
    %get3A_172 = arith.constant 29 : index
    %get3A_173 = arith.constant 0 : index
    %get3A_174 = vector.load %arg1[%get3A_171, %get3A_172, %get3A_173] : memref<40x50x128xf32, #tpu.memory_space<vmem>>, vector<40x1x128xf32>
    %get3A_175 = vector.shape_cast %get3A_174 : vector<40x1x128xf32> to vector<40x128xf32>
    %max3A_176 = arith.maximumf %max3A_170, %get3A_175 : vector<40x128xf32>
    %get3A_177 = arith.constant 0 : index
    %get3A_178 = arith.constant 30 : index
    %get3A_179 = arith.constant 0 : index
    %get3A_180 = vector.load %arg1[%get3A_177, %get3A_178, %get3A_179] : memref<40x50x128xf32, #tpu.memory_space<vmem>>, vector<40x1x128xf32>
    %get3A_181 = vector.shape_cast %get3A_180 : vector<40x1x128xf32> to vector<40x128xf32>
    %max3A_182 = arith.maximumf %max3A_176, %get3A_181 : vector<40x128xf32>
    %get3A_183 = arith.constant 0 : index
    %get3A_184 = arith.constant 31 : index
    %get3A_185 = arith.constant 0 : index
    %get3A_186 = vector.load %arg1[%get3A_183, %get3A_184, %get3A_185] : memref<40x50x128xf32, #tpu.memory_space<vmem>>, vector<40x1x128xf32>
    %get3A_187 = vector.shape_cast %get3A_186 : vector<40x1x128xf32> to vector<40x128xf32>
    %max3A_188 = arith.maximumf %max3A_182, %get3A_187 : vector<40x128xf32>
    %get3A_189 = arith.constant 0 : index
    %get3A_190 = arith.constant 32 : index
    %get3A_191 = arith.constant 0 : index
    %get3A_192 = vector.load %arg1[%get3A_189, %get3A_190, %get3A_191] : memref<40x50x128xf32, #tpu.memory_space<vmem>>, vector<40x1x128xf32>
    %get3A_193 = vector.shape_cast %get3A_192 : vector<40x1x128xf32> to vector<40x128xf32>
    %max3A_194 = arith.maximumf %max3A_188, %get3A_193 : vector<40x128xf32>
    %get3A_195 = arith.constant 0 : index
    %get3A_196 = arith.constant 33 : index
    %get3A_197 = arith.constant 0 : index
    %get3A_198 = vector.load %arg1[%get3A_195, %get3A_196, %get3A_197] : memref<40x50x128xf32, #tpu.memory_space<vmem>>, vector<40x1x128xf32>
    %get3A_199 = vector.shape_cast %get3A_198 : vector<40x1x128xf32> to vector<40x128xf32>
    %max3A_200 = arith.maximumf %max3A_194, %get3A_199 : vector<40x128xf32>
    %get3A_201 = arith.constant 0 : index
    %get3A_202 = arith.constant 34 : index
    %get3A_203 = arith.constant 0 : index
    %get3A_204 = vector.load %arg1[%get3A_201, %get3A_202, %get3A_203] : memref<40x50x128xf32, #tpu.memory_space<vmem>>, vector<40x1x128xf32>
    %get3A_205 = vector.shape_cast %get3A_204 : vector<40x1x128xf32> to vector<40x128xf32>
    %max3A_206 = arith.maximumf %max3A_200, %get3A_205 : vector<40x128xf32>
    %get3A_207 = arith.constant 0 : index
    %get3A_208 = arith.constant 35 : index
    %get3A_209 = arith.constant 0 : index
    %get3A_210 = vector.load %arg1[%get3A_207, %get3A_208, %get3A_209] : memref<40x50x128xf32, #tpu.memory_space<vmem>>, vector<40x1x128xf32>
    %get3A_211 = vector.shape_cast %get3A_210 : vector<40x1x128xf32> to vector<40x128xf32>
    %max3A_212 = arith.maximumf %max3A_206, %get3A_211 : vector<40x128xf32>
    %get3A_213 = arith.constant 0 : index
    %get3A_214 = arith.constant 36 : index
    %get3A_215 = arith.constant 0 : index
    %get3A_216 = vector.load %arg1[%get3A_213, %get3A_214, %get3A_215] : memref<40x50x128xf32, #tpu.memory_space<vmem>>, vector<40x1x128xf32>
    %get3A_217 = vector.shape_cast %get3A_216 : vector<40x1x128xf32> to vector<40x128xf32>
    %max3A_218 = arith.maximumf %max3A_212, %get3A_217 : vector<40x128xf32>
    %get3A_219 = arith.constant 0 : index
    %get3A_220 = arith.constant 37 : index
    %get3A_221 = arith.constant 0 : index
    %get3A_222 = vector.load %arg1[%get3A_219, %get3A_220, %get3A_221] : memref<40x50x128xf32, #tpu.memory_space<vmem>>, vector<40x1x128xf32>
    %get3A_223 = vector.shape_cast %get3A_222 : vector<40x1x128xf32> to vector<40x128xf32>
    %max3A_224 = arith.maximumf %max3A_218, %get3A_223 : vector<40x128xf32>
    %get3A_225 = arith.constant 0 : index
    %get3A_226 = arith.constant 38 : index
    %get3A_227 = arith.constant 0 : index
    %get3A_228 = vector.load %arg1[%get3A_225, %get3A_226, %get3A_227] : memref<40x50x128xf32, #tpu.memory_space<vmem>>, vector<40x1x128xf32>
    %get3A_229 = vector.shape_cast %get3A_228 : vector<40x1x128xf32> to vector<40x128xf32>
    %max3A_230 = arith.maximumf %max3A_224, %get3A_229 : vector<40x128xf32>
    %get3A_231 = arith.constant 0 : index
    %get3A_232 = arith.constant 39 : index
    %get3A_233 = arith.constant 0 : index
    %get3A_234 = vector.load %arg1[%get3A_231, %get3A_232, %get3A_233] : memref<40x50x128xf32, #tpu.memory_space<vmem>>, vector<40x1x128xf32>
    %get3A_235 = vector.shape_cast %get3A_234 : vector<40x1x128xf32> to vector<40x128xf32>
    %max3A_236 = arith.maximumf %max3A_230, %get3A_235 : vector<40x128xf32>
    %get3A_237 = arith.constant 0 : index
    %get3A_238 = arith.constant 40 : index
    %get3A_239 = arith.constant 0 : index
    %get3A_240 = vector.load %arg1[%get3A_237, %get3A_238, %get3A_239] : memref<40x50x128xf32, #tpu.memory_space<vmem>>, vector<40x1x128xf32>
    %get3A_241 = vector.shape_cast %get3A_240 : vector<40x1x128xf32> to vector<40x128xf32>
    %max3A_242 = arith.maximumf %max3A_236, %get3A_241 : vector<40x128xf32>
    %get3A_243 = arith.constant 0 : index
    %get3A_244 = arith.constant 41 : index
    %get3A_245 = arith.constant 0 : index
    %get3A_246 = vector.load %arg1[%get3A_243, %get3A_244, %get3A_245] : memref<40x50x128xf32, #tpu.memory_space<vmem>>, vector<40x1x128xf32>
    %get3A_247 = vector.shape_cast %get3A_246 : vector<40x1x128xf32> to vector<40x128xf32>
    %max3A_248 = arith.maximumf %max3A_242, %get3A_247 : vector<40x128xf32>
    %get3A_249 = arith.constant 0 : index
    %get3A_250 = arith.constant 42 : index
    %get3A_251 = arith.constant 0 : index
    %get3A_252 = vector.load %arg1[%get3A_249, %get3A_250, %get3A_251] : memref<40x50x128xf32, #tpu.memory_space<vmem>>, vector<40x1x128xf32>
    %get3A_253 = vector.shape_cast %get3A_252 : vector<40x1x128xf32> to vector<40x128xf32>
    %max3A_254 = arith.maximumf %max3A_248, %get3A_253 : vector<40x128xf32>
    %get3A_255 = arith.constant 0 : index
    %get3A_256 = arith.constant 43 : index
    %get3A_257 = arith.constant 0 : index
    %get3A_258 = vector.load %arg1[%get3A_255, %get3A_256, %get3A_257] : memref<40x50x128xf32, #tpu.memory_space<vmem>>, vector<40x1x128xf32>
    %get3A_259 = vector.shape_cast %get3A_258 : vector<40x1x128xf32> to vector<40x128xf32>
    %max3A_260 = arith.maximumf %max3A_254, %get3A_259 : vector<40x128xf32>
    %get3A_261 = arith.constant 0 : index
    %get3A_262 = arith.constant 44 : index
    %get3A_263 = arith.constant 0 : index
    %get3A_264 = vector.load %arg1[%get3A_261, %get3A_262, %get3A_263] : memref<40x50x128xf32, #tpu.memory_space<vmem>>, vector<40x1x128xf32>
    %get3A_265 = vector.shape_cast %get3A_264 : vector<40x1x128xf32> to vector<40x128xf32>
    %max3A_266 = arith.maximumf %max3A_260, %get3A_265 : vector<40x128xf32>
    %get3A_267 = arith.constant 0 : index
    %get3A_268 = arith.constant 45 : index
    %get3A_269 = arith.constant 0 : index
    %get3A_270 = vector.load %arg1[%get3A_267, %get3A_268, %get3A_269] : memref<40x50x128xf32, #tpu.memory_space<vmem>>, vector<40x1x128xf32>
    %get3A_271 = vector.shape_cast %get3A_270 : vector<40x1x128xf32> to vector<40x128xf32>
    %max3A_272 = arith.maximumf %max3A_266, %get3A_271 : vector<40x128xf32>
    %get3A_273 = arith.constant 0 : index
    %get3A_274 = arith.constant 46 : index
    %get3A_275 = arith.constant 0 : index
    %get3A_276 = vector.load %arg1[%get3A_273, %get3A_274, %get3A_275] : memref<40x50x128xf32, #tpu.memory_space<vmem>>, vector<40x1x128xf32>
    %get3A_277 = vector.shape_cast %get3A_276 : vector<40x1x128xf32> to vector<40x128xf32>
    %max3A_278 = arith.maximumf %max3A_272, %get3A_277 : vector<40x128xf32>
    %get3A_279 = arith.constant 0 : index
    %get3A_280 = arith.constant 47 : index
    %get3A_281 = arith.constant 0 : index
    %get3A_282 = vector.load %arg1[%get3A_279, %get3A_280, %get3A_281] : memref<40x50x128xf32, #tpu.memory_space<vmem>>, vector<40x1x128xf32>
    %get3A_283 = vector.shape_cast %get3A_282 : vector<40x1x128xf32> to vector<40x128xf32>
    %max3A_284 = arith.maximumf %max3A_278, %get3A_283 : vector<40x128xf32>
    %get3A_285 = arith.constant 0 : index
    %get3A_286 = arith.constant 48 : index
    %get3A_287 = arith.constant 0 : index
    %get3A_288 = vector.load %arg1[%get3A_285, %get3A_286, %get3A_287] : memref<40x50x128xf32, #tpu.memory_space<vmem>>, vector<40x1x128xf32>
    %get3A_289 = vector.shape_cast %get3A_288 : vector<40x1x128xf32> to vector<40x128xf32>
    %max3A_290 = arith.maximumf %max3A_284, %get3A_289 : vector<40x128xf32>
    %get3A_291 = arith.constant 0 : index
    %get3A_292 = arith.constant 49 : index
    %get3A_293 = arith.constant 0 : index
    %get3A_294 = vector.load %arg1[%get3A_291, %get3A_292, %get3A_293] : memref<40x50x128xf32, #tpu.memory_space<vmem>>, vector<40x1x128xf32>
    %get3A_295 = vector.shape_cast %get3A_294 : vector<40x1x128xf32> to vector<40x128xf32>
    %max3A_296 = arith.maximumf %max3A_290, %get3A_295 : vector<40x128xf32>
    %swap3A = arith.constant 0 : index
    %swap3A_297 = arith.constant 0 : index
    %swap3A_298 = vector.load %arg2[%swap3A, %swap3A_297] : memref<40x128xf32, #tpu.memory_space<vmem>>, vector<40x128xf32>
    tpu.vector_store %arg2[%swap3A, %swap3A_297], %max3A_296 {strides = array<i32>} : memref<40x128xf32, #tpu.memory_space<vmem>>, vector<40x128xf32>,
    return
  }
  func.func @transform_0(%arg0: i32) -> (i32, i32, i32) {
    %c0_i32 = arith.constant 0 : i32
    %c0_i32_0 = arith.constant 0 : i32
    %c0_i32_1 = arith.constant 0 : i32
    return %arg0, %c0_i32, %c0_i32_0 : i32, i32, i32
  }
  func.func @transform_1(%arg0: i32) -> (i32, i32) {
    %c0_i32 = arith.constant 0 : i32
    %c0_i32_0 = arith.constant 0 : i32
    return %arg0, %c0_i32 : i32, i32
  }
}

module attributes {stable_mosaic.version = 14 : i64} {
  func.func @body(%arg0: i32, %arg1: memref<1x1000x128xf32, #tpu.memory_space<vmem>>, %arg2: memref<1x1000x128xf32, #tpu.memory_space<vmem>>, %arg3: memref<1000x128xf32, #tpu.memory_space<vmem>>, %arg4: memref<1x128xf32, #tpu.memory_space<vmem>>, %arg5: memref<128x384xf32, #tpu.memory_space<vmem>>, %arg6: memref<128x384xf32, #tpu.memory_space<vmem>>, %arg7: memref<1x384xf32, #tpu.memory_space<vmem>>, %arg8: memref<1x384xf32, #tpu.memory_space<vmem>>, %arg9: memref<128x384xf32, #tpu.memory_space<vmem>>, %arg10: memref<128x384xf32, #tpu.memory_space<vmem>>, %arg11: memref<1x384xf32, #tpu.memory_space<vmem>>, %arg12: memref<1x384xf32, #tpu.memory_space<vmem>>, %arg13: memref<1x1000x128xf32, #tpu.memory_space<vmem>>, %arg14: memref<1x1000x128xf32, #tpu.memory_space<vmem>>, %arg15: memref<1000x128xf32, #tpu.memory_space<vmem>>, %arg16: memref<1000x128xf32, #tpu.memory_space<vmem>>) attributes {dimension_semantics = [#tpu.dimension_semantics<arbitrary>], iteration_bounds = array<i64: 50>, scalar_prefetch = 0 : i64, scratch_operands = 2 : i64, tpu.core_type = #tpu.core_type<tc>, window_params = [{transform_indices = @transform_0, window_bounds = array<i64: 1, 1000, 128>}, {transform_indices = @transform_1, window_bounds = array<i64: 1, 1000, 128>}, {pipeline_mode = #tpu.pipeline_mode<synchronous>, transform_indices = @transform_2, window_bounds = array<i64: 1000, 128>}, {pipeline_mode = #tpu.pipeline_mode<synchronous>, transform_indices = @transform_3, window_bounds = array<i64: 1, 128>}, {pipeline_mode = #tpu.pipeline_mode<synchronous>, transform_indices = @transform_4, window_bounds = array<i64: 128, 384>}, {pipeline_mode = #tpu.pipeline_mode<synchronous>, transform_indices = @transform_5, window_bounds = array<i64: 128, 384>}, {pipeline_mode = #tpu.pipeline_mode<synchronous>, transform_indices = @transform_6, window_bounds = array<i64: 1, 384>}, {pipeline_mode = #tpu.pipeline_mode<synchronous>, transform_indices = @transform_7, window_bounds = array<i64: 1, 384>}, {pipeline_mode = #tpu.pipeline_mode<synchronous>, transform_indices = @transform_8, window_bounds = array<i64: 128, 384>}, {pipeline_mode = #tpu.pipeline_mode<synchronous>, transform_indices = @transform_9, window_bounds = array<i64: 128, 384>}, {pipeline_mode = #tpu.pipeline_mode<synchronous>, transform_indices = @transform_10, window_bounds = array<i64: 1, 384>}, {pipeline_mode = #tpu.pipeline_mode<synchronous>, transform_indices = @transform_11, window_bounds = array<i64: 1, 384>}, {transform_indices = @transform_12, window_bounds = array<i64: 1, 1000, 128>}, {transform_indices = @transform_13, window_bounds = array<i64: 1, 1000, 128>}]} {
    %eq3A = arith.constant 0 : i32
    %eq3A_0 = arith.cmpi eq, %arg0, %eq3A : i32
    %convert_element_type3A = arith.extui %eq3A_0 : i1 to i32
    %cond3A = arith.constant 0 : i32
    %cond3A_1 = arith.cmpi ne, %convert_element_type3A, %cond3A : i32
    scf.if %cond3A_1 {
      %get3A_179 = arith.constant 0 : index
      %get3A_180 = arith.constant 0 : index
      %get3A_181 = vector.load %arg3[%get3A_179, %get3A_180] : memref<1000x128xf32, #tpu.memory_space<vmem>>, vector<1000x128xf32>
      %swap3A_182 = arith.constant 0 : index
      %swap3A_183 = arith.constant 0 : index
      %swap3A_184 = vector.load %arg15[%swap3A_182, %swap3A_183] : memref<1000x128xf32, #tpu.memory_space<vmem>>, vector<1000x128xf32>
      tpu.vector_store %arg15[%swap3A_182, %swap3A_183], %get3A_181 {strides = array<i32>} : memref<1000x128xf32, #tpu.memory_space<vmem>>, vector<1000x128xf32>,
      %get3A_185 = arith.constant 0 : index
      %get3A_186 = arith.constant 0 : index
      %get3A_187 = vector.load %arg3[%get3A_185, %get3A_186] : memref<1000x128xf32, #tpu.memory_space<vmem>>, vector<1000x128xf32>
      %swap3A_188 = arith.constant 0 : index
      %swap3A_189 = arith.constant 0 : index
      %swap3A_190 = vector.load %arg16[%swap3A_188, %swap3A_189] : memref<1000x128xf32, #tpu.memory_space<vmem>>, vector<1000x128xf32>
      tpu.vector_store %arg16[%swap3A_188, %swap3A_189], %get3A_187 {strides = array<i32>} : memref<1000x128xf32, #tpu.memory_space<vmem>>, vector<1000x128xf32>,
    } else {
    }
    %get3A = arith.constant 0 : index
    %get3A_2 = arith.constant 0 : index
    %get3A_3 = arith.constant 0 : index
    %get3A_4 = vector.load %arg1[%get3A, %get3A_2, %get3A_3] : memref<1x1000x128xf32, #tpu.memory_space<vmem>>, vector<1x1000x128xf32>
    %get3A_5 = vector.shape_cast %get3A_4 : vector<1x1000x128xf32> to vector<1000x128xf32>
    %get3A_6 = arith.constant 0 : index
    %get3A_7 = arith.constant 0 : index
    %get3A_8 = vector.load %arg4[%get3A_6, %get3A_7] : memref<1x128xf32, #tpu.memory_space<vmem>>, vector<1x128xf32>
    %add3A = vector.broadcast %get3A_8 : vector<1x128xf32> to vector<1000x128xf32>
    %add3A_9 = arith.addf %get3A_5, %add3A : vector<1000x128xf32>
    %max3A = arith.constant 0.000000e+00 : f32
    %max3A_10 = vector.broadcast %max3A : f32 to vector<1000x128xf32>
    %max3A_11 = arith.maximumf %add3A_9, %max3A_10 : vector<1000x128xf32>
    %get3A_12 = arith.constant 0 : index
    %get3A_13 = arith.constant 0 : index
    %get3A_14 = vector.load %arg15[%get3A_12, %get3A_13] : memref<1000x128xf32, #tpu.memory_space<vmem>>, vector<1000x128xf32>
    %get3A_15 = arith.constant 0 : index
    %get3A_16 = arith.constant 0 : index
    %get3A_17 = vector.load %arg5[%get3A_15, %get3A_16] : memref<128x384xf32, #tpu.memory_space<vmem>>, vector<128x384xf32>
    %dot_general3A = arith.constant dense<0.000000e+00> : vector<1000x384xf32>
    %dot_general3A_18 = tpu.matmul %max3A_11, %get3A_17, %dot_general3A {dimension_numbers = #tpu.dot_dimension_numbers<[1], [0], [0], [1], [0, 0, 1, 1], [], []>, transpose_lhs_hint = false} : vector<1000x128xf32>, vector<128x384xf32>, vector<1000x384xf32> -> vector<1000x384xf32>
    %get3A_19 = arith.constant 0 : index
    %get3A_20 = arith.constant 0 : index
    %get3A_21 = vector.load %arg7[%get3A_19, %get3A_20] : memref<1x384xf32, #tpu.memory_space<vmem>>, vector<1x384xf32>
    %add3A_22 = vector.broadcast %get3A_21 : vector<1x384xf32> to vector<1000x384xf32>
    %add3A_23 = arith.addf %dot_general3A_18, %add3A_22 : vector<1000x384xf32>
    %get3A_24 = arith.constant 0 : index
    %get3A_25 = arith.constant 0 : index
    %get3A_26 = vector.load %arg6[%get3A_24, %get3A_25] : memref<128x384xf32, #tpu.memory_space<vmem>>, vector<128x384xf32>
    %dot_general3A_27 = arith.constant dense<0.000000e+00> : vector<1000x384xf32>
    %dot_general3A_28 = tpu.matmul %get3A_14, %get3A_26, %dot_general3A_27 {dimension_numbers = #tpu.dot_dimension_numbers<[1], [0], [0], [1], [0, 0, 1, 1], [], []>, transpose_lhs_hint = false} : vector<1000x128xf32>, vector<128x384xf32>, vector<1000x384xf32> -> vector<1000x384xf32>
    %get3A_29 = arith.constant 0 : index
    %get3A_30 = arith.constant 0 : index
    %get3A_31 = vector.load %arg8[%get3A_29, %get3A_30] : memref<1x384xf32, #tpu.memory_space<vmem>>, vector<1x384xf32>
    %add3A_32 = vector.broadcast %get3A_31 : vector<1x384xf32> to vector<1000x384xf32>
    %add3A_33 = arith.addf %dot_general3A_28, %add3A_32 : vector<1000x384xf32>
    %slice3A = vector.extract_strided_slice %add3A_23 {offsets = [0, 0], sizes = [1000, 128], strides = [1, 1]} : vector<1000x384xf32> to vector<1000x128xf32>
    %slice3A_34 = vector.extract_strided_slice %add3A_33 {offsets = [0, 0], sizes = [1000, 128], strides = [1, 1]} : vector<1000x384xf32> to vector<1000x128xf32>
    %add3A_35 = arith.addf %slice3A, %slice3A_34 : vector<1000x128xf32>
    %neg3A = arith.constant 0.000000e+00 : f32
    %neg3A_36 = vector.broadcast %neg3A : f32 to vector<1000x128xf32>
    %neg3A_37 = arith.subf %neg3A_36, %add3A_35 : vector<1000x128xf32>
    %exp3A = math.exp %neg3A_37 : vector<1000x128xf32>
    %add3A_38 = arith.constant 1.000000e+00 : f32
    %add3A_39 = vector.broadcast %add3A_38 : f32 to vector<1000x128xf32>
    %add3A_40 = arith.addf %add3A_39, %exp3A : vector<1000x128xf32>
    %div3A = arith.constant 1.000000e+00 : f32
    %div3A_41 = vector.broadcast %div3A : f32 to vector<1000x128xf32>
    %div3A_42 = arith.divf %div3A_41, %add3A_40 : vector<1000x128xf32>
    %slice3A_43 = vector.extract_strided_slice %add3A_23 {offsets = [0, 128], sizes = [1000, 128], strides = [1, 1]} : vector<1000x384xf32> to vector<1000x128xf32>
    %slice3A_44 = vector.extract_strided_slice %add3A_33 {offsets = [0, 128], sizes = [1000, 128], strides = [1, 1]} : vector<1000x384xf32> to vector<1000x128xf32>
    %add3A_45 = arith.addf %slice3A_43, %slice3A_44 : vector<1000x128xf32>
    %neg3A_46 = arith.constant 0.000000e+00 : f32
    %neg3A_47 = vector.broadcast %neg3A_46 : f32 to vector<1000x128xf32>
    %neg3A_48 = arith.subf %neg3A_47, %add3A_45 : vector<1000x128xf32>
    %exp3A_49 = math.exp %neg3A_48 : vector<1000x128xf32>
    %add3A_50 = arith.constant 1.000000e+00 : f32
    %add3A_51 = vector.broadcast %add3A_50 : f32 to vector<1000x128xf32>
    %add3A_52 = arith.addf %add3A_51, %exp3A_49 : vector<1000x128xf32>
    %div3A_53 = arith.constant 1.000000e+00 : f32
    %div3A_54 = vector.broadcast %div3A_53 : f32 to vector<1000x128xf32>
    %div3A_55 = arith.divf %div3A_54, %add3A_52 : vector<1000x128xf32>
    %slice3A_56 = vector.extract_strided_slice %add3A_23 {offsets = [0, 256], sizes = [1000, 128], strides = [1, 1]} : vector<1000x384xf32> to vector<1000x128xf32>
    %slice3A_57 = vector.extract_strided_slice %add3A_33 {offsets = [0, 256], sizes = [1000, 128], strides = [1, 1]} : vector<1000x384xf32> to vector<1000x128xf32>
    %mul3A = arith.mulf %div3A_42, %slice3A_57 : vector<1000x128xf32>
    %add3A_58 = arith.addf %slice3A_56, %mul3A : vector<1000x128xf32>
    %mul3A_59 = arith.constant 2.000000e+00 : f32
    %mul3A_60 = vector.broadcast %mul3A_59 : f32 to vector<1000x128xf32>
    %mul3A_61 = arith.mulf %mul3A_60, %add3A_58 : vector<1000x128xf32>
    %exp3A_62 = math.exp %mul3A_61 : vector<1000x128xf32>
    %add3A_63 = arith.constant 1.000000e+00 : f32
    %add3A_64 = vector.broadcast %add3A_63 : f32 to vector<1000x128xf32>
    %add3A_65 = arith.addf %exp3A_62, %add3A_64 : vector<1000x128xf32>
    %div3A_66 = arith.constant 2.000000e+00 : f32
    %div3A_67 = vector.broadcast %div3A_66 : f32 to vector<1000x128xf32>
    %div3A_68 = arith.divf %div3A_67, %add3A_65 : vector<1000x128xf32>
    %sub3A = arith.constant 1.000000e+00 : f32
    %sub3A_69 = vector.broadcast %sub3A : f32 to vector<1000x128xf32>
    %sub3A_70 = arith.subf %sub3A_69, %div3A_68 : vector<1000x128xf32>
    %sub3A_71 = arith.constant 1.000000e+00 : f32
    %sub3A_72 = vector.broadcast %sub3A_71 : f32 to vector<1000x128xf32>
    %sub3A_73 = arith.subf %sub3A_72, %div3A_55 : vector<1000x128xf32>
    %mul3A_74 = arith.mulf %sub3A_73, %sub3A_70 : vector<1000x128xf32>
    %mul3A_75 = arith.mulf %div3A_55, %get3A_14 : vector<1000x128xf32>
    %add3A_76 = arith.addf %mul3A_74, %mul3A_75 : vector<1000x128xf32>
    %swap3A = arith.constant 0 : index
    %swap3A_77 = arith.constant 0 : index
    %swap3A_78 = vector.load %arg15[%swap3A, %swap3A_77] : memref<1000x128xf32, #tpu.memory_space<vmem>>, vector<1000x128xf32>
    tpu.vector_store %arg15[%swap3A, %swap3A_77], %add3A_76 {strides = array<i32>} : memref<1000x128xf32, #tpu.memory_space<vmem>>, vector<1000x128xf32>,
    %swap3A_79 = arith.constant 0 : index
    %swap3A_80 = arith.constant 0 : index
    %swap3A_81 = arith.constant 0 : index
    %swap3A_82 = vector.load %arg13[%swap3A_79, %swap3A_80, %swap3A_81] : memref<1x1000x128xf32, #tpu.memory_space<vmem>>, vector<1x1000x128xf32>
    %swap3A_83 = vector.shape_cast %swap3A_82 : vector<1x1000x128xf32> to vector<1000x128xf32>
    %swap3A_84 = vector.shape_cast %add3A_76 : vector<1000x128xf32> to vector<1x1000x128xf32>
    tpu.vector_store %arg13[%swap3A_79, %swap3A_80, %swap3A_81], %swap3A_84 {strides = array<i32>} : memref<1x1000x128xf32, #tpu.memory_space<vmem>>, vector<1x1000x128xf32>,
    %get3A_85 = arith.constant 0 : index
    %get3A_86 = arith.constant 0 : index
    %get3A_87 = arith.constant 0 : index
    %get3A_88 = vector.load %arg2[%get3A_85, %get3A_86, %get3A_87] : memref<1x1000x128xf32, #tpu.memory_space<vmem>>, vector<1x1000x128xf32>
    %get3A_89 = vector.shape_cast %get3A_88 : vector<1x1000x128xf32> to vector<1000x128xf32>
    %get3A_90 = arith.constant 0 : index
    %get3A_91 = arith.constant 0 : index
    %get3A_92 = vector.load %arg4[%get3A_90, %get3A_91] : memref<1x128xf32, #tpu.memory_space<vmem>>, vector<1x128xf32>
    %add3A_93 = vector.broadcast %get3A_92 : vector<1x128xf32> to vector<1000x128xf32>
    %add3A_94 = arith.addf %get3A_89, %add3A_93 : vector<1000x128xf32>
    %max3A_95 = arith.constant 0.000000e+00 : f32
    %max3A_96 = vector.broadcast %max3A_95 : f32 to vector<1000x128xf32>
    %max3A_97 = arith.maximumf %add3A_94, %max3A_96 : vector<1000x128xf32>
    %get3A_98 = arith.constant 0 : index
    %get3A_99 = arith.constant 0 : index
    %get3A_100 = vector.load %arg16[%get3A_98, %get3A_99] : memref<1000x128xf32, #tpu.memory_space<vmem>>, vector<1000x128xf32>
    %get3A_101 = arith.constant 0 : index
    %get3A_102 = arith.constant 0 : index
    %get3A_103 = vector.load %arg9[%get3A_101, %get3A_102] : memref<128x384xf32, #tpu.memory_space<vmem>>, vector<128x384xf32>
    %dot_general3A_104 = arith.constant dense<0.000000e+00> : vector<1000x384xf32>
    %dot_general3A_105 = tpu.matmul %max3A_97, %get3A_103, %dot_general3A_104 {dimension_numbers = #tpu.dot_dimension_numbers<[1], [0], [0], [1], [0, 0, 1, 1], [], []>, transpose_lhs_hint = false} : vector<1000x128xf32>, vector<128x384xf32>, vector<1000x384xf32> -> vector<1000x384xf32>
    %get3A_106 = arith.constant 0 : index
    %get3A_107 = arith.constant 0 : index
    %get3A_108 = vector.load %arg11[%get3A_106, %get3A_107] : memref<1x384xf32, #tpu.memory_space<vmem>>, vector<1x384xf32>
    %add3A_109 = vector.broadcast %get3A_108 : vector<1x384xf32> to vector<1000x384xf32>
    %add3A_110 = arith.addf %dot_general3A_105, %add3A_109 : vector<1000x384xf32>
    %get3A_111 = arith.constant 0 : index
    %get3A_112 = arith.constant 0 : index
    %get3A_113 = vector.load %arg10[%get3A_111, %get3A_112] : memref<128x384xf32, #tpu.memory_space<vmem>>, vector<128x384xf32>
    %dot_general3A_114 = arith.constant dense<0.000000e+00> : vector<1000x384xf32>
    %dot_general3A_115 = tpu.matmul %get3A_100, %get3A_113, %dot_general3A_114 {dimension_numbers = #tpu.dot_dimension_numbers<[1], [0], [0], [1], [0, 0, 1, 1], [], []>, transpose_lhs_hint = false} : vector<1000x128xf32>, vector<128x384xf32>, vector<1000x384xf32> -> vector<1000x384xf32>
    %get3A_116 = arith.constant 0 : index
    %get3A_117 = arith.constant 0 : index
    %get3A_118 = vector.load %arg12[%get3A_116, %get3A_117] : memref<1x384xf32, #tpu.memory_space<vmem>>, vector<1x384xf32>
    %add3A_119 = vector.broadcast %get3A_118 : vector<1x384xf32> to vector<1000x384xf32>
    %add3A_120 = arith.addf %dot_general3A_115, %add3A_119 : vector<1000x384xf32>
    %slice3A_121 = vector.extract_strided_slice %add3A_110 {offsets = [0, 0], sizes = [1000, 128], strides = [1, 1]} : vector<1000x384xf32> to vector<1000x128xf32>
    %slice3A_122 = vector.extract_strided_slice %add3A_120 {offsets = [0, 0], sizes = [1000, 128], strides = [1, 1]} : vector<1000x384xf32> to vector<1000x128xf32>
    %add3A_123 = arith.addf %slice3A_121, %slice3A_122 : vector<1000x128xf32>
    %neg3A_124 = arith.constant 0.000000e+00 : f32
    %neg3A_125 = vector.broadcast %neg3A_124 : f32 to vector<1000x128xf32>
    %neg3A_126 = arith.subf %neg3A_125, %add3A_123 : vector<1000x128xf32>
    %exp3A_127 = math.exp %neg3A_126 : vector<1000x128xf32>
    %add3A_128 = arith.constant 1.000000e+00 : f32
    %add3A_129 = vector.broadcast %add3A_128 : f32 to vector<1000x128xf32>
    %add3A_130 = arith.addf %add3A_129, %exp3A_127 : vector<1000x128xf32>
    %div3A_131 = arith.constant 1.000000e+00 : f32
    %div3A_132 = vector.broadcast %div3A_131 : f32 to vector<1000x128xf32>
    %div3A_133 = arith.divf %div3A_132, %add3A_130 : vector<1000x128xf32>
    %slice3A_134 = vector.extract_strided_slice %add3A_110 {offsets = [0, 128], sizes = [1000, 128], strides = [1, 1]} : vector<1000x384xf32> to vector<1000x128xf32>
    %slice3A_135 = vector.extract_strided_slice %add3A_120 {offsets = [0, 128], sizes = [1000, 128], strides = [1, 1]} : vector<1000x384xf32> to vector<1000x128xf32>
    %add3A_136 = arith.addf %slice3A_134, %slice3A_135 : vector<1000x128xf32>
    %neg3A_137 = arith.constant 0.000000e+00 : f32
    %neg3A_138 = vector.broadcast %neg3A_137 : f32 to vector<1000x128xf32>
    %neg3A_139 = arith.subf %neg3A_138, %add3A_136 : vector<1000x128xf32>
    %exp3A_140 = math.exp %neg3A_139 : vector<1000x128xf32>
    %add3A_141 = arith.constant 1.000000e+00 : f32
    %add3A_142 = vector.broadcast %add3A_141 : f32 to vector<1000x128xf32>
    %add3A_143 = arith.addf %add3A_142, %exp3A_140 : vector<1000x128xf32>
    %div3A_144 = arith.constant 1.000000e+00 : f32
    %div3A_145 = vector.broadcast %div3A_144 : f32 to vector<1000x128xf32>
    %div3A_146 = arith.divf %div3A_145, %add3A_143 : vector<1000x128xf32>
    %slice3A_147 = vector.extract_strided_slice %add3A_110 {offsets = [0, 256], sizes = [1000, 128], strides = [1, 1]} : vector<1000x384xf32> to vector<1000x128xf32>
    %slice3A_148 = vector.extract_strided_slice %add3A_120 {offsets = [0, 256], sizes = [1000, 128], strides = [1, 1]} : vector<1000x384xf32> to vector<1000x128xf32>
    %mul3A_149 = arith.mulf %div3A_133, %slice3A_148 : vector<1000x128xf32>
    %add3A_150 = arith.addf %slice3A_147, %mul3A_149 : vector<1000x128xf32>
    %mul3A_151 = arith.constant 2.000000e+00 : f32
    %mul3A_152 = vector.broadcast %mul3A_151 : f32 to vector<1000x128xf32>
    %mul3A_153 = arith.mulf %mul3A_152, %add3A_150 : vector<1000x128xf32>
    %exp3A_154 = math.exp %mul3A_153 : vector<1000x128xf32>
    %add3A_155 = arith.constant 1.000000e+00 : f32
    %add3A_156 = vector.broadcast %add3A_155 : f32 to vector<1000x128xf32>
    %add3A_157 = arith.addf %exp3A_154, %add3A_156 : vector<1000x128xf32>
    %div3A_158 = arith.constant 2.000000e+00 : f32
    %div3A_159 = vector.broadcast %div3A_158 : f32 to vector<1000x128xf32>
    %div3A_160 = arith.divf %div3A_159, %add3A_157 : vector<1000x128xf32>
    %sub3A_161 = arith.constant 1.000000e+00 : f32
    %sub3A_162 = vector.broadcast %sub3A_161 : f32 to vector<1000x128xf32>
    %sub3A_163 = arith.subf %sub3A_162, %div3A_160 : vector<1000x128xf32>
    %sub3A_164 = arith.constant 1.000000e+00 : f32
    %sub3A_165 = vector.broadcast %sub3A_164 : f32 to vector<1000x128xf32>
    %sub3A_166 = arith.subf %sub3A_165, %div3A_146 : vector<1000x128xf32>
    %mul3A_167 = arith.mulf %sub3A_166, %sub3A_163 : vector<1000x128xf32>
    %mul3A_168 = arith.mulf %div3A_146, %get3A_100 : vector<1000x128xf32>
    %add3A_169 = arith.addf %mul3A_167, %mul3A_168 : vector<1000x128xf32>
    %swap3A_170 = arith.constant 0 : index
    %swap3A_171 = arith.constant 0 : index
    %swap3A_172 = vector.load %arg16[%swap3A_170, %swap3A_171] : memref<1000x128xf32, #tpu.memory_space<vmem>>, vector<1000x128xf32>
    tpu.vector_store %arg16[%swap3A_170, %swap3A_171], %add3A_169 {strides = array<i32>} : memref<1000x128xf32, #tpu.memory_space<vmem>>, vector<1000x128xf32>,
    %swap3A_173 = arith.constant 0 : index
    %swap3A_174 = arith.constant 0 : index
    %swap3A_175 = arith.constant 0 : index
    %swap3A_176 = vector.load %arg14[%swap3A_173, %swap3A_174, %swap3A_175] : memref<1x1000x128xf32, #tpu.memory_space<vmem>>, vector<1x1000x128xf32>
    %swap3A_177 = vector.shape_cast %swap3A_176 : vector<1x1000x128xf32> to vector<1000x128xf32>
    %swap3A_178 = vector.shape_cast %add3A_169 : vector<1000x128xf32> to vector<1x1000x128xf32>
    tpu.vector_store %arg14[%swap3A_173, %swap3A_174, %swap3A_175], %swap3A_178 {strides = array<i32>} : memref<1x1000x128xf32, #tpu.memory_space<vmem>>, vector<1x1000x128xf32>,
    return
  }
  func.func @transform_0(%arg0: i32) -> (i32, i32, i32) {
    %c0_i32 = arith.constant 0 : i32
    %c0_i32_0 = arith.constant 0 : i32
    %c0_i32_1 = arith.constant 0 : i32
    return %arg0, %c0_i32, %c0_i32_0 : i32, i32, i32
  }
  func.func @transform_1(%arg0: i32) -> (i32, i32, i32) {
    %sub3A = arith.constant 49 : i32
    %sub3A_0 = arith.subi %sub3A, %arg0 : i32
    %c0_i32 = arith.constant 0 : i32
    %c0_i32_1 = arith.constant 0 : i32
    %c0_i32_2 = arith.constant 0 : i32
    return %sub3A_0, %c0_i32, %c0_i32_1 : i32, i32, i32
  }
  func.func @transform_2(%arg0: i32) -> (i32, i32) {
    %c0_i32 = arith.constant 0 : i32
    %c0_i32_0 = arith.constant 0 : i32
    %c0_i32_1 = arith.constant 0 : i32
    return %c0_i32, %c0_i32_0 : i32, i32
  }
  func.func @transform_3(%arg0: i32) -> (i32, i32) {
    %c0_i32 = arith.constant 0 : i32
    %c0_i32_0 = arith.constant 0 : i32
    %c0_i32_1 = arith.constant 0 : i32
    return %c0_i32, %c0_i32_0 : i32, i32
  }
  func.func @transform_4(%arg0: i32) -> (i32, i32) {
    %c0_i32 = arith.constant 0 : i32
    %c0_i32_0 = arith.constant 0 : i32
    %c0_i32_1 = arith.constant 0 : i32
    return %c0_i32, %c0_i32_0 : i32, i32
  }
  func.func @transform_5(%arg0: i32) -> (i32, i32) {
    %c0_i32 = arith.constant 0 : i32
    %c0_i32_0 = arith.constant 0 : i32
    %c0_i32_1 = arith.constant 0 : i32
    return %c0_i32, %c0_i32_0 : i32, i32
  }
  func.func @transform_6(%arg0: i32) -> (i32, i32) {
    %c0_i32 = arith.constant 0 : i32
    %c0_i32_0 = arith.constant 0 : i32
    %c0_i32_1 = arith.constant 0 : i32
    return %c0_i32, %c0_i32_0 : i32, i32
  }
  func.func @transform_7(%arg0: i32) -> (i32, i32) {
    %c0_i32 = arith.constant 0 : i32
    %c0_i32_0 = arith.constant 0 : i32
    %c0_i32_1 = arith.constant 0 : i32
    return %c0_i32, %c0_i32_0 : i32, i32
  }
  func.func @transform_8(%arg0: i32) -> (i32, i32) {
    %c0_i32 = arith.constant 0 : i32
    %c0_i32_0 = arith.constant 0 : i32
    %c0_i32_1 = arith.constant 0 : i32
    return %c0_i32, %c0_i32_0 : i32, i32
  }
  func.func @transform_9(%arg0: i32) -> (i32, i32) {
    %c0_i32 = arith.constant 0 : i32
    %c0_i32_0 = arith.constant 0 : i32
    %c0_i32_1 = arith.constant 0 : i32
    return %c0_i32, %c0_i32_0 : i32, i32
  }
  func.func @transform_10(%arg0: i32) -> (i32, i32) {
    %c0_i32 = arith.constant 0 : i32
    %c0_i32_0 = arith.constant 0 : i32
    %c0_i32_1 = arith.constant 0 : i32
    return %c0_i32, %c0_i32_0 : i32, i32
  }
  func.func @transform_11(%arg0: i32) -> (i32, i32) {
    %c0_i32 = arith.constant 0 : i32
    %c0_i32_0 = arith.constant 0 : i32
    %c0_i32_1 = arith.constant 0 : i32
    return %c0_i32, %c0_i32_0 : i32, i32
  }
  func.func @transform_12(%arg0: i32) -> (i32, i32, i32) {
    %c0_i32 = arith.constant 0 : i32
    %c0_i32_0 = arith.constant 0 : i32
    %c0_i32_1 = arith.constant 0 : i32
    return %arg0, %c0_i32, %c0_i32_0 : i32, i32, i32
  }
  func.func @transform_13(%arg0: i32) -> (i32, i32, i32) {
    %sub3A = arith.constant 49 : i32
    %sub3A_0 = arith.subi %sub3A, %arg0 : i32
    %c0_i32 = arith.constant 0 : i32
    %c0_i32_1 = arith.constant 0 : i32
    %c0_i32_2 = arith.constant 0 : i32
    return %sub3A_0, %c0_i32, %c0_i32_1 : i32, i32, i32
  }
}

module attributes {stable_mosaic.version = 14 : i64} {
  func.func @body(%arg0: i32, %arg1: memref<2048x128xf32, #tpu.memory_space<vmem>>, %arg2: memref<2048x128xf32, #tpu.memory_space<vmem>>, %arg3: memref<128x128xf32, #tpu.memory_space<vmem>>, %arg4: memref<128x128xf32, #tpu.memory_space<vmem>>, %arg5: memref<1x128xf32, #tpu.memory_space<vmem>>, %arg6: memref<2048x128xf32, #tpu.memory_space<vmem>>) attributes {dimension_semantics = [#tpu.dimension_semantics<arbitrary>], iteration_bounds = array<i64: 25>, scalar_prefetch = 0 : i64, scratch_operands = 0 : i64, tpu.core_type = #tpu.core_type<tc>, window_params = [{transform_indices = @transform_0, window_bounds = array<i64: 2048, 128>}, {transform_indices = @transform_1, window_bounds = array<i64: 2048, 128>}, {pipeline_mode = #tpu.pipeline_mode<synchronous>, transform_indices = @transform_2, window_bounds = array<i64: 128, 128>}, {pipeline_mode = #tpu.pipeline_mode<synchronous>, transform_indices = @transform_3, window_bounds = array<i64: 128, 128>}, {pipeline_mode = #tpu.pipeline_mode<synchronous>, transform_indices = @transform_4, window_bounds = array<i64: 1, 128>}, {transform_indices = @transform_5, window_bounds = array<i64: 2048, 128>}]} {
    %get3A = arith.constant 0 : index
    %get3A_0 = arith.constant 0 : index
    %get3A_1 = vector.load %arg1[%get3A, %get3A_0] : memref<2048x128xf32, #tpu.memory_space<vmem>>, vector<2048x128xf32>
    %get3A_2 = arith.constant 0 : index
    %get3A_3 = arith.constant 0 : index
    %get3A_4 = vector.load %arg3[%get3A_2, %get3A_3] : memref<128x128xf32, #tpu.memory_space<vmem>>, vector<128x128xf32>
    %dot_general3A = arith.constant dense<0.000000e+00> : vector<2048x128xf32>
    %dot_general3A_5 = tpu.matmul %get3A_1, %get3A_4, %dot_general3A {dimension_numbers = #tpu.dot_dimension_numbers<[1], [0], [0], [1], [0, 0, 1, 1], [], []>, transpose_lhs_hint = false} : vector<2048x128xf32>, vector<128x128xf32>, vector<2048x128xf32> -> vector<2048x128xf32>
    %get3A_6 = arith.constant 0 : index
    %get3A_7 = arith.constant 0 : index
    %get3A_8 = vector.load %arg2[%get3A_6, %get3A_7] : memref<2048x128xf32, #tpu.memory_space<vmem>>, vector<2048x128xf32>
    %get3A_9 = arith.constant 0 : index
    %get3A_10 = arith.constant 0 : index
    %get3A_11 = vector.load %arg4[%get3A_9, %get3A_10] : memref<128x128xf32, #tpu.memory_space<vmem>>, vector<128x128xf32>
    %dot_general3A_12 = arith.constant dense<0.000000e+00> : vector<2048x128xf32>
    %dot_general3A_13 = tpu.matmul %get3A_8, %get3A_11, %dot_general3A_12 {dimension_numbers = #tpu.dot_dimension_numbers<[1], [0], [0], [1], [0, 0, 1, 1], [], []>, transpose_lhs_hint = false} : vector<2048x128xf32>, vector<128x128xf32>, vector<2048x128xf32> -> vector<2048x128xf32>
    %add3A = arith.addf %dot_general3A_5, %dot_general3A_13 : vector<2048x128xf32>
    %get3A_14 = arith.constant 0 : index
    %get3A_15 = arith.constant 0 : index
    %get3A_16 = vector.load %arg5[%get3A_14, %get3A_15] : memref<1x128xf32, #tpu.memory_space<vmem>>, vector<1x128xf32>
    %add3A_17 = vector.broadcast %get3A_16 : vector<1x128xf32> to vector<2048x128xf32>
    %add3A_18 = arith.addf %add3A, %add3A_17 : vector<2048x128xf32>
    %max3A = arith.constant 0.000000e+00 : f32
    %max3A_19 = vector.broadcast %max3A : f32 to vector<2048x128xf32>
    %max3A_20 = arith.maximumf %add3A_18, %max3A_19 : vector<2048x128xf32>
    %swap3A = arith.constant 0 : index
    %swap3A_21 = arith.constant 0 : index
    %swap3A_22 = vector.load %arg6[%swap3A, %swap3A_21] : memref<2048x128xf32, #tpu.memory_space<vmem>>, vector<2048x128xf32>
    tpu.vector_store %arg6[%swap3A, %swap3A_21], %max3A_20 {strides = array<i32>} : memref<2048x128xf32, #tpu.memory_space<vmem>>, vector<2048x128xf32>,
    return
  }
  func.func @transform_0(%arg0: i32) -> (i32, i32) {
    %c0_i32 = arith.constant 0 : i32
    %c0_i32_0 = arith.constant 0 : i32
    return %arg0, %c0_i32 : i32, i32
  }
  func.func @transform_1(%arg0: i32) -> (i32, i32) {
    %c0_i32 = arith.constant 0 : i32
    %c0_i32_0 = arith.constant 0 : i32
    return %arg0, %c0_i32 : i32, i32
  }
  func.func @transform_2(%arg0: i32) -> (i32, i32) {
    %c0_i32 = arith.constant 0 : i32
    %c0_i32_0 = arith.constant 0 : i32
    %c0_i32_1 = arith.constant 0 : i32
    return %c0_i32, %c0_i32_0 : i32, i32
  }
  func.func @transform_3(%arg0: i32) -> (i32, i32) {
    %c0_i32 = arith.constant 0 : i32
    %c0_i32_0 = arith.constant 0 : i32
    %c0_i32_1 = arith.constant 0 : i32
    return %c0_i32, %c0_i32_0 : i32, i32
  }
  func.func @transform_4(%arg0: i32) -> (i32, i32) {
    %c0_i32 = arith.constant 0 : i32
    %c0_i32_0 = arith.constant 0 : i32
    %c0_i32_1 = arith.constant 0 : i32
    return %c0_i32, %c0_i32_0 : i32, i32
  }
  func.func @transform_5(%arg0: i32) -> (i32, i32) {
    %c0_i32 = arith.constant 0 : i32
    %c0_i32_0 = arith.constant 0 : i32
    return %arg0, %c0_i32 : i32, i32
  }
}

</mosaic_0001>

<sc_bundles>
// kernel: kernel.18.cloned.1.call-start
scs
__scs_entry_jumppad:
0x0: {  	(pc) =	sbr.rel $0x88, $3  }
0x1: {  	(tag) =	ssettag $0x0;
	lr =	simm.s32 $0x1  }
0x2: {  	[smem:$0x3F8C] =	sst lr;
	_ =	strace $0xD0000000  }
0x3: {  	_ = 	snop  }
0x4: {  	_ = 	snop  }
0x5: {  	_ = 	snop  }
0x6: {  	_ = 	snop  }
0x7: {  	_ = 	snop  }
__scs_overlays_trampoline_lowered:
0x8: {  	[smem:$0x3F9B] =	sst s0  }
0x9: {  	[smem:$0x3F9C] =	sst s1  }
0xa: {  	[smem:$0x3F9D] =	sst s2  }
0xb: {  	[smem:$0x3F9E] =	sst s3  }
0xc: {  	[smem:$0x3F9F] =	sst s4  }
0xd: {  	[smem:$0x3FA0] =	sst s5  }
0xe: {  	[smem:$0x3FA1] =	sst s6  }
0xf: {  	[smem:$0x3FA2] =	sst s7  }
0x10: {  	[smem:$0x3FA3] =	sst s8  }
0x11: {  	[smem:$0x3FA4] =	sst s9;
	s0 =	simm.s32 @!p0 $0x0  }
0x12: {  	s1 =	sld [smem:$0x3F8A];
	s0 =	simm.s32 @p0 $0x1  }
0x13: {  	[smem:$0x3FA5] =	sst s0;
	s0 =	simm.s32 @!p1 $0x0  }
0x14: {  	s2 =	sld [smem:$0x3F89];
	s0 =	simm.s32 @p1 $0x1  }
0x15: {  	[smem:$0x3FA6] =	sst s0;
	s0 =	simm.s32 @!p2 $0x0  }
0x16: {  	s3 =	sld [smem:$0x3FDB];
	s0 =	simm.s32 @p2 $0x1  }
0x17: {  	s4 =	simm.s32 $0x1BF5;
	[smem:$0x3FA8] =	sst s0  }
0x18: {  	s0 =	sld [smem:$0x3F8B];
	_ =	swait.ge [sflag:s4], $0x0  }
0x19: {  	s7 =	sld [smem:$0x3F8C]  }
0x1a: {  	s8 =	sadd.s32 $0xFFFFE003, lr  }
0x1b: {  	s9 =	sadd.s32 $0xFFFFFEF7, lr;
	s5 =	simm.s32 $0xFFFFFFFF;
	p2 =	slt.u32 s8, $0xFFFFF086  }
0x1c: {  	p1 =	slt.u32 s9, $0xF7A;
	s5 =	simm.s32 @!p2 $0x0  }
0x1d: {  	s5 =	simm.s32 @p1 $0x1;
	p0 =	seq.s32 s7, s2  }
0x1e: {  	s7 =	smul.u32 @!p0 $0xF7A, s2;
	p2 =	seq.s32 @!p0 s5, $0x0  }
0x1f: {  	s9 =	smul.u32 $0xF7A, s1;
	s8 =	simm.s32 @!p0 $0x1BF5;
	p2 =	por !p2, p0  }
0x20: {  	[sflag:s8] =	ssyncset.s32 @!p0 $0xFFFFF086;
	s6 =	sadd.s32 @!p0 s3, s7;
	s7 =	simm.s32 @!p0 $0x108  }
0x21: {  	s3 =	sadd.s32 s3, s9;
	s6 =	sadd.s32 @!p0 $0x88, s6;
	s7 =	simm.s32 @p2 $0x1082  }
0x22: {  	[simem:s7], [sflag:s8] =	dma.local @!p0 [hbm:s6], $0xF7A  }
0x23: {  	s9 =	sor.u32 $0xD0000000, s2;
	s6 =	simm.s32 $0x108;
	_ =	swait.ge @!p0 [sflag:s8], $0x0  }
0x24: {  	s3 =	sadd.s32 $0x88, s3;
	s6 =	simm.s32 @!p1 $0x1082;
	[sflag:s4] =	ssyncset.s32 $0xFFFFF086  }
0x25: {  	[simem:s6], [sflag:s4] =	dma.local [hbm:s3], $0xF7A  }
0x26: {  	[smem:$0x3F8C] =	sst s1;
	(tag) =	ssettag s2;
	_ =	strace s9  }
0x27: {  	s1 =	sld [smem:$0x3F9C]  }
0x28: {  	s2 =	sld [smem:$0x3F9D]  }
0x29: {  	s4 =	sld [smem:$0x3F9F]  }
0x2a: {  	p0 =	seq.s32 s5, $0x0;
	s5 =	sld [smem:$0x3FA0]  }
0x2b: {  	s6 =	sld [smem:$0x3FA1]  }
0x2c: {  	s7 =	sld [smem:$0x3FA2]  }
0x2d: {  	s3 =	simm.s32 $0x108;
	s8 =	sld [smem:$0x3FA3]  }
0x2e: {  	s3 =	simm.s32 @!p0 $0x1082;
	s9 =	sld [smem:$0x3FA4]  }
0x2f: {  	lr =	sadd.s32 s0, s3;
	s0 =	sld [smem:$0x3F9B]  }
0x30: {  	s3 =	sld [smem:$0x3F9E]  }
0x31: {  	[smem:$0x3FA7] =	sst s10  }
0x32: {  	s10 =	sld [smem:$0x3FA5];
	_ =	sdelay $0x3  }
0x33: {  	p0 =	seq.s32 s10, $0x1;
	s10 =	sld [smem:$0x3FA7];
	_ =	sdelay $0x3  }
0x34: {  	[smem:$0x3FA7] =	sst s10  }
0x35: {  	s10 =	sld [smem:$0x3FA6];
	_ =	sdelay $0x3  }
0x36: {  	p1 =	seq.s32 s10, $0x1;
	s10 =	sld [smem:$0x3FA7];
	_ =	sdelay $0x3  }
0x37: {  	[smem:$0x3FA7] =	sst s10  }
0x38: {  	s10 =	sld [smem:$0x3FA8]  }
0x39: {  	_ = 	snop;
	(pc) =	sbr.ind lr, $3  }
0x3a: {  	_ = 	snop  }
0x3b: {  	_ = 	snop  }
0x3c: {  	p2 =	seq.s32 s10, $0x1;
	s10 =	sld [smem:$0x3FA7]  }
0x3d: {  	_ =	shalt  }
0x3e: {  	_ =	shalt  }
0x3f: {  	_ =	shalt  }
0x40: {  	_ =	shalt  }
0x41: {  	_ =	shalt  }
0x42: {  	_ =	shalt  }
0x43: {  	_ =	shalt  }
0x44: {  	_ =	shalt  }
0x45: {  	_ =	shalt  }
0x46: {  	_ =	shalt  }
0x47: {  	_ =	shalt  }
0x48: {  	_ =	shalt  }
0x49: {  	_ =	shalt  }
0x4a: {  	_ =	shalt  }
0x4b: {  	_ =	shalt  }
0x4c: {  	_ =	shalt  }
0x4d: {  	_ =	shalt  }
0x4e: {  	_ =	shalt  }
0x4f: {  	_ =	shalt  }
0x50: {  	_ =	shalt  }
0x51: {  	_ =	shalt  }
0x52: {  	_ =	shalt  }
0x53: {  	_ =	shalt  }
0x54: {  	_ =	shalt  }
0x55: {  	_ =	shalt  }
0x56: {  	_ =	shalt  }
0x57: {  	_ =	shalt  }
0x58: {  	_ =	shalt  }
0x59: {  	_ =	shalt  }
0x5a: {  	_ =	shalt  }
0x5b: {  	_ =	shalt  }
0x5c: {  	_ =	shalt  }
0x5d: {  	_ =	shalt  }
0x5e: {  	_ =	shalt  }
0x5f: {  	_ =	shalt  }
0x60: {  	_ =	shalt  }
0x61: {  	_ =	shalt  }
0x62: {  	_ =	shalt  }
0x63: {  	_ =	shalt  }
0x64: {  	_ =	shalt  }
0x65: {  	_ =	shalt  }
0x66: {  	_ =	shalt  }
0x67: {  	_ =	shalt  }
0x68: {  	_ =	shalt  }
0x69: {  	_ =	shalt  }
0x6a: {  	_ =	shalt  }
0x6b: {  	_ =	shalt  }
0x6c: {  	_ =	shalt  }
0x6d: {  	_ =	shalt  }
0x6e: {  	_ =	shalt  }
0x6f: {  	_ =	shalt  }
0x70: {  	_ =	shalt  }
0x71: {  	_ =	shalt  }
0x72: {  	_ =	shalt  }
0x73: {  	_ =	shalt  }
0x74: {  	_ =	shalt  }
0x75: {  	_ =	shalt  }
0x76: {  	_ =	shalt  }
0x77: {  	_ =	shalt  }
0x78: {  	_ =	shalt  }
0x79: {  	_ =	shalt  }
0x7a: {  	_ =	shalt  }
0x7b: {  	_ =	shalt  }
0x7c: {  	_ =	shalt  }
0x7d: {  	_ =	shalt  }
0x7e: {  	_ =	shalt  }
0x7f: {  	_ =	shalt  }
0x80: {  	_ =	shalt  }
0x81: {  	_ =	shalt  }
0x82: {  	_ =	shalt  }
0x83: {  	_ =	shalt  }
0x84: {  	_ =	shalt  }
0x85: {  	_ =	shalt  }
0x86: {  	_ =	shalt  }
0x87: {  	_ =	shalt  }
.Lfunc_end0:
.L_simem_size_0:
called_computation_lowered:
.L_overlay_start_0:
0x88: {  	s2 =	sld [smem:$0x3FD9]  }
0x89: {  	s3 =	sld [smem:$0x3FFE];
	_ =	sdelay $0x1  }
0x8a: {  	s1 =	srdreg.scid  }
0x8b: {  	s0 =	sand.u32 $0x1, s1  }
0x8c: {  	s17 =	sshll.u32 s0, $0xA;
	s2 =	sadd.s32 s3, s2  }
0x8d: {  	s2 =	sadd.s32 s2, s17  }
0x8e: {  	[smem:$0x3FB3] =	sst s2  }
0x8f: {  	_ = 	snop  }
0x90: {  	s2 =	sld [smem:$0x3FD0];
	(tm) =	ssettm $0x1  }
0x91: {  	s18 =	sld [smem:$0x3FFB];
	_ =	sdelay $0x3  }
0x92: {  	_ =	strace s18  }
0x93: {  	s3 =	sld [smem:$0x3FFC];
	_ =	sdelay $0x3  }
0x94: {  	_ =	strace s3  }
0x95: {  	s3 =	sld [smem:$0x3FFD];
	_ =	sdelay $0x3  }
0x96: {  	_ =	strace s3  }
0x97: {  	_ =	strace $0x8FFFFFFF  }
0x98: {  	s19 =	sld [smem:$0x3FDB];
	_ =	sdelay $0x1  }
0x99: {  	s4 =	simm.s32 $_scs_section_size  }
0x9a: {  	s5 =	simm.s32 $_size__tile_overlayer_lowered;
	s6 =	simm.s32 $_tile_overlayer_lowered  }
0x9b: {  	s22 =	simm.s32 $0x1BFF;
	s21 =	sshll.u32 s6, $0x1;
	s3 =	sadd.s32 s4, s19  }
0x9c: {  	s7 =	simm.s32 $0x0;
	s20 =	sshll.u32 s5, $0x1;
	s5 =	sadd.s32 s21, s3  }
0x9d: {  	[timem:s7], [sflag:s22] =	dma.local [hbm:s5], s20  }
0x9e: {  	_ =	swait.ge [sflag:s22], s20  }
0x9f: {  	s4 =	ssub.s32 $0x0, s20;
	[sflag:s22] =	ssyncset.done $0x0  }
0xa0: {  	[sflag:s22] =	ssyncadd.s32 s4;
	_ =	sdelay $0x1  }
0xa1: {  	s23 =	simm.s32 $0x1B8B  }
0xa2: {  	_ =	swait.ge [sflag:s23], $0x1  }
0xa3: {  	[sflag:s23] =	ssyncset.done $0x0  }
0xa4: {  	s25 =	simm.s32 $0x1B8E;
	s24 =	sld [smem:$0x3FFE];
	[sflag:s23] =	ssyncadd.s32 $0xFFFFFFFF  }
0xa5: {  	s26 =	simm.s32 $execute0_lowered;
	[smem:$0x3FD2] =	sst s25  }
0xa6: {  	s5 =	sshll.u32 s26, $0x1;
	_ =	strace $0x80000046;
	[dreg:$0x1] =	wrdreg $0xFFFFFFFF  }
0xa7: {  	s28 =	simm.s32 $_size_execute0_lowered;
	s3 =	sadd.s32 s3, s5;
	[dreg:$0x0] =	wrdreg $0x0  }
0xa8: {  	s5 =	sshll.u32 s28, $0x1;
	[dreg:$0x2] =	wrdreg s3  }
0xa9: {  	[dreg:$0x3] =	wrdreg s5  }
0xaa: {  	[dreg:$0x4] =	wrdreg $0xC0  }
0xab: {  	_ =	task [dreg:s7], $0x5FFFF  }
0xac: {  	[dreg:$0x1] =	wrdreg $0xFFFFFFFF  }
0xad: {  	[dreg:$0x0] =	wrdreg $0x60  }
0xae: {  	[dreg:$0x2] =	wrdreg s24  }
0xaf: {  	[dreg:$0x3] =	wrdreg s2  }
0xb0: {  	[dreg:$0x4] =	wrdreg $0x9  }
0xb1: {  	_ =	task.clear_ibuf [dreg:s7], $0x5FFFF;
	_ =	strace $0x90000046  }
0xb2: {  	s29 =	simm.s32 $0x9;
	_ =	strace $0x80000048  }
0xb3: {  	_ =	swait.ge [sflag:s29], $0x1  }
0xb4: {  	[sflag:s29] =	ssyncadd.s32 $0xFFFFFFFF  }
0xb5: {  	_ =	strace $0x90000048  }
0xb6: {  	_ =	sfence  }
0xb7: {  	s30 =	sld [smem:$0x0];
	_ =	sdelay $0x2  }
0xb8: {  	s31 =	sshll.u32 s1, $0xD;
	s1 =	sshrl.u32 s1, $0x2  }
0xb9: {  	s3 =	sand.u32 $0x4000, s31;
	s1 =	sadd.s32 s1, s30  }
0xba: {  	s0 =	sor.u32 s3, s0;
	s1 =	sshll.u32 s1, $0x11  }
0xbb: {  	s0 =	sor.u32 s1, s0  }
0xbc: {  	s0 =	sadd.s32 $0x8F2B, s0  }
0xbd: {  	[sflag:s0] =	ssyncadd.remote.s32 $0x1  }
0xbe: {  	_ =	sfence.sel $0xFFFF  }
0xbf: {  	[dreg:$0x0] =	wrdreg $0xFFFFFFFF;
	(pc) =	sbr.abs _section_cstart, $3  }
0xc0: {  	[dreg:$0x1] =	wrdreg $0xFFFFFFFF  }
0xc1: {  	_ =	task.clear_ibuf [dreg:s7], $0x2FFFF;
	_ =	strace $0x9FFFFFFF  }
0xc2: {  	(tm) =	ssettm $0x7FFFFFFF  }
0xc3: {  	_ =	shalt  }
tec
execute0_lowered:
.L_overlay_start_1:
0x0: {  	(tag) =	ssettag $0x1  }
0x1: {  	s0 =	rddreg [dreg:$0x0]  }
0x2: {  	s1 =	srdreg.scid;
	s10 =	stileid.u32  }
0x3: {  	s2 =	rddreg [dreg:$0x1];
	s3 =	simm.s32 $0x0;
	s28 =	simm.s32 $0x1  }
0x4: {  	s29 =	simm.s32 $0x2;
	s30 =	simm.s32 $0x3;
	s17 =	smul.u32 $0x4E00, s10  }
0x5: {  	s1 =	sand.u32 $0x1, s1;
	s4 =	sshll.u32 s10, $0x1;
	s23 =	smul.u32 $0x4E000, s10  }
0x6: {  	[smem:$0x7FF] =	sst s3;
	s6 =	sor.u32 s1, s4;
	s13 =	smul.u32 $0x2700, s1  }
0x7: {  	_ =	strace $0x80000047;
	s8 =	ssub.s32 $0x2, s1;
	s1 =	smul.u32 $0x27000, s1  }
0x8: {  	s31 =	simm.s32 $0x4;
	s4 =	sadd.s32 $0x61F600, s0;
	s7 =	smul.u32 $0x2700, s6  }
0x9: {  	s0 =	sadd.s32 $0x4C00, s0;
	s9 =	sshrl.u32 s8, $0x1;
	s6 =	smul.u32 $0x138000, s6  }
0xa: {  	s8 =	ssub.s32 s8, s9;
	s21 =	sadd.s32 s13, s17;
	s5 =	sshrl.u32 s7, $0x3  }
0xb: {  	s7 =	sadd.s32 $0x138, s7;
	s6 =	sshrl.u32 s6, $0x3;
	s13 =	smax.u32 s8, $0x1  }
0xc: {  	s22 =	sadd.s32 $0x270, s21;
	s9 =	sadd.s32 $0x2D8, s21;
	s25 =	sadd.s32 $0x208, s21  }
0xd: {  	s5 =	sadd.s32 s2, s5;
	s7 =	sshrl.u32 s7, $0x3;
	s6 =	sadd.s32 s0, s6  }
0xe: {  	s24 =	sshrl.u32 s9, $0x3;
	s0 =	sadd.s32 s23, s0;
	s26 =	sshrl.u32 s25, $0x3  }
0xf: {  	s23 =	simm.s32 $0x6900;
	s25 =	simm.s32 $0x6A00;
	s15 =	sadd.s32 $0xD, s5  }
0x10: {  	s16 =	sadd.s32 $0x1A, s5;
	s7 =	sadd.s32 s2, s7;
	[dreg:$0x4] =	wrdreg s15  }
0x11: {  	s18 =	sadd.s32 $0x25600, s6;
	s19 =	sadd.s32 $0x25C80, s6;
	[dreg:$0x5] =	wrdreg s16  }
0x12: {  	s20 =	sadd.s32 $0x26300, s6;
	s12 =	sadd.s32 $0x26980, s6;
	[dreg:$0x6] =	wrdreg s7  }
0x13: {  	s0 =	sadd.s32 s1, s0;
	s17 =	sadd.s32 s26, s2;
	[dreg:$0x7] =	wrdreg s18  }
0x14: {  	s26 =	simm.s32 $0x9E00;
	s1 =	simm.s32 $0x0;
	[dreg:$0x8] =	wrdreg s19  }
0x15: {  	[dreg:$0x9] =	wrdreg s20;
	s7 =	sshrl.u32 s22, $0x3;
	s15 =	sadd.s32 s24, s2  }
0x16: {  	[dreg:$0x3] =	wrdreg s0;
	s16 =	sadd.s32 $0x1A0, s21;
	s18 =	simm.s32 $0x5  }
0x17: {  	s19 =	simm.s32 $0x80;
	s20 =	simm.s32 $0x68;
	s21 =	simm.s32 $0x100  }
0x18: {  	s22 =	simm.s32 $0x3500;
	s24 =	simm.s32 $0x6980;
	s14 =	sadd.s32 s7, s2  }
.LBB2_1:
0x19: {  	[tilespmem:s3], [sflag:$0x5] =	stream.linear.gather [hbm4b:s5+s3], $0x68, $0x38;
	[tilespmem:$0xD200] =	vst v63  }
0x1a: {  	_ =	swait.ge [sflag:s18], $0x68  }
0x1b: {  	[sflag:s18] =	ssyncset.done $0x0  }
0x1c: {  	s0 =	rddreg [dreg:$0x4];
	[sflag:s18] =	ssyncadd.s32 $0xFFFFFF98  }
0x1d: {  	[tilespmem:s19], [sflag:$0x5] =	stream.linear.gather [hbm4b:s0+s3], $0x68, $0x38;
	[tilespmem:$0xD200] =	vst v63  }
0x1e: {  	_ =	swait.ge [sflag:s18], $0x68  }
0x1f: {  	[sflag:s18] =	ssyncset.done $0x0  }
0x20: {  	[sflag:s18] =	ssyncadd.s32 $0xFFFFFF98  }
0x21: {  	[tilespmem:s21], [sflag:$0x1] =	stream.indirect.gather [hbm4b:s4+s20], $0x80, s3, s20, $0xb8;
	[tilespmem:$0xD200] =	vst v63  }
0x22: {  	_ = 	snop  }
0x23: {  	[tilespmem:s22], [sflag:$0x1] =	stream.indirect.gather [hbm4b:s4+s20], $0x80, s19, s20, $0xb8;
	[tilespmem:$0xD200] =	vst v63  }
0x24: {  	s7 =	rddreg [dreg:$0x5]  }
0x25: {  	[tilespmem:s23], [sflag:$0x5] =	stream.linear.gather [hbm4b:s7+s3], $0x68, $0x38;
	[tilespmem:$0xD200] =	vst v63  }
0x26: {  	_ =	swait.ge [sflag:s18], $0x68  }
0x27: {  	[sflag:s18] =	ssyncset.done $0x0  }
0x28: {  	s8 =	rddreg [dreg:$0x6];
	[sflag:s18] =	ssyncadd.s32 $0xFFFFFF98  }
0x29: {  	[tilespmem:s24], [sflag:$0x5] =	stream.linear.gather [hbm4b:s8+s3], $0x68, $0x38;
	[tilespmem:$0xD200] =	vst v63  }
0x2a: {  	_ =	swait.ge [sflag:s18], $0x68  }
0x2b: {  	[sflag:s18] =	ssyncset.done $0x0  }
0x2c: {  	[sflag:s18] =	ssyncadd.s32 $0xFFFFFF98  }
0x2d: {  	[tilespmem:s25], [sflag:$0x3] =	stream.indirect.gather [hbm4b:s4+s20], $0x80, s23, s20, $0xb8;
	[tilespmem:$0xD200] =	vst v63  }
0x2e: {  	_ = 	snop  }
0x2f: {  	[tilespmem:s26], [sflag:$0x3] =	stream.indirect.gather [hbm4b:s4+s20], $0x80, s24, s20, $0xb8;
	[tilespmem:$0xD200] =	vst v63  }
0x30: {  	_ =	swait.ge [sflag:s28], $0x3400  }
0x31: {  	[sflag:s28] =	ssyncset.done $0x0  }
0x32: {  	[sflag:s28] =	ssyncadd.s32 $0xFFFFCC00  }
0x33: {  	_ =	swait.ge [sflag:s28], $0x3400  }
0x34: {  	s9 =	rddreg [dreg:$0x3];
	[sflag:s28] =	ssyncset.done $0x0  }
0x35: {  	[sflag:s28] =	ssyncadd.s32 $0xFFFFCC00;
	s0 =	sadd.s32 $0x0, s9  }
0x36: {  	[hbm4b:s0+s3] =	stream.linear.scatter [tilespmem:s21], [sflag:$0x2], $0x3400, $0x38;
	[tilespmem:$0xD200] =	vst v63  }
0x37: {  	s6 =	sadd.s32 $0x680, s0  }
0x38: {  	[hbm4b:s6+s3] =	stream.linear.scatter [tilespmem:s22], [sflag:$0x2], $0x3400, $0x38;
	[tilespmem:$0xD200] =	vst v63  }
0x39: {  	_ =	swait.ge [sflag:s29], $0x3400  }
0x3a: {  	[sflag:s29] =	ssyncset.done $0x0  }
0x3b: {  	[sflag:s29] =	ssyncadd.s32 $0xFFFFCC00  }
0x3c: {  	_ =	swait.ge [sflag:s29], $0x3400  }
0x3d: {  	s10 =	sshrl.u32 s16, $0x3;
	[sflag:s29] =	ssyncset.done $0x0  }
0x3e: {  	s6 =	sadd.s32 s2, s10;
	[sflag:s29] =	ssyncadd.s32 $0xFFFFCC00  }
0x3f: {  	[tilespmem:s3], [sflag:$0x5] =	stream.linear.gather [hbm4b:s6+s3], $0x68, $0x38;
	[tilespmem:$0xD200] =	vst v63  }
0x40: {  	_ =	swait.ge [sflag:s18], $0x68  }
0x41: {  	[sflag:s18] =	ssyncset.done $0x0  }
0x42: {  	[sflag:s18] =	ssyncadd.s32 $0xFFFFFF98  }
0x43: {  	[tilespmem:s19], [sflag:$0x5] =	stream.linear.gather [hbm4b:s17+s3], $0x68, $0x38;
	[tilespmem:$0xD200] =	vst v63  }
0x44: {  	_ =	swait.ge [sflag:s18], $0x68  }
0x45: {  	[sflag:s18] =	ssyncset.done $0x0  }
0x46: {  	[sflag:s18] =	ssyncadd.s32 $0xFFFFFF98  }
0x47: {  	[tilespmem:s21], [sflag:$0x1] =	stream.indirect.gather [hbm4b:s4+s20], $0x80, s3, s20, $0xb8;
	[tilespmem:$0xD200] =	vst v63  }
0x48: {  	_ = 	snop  }
0x49: {  	[tilespmem:s22], [sflag:$0x1] =	stream.indirect.gather [hbm4b:s4+s20], $0x80, s19, s20, $0xb8;
	[tilespmem:$0xD200] =	vst v63  }
0x4a: {  	_ =	swait.ge [sflag:s30], $0x3400  }
0x4b: {  	[sflag:s30] =	ssyncset.done $0x0  }
0x4c: {  	[sflag:s30] =	ssyncadd.s32 $0xFFFFCC00  }
0x4d: {  	_ =	swait.ge [sflag:s30], $0x3400  }
0x4e: {  	[sflag:s30] =	ssyncset.done $0x0  }
0x4f: {  	s11 =	sadd.s32 $0xD00, s0;
	[sflag:s30] =	ssyncadd.s32 $0xFFFFCC00  }
0x50: {  	[hbm4b:s11+s3] =	stream.linear.scatter [tilespmem:s25], [sflag:$0x4], $0x3400, $0x38;
	[tilespmem:$0xD200] =	vst v63  }
0x51: {  	s0 =	sadd.s32 $0x1380, s0  }
0x52: {  	[hbm4b:s0+s3] =	stream.linear.scatter [tilespmem:s26], [sflag:$0x4], $0x3400, $0x38;
	[tilespmem:$0xD200] =	vst v63  }
0x53: {  	_ =	swait.ge [sflag:s31], $0x3400  }
0x54: {  	[sflag:s31] =	ssyncset.done $0x0  }
0x55: {  	[sflag:s31] =	ssyncadd.s32 $0xFFFFCC00  }
0x56: {  	_ =	swait.ge [sflag:s31], $0x3400  }
0x57: {  	[sflag:s31] =	ssyncset.done $0x0  }
0x58: {  	[sflag:s31] =	ssyncadd.s32 $0xFFFFCC00  }
0x59: {  	[tilespmem:s23], [sflag:$0x5] =	stream.linear.gather [hbm4b:s14+s3], $0x68, $0x38;
	[tilespmem:$0xD200] =	vst v63  }
0x5a: {  	_ =	swait.ge [sflag:s18], $0x68  }
0x5b: {  	[sflag:s18] =	ssyncset.done $0x0  }
0x5c: {  	[sflag:s18] =	ssyncadd.s32 $0xFFFFFF98  }
0x5d: {  	[tilespmem:s24], [sflag:$0x5] =	stream.linear.gather [hbm4b:s15+s3], $0x68, $0x38;
	[tilespmem:$0xD200] =	vst v63  }
0x5e: {  	s7 =	sadd.s32 $0x34, s14;
	_ =	swait.ge [sflag:s18], $0x68  }
0x5f: {  	s8 =	sadd.s32 $0x34, s15;
	s9 =	sadd.s32 $0x1A0, s16;
	[sflag:s18] =	ssyncset.done $0x0  }
0x60: {  	s6 =	sadd.s32 $0x34, s17;
	s0 =	simm.s32 $0x1A00;
	[sflag:s18] =	ssyncadd.s32 $0xFFFFFF98  }
0x61: {  	[tilespmem:s25], [sflag:$0x3] =	stream.indirect.gather [hbm4b:s4+s20], $0x80, s23, s20, $0xb8;
	[tilespmem:$0xD200] =	vst v63  }
.LBB2_2:
0x62: {  	[tilespmem:s26], [sflag:$0x3] =	stream.indirect.gather [hbm4b:s4+s20], $0x80, s24, s20, $0xb8;
	[tilespmem:$0xD200] =	vst v63  }
0x63: {  	_ =	swait.ge [sflag:s28], $0x3400  }
0x64: {  	[sflag:s28] =	ssyncset.done $0x0  }
0x65: {  	[sflag:s28] =	ssyncadd.s32 $0xFFFFCC00  }
0x66: {  	_ =	swait.ge [sflag:s28], $0x3400  }
0x67: {  	s10 =	smov.u32 s0;
	s11 =	rddreg [dreg:$0x3];
	[sflag:s28] =	ssyncset.done $0x0  }
0x68: {  	[sflag:s28] =	ssyncadd.s32 $0xFFFFCC00;
	s10 =	sadd.s32 s10, s11  }
0x69: {  	[hbm4b:s10+s3] =	stream.linear.scatter [tilespmem:s21], [sflag:$0x2], $0x3400, $0x38;
	[tilespmem:$0xD200] =	vst v63  }
0x6a: {  	s11 =	sadd.s32 $0x680, s10  }
0x6b: {  	[hbm4b:s11+s3] =	stream.linear.scatter [tilespmem:s22], [sflag:$0x2], $0x3400, $0x38;
	[tilespmem:$0xD200] =	vst v63  }
0x6c: {  	_ =	swait.ge [sflag:s29], $0x3400  }
0x6d: {  	[sflag:s29] =	ssyncset.done $0x0  }
0x6e: {  	[sflag:s29] =	ssyncadd.s32 $0xFFFFCC00  }
0x6f: {  	_ =	swait.ge [sflag:s29], $0x3400  }
0x70: {  	s11 =	sshrl.u32 s9, $0x3;
	[sflag:s29] =	ssyncset.done $0x0  }
0x71: {  	s11 =	sadd.s32 s2, s11;
	[sflag:s29] =	ssyncadd.s32 $0xFFFFCC00  }
0x72: {  	[tilespmem:s3], [sflag:$0x5] =	stream.linear.gather [hbm4b:s11+s3], $0x68, $0x38;
	[tilespmem:$0xD200] =	vst v63  }
0x73: {  	_ =	swait.ge [sflag:s18], $0x68  }
0x74: {  	[sflag:s18] =	ssyncset.done $0x0  }
0x75: {  	[sflag:s18] =	ssyncadd.s32 $0xFFFFFF98  }
0x76: {  	[tilespmem:s19], [sflag:$0x5] =	stream.linear.gather [hbm4b:s6+s3], $0x68, $0x38;
	[tilespmem:$0xD200] =	vst v63  }
0x77: {  	_ =	swait.ge [sflag:s18], $0x68  }
0x78: {  	[sflag:s18] =	ssyncset.done $0x0  }
0x79: {  	[sflag:s18] =	ssyncadd.s32 $0xFFFFFF98  }
0x7a: {  	[tilespmem:s21], [sflag:$0x1] =	stream.indirect.gather [hbm4b:s4+s20], $0x80, s3, s20, $0xb8;
	[tilespmem:$0xD200] =	vst v63  }
0x7b: {  	_ = 	snop  }
0x7c: {  	[tilespmem:s22], [sflag:$0x1] =	stream.indirect.gather [hbm4b:s4+s20], $0x80, s19, s20, $0xb8;
	[tilespmem:$0xD200] =	vst v63  }
0x7d: {  	_ =	swait.ge [sflag:s30], $0x3400  }
0x7e: {  	[sflag:s30] =	ssyncset.done $0x0  }
0x7f: {  	[sflag:s30] =	ssyncadd.s32 $0xFFFFCC00  }
0x80: {  	_ =	swait.ge [sflag:s30], $0x3400  }
0x81: {  	[sflag:s30] =	ssyncset.done $0x0  }
0x82: {  	s11 =	sadd.s32 $0xD00, s10;
	[sflag:s30] =	ssyncadd.s32 $0xFFFFCC00  }
0x83: {  	[hbm4b:s11+s3] =	stream.linear.scatter [tilespmem:s25], [sflag:$0x4], $0x3400, $0x38;
	[tilespmem:$0xD200] =	vst v63  }
0x84: {  	s10 =	sadd.s32 $0x1380, s10  }
0x85: {  	[hbm4b:s10+s3] =	stream.linear.scatter [tilespmem:s26], [sflag:$0x4], $0x3400, $0x38;
	[tilespmem:$0xD200] =	vst v63  }
0x86: {  	_ =	swait.ge [sflag:s31], $0x3400  }
0x87: {  	[sflag:s31] =	ssyncset.done $0x0  }
0x88: {  	[sflag:s31] =	ssyncadd.s32 $0xFFFFCC00  }
0x89: {  	_ =	swait.ge [sflag:s31], $0x3400  }
0x8a: {  	[sflag:s31] =	ssyncset.done $0x0  }
0x8b: {  	[sflag:s31] =	ssyncadd.s32 $0xFFFFCC00  }
0x8c: {  	[tilespmem:s23], [sflag:$0x5] =	stream.linear.gather [hbm4b:s7+s3], $0x68, $0x38;
	[tilespmem:$0xD200] =	vst v63  }
0x8d: {  	_ =	swait.ge [sflag:s18], $0x68  }
0x8e: {  	[sflag:s18] =	ssyncset.done $0x0  }
0x8f: {  	p0 =	sne.s32 s0, $0x23C00;
	[sflag:s18] =	ssyncadd.s32 $0xFFFFFF98  }
0x90: {  	[tilespmem:s24], [sflag:$0x5] =	stream.linear.gather [hbm4b:s8+s3], $0x68, $0x38;
	[tilespmem:$0xD200] =	vst v63  }
.Ltmp0:
0x91: {  	_ = 	snop;
	(pc) =	sbr.rel @p0 .LBB2_2-.Ltmp0, $4  }
0x92: {  	s0 =	sadd.s32 $0x1A00, s0;
	_ =	swait.ge [sflag:s18], $0x68  }
0x93: {  	s9 =	sadd.s32 $0x1A0, s9;
	s6 =	sadd.s32 $0x34, s6;
	[sflag:s18] =	ssyncset.done $0x0  }
0x94: {  	s7 =	sadd.s32 $0x34, s7;
	s8 =	sadd.s32 $0x34, s8;
	[sflag:s18] =	ssyncadd.s32 $0xFFFFFF98  }
0x95: {  	[tilespmem:s25], [sflag:$0x3] =	stream.indirect.gather [hbm4b:s4+s20], $0x80, s23, s20, $0xb8;
	[tilespmem:$0xD200] =	vst v63  }
0x96: {  	[tilespmem:s26], [sflag:$0x3] =	stream.indirect.gather [hbm4b:s4+s20], $0x80, s24, s20, $0xb8;
	[tilespmem:$0xD200] =	vst v63  }
0x97: {  	_ =	swait.ge [sflag:s28], $0x3400  }
0x98: {  	[sflag:s28] =	ssyncset.done $0x0  }
0x99: {  	[sflag:s28] =	ssyncadd.s32 $0xFFFFCC00  }
0x9a: {  	_ =	swait.ge [sflag:s28], $0x3400  }
0x9b: {  	[sflag:s28] =	ssyncset.done $0x0  }
0x9c: {  	s0 =	rddreg [dreg:$0x7];
	[sflag:s28] =	ssyncadd.s32 $0xFFFFCC00  }
0x9d: {  	[hbm4b:s0+s3] =	stream.linear.scatter [tilespmem:s21], [sflag:$0x2], $0x3400, $0x38;
	[tilespmem:$0xD200] =	vst v63  }
0x9e: {  	s10 =	rddreg [dreg:$0x8]  }
0x9f: {  	[hbm4b:s10+s3] =	stream.linear.scatter [tilespmem:s22], [sflag:$0x2], $0x3400, $0x38;
	[tilespmem:$0xD200] =	vst v63  }
0xa0: {  	_ =	swait.ge [sflag:s29], $0x3400  }
0xa1: {  	[sflag:s29] =	ssyncset.done $0x0  }
0xa2: {  	[sflag:s29] =	ssyncadd.s32 $0xFFFFCC00  }
0xa3: {  	_ =	swait.ge [sflag:s29], $0x3400  }
0xa4: {  	[sflag:s29] =	ssyncset.done $0x0  }
0xa5: {  	[sflag:s29] =	ssyncadd.s32 $0xFFFFCC00  }
0xa6: {  	_ =	swait.ge [sflag:s30], $0x3400  }
0xa7: {  	[sflag:s30] =	ssyncset.done $0x0  }
0xa8: {  	[sflag:s30] =	ssyncadd.s32 $0xFFFFCC00  }
0xa9: {  	_ =	swait.ge [sflag:s30], $0x3400  }
0xaa: {  	[sflag:s30] =	ssyncset.done $0x0  }
0xab: {  	s11 =	rddreg [dreg:$0x9];
	[sflag:s30] =	ssyncadd.s32 $0xFFFFCC00  }
0xac: {  	[hbm4b:s11+s3] =	stream.linear.scatter [tilespmem:s25], [sflag:$0x4], $0x3400, $0x38;
	[tilespmem:$0xD200] =	vst v63  }
0xad: {  	s1 =	sadd.s32 $0x1, s1  }
0xae: {  	[hbm4b:s12+s3] =	stream.linear.scatter [tilespmem:s26], [sflag:$0x4], $0x3400, $0x38;
	[tilespmem:$0xD200] =	vst v63  }
0xaf: {  	p0 =	sne.s32 s1, s13;
	_ =	swait.ge [sflag:s31], $0x3400  }
.Ltmp1:
0xb0: {  	[sflag:s31] =	ssyncset.done $0x0;
	(pc) =	sbr.rel @p0 .LBB2_1-.Ltmp1, $4  }
0xb1: {  	[sflag:s31] =	ssyncadd.s32 $0xFFFFCC00  }
0xb2: {  	_ =	swait.ge [sflag:s31], $0x3400  }
0xb3: {  	[sflag:s31] =	ssyncset.done $0x0  }
0xb4: {  	[sflag:s31] =	ssyncadd.s32 $0xFFFFCC00  }
0xb5: {  	_ =	sfence.sel $0x180000  }
0xb6: {  	[bflag:$0x0] =	sbarrier.arrive $0xFFFF  }
0xb7: {  	_ =	strace $0x90000047  }
0xb8: {  	s0 =	stileid.u32;
	[bflag:$0x2] =	sbarrier.arrive $0xFFFF  }
0xb9: {  	p0 =	sne.s32 s0, $0x0;
	s0 =	rddreg [dreg:$0x2]  }
0xba: {  	s0 =	sadd.s32 @!p0 $0x100000, s0  }
0xbb: {  	[sflag:s0] =	ssyncadd.tile.s32 @!p0 $0x1;
	_ =	shalt  }
.Lfunc_end2:
_tile_overlayer_lowered:
.L_overlay_start_2:
0xbc: {  	(tag) =	ssettag $0x2  }
0xbd: {  	s0 =	rddreg [dreg:$0x0];
	s2 =	stileid.u32  }
0xbe: {  	s1 =	rddreg [dreg:$0x1];
	p0 =	sne.s32 s2, $0x0  }
0xbf: {  	s3 =	rddreg [dreg:$0x2];
	[bflag:$0x3] =	sbarrier.arrive $0xFFFF;
	s2 =	simm.s32 @!p0 $0x1C05  }
0xc0: {  	[timem:s3], [sflag:s2] =	dma.local @!p0 [hbm:s0], s1  }
0xc1: {  	s0 =	simm.s32 @!p0 $0x5  }
0xc2: {  	_ =	swait.ge @!p0 [sflag:s0], s1  }
0xc3: {  	s1 =	ssub.s32 @!p0 $0x0, s1;
	[sflag:s0] =	ssyncset.done @!p0 $0x0  }
0xc4: {  	[sflag:s0] =	ssyncadd.s32 @!p0 s1  }
0xc5: {  	[bflag:$0x3] =	sbarrier.arrive $0xFFFF  }
0xc6: {  	_ =	shalt  }

// kernel: kernel.21.cloned.1.call-start
scs
__scs_entry_jumppad:
0x0: {  	(pc) =	sbr.rel $0x88, $3  }
0x1: {  	(tag) =	ssettag $0x0;
	lr =	simm.s32 $0x1  }
0x2: {  	[smem:$0x3F8C] =	sst lr;
	_ =	strace $0xD0000000  }
0x3: {  	_ = 	snop  }
0x4: {  	_ = 	snop  }
0x5: {  	_ = 	snop  }
0x6: {  	_ = 	snop  }
0x7: {  	_ = 	snop  }
__scs_overlays_trampoline_lowered:
0x8: {  	[smem:$0x3F9B] =	sst s0  }
0x9: {  	[smem:$0x3F9C] =	sst s1  }
0xa: {  	[smem:$0x3F9D] =	sst s2  }
0xb: {  	[smem:$0x3F9E] =	sst s3  }
0xc: {  	[smem:$0x3F9F] =	sst s4  }
0xd: {  	[smem:$0x3FA0] =	sst s5  }
0xe: {  	[smem:$0x3FA1] =	sst s6  }
0xf: {  	[smem:$0x3FA2] =	sst s7  }
0x10: {  	[smem:$0x3FA3] =	sst s8  }
0x11: {  	[smem:$0x3FA4] =	sst s9;
	s0 =	simm.s32 @!p0 $0x0  }
0x12: {  	s1 =	sld [smem:$0x3F8A];
	s0 =	simm.s32 @p0 $0x1  }
0x13: {  	[smem:$0x3FA5] =	sst s0;
	s0 =	simm.s32 @!p1 $0x0  }
0x14: {  	s2 =	sld [smem:$0x3F89];
	s0 =	simm.s32 @p1 $0x1  }
0x15: {  	[smem:$0x3FA6] =	sst s0;
	s0 =	simm.s32 @!p2 $0x0  }
0x16: {  	s3 =	sld [smem:$0x3FDB];
	s0 =	simm.s32 @p2 $0x1  }
0x17: {  	s4 =	simm.s32 $0x1BF5;
	[smem:$0x3FA8] =	sst s0  }
0x18: {  	s0 =	sld [smem:$0x3F8B];
	_ =	swait.ge [sflag:s4], $0x0  }
0x19: {  	s7 =	sld [smem:$0x3F8C]  }
0x1a: {  	s8 =	sadd.s32 $0xFFFFE003, lr  }
0x1b: {  	s9 =	sadd.s32 $0xFFFFFEF7, lr;
	s5 =	simm.s32 $0xFFFFFFFF;
	p2 =	slt.u32 s8, $0xFFFFF086  }
0x1c: {  	p1 =	slt.u32 s9, $0xF7A;
	s5 =	simm.s32 @!p2 $0x0  }
0x1d: {  	s5 =	simm.s32 @p1 $0x1;
	p0 =	seq.s32 s7, s2  }
0x1e: {  	s7 =	smul.u32 @!p0 $0xF7A, s2;
	p2 =	seq.s32 @!p0 s5, $0x0  }
0x1f: {  	s9 =	smul.u32 $0xF7A, s1;
	s8 =	simm.s32 @!p0 $0x1BF5;
	p2 =	por !p2, p0  }
0x20: {  	[sflag:s8] =	ssyncset.s32 @!p0 $0xFFFFF086;
	s6 =	sadd.s32 @!p0 s3, s7;
	s7 =	simm.s32 @!p0 $0x108  }
0x21: {  	s3 =	sadd.s32 s3, s9;
	s6 =	sadd.s32 @!p0 $0x88, s6;
	s7 =	simm.s32 @p2 $0x1082  }
0x22: {  	[simem:s7], [sflag:s8] =	dma.local @!p0 [hbm:s6], $0xF7A  }
0x23: {  	s9 =	sor.u32 $0xD0000000, s2;
	s6 =	simm.s32 $0x108;
	_ =	swait.ge @!p0 [sflag:s8], $0x0  }
0x24: {  	s3 =	sadd.s32 $0x88, s3;
	s6 =	simm.s32 @!p1 $0x1082;
	[sflag:s4] =	ssyncset.s32 $0xFFFFF086  }
0x25: {  	[simem:s6], [sflag:s4] =	dma.local [hbm:s3], $0xF7A  }
0x26: {  	[smem:$0x3F8C] =	sst s1;
	(tag) =	ssettag s2;
	_ =	strace s9  }
0x27: {  	s1 =	sld [smem:$0x3F9C]  }
0x28: {  	s2 =	sld [smem:$0x3F9D]  }
0x29: {  	s4 =	sld [smem:$0x3F9F]  }
0x2a: {  	p0 =	seq.s32 s5, $0x0;
	s5 =	sld [smem:$0x3FA0]  }
0x2b: {  	s6 =	sld [smem:$0x3FA1]  }
0x2c: {  	s7 =	sld [smem:$0x3FA2]  }
0x2d: {  	s3 =	simm.s32 $0x108;
	s8 =	sld [smem:$0x3FA3]  }
0x2e: {  	s3 =	simm.s32 @!p0 $0x1082;
	s9 =	sld [smem:$0x3FA4]  }
0x2f: {  	lr =	sadd.s32 s0, s3;
	s0 =	sld [smem:$0x3F9B]  }
0x30: {  	s3 =	sld [smem:$0x3F9E]  }
0x31: {  	[smem:$0x3FA7] =	sst s10  }
0x32: {  	s10 =	sld [smem:$0x3FA5];
	_ =	sdelay $0x3  }
0x33: {  	p0 =	seq.s32 s10, $0x1;
	s10 =	sld [smem:$0x3FA7];
	_ =	sdelay $0x3  }
0x34: {  	[smem:$0x3FA7] =	sst s10  }
0x35: {  	s10 =	sld [smem:$0x3FA6];
	_ =	sdelay $0x3  }
0x36: {  	p1 =	seq.s32 s10, $0x1;
	s10 =	sld [smem:$0x3FA7];
	_ =	sdelay $0x3  }
0x37: {  	[smem:$0x3FA7] =	sst s10  }
0x38: {  	s10 =	sld [smem:$0x3FA8]  }
0x39: {  	_ = 	snop;
	(pc) =	sbr.ind lr, $3  }
0x3a: {  	_ = 	snop  }
0x3b: {  	_ = 	snop  }
0x3c: {  	p2 =	seq.s32 s10, $0x1;
	s10 =	sld [smem:$0x3FA7]  }
0x3d: {  	_ =	shalt  }
0x3e: {  	_ =	shalt  }
0x3f: {  	_ =	shalt  }
0x40: {  	_ =	shalt  }
0x41: {  	_ =	shalt  }
0x42: {  	_ =	shalt  }
0x43: {  	_ =	shalt  }
0x44: {  	_ =	shalt  }
0x45: {  	_ =	shalt  }
0x46: {  	_ =	shalt  }
0x47: {  	_ =	shalt  }
0x48: {  	_ =	shalt  }
0x49: {  	_ =	shalt  }
0x4a: {  	_ =	shalt  }
0x4b: {  	_ =	shalt  }
0x4c: {  	_ =	shalt  }
0x4d: {  	_ =	shalt  }
0x4e: {  	_ =	shalt  }
0x4f: {  	_ =	shalt  }
0x50: {  	_ =	shalt  }
0x51: {  	_ =	shalt  }
0x52: {  	_ =	shalt  }
0x53: {  	_ =	shalt  }
0x54: {  	_ =	shalt  }
0x55: {  	_ =	shalt  }
0x56: {  	_ =	shalt  }
0x57: {  	_ =	shalt  }
0x58: {  	_ =	shalt  }
0x59: {  	_ =	shalt  }
0x5a: {  	_ =	shalt  }
0x5b: {  	_ =	shalt  }
0x5c: {  	_ =	shalt  }
0x5d: {  	_ =	shalt  }
0x5e: {  	_ =	shalt  }
0x5f: {  	_ =	shalt  }
0x60: {  	_ =	shalt  }
0x61: {  	_ =	shalt  }
0x62: {  	_ =	shalt  }
0x63: {  	_ =	shalt  }
0x64: {  	_ =	shalt  }
0x65: {  	_ =	shalt  }
0x66: {  	_ =	shalt  }
0x67: {  	_ =	shalt  }
0x68: {  	_ =	shalt  }
0x69: {  	_ =	shalt  }
0x6a: {  	_ =	shalt  }
0x6b: {  	_ =	shalt  }
0x6c: {  	_ =	shalt  }
0x6d: {  	_ =	shalt  }
0x6e: {  	_ =	shalt  }
0x6f: {  	_ =	shalt  }
0x70: {  	_ =	shalt  }
0x71: {  	_ =	shalt  }
0x72: {  	_ =	shalt  }
0x73: {  	_ =	shalt  }
0x74: {  	_ =	shalt  }
0x75: {  	_ =	shalt  }
0x76: {  	_ =	shalt  }
0x77: {  	_ =	shalt  }
0x78: {  	_ =	shalt  }
0x79: {  	_ =	shalt  }
0x7a: {  	_ =	shalt  }
0x7b: {  	_ =	shalt  }
0x7c: {  	_ =	shalt  }
0x7d: {  	_ =	shalt  }
0x7e: {  	_ =	shalt  }
0x7f: {  	_ =	shalt  }
0x80: {  	_ =	shalt  }
0x81: {  	_ =	shalt  }
0x82: {  	_ =	shalt  }
0x83: {  	_ =	shalt  }
0x84: {  	_ =	shalt  }
0x85: {  	_ =	shalt  }
0x86: {  	_ =	shalt  }
0x87: {  	_ =	shalt  }
.Lfunc_end0:
.L_simem_size_0:
called_computation.1_lowered:
.L_overlay_start_0:
0x88: {  	s2 =	sld [smem:$0x3FD9]  }
0x89: {  	s3 =	sld [smem:$0x3FFE];
	_ =	sdelay $0x1  }
0x8a: {  	s1 =	srdreg.scid  }
0x8b: {  	s0 =	sand.u32 $0x1, s1  }
0x8c: {  	s16 =	sshll.u32 s0, $0xA;
	s2 =	sadd.s32 s3, s2  }
0x8d: {  	s2 =	sadd.s32 s2, s16  }
0x8e: {  	[smem:$0x3FB3] =	sst s2  }
0x8f: {  	_ = 	snop  }
0x90: {  	(tm) =	ssettm $0x1  }
0x91: {  	s17 =	sld [smem:$0x3FFB];
	_ =	sdelay $0x3  }
0x92: {  	_ =	strace s17  }
0x93: {  	s2 =	sld [smem:$0x3FFC];
	_ =	sdelay $0x3  }
0x94: {  	_ =	strace s2  }
0x95: {  	s2 =	sld [smem:$0x3FFD];
	_ =	sdelay $0x3  }
0x96: {  	_ =	strace s2  }
0x97: {  	_ =	strace $0x8FFFFFFF  }
0x98: {  	s18 =	sld [smem:$0x3FDB];
	_ =	sdelay $0x1  }
0x99: {  	s19 =	simm.s32 $_scs_section_size  }
0x9a: {  	s4 =	simm.s32 $_size__tile_overlayer_lowered;
	s5 =	simm.s32 $_tile_overlayer_lowered  }
0x9b: {  	s22 =	simm.s32 $0x1BFF;
	s21 =	sshll.u32 s5, $0x1;
	s2 =	sadd.s32 s19, s18  }
0x9c: {  	s6 =	simm.s32 $0x0;
	s20 =	sshll.u32 s4, $0x1;
	s4 =	sadd.s32 s21, s2  }
0x9d: {  	[timem:s6], [sflag:s22] =	dma.local [hbm:s4], s20  }
0x9e: {  	_ =	swait.ge [sflag:s22], s20  }
0x9f: {  	s3 =	ssub.s32 $0x0, s20;
	[sflag:s22] =	ssyncset.done $0x0  }
0xa0: {  	[sflag:s22] =	ssyncadd.s32 s3;
	_ =	sdelay $0x1  }
0xa1: {  	s23 =	simm.s32 $0x1B8B  }
0xa2: {  	_ =	swait.ge [sflag:s23], $0x1  }
0xa3: {  	[sflag:s23] =	ssyncset.done $0x0  }
0xa4: {  	s25 =	simm.s32 $0x1B8E;
	s24 =	sld [smem:$0x3FFE];
	[sflag:s23] =	ssyncadd.s32 $0xFFFFFFFF  }
0xa5: {  	s26 =	simm.s32 $execute0_lowered;
	[smem:$0x3FD2] =	sst s25  }
0xa6: {  	s4 =	sshll.u32 s26, $0x1;
	_ =	strace $0x80000049;
	[dreg:$0x1] =	wrdreg $0xFFFFFFFF  }
0xa7: {  	s28 =	simm.s32 $_size_execute0_lowered;
	s2 =	sadd.s32 s2, s4;
	[dreg:$0x0] =	wrdreg $0x0  }
0xa8: {  	s4 =	sshll.u32 s28, $0x1;
	[dreg:$0x2] =	wrdreg s2  }
0xa9: {  	[dreg:$0x3] =	wrdreg s4  }
0xaa: {  	[dreg:$0x4] =	wrdreg $0xC0  }
0xab: {  	_ =	task [dreg:s6], $0x5FFFF  }
0xac: {  	[dreg:$0x1] =	wrdreg $0xFFFFFFFF  }
0xad: {  	[dreg:$0x0] =	wrdreg $0x60  }
0xae: {  	[dreg:$0x2] =	wrdreg s24  }
0xaf: {  	[dreg:$0x3] =	wrdreg $0x9  }
0xb0: {  	_ =	task.clear_ibuf [dreg:s6], $0x4FFFF;
	_ =	strace $0x90000049  }
0xb1: {  	s29 =	simm.s32 $0x9;
	_ =	strace $0x8000004B  }
0xb2: {  	_ =	swait.ge [sflag:s29], $0x1  }
0xb3: {  	[sflag:s29] =	ssyncadd.s32 $0xFFFFFFFF  }
0xb4: {  	_ =	strace $0x9000004B  }
0xb5: {  	_ =	sfence  }
0xb6: {  	s30 =	sld [smem:$0x0];
	_ =	sdelay $0x2  }
0xb7: {  	s31 =	sshll.u32 s1, $0xD;
	s1 =	sshrl.u32 s1, $0x2  }
0xb8: {  	s3 =	sand.u32 $0x4000, s31;
	s1 =	sadd.s32 s1, s30  }
0xb9: {  	s0 =	sor.u32 s3, s0;
	s1 =	sshll.u32 s1, $0x11  }
0xba: {  	s0 =	sor.u32 s1, s0  }
0xbb: {  	s0 =	sadd.s32 $0x8F2B, s0  }
0xbc: {  	[sflag:s0] =	ssyncadd.remote.s32 $0x1  }
0xbd: {  	_ =	sfence.sel $0xFFFF  }
0xbe: {  	[dreg:$0x0] =	wrdreg $0xFFFFFFFF;
	(pc) =	sbr.abs _section_cstart, $3  }
0xbf: {  	[dreg:$0x1] =	wrdreg $0xFFFFFFFF  }
0xc0: {  	_ =	task.clear_ibuf [dreg:s6], $0x2FFFF;
	_ =	strace $0x9FFFFFFF  }
0xc1: {  	(tm) =	ssettm $0x7FFFFFFF  }
tec
execute0_lowered:
.L_overlay_start_1:
0x0: {  	(tag) =	ssettag $0x1  }
0x1: {  	s0 =	rddreg [dreg:$0x0]  }
0x2: {  	s2 =	simm.s32 $0x0;
	s1 =	srdreg.scid;
	s3 =	stileid.u32  }
0x3: {  	s19 =	simm.s32 $0x5;
	s20 =	simm.s32 $0x80;
	s28 =	simm.s32 $0xAA00  }
0x4: {  	s29 =	simm.s32 $0x1;
	s30 =	simm.s32 $0x2;
	s31 =	simm.s32 $0x3  }
0x5: {  	[smem:$0x7FF] =	sst s2;
	s1 =	sand.u32 $0x1, s1;
	s5 =	sshll.u32 s3, $0x1  }
0x6: {  	s3 =	sadd.s32 $0x92F600, s0;
	s4 =	sadd.s32 $0x61F600, s0;
	s9 =	sor.u32 s1, s5  }
0x7: {  	s7 =	sadd.s32 $0x5B4C00, s0;
	s1 =	ssub.s32 $0x2, s1;
	s6 =	smul.u32 $0x1880, s9  }
0x8: {  	s8 =	sadd.s32 $0x4C00, s0;
	s21 =	sshrl.u32 s1, $0x1;
	s9 =	smul.u32 $0xC4000, s9  }
0x9: {  	_ =	strace $0x8000004A;
	s5 =	sadd.s32 $0x5BAE00, s0;
	s0 =	ssub.s32 s1, s21  }
0xa: {  	s21 =	simm.s32 $0x70;
	s22 =	sshrl.u32 s6, $0x3;
	s25 =	sshrl.u32 s9, $0x3  }
0xb: {  	s13 =	sadd.s32 $0xE0, s6;
	s14 =	sor.u32 $0x70, s6;
	s15 =	sadd.s32 $0x150, s6  }
0xc: {  	s18 =	smax.u32 s0, $0x1;
	s0 =	simm.s32 $0x4;
	s10 =	sadd.s32 s5, s22  }
0xd: {  	s23 =	sadd.s32 s7, s22;
	s1 =	sor.u32 $0xE, s22;
	[dreg:$0x2] =	wrdreg s10  }
0xe: {  	s22 =	simm.s32 $0x100;
	[dreg:$0x3] =	wrdreg s23;
	s24 =	sadd.s32 s5, s1  }
0xf: {  	s1 =	sadd.s32 s7, s1;
	s23 =	simm.s32 $0x3900;
	[dreg:$0x4] =	wrdreg s24  }
0x10: {  	[dreg:$0x5] =	wrdreg s1;
	s1 =	sadd.s32 s8, s25;
	s24 =	simm.s32 $0x7100  }
0x11: {  	s25 =	simm.s32 $0x7180;
	s26 =	sadd.s32 $0x17A00, s1;
	s17 =	sadd.s32 $0x18100, s1  }
0x12: {  	s1 =	simm.s32 $0x0;
	[dreg:$0x6] =	wrdreg s26;
	s26 =	simm.s32 $0x7200  }
.LBB2_1:
0x13: {  	s9 =	rddreg [dreg:$0x2]  }
0x14: {  	[tilespmem:s2], [sflag:$0x5] =	stream.linear.gather [hbm4b:s9+s2], $0x70, $0x38;
	[tilespmem:$0xE200] =	vst v63  }
0x15: {  	_ =	swait.ge [sflag:s19], $0x70  }
0x16: {  	[sflag:s19] =	ssyncset.done $0x0  }
0x17: {  	s11 =	rddreg [dreg:$0x3];
	[sflag:s19] =	ssyncadd.s32 $0xFFFFFF90  }
0x18: {  	[tilespmem:s20], [sflag:$0x5] =	stream.linear.gather [hbm4b:s11+s2], $0x70, $0x38;
	[tilespmem:$0xE200] =	vst v63  }
0x19: {  	_ =	swait.ge [sflag:s19], $0x70  }
0x1a: {  	[sflag:s19] =	ssyncset.done $0x0  }
0x1b: {  	[sflag:s19] =	ssyncadd.s32 $0xFFFFFF90  }
0x1c: {  	[tilespmem:s22], [sflag:$0x1] =	stream.indirect.gather [hbm4b:s3+s21], $0x80, s2, s21, $0xb8;
	[tilespmem:$0xE200] =	vst v63  }
0x1d: {  	_ = 	snop  }
0x1e: {  	[tilespmem:s23], [sflag:$0x1] =	stream.indirect.gather [hbm4b:s4+s21], $0x80, s20, s21, $0xb8;
	[tilespmem:$0xE200] =	vst v63  }
0x1f: {  	s12 =	rddreg [dreg:$0x4]  }
0x20: {  	[tilespmem:s24], [sflag:$0x5] =	stream.linear.gather [hbm4b:s12+s2], $0x70, $0x38;
	[tilespmem:$0xE200] =	vst v63  }
0x21: {  	_ =	swait.ge [sflag:s19], $0x70  }
0x22: {  	[sflag:s19] =	ssyncset.done $0x0  }
0x23: {  	s16 =	rddreg [dreg:$0x5];
	[sflag:s19] =	ssyncadd.s32 $0xFFFFFF90  }
0x24: {  	[tilespmem:s25], [sflag:$0x5] =	stream.linear.gather [hbm4b:s16+s2], $0x70, $0x38;
	[tilespmem:$0xE200] =	vst v63  }
0x25: {  	_ =	swait.ge [sflag:s19], $0x70  }
0x26: {  	[sflag:s19] =	ssyncset.done $0x0  }
0x27: {  	[sflag:s19] =	ssyncadd.s32 $0xFFFFFF90  }
0x28: {  	[tilespmem:s26], [sflag:$0x3] =	stream.indirect.gather [hbm4b:s3+s21], $0x80, s24, s21, $0xb8;
	[tilespmem:$0xE200] =	vst v63  }
0x29: {  	s9 =	simm.s32 $0x0  }
0x2a: {  	[tilespmem:s28], [sflag:$0x3] =	stream.indirect.gather [hbm4b:s4+s21], $0x80, s25, s21, $0xb8;
	[tilespmem:$0xE200] =	vst v63  }
.LBB2_2:
0x2b: {  	_ =	swait.ge [sflag:s29], $0x3800  }
0x2c: {  	[sflag:s29] =	ssyncset.done $0x0  }
0x2d: {  	[sflag:s29] =	ssyncadd.s32 $0xFFFFC800  }
0x2e: {  	_ =	swait.ge [sflag:s29], $0x3800  }
0x2f: {  	[sflag:s29] =	ssyncset.done $0x0  }
0x30: {  	s11 =	simm.s32 $0x0;
	[sflag:s29] =	ssyncadd.s32 $0xFFFFC800  }
0x31: {  	v6 =	vld [tilespmem:s11+$0x3900]  }
0x32: {  	v11 =	vld [tilespmem:s11+$0x3910]  }
0x33: {  	v5 =	vld [tilespmem:s11+$0x3920]  }
0x34: {  	v4 =	vld [tilespmem:s11+$0x3930]  }
0x35: {  	v3 =	vld [tilespmem:s11+$0x3940]  }
0x36: {  	v2 =	vld [tilespmem:s11+$0x3950]  }
0x37: {  	v1 =	vld [tilespmem:s11+$0x3960]  }
0x38: {  	v0 =	vld [tilespmem:s11+$0x3970]  }
0x39: {  	v12 =	vld [tilespmem:s11+$0x100]  }
0x3a: {  	v13 =	vld [tilespmem:s11+$0x110]  }
0x3b: {  	v10 =	vld [tilespmem:s11+$0x120]  }
0x3c: {  	v9 =	vld [tilespmem:s11+$0x130]  }
0x3d: {  	v8 =	vld [tilespmem:s11+$0x140]  }
0x3e: {  	v7 =	vld [tilespmem:s11+$0x150];
	v12 =	vsub.f32 v12, v6  }
0x3f: {  	s10 =	simm.s32 $0x200;
	v11 =	vsub.f32 v13, v11;
	v6 =	vld [tilespmem:s11+$0x160]  }
.LBB2_3:
0x40: {  	s12 =	sshra.s32 s10, $0x2;
	p0 =	sne.s32 s10, $0xDE00;
	[tilespmem:s11+$0x100] =	vst v12;
	v5 =	vsub.f32 v10, v5;
	v10 =	vld [tilespmem:s11+$0x170]  }
0x41: {  	v12 =	vld [tilespmem:s12+$0x3900];
	[tilespmem:s11+$0x110] =	vst v11;
	v4 =	vsub.f32 v9, v4  }
0x42: {  	v11 =	vld [tilespmem:s12+$0x3910];
	[tilespmem:s11+$0x120] =	vst v5;
	v3 =	vsub.f32 v8, v3  }
0x43: {  	v5 =	vld [tilespmem:s12+$0x3920];
	[tilespmem:s11+$0x130] =	vst v4;
	v2 =	vsub.f32 v7, v2  }
0x44: {  	v4 =	vld [tilespmem:s12+$0x3930];
	[tilespmem:s11+$0x140] =	vst v3;
	v1 =	vsub.f32 v6, v1  }
0x45: {  	v3 =	vld [tilespmem:s12+$0x3940];
	[tilespmem:s11+$0x150] =	vst v2;
	v0 =	vsub.f32 v10, v0  }
0x46: {  	v2 =	vld [tilespmem:s12+$0x3950];
	[tilespmem:s11+$0x160] =	vst v1  }
0x47: {  	v1 =	vld [tilespmem:s12+$0x3960];
	[tilespmem:s11+$0x170] =	vst v0;
	s11 =	smov.u32 s12  }
0x48: {  	v0 =	vld [tilespmem:s11+$0x3970]  }
0x49: {  	v6 =	vld [tilespmem:s11+$0x100]  }
0x4a: {  	v13 =	vld [tilespmem:s11+$0x110]  }
.Ltmp0:
0x4b: {  	v10 =	vld [tilespmem:s11+$0x120];
	(pc) =	sbr.rel @p0 .LBB2_3-.Ltmp0, $4  }
0x4c: {  	v9 =	vld [tilespmem:s11+$0x130]  }
0x4d: {  	v8 =	vld [tilespmem:s11+$0x140]  }
0x4e: {  	v12 =	vsub.f32 v6, v12;
	v7 =	vld [tilespmem:s11+$0x150]  }
0x4f: {  	s10 =	sadd.s32 $0x200, s10;
	v11 =	vsub.f32 v13, v11;
	v6 =	vld [tilespmem:s11+$0x160]  }
0x50: {  	[tilespmem:s11+$0x100] =	vst v12;
	v5 =	vsub.f32 v10, v5;
	v10 =	vld [tilespmem:s11+$0x170]  }
0x51: {  	[tilespmem:s11+$0x110] =	vst v11;
	v4 =	vsub.f32 v9, v4  }
0x52: {  	[tilespmem:s11+$0x120] =	vst v5;
	v3 =	vsub.f32 v8, v3  }
0x53: {  	s10 =	smul.u32 $0xE0, s9;
	[tilespmem:s11+$0x130] =	vst v4;
	v2 =	vsub.f32 v7, v2  }
0x54: {  	[tilespmem:s11+$0x140] =	vst v3;
	v1 =	vsub.f32 v6, v1  }
0x55: {  	s12 =	sadd.s32 s6, s10;
	[tilespmem:s11+$0x150] =	vst v2;
	v0 =	vsub.f32 v10, v0  }
0x56: {  	s12 =	sshll.u32 s12, $0x4;
	[tilespmem:s11+$0x160] =	vst v1  }
0x57: {  	s16 =	sadd.s32 s8, s12;
	s12 =	simm.s32 $0x0;
	[tilespmem:s11+$0x170] =	vst v0  }
0x58: {  	[hbm4b:s16+s12] =	stream.linear.scatter [tilespmem:s22], [sflag:$0x2], $0x3800, $0x38;
	[tilespmem:$0xE200] =	vst v63  }
0x59: {  	s16 =	sadd.s32 s10, s13;
	_ =	swait.ge [sflag:s30], $0x3800  }
0x5a: {  	s11 =	sshrl.u32 s16, $0x3;
	[sflag:s30] =	ssyncset.done $0x0  }
0x5b: {  	s16 =	sadd.s32 s5, s11;
	[sflag:s30] =	ssyncadd.s32 $0xFFFFC800  }
0x5c: {  	[tilespmem:s12], [sflag:$0x5] =	stream.linear.gather [hbm4b:s16+s12], $0x70, $0x38;
	[tilespmem:$0xE200] =	vst v63  }
0x5d: {  	_ =	swait.ge [sflag:s19], $0x70  }
0x5e: {  	[sflag:s19] =	ssyncset.done $0x0  }
0x5f: {  	s11 =	sadd.s32 s7, s11;
	[sflag:s19] =	ssyncadd.s32 $0xFFFFFF90  }
0x60: {  	[tilespmem:s20], [sflag:$0x5] =	stream.linear.gather [hbm4b:s11+s12], $0x70, $0x38;
	[tilespmem:$0xE200] =	vst v63  }
0x61: {  	_ =	swait.ge [sflag:s19], $0x70  }
0x62: {  	[sflag:s19] =	ssyncset.done $0x0  }
0x63: {  	[sflag:s19] =	ssyncadd.s32 $0xFFFFFF90  }
0x64: {  	[tilespmem:s22], [sflag:$0x1] =	stream.indirect.gather [hbm4b:s3+s21], $0x80, s12, s21, $0xb8;
	[tilespmem:$0xE200] =	vst v63  }
0x65: {  	_ = 	snop  }
0x66: {  	[tilespmem:s23], [sflag:$0x1] =	stream.indirect.gather [hbm4b:s4+s21], $0x80, s20, s21, $0xb8;
	[tilespmem:$0xE200] =	vst v63  }
0x67: {  	_ =	swait.ge [sflag:s31], $0x3800  }
0x68: {  	[sflag:s31] =	ssyncset.done $0x0  }
0x69: {  	[sflag:s31] =	ssyncadd.s32 $0xFFFFC800  }
0x6a: {  	_ =	swait.ge [sflag:s31], $0x3800  }
0x6b: {  	[sflag:s31] =	ssyncset.done $0x0  }
0x6c: {  	s11 =	simm.s32 $0x0;
	[sflag:s31] =	ssyncadd.s32 $0xFFFFC800  }
0x6d: {  	v7 =	vld [tilespmem:s11+$0xAA00]  }
0x6e: {  	v11 =	vld [tilespmem:s11+$0xAA10]  }
0x6f: {  	v5 =	vld [tilespmem:s11+$0xAA20]  }
0x70: {  	v4 =	vld [tilespmem:s11+$0xAA30]  }
0x71: {  	v3 =	vld [tilespmem:s11+$0xAA40]  }
0x72: {  	v2 =	vld [tilespmem:s11+$0xAA50]  }
0x73: {  	v1 =	vld [tilespmem:s11+$0xAA60]  }
0x74: {  	v0 =	vld [tilespmem:s11+$0xAA70]  }
0x75: {  	v12 =	vld [tilespmem:s11+$0x7200]  }
0x76: {  	v13 =	vld [tilespmem:s11+$0x7210]  }
0x77: {  	v10 =	vld [tilespmem:s11+$0x7220]  }
0x78: {  	v9 =	vld [tilespmem:s11+$0x7230]  }
0x79: {  	v8 =	vld [tilespmem:s11+$0x7240]  }
0x7a: {  	v6 =	vld [tilespmem:s11+$0x7250];
	v12 =	vsub.f32 v12, v7  }
0x7b: {  	s12 =	simm.s32 $0x200;
	v11 =	vsub.f32 v13, v11;
	v7 =	vld [tilespmem:s11+$0x7260]  }
.LBB2_5:
0x7c: {  	s16 =	sshra.s32 s12, $0x2;
	p0 =	sne.s32 s12, $0xDE00;
	[tilespmem:s11+$0x7200] =	vst v12;
	v5 =	vsub.f32 v10, v5;
	v10 =	vld [tilespmem:s11+$0x7270]  }
0x7d: {  	v12 =	vld [tilespmem:s16+$0xAA00];
	[tilespmem:s11+$0x7210] =	vst v11;
	v4 =	vsub.f32 v9, v4  }
0x7e: {  	v11 =	vld [tilespmem:s16+$0xAA10];
	[tilespmem:s11+$0x7220] =	vst v5;
	v3 =	vsub.f32 v8, v3  }
0x7f: {  	v5 =	vld [tilespmem:s16+$0xAA20];
	[tilespmem:s11+$0x7230] =	vst v4;
	v2 =	vsub.f32 v6, v2  }
0x80: {  	v4 =	vld [tilespmem:s16+$0xAA30];
	[tilespmem:s11+$0x7240] =	vst v3;
	v1 =	vsub.f32 v7, v1  }
0x81: {  	v3 =	vld [tilespmem:s16+$0xAA40];
	[tilespmem:s11+$0x7250] =	vst v2;
	v0 =	vsub.f32 v10, v0  }
0x82: {  	v2 =	vld [tilespmem:s16+$0xAA50];
	[tilespmem:s11+$0x7260] =	vst v1  }
0x83: {  	v1 =	vld [tilespmem:s16+$0xAA60];
	[tilespmem:s11+$0x7270] =	vst v0;
	s11 =	smov.u32 s16  }
0x84: {  	v0 =	vld [tilespmem:s11+$0xAA70]  }
0x85: {  	v6 =	vld [tilespmem:s11+$0x7200]  }
0x86: {  	v7 =	vld [tilespmem:s11+$0x7210]  }
.Ltmp1:
0x87: {  	v10 =	vld [tilespmem:s11+$0x7220];
	(pc) =	sbr.rel @p0 .LBB2_5-.Ltmp1, $4  }
0x88: {  	v9 =	vld [tilespmem:s11+$0x7230]  }
0x89: {  	v8 =	vld [tilespmem:s11+$0x7240]  }
0x8a: {  	v12 =	vsub.f32 v6, v12;
	v6 =	vld [tilespmem:s11+$0x7250]  }
0x8b: {  	s12 =	sadd.s32 $0x200, s12;
	v11 =	vsub.f32 v7, v11;
	v7 =	vld [tilespmem:s11+$0x7260]  }
0x8c: {  	[tilespmem:s11+$0x7200] =	vst v12;
	v5 =	vsub.f32 v10, v5;
	v63 =	vld [tilespmem:s11+$0x7270]  }
0x8d: {  	[tilespmem:s11+$0x7210] =	vst v11;
	v4 =	vsub.f32 v9, v4  }
0x8e: {  	[tilespmem:s11+$0x7220] =	vst v5;
	v3 =	vsub.f32 v8, v3  }
0x8f: {  	[tilespmem:s11+$0x7230] =	vst v4;
	v2 =	vsub.f32 v6, v2  }
0x90: {  	[tilespmem:s11+$0x7240] =	vst v3;
	v1 =	vsub.f32 v7, v1  }
0x91: {  	s12 =	sadd.s32 s10, s14;
	[tilespmem:s11+$0x7250] =	vst v2;
	v0 =	vsub.f32 v63, v0  }
0x92: {  	s12 =	sshll.u32 s12, $0x4;
	[tilespmem:s11+$0x7260] =	vst v1  }
0x93: {  	s16 =	sadd.s32 s8, s12;
	[tilespmem:s11+$0x7270] =	vst v0  }
0x94: {  	[hbm4b:s16+s2] =	stream.linear.scatter [tilespmem:s26], [sflag:$0x4], $0x3800, $0x38;
	[tilespmem:$0xE200] =	vst v63  }
0x95: {  	s12 =	sadd.s32 s10, s15;
	_ =	swait.ge [sflag:s0], $0x3800  }
0x96: {  	s10 =	sshrl.u32 s12, $0x3;
	[sflag:s0] =	ssyncset.done $0x0  }
0x97: {  	s16 =	sadd.s32 s5, s10;
	[sflag:s0] =	ssyncadd.s32 $0xFFFFC800  }
0x98: {  	[tilespmem:s24], [sflag:$0x5] =	stream.linear.gather [hbm4b:s16+s2], $0x70, $0x38;
	[tilespmem:$0xE200] =	vst v63  }
0x99: {  	_ =	swait.ge [sflag:s19], $0x70  }
0x9a: {  	[sflag:s19] =	ssyncset.done $0x0  }
0x9b: {  	s9 =	sadd.s32 $0x1, s9;
	s10 =	sadd.s32 s7, s10;
	[sflag:s19] =	ssyncadd.s32 $0xFFFFFF90  }
0x9c: {  	[tilespmem:s25], [sflag:$0x5] =	stream.linear.gather [hbm4b:s10+s2], $0x70, $0x38;
	[tilespmem:$0xE200] =	vst v63  }
0x9d: {  	p0 =	sne.s32 s9, $0x1B;
	_ =	swait.ge [sflag:s19], $0x70  }
.Ltmp2:
0x9e: {  	[sflag:s19] =	ssyncset.done $0x0;
	(pc) =	sbr.rel @p0 .LBB2_2-.Ltmp2, $4  }
0x9f: {  	[sflag:s19] =	ssyncadd.s32 $0xFFFFFF90  }
0xa0: {  	[tilespmem:s26], [sflag:$0x3] =	stream.indirect.gather [hbm4b:s3+s21], $0x80, s24, s21, $0xb8;
	[tilespmem:$0xE200] =	vst v63  }
0xa1: {  	_ = 	snop  }
0xa2: {  	[tilespmem:s28], [sflag:$0x3] =	stream.indirect.gather [hbm4b:s4+s21], $0x80, s25, s21, $0xb8;
	[tilespmem:$0xE200] =	vst v63  }
0xa3: {  	_ =	swait.ge [sflag:s29], $0x3800  }
0xa4: {  	[sflag:s29] =	ssyncset.done $0x0  }
0xa5: {  	[sflag:s29] =	ssyncadd.s32 $0xFFFFC800  }
0xa6: {  	_ =	swait.ge [sflag:s29], $0x3800  }
0xa7: {  	[sflag:s29] =	ssyncset.done $0x0  }
0xa8: {  	s9 =	simm.s32 $0x0;
	[sflag:s29] =	ssyncadd.s32 $0xFFFFC800  }
0xa9: {  	v7 =	vld [tilespmem:s9+$0x3900]  }
0xaa: {  	v11 =	vld [tilespmem:s9+$0x3910]  }
0xab: {  	v5 =	vld [tilespmem:s9+$0x3920]  }
0xac: {  	v4 =	vld [tilespmem:s9+$0x3930]  }
0xad: {  	v3 =	vld [tilespmem:s9+$0x3940]  }
0xae: {  	v2 =	vld [tilespmem:s9+$0x3950]  }
0xaf: {  	v1 =	vld [tilespmem:s9+$0x3960]  }
0xb0: {  	v0 =	vld [tilespmem:s9+$0x3970]  }
0xb1: {  	v12 =	vld [tilespmem:s9+$0x100]  }
0xb2: {  	v13 =	vld [tilespmem:s9+$0x110]  }
0xb3: {  	v10 =	vld [tilespmem:s9+$0x120]  }
0xb4: {  	v9 =	vld [tilespmem:s9+$0x130]  }
0xb5: {  	v8 =	vld [tilespmem:s9+$0x140]  }
0xb6: {  	v6 =	vld [tilespmem:s9+$0x150];
	v12 =	vsub.f32 v12, v7  }
0xb7: {  	s10 =	simm.s32 $0x200;
	v11 =	vsub.f32 v13, v11;
	v7 =	vld [tilespmem:s9+$0x160]  }
.LBB2_8:
0xb8: {  	s11 =	sshra.s32 s10, $0x2;
	p0 =	sne.s32 s10, $0xDE00;
	[tilespmem:s9+$0x100] =	vst v12;
	v5 =	vsub.f32 v10, v5;
	v10 =	vld [tilespmem:s9+$0x170]  }
0xb9: {  	v12 =	vld [tilespmem:s11+$0x3900];
	[tilespmem:s9+$0x110] =	vst v11;
	v4 =	vsub.f32 v9, v4  }
0xba: {  	v11 =	vld [tilespmem:s11+$0x3910];
	[tilespmem:s9+$0x120] =	vst v5;
	v3 =	vsub.f32 v8, v3  }
0xbb: {  	v5 =	vld [tilespmem:s11+$0x3920];
	[tilespmem:s9+$0x130] =	vst v4;
	v2 =	vsub.f32 v6, v2  }
0xbc: {  	v4 =	vld [tilespmem:s11+$0x3930];
	[tilespmem:s9+$0x140] =	vst v3;
	v1 =	vsub.f32 v7, v1  }
0xbd: {  	v3 =	vld [tilespmem:s11+$0x3940];
	[tilespmem:s9+$0x150] =	vst v2;
	v0 =	vsub.f32 v10, v0  }
0xbe: {  	v2 =	vld [tilespmem:s11+$0x3950];
	[tilespmem:s9+$0x160] =	vst v1  }
0xbf: {  	v1 =	vld [tilespmem:s11+$0x3960];
	[tilespmem:s9+$0x170] =	vst v0;
	s9 =	smov.u32 s11  }
0xc0: {  	v0 =	vld [tilespmem:s9+$0x3970]  }
0xc1: {  	v6 =	vld [tilespmem:s9+$0x100]  }
0xc2: {  	v7 =	vld [tilespmem:s9+$0x110]  }
.Ltmp3:
0xc3: {  	v10 =	vld [tilespmem:s9+$0x120];
	(pc) =	sbr.rel @p0 .LBB2_8-.Ltmp3, $4  }
0xc4: {  	v9 =	vld [tilespmem:s9+$0x130]  }
0xc5: {  	v8 =	vld [tilespmem:s9+$0x140]  }
0xc6: {  	v12 =	vsub.f32 v6, v12;
	v6 =	vld [tilespmem:s9+$0x150]  }
0xc7: {  	s10 =	sadd.s32 $0x200, s10;
	v11 =	vsub.f32 v7, v11;
	v7 =	vld [tilespmem:s9+$0x160]  }
0xc8: {  	[tilespmem:s9+$0x100] =	vst v12;
	v5 =	vsub.f32 v10, v5;
	v10 =	vld [tilespmem:s9+$0x170]  }
0xc9: {  	[tilespmem:s9+$0x110] =	vst v11;
	v4 =	vsub.f32 v9, v4  }
0xca: {  	[tilespmem:s9+$0x120] =	vst v5;
	v3 =	vsub.f32 v8, v3  }
0xcb: {  	[tilespmem:s9+$0x130] =	vst v4;
	v2 =	vsub.f32 v6, v2  }
0xcc: {  	[tilespmem:s9+$0x140] =	vst v3;
	v1 =	vsub.f32 v7, v1  }
0xcd: {  	[tilespmem:s9+$0x150] =	vst v2;
	v0 =	vsub.f32 v10, v0  }
0xce: {  	[tilespmem:s9+$0x160] =	vst v1  }
0xcf: {  	s16 =	simm.s32 $0x0;
	s10 =	rddreg [dreg:$0x6];
	[tilespmem:s9+$0x170] =	vst v0  }
0xd0: {  	[hbm4b:s10+s16] =	stream.linear.scatter [tilespmem:s22], [sflag:$0x2], $0x3800, $0x38;
	[tilespmem:$0xE200] =	vst v63  }
0xd1: {  	_ =	swait.ge [sflag:s30], $0x3800  }
0xd2: {  	[sflag:s30] =	ssyncset.done $0x0  }
0xd3: {  	[sflag:s30] =	ssyncadd.s32 $0xFFFFC800  }
0xd4: {  	_ =	swait.ge [sflag:s31], $0x3800  }
0xd5: {  	[sflag:s31] =	ssyncset.done $0x0  }
0xd6: {  	[sflag:s31] =	ssyncadd.s32 $0xFFFFC800  }
0xd7: {  	_ =	swait.ge [sflag:s31], $0x3800  }
0xd8: {  	[sflag:s31] =	ssyncset.done $0x0  }
0xd9: {  	s9 =	simm.s32 $0x0;
	[sflag:s31] =	ssyncadd.s32 $0xFFFFC800  }
0xda: {  	v7 =	vld [tilespmem:s9+$0xAA00]  }
0xdb: {  	v11 =	vld [tilespmem:s9+$0xAA10]  }
0xdc: {  	v5 =	vld [tilespmem:s9+$0xAA20]  }
0xdd: {  	v4 =	vld [tilespmem:s9+$0xAA30]  }
0xde: {  	v3 =	vld [tilespmem:s9+$0xAA40]  }
0xdf: {  	v2 =	vld [tilespmem:s9+$0xAA50]  }
0xe0: {  	v1 =	vld [tilespmem:s9+$0xAA60]  }
0xe1: {  	v0 =	vld [tilespmem:s9+$0xAA70]  }
0xe2: {  	v12 =	vld [tilespmem:s9+$0x7200]  }
0xe3: {  	v13 =	vld [tilespmem:s9+$0x7210]  }
0xe4: {  	v10 =	vld [tilespmem:s9+$0x7220]  }
0xe5: {  	v9 =	vld [tilespmem:s9+$0x7230]  }
0xe6: {  	v8 =	vld [tilespmem:s9+$0x7240]  }
0xe7: {  	v6 =	vld [tilespmem:s9+$0x7250];
	v12 =	vsub.f32 v12, v7  }
0xe8: {  	s10 =	simm.s32 $0x200;
	v11 =	vsub.f32 v13, v11;
	v7 =	vld [tilespmem:s9+$0x7260]  }
.LBB2_10:
0xe9: {  	s11 =	sshra.s32 s10, $0x2;
	p0 =	sne.s32 s10, $0xDE00;
	[tilespmem:s9+$0x7200] =	vst v12;
	v5 =	vsub.f32 v10, v5;
	v10 =	vld [tilespmem:s9+$0x7270]  }
0xea: {  	v12 =	vld [tilespmem:s11+$0xAA00];
	[tilespmem:s9+$0x7210] =	vst v11;
	v4 =	vsub.f32 v9, v4  }
0xeb: {  	v11 =	vld [tilespmem:s11+$0xAA10];
	[tilespmem:s9+$0x7220] =	vst v5;
	v3 =	vsub.f32 v8, v3  }
0xec: {  	v5 =	vld [tilespmem:s11+$0xAA20];
	[tilespmem:s9+$0x7230] =	vst v4;
	v2 =	vsub.f32 v6, v2  }
0xed: {  	v4 =	vld [tilespmem:s11+$0xAA30];
	[tilespmem:s9+$0x7240] =	vst v3;
	v1 =	vsub.f32 v7, v1  }
0xee: {  	v3 =	vld [tilespmem:s11+$0xAA40];
	[tilespmem:s9+$0x7250] =	vst v2;
	v0 =	vsub.f32 v10, v0  }
0xef: {  	v2 =	vld [tilespmem:s11+$0xAA50];
	[tilespmem:s9+$0x7260] =	vst v1  }
0xf0: {  	v1 =	vld [tilespmem:s11+$0xAA60];
	[tilespmem:s9+$0x7270] =	vst v0;
	s9 =	smov.u32 s11  }
0xf1: {  	v0 =	vld [tilespmem:s9+$0xAA70]  }
0xf2: {  	v6 =	vld [tilespmem:s9+$0x7200]  }
0xf3: {  	v7 =	vld [tilespmem:s9+$0x7210]  }
.Ltmp4:
0xf4: {  	v10 =	vld [tilespmem:s9+$0x7220];
	(pc) =	sbr.rel @p0 .LBB2_10-.Ltmp4, $4  }
0xf5: {  	v9 =	vld [tilespmem:s9+$0x7230]  }
0xf6: {  	v8 =	vld [tilespmem:s9+$0x7240]  }
0xf7: {  	v12 =	vsub.f32 v6, v12;
	v6 =	vld [tilespmem:s9+$0x7250]  }
0xf8: {  	s10 =	sadd.s32 $0x200, s10;
	v11 =	vsub.f32 v7, v11;
	v7 =	vld [tilespmem:s9+$0x7260]  }
0xf9: {  	[tilespmem:s9+$0x7200] =	vst v12;
	v5 =	vsub.f32 v10, v5;
	v63 =	vld [tilespmem:s9+$0x7270]  }
0xfa: {  	[tilespmem:s9+$0x7210] =	vst v11;
	v4 =	vsub.f32 v9, v4  }
0xfb: {  	[tilespmem:s9+$0x7220] =	vst v5;
	v3 =	vsub.f32 v8, v3  }
0xfc: {  	[tilespmem:s9+$0x7230] =	vst v4;
	v2 =	vsub.f32 v6, v2  }
0xfd: {  	[tilespmem:s9+$0x7240] =	vst v3;
	v1 =	vsub.f32 v7, v1  }
0xfe: {  	s1 =	sadd.s32 $0x1, s1;
	[tilespmem:s9+$0x7250] =	vst v2;
	v0 =	vsub.f32 v63, v0  }
0xff: {  	p0 =	sne.s32 s1, s18;
	[tilespmem:s9+$0x7260] =	vst v1  }
.Ltmp5:
0x100: {  	[tilespmem:s9+$0x7270] =	vst v0;
	(pc) =	sbr.rel @p0 .LBB2_1-.Ltmp5, $4  }
0x101: {  	[hbm4b:s17+s2] =	stream.linear.scatter [tilespmem:s26], [sflag:$0x4], $0x3800, $0x38;
	[tilespmem:$0xE200] =	vst v63  }
0x102: {  	_ =	swait.ge [sflag:s0], $0x3800  }
0x103: {  	[sflag:s0] =	ssyncset.done $0x0  }
0x104: {  	[sflag:s0] =	ssyncadd.s32 $0xFFFFC800  }
0x105: {  	_ =	sfence.sel $0x180000  }
0x106: {  	[bflag:$0x0] =	sbarrier.arrive $0xFFFF  }
0x107: {  	_ =	strace $0x9000004A  }
0x108: {  	s0 =	stileid.u32;
	[bflag:$0x2] =	sbarrier.arrive $0xFFFF  }
0x109: {  	p0 =	sne.s32 s0, $0x0;
	s0 =	rddreg [dreg:$0x1]  }
0x10a: {  	s0 =	sadd.s32 @!p0 $0x100000, s0  }
0x10b: {  	[sflag:s0] =	ssyncadd.tile.s32 @!p0 $0x1;
	_ =	shalt  }
.Lfunc_end2:
_tile_overlayer_lowered:
.L_overlay_start_2:
0x10c: {  	(tag) =	ssettag $0x2  }
0x10d: {  	s0 =	rddreg [dreg:$0x0];
	s2 =	stileid.u32  }
0x10e: {  	s1 =	rddreg [dreg:$0x1];
	p0 =	sne.s32 s2, $0x0  }
0x10f: {  	s3 =	rddreg [dreg:$0x2];
	[bflag:$0x3] =	sbarrier.arrive $0xFFFF;
	s2 =	simm.s32 @!p0 $0x1C05  }
0x110: {  	[timem:s3], [sflag:s2] =	dma.local @!p0 [hbm:s0], s1  }
0x111: {  	s0 =	simm.s32 @!p0 $0x5  }
0x112: {  	_ =	swait.ge @!p0 [sflag:s0], s1  }
0x113: {  	s1 =	ssub.s32 @!p0 $0x0, s1;
	[sflag:s0] =	ssyncset.done @!p0 $0x0  }
0x114: {  	[sflag:s0] =	ssyncadd.s32 @!p0 s1  }
0x115: {  	[bflag:$0x3] =	sbarrier.arrive $0xFFFF  }
0x116: {  	_ =	shalt  }

// kernel: kernel.24.cloned.1.call-start
scs
__scs_entry_jumppad:
0x0: {  	(pc) =	sbr.rel $0x88, $3  }
0x1: {  	(tag) =	ssettag $0x0;
	lr =	simm.s32 $0x1  }
0x2: {  	[smem:$0x3F8C] =	sst lr;
	_ =	strace $0xD0000000  }
0x3: {  	_ = 	snop  }
0x4: {  	_ = 	snop  }
0x5: {  	_ = 	snop  }
0x6: {  	_ = 	snop  }
0x7: {  	_ = 	snop  }
__scs_overlays_trampoline_lowered:
0x8: {  	[smem:$0x3F9B] =	sst s0  }
0x9: {  	[smem:$0x3F9C] =	sst s1  }
0xa: {  	[smem:$0x3F9D] =	sst s2  }
0xb: {  	[smem:$0x3F9E] =	sst s3  }
0xc: {  	[smem:$0x3F9F] =	sst s4  }
0xd: {  	[smem:$0x3FA0] =	sst s5  }
0xe: {  	[smem:$0x3FA1] =	sst s6  }
0xf: {  	[smem:$0x3FA2] =	sst s7  }
0x10: {  	[smem:$0x3FA3] =	sst s8  }
0x11: {  	[smem:$0x3FA4] =	sst s9;
	s0 =	simm.s32 @!p0 $0x0  }
0x12: {  	s1 =	sld [smem:$0x3F8A];
	s0 =	simm.s32 @p0 $0x1  }
0x13: {  	[smem:$0x3FA5] =	sst s0;
	s0 =	simm.s32 @!p1 $0x0  }
0x14: {  	s2 =	sld [smem:$0x3F89];
	s0 =	simm.s32 @p1 $0x1  }
0x15: {  	[smem:$0x3FA6] =	sst s0;
	s0 =	simm.s32 @!p2 $0x0  }
0x16: {  	s3 =	sld [smem:$0x3FDB];
	s0 =	simm.s32 @p2 $0x1  }
0x17: {  	s4 =	simm.s32 $0x1BF5;
	[smem:$0x3FA8] =	sst s0  }
0x18: {  	s0 =	sld [smem:$0x3F8B];
	_ =	swait.ge [sflag:s4], $0x0  }
0x19: {  	s7 =	sld [smem:$0x3F8C]  }
0x1a: {  	s8 =	sadd.s32 $0xFFFFE003, lr  }
0x1b: {  	s9 =	sadd.s32 $0xFFFFFEF7, lr;
	s5 =	simm.s32 $0xFFFFFFFF;
	p2 =	slt.u32 s8, $0xFFFFF086  }
0x1c: {  	p1 =	slt.u32 s9, $0xF7A;
	s5 =	simm.s32 @!p2 $0x0  }
0x1d: {  	s5 =	simm.s32 @p1 $0x1;
	p0 =	seq.s32 s7, s2  }
0x1e: {  	s7 =	smul.u32 @!p0 $0xF7A, s2;
	p2 =	seq.s32 @!p0 s5, $0x0  }
0x1f: {  	s9 =	smul.u32 $0xF7A, s1;
	s8 =	simm.s32 @!p0 $0x1BF5;
	p2 =	por !p2, p0  }
0x20: {  	[sflag:s8] =	ssyncset.s32 @!p0 $0xFFFFF086;
	s6 =	sadd.s32 @!p0 s3, s7;
	s7 =	simm.s32 @!p0 $0x108  }
0x21: {  	s3 =	sadd.s32 s3, s9;
	s6 =	sadd.s32 @!p0 $0x88, s6;
	s7 =	simm.s32 @p2 $0x1082  }
0x22: {  	[simem:s7], [sflag:s8] =	dma.local @!p0 [hbm:s6], $0xF7A  }
0x23: {  	s9 =	sor.u32 $0xD0000000, s2;
	s6 =	simm.s32 $0x108;
	_ =	swait.ge @!p0 [sflag:s8], $0x0  }
0x24: {  	s3 =	sadd.s32 $0x88, s3;
	s6 =	simm.s32 @!p1 $0x1082;
	[sflag:s4] =	ssyncset.s32 $0xFFFFF086  }
0x25: {  	[simem:s6], [sflag:s4] =	dma.local [hbm:s3], $0xF7A  }
0x26: {  	[smem:$0x3F8C] =	sst s1;
	(tag) =	ssettag s2;
	_ =	strace s9  }
0x27: {  	s1 =	sld [smem:$0x3F9C]  }
0x28: {  	s2 =	sld [smem:$0x3F9D]  }
0x29: {  	s4 =	sld [smem:$0x3F9F]  }
0x2a: {  	p0 =	seq.s32 s5, $0x0;
	s5 =	sld [smem:$0x3FA0]  }
0x2b: {  	s6 =	sld [smem:$0x3FA1]  }
0x2c: {  	s7 =	sld [smem:$0x3FA2]  }
0x2d: {  	s3 =	simm.s32 $0x108;
	s8 =	sld [smem:$0x3FA3]  }
0x2e: {  	s3 =	simm.s32 @!p0 $0x1082;
	s9 =	sld [smem:$0x3FA4]  }
0x2f: {  	lr =	sadd.s32 s0, s3;
	s0 =	sld [smem:$0x3F9B]  }
0x30: {  	s3 =	sld [smem:$0x3F9E]  }
0x31: {  	[smem:$0x3FA7] =	sst s10  }
0x32: {  	s10 =	sld [smem:$0x3FA5];
	_ =	sdelay $0x3  }
0x33: {  	p0 =	seq.s32 s10, $0x1;
	s10 =	sld [smem:$0x3FA7];
	_ =	sdelay $0x3  }
0x34: {  	[smem:$0x3FA7] =	sst s10  }
0x35: {  	s10 =	sld [smem:$0x3FA6];
	_ =	sdelay $0x3  }
0x36: {  	p1 =	seq.s32 s10, $0x1;
	s10 =	sld [smem:$0x3FA7];
	_ =	sdelay $0x3  }
0x37: {  	[smem:$0x3FA7] =	sst s10  }
0x38: {  	s10 =	sld [smem:$0x3FA8]  }
0x39: {  	_ = 	snop;
	(pc) =	sbr.ind lr, $3  }
0x3a: {  	_ = 	snop  }
0x3b: {  	_ = 	snop  }
0x3c: {  	p2 =	seq.s32 s10, $0x1;
	s10 =	sld [smem:$0x3FA7]  }
0x3d: {  	_ =	shalt  }
0x3e: {  	_ =	shalt  }
0x3f: {  	_ =	shalt  }
0x40: {  	_ =	shalt  }
0x41: {  	_ =	shalt  }
0x42: {  	_ =	shalt  }
0x43: {  	_ =	shalt  }
0x44: {  	_ =	shalt  }
0x45: {  	_ =	shalt  }
0x46: {  	_ =	shalt  }
0x47: {  	_ =	shalt  }
0x48: {  	_ =	shalt  }
0x49: {  	_ =	shalt  }
0x4a: {  	_ =	shalt  }
0x4b: {  	_ =	shalt  }
0x4c: {  	_ =	shalt  }
0x4d: {  	_ =	shalt  }
0x4e: {  	_ =	shalt  }
0x4f: {  	_ =	shalt  }
0x50: {  	_ =	shalt  }
0x51: {  	_ =	shalt  }
0x52: {  	_ =	shalt  }
0x53: {  	_ =	shalt  }
0x54: {  	_ =	shalt  }
0x55: {  	_ =	shalt  }
0x56: {  	_ =	shalt  }
0x57: {  	_ =	shalt  }
0x58: {  	_ =	shalt  }
0x59: {  	_ =	shalt  }
0x5a: {  	_ =	shalt  }
0x5b: {  	_ =	shalt  }
0x5c: {  	_ =	shalt  }
0x5d: {  	_ =	shalt  }
0x5e: {  	_ =	shalt  }
0x5f: {  	_ =	shalt  }
0x60: {  	_ =	shalt  }
0x61: {  	_ =	shalt  }
0x62: {  	_ =	shalt  }
0x63: {  	_ =	shalt  }
0x64: {  	_ =	shalt  }
0x65: {  	_ =	shalt  }
0x66: {  	_ =	shalt  }
0x67: {  	_ =	shalt  }
0x68: {  	_ =	shalt  }
0x69: {  	_ =	shalt  }
0x6a: {  	_ =	shalt  }
0x6b: {  	_ =	shalt  }
0x6c: {  	_ =	shalt  }
0x6d: {  	_ =	shalt  }
0x6e: {  	_ =	shalt  }
0x6f: {  	_ =	shalt  }
0x70: {  	_ =	shalt  }
0x71: {  	_ =	shalt  }
0x72: {  	_ =	shalt  }
0x73: {  	_ =	shalt  }
0x74: {  	_ =	shalt  }
0x75: {  	_ =	shalt  }
0x76: {  	_ =	shalt  }
0x77: {  	_ =	shalt  }
0x78: {  	_ =	shalt  }
0x79: {  	_ =	shalt  }
0x7a: {  	_ =	shalt  }
0x7b: {  	_ =	shalt  }
0x7c: {  	_ =	shalt  }
0x7d: {  	_ =	shalt  }
0x7e: {  	_ =	shalt  }
0x7f: {  	_ =	shalt  }
0x80: {  	_ =	shalt  }
0x81: {  	_ =	shalt  }
0x82: {  	_ =	shalt  }
0x83: {  	_ =	shalt  }
0x84: {  	_ =	shalt  }
0x85: {  	_ =	shalt  }
0x86: {  	_ =	shalt  }
0x87: {  	_ =	shalt  }
.Lfunc_end0:
.L_simem_size_0:
called_computation.2_lowered:
.L_overlay_start_0:
0x88: {  	s2 =	sld [smem:$0x3FD9]  }
0x89: {  	s3 =	sld [smem:$0x3FFE];
	_ =	sdelay $0x1  }
0x8a: {  	s1 =	srdreg.scid  }
0x8b: {  	s0 =	sand.u32 $0x1, s1  }
0x8c: {  	s17 =	sshll.u32 s0, $0xA;
	s2 =	sadd.s32 s3, s2  }
0x8d: {  	s2 =	sadd.s32 s2, s17  }
0x8e: {  	[smem:$0x3FB3] =	sst s2  }
0x8f: {  	_ = 	snop  }
0x90: {  	s2 =	sld [smem:$0x3FD0];
	(tm) =	ssettm $0x1  }
0x91: {  	s18 =	sld [smem:$0x3FFB];
	_ =	sdelay $0x3  }
0x92: {  	_ =	strace s18  }
0x93: {  	s3 =	sld [smem:$0x3FFC];
	_ =	sdelay $0x3  }
0x94: {  	_ =	strace s3  }
0x95: {  	s3 =	sld [smem:$0x3FFD];
	_ =	sdelay $0x3  }
0x96: {  	_ =	strace s3  }
0x97: {  	_ =	strace $0x8FFFFFFF  }
0x98: {  	s19 =	sld [smem:$0x3FDB];
	_ =	sdelay $0x1  }
0x99: {  	s4 =	simm.s32 $_scs_section_size  }
0x9a: {  	s5 =	simm.s32 $_size__tile_overlayer_lowered;
	s6 =	simm.s32 $_tile_overlayer_lowered  }
0x9b: {  	s22 =	simm.s32 $0x1BFF;
	s21 =	sshll.u32 s6, $0x1;
	s3 =	sadd.s32 s4, s19  }
0x9c: {  	s7 =	simm.s32 $0x0;
	s20 =	sshll.u32 s5, $0x1;
	s5 =	sadd.s32 s21, s3  }
0x9d: {  	[timem:s7], [sflag:s22] =	dma.local [hbm:s5], s20  }
0x9e: {  	_ =	swait.ge [sflag:s22], s20  }
0x9f: {  	s4 =	ssub.s32 $0x0, s20;
	[sflag:s22] =	ssyncset.done $0x0  }
0xa0: {  	[sflag:s22] =	ssyncadd.s32 s4;
	_ =	sdelay $0x1  }
0xa1: {  	s23 =	simm.s32 $0x1B8B  }
0xa2: {  	_ =	swait.ge [sflag:s23], $0x1  }
0xa3: {  	[sflag:s23] =	ssyncset.done $0x0  }
0xa4: {  	s25 =	simm.s32 $0x1B8E;
	s24 =	sld [smem:$0x3FFE];
	[sflag:s23] =	ssyncadd.s32 $0xFFFFFFFF  }
0xa5: {  	s26 =	simm.s32 $execute0_lowered;
	[smem:$0x3FD2] =	sst s25  }
0xa6: {  	s5 =	sshll.u32 s26, $0x1;
	_ =	strace $0x8000004C;
	[dreg:$0x1] =	wrdreg $0xFFFFFFFF  }
0xa7: {  	s28 =	simm.s32 $_size_execute0_lowered;
	s3 =	sadd.s32 s3, s5;
	[dreg:$0x0] =	wrdreg $0x0  }
0xa8: {  	s5 =	sshll.u32 s28, $0x1;
	[dreg:$0x2] =	wrdreg s3  }
0xa9: {  	[dreg:$0x3] =	wrdreg s5  }
0xaa: {  	[dreg:$0x4] =	wrdreg $0xC0  }
0xab: {  	_ =	task [dreg:s7], $0x5FFFF  }
0xac: {  	[dreg:$0x1] =	wrdreg $0xFFFFFFFF  }
0xad: {  	[dreg:$0x0] =	wrdreg $0x60  }
0xae: {  	[dreg:$0x2] =	wrdreg s24  }
0xaf: {  	[dreg:$0x3] =	wrdreg s2  }
0xb0: {  	[dreg:$0x4] =	wrdreg $0x9  }
0xb1: {  	_ =	task.clear_ibuf [dreg:s7], $0x5FFFF;
	_ =	strace $0x9000004C  }
0xb2: {  	s29 =	simm.s32 $0x9;
	_ =	strace $0x8000004E  }
0xb3: {  	_ =	swait.ge [sflag:s29], $0x1  }
0xb4: {  	[sflag:s29] =	ssyncadd.s32 $0xFFFFFFFF  }
0xb5: {  	_ =	strace $0x9000004E  }
0xb6: {  	_ =	sfence  }
0xb7: {  	s30 =	sld [smem:$0x0];
	_ =	sdelay $0x2  }
0xb8: {  	s31 =	sshll.u32 s1, $0xD;
	s1 =	sshrl.u32 s1, $0x2  }
0xb9: {  	s3 =	sand.u32 $0x4000, s31;
	s1 =	sadd.s32 s1, s30  }
0xba: {  	s0 =	sor.u32 s3, s0;
	s1 =	sshll.u32 s1, $0x11  }
0xbb: {  	s0 =	sor.u32 s1, s0  }
0xbc: {  	s0 =	sadd.s32 $0x8F2B, s0  }
0xbd: {  	[sflag:s0] =	ssyncadd.remote.s32 $0x1  }
0xbe: {  	_ =	sfence.sel $0xFFFF  }
0xbf: {  	[dreg:$0x0] =	wrdreg $0xFFFFFFFF;
	(pc) =	sbr.abs _section_cstart, $3  }
0xc0: {  	[dreg:$0x1] =	wrdreg $0xFFFFFFFF  }
0xc1: {  	_ =	task.clear_ibuf [dreg:s7], $0x2FFFF;
	_ =	strace $0x9FFFFFFF  }
0xc2: {  	(tm) =	ssettm $0x7FFFFFFF  }
0xc3: {  	_ =	shalt  }
tec
execute0_lowered:
.L_overlay_start_1:
0x0: {  	(tag) =	ssettag $0x1  }
0x1: {  	s0 =	rddreg [dreg:$0x0]  }
0x2: {  	s1 =	srdreg.scid;
	s10 =	stileid.u32  }
0x3: {  	s2 =	rddreg [dreg:$0x1];
	s3 =	simm.s32 $0x0;
	s28 =	simm.s32 $0x1  }
0x4: {  	s29 =	simm.s32 $0x2;
	s30 =	simm.s32 $0x3;
	s17 =	smul.u32 $0x4E00, s10  }
0x5: {  	s1 =	sand.u32 $0x1, s1;
	s4 =	sshll.u32 s10, $0x1;
	s23 =	smul.u32 $0x4E000, s10  }
0x6: {  	[smem:$0x7FF] =	sst s3;
	s6 =	sor.u32 s1, s4;
	s13 =	smul.u32 $0x2700, s1  }
0x7: {  	_ =	strace $0x8000004D;
	s8 =	ssub.s32 $0x2, s1;
	s1 =	smul.u32 $0x27000, s1  }
0x8: {  	s31 =	simm.s32 $0x4;
	s4 =	sadd.s32 $0x9FF600, s0;
	s7 =	smul.u32 $0x2700, s6  }
0x9: {  	s0 =	sadd.s32 $0x4C00, s0;
	s9 =	sshrl.u32 s8, $0x1;
	s6 =	smul.u32 $0x138000, s6  }
0xa: {  	s8 =	ssub.s32 s8, s9;
	s21 =	sadd.s32 s13, s17;
	s5 =	sshrl.u32 s7, $0x3  }
0xb: {  	s7 =	sadd.s32 $0x138, s7;
	s6 =	sshrl.u32 s6, $0x3;
	s13 =	smax.u32 s8, $0x1  }
0xc: {  	s22 =	sadd.s32 $0x270, s21;
	s9 =	sadd.s32 $0x2D8, s21;
	s25 =	sadd.s32 $0x208, s21  }
0xd: {  	s5 =	sadd.s32 s2, s5;
	s7 =	sshrl.u32 s7, $0x3;
	s6 =	sadd.s32 s0, s6  }
0xe: {  	s24 =	sshrl.u32 s9, $0x3;
	s0 =	sadd.s32 s23, s0;
	s26 =	sshrl.u32 s25, $0x3  }
0xf: {  	s23 =	simm.s32 $0x6900;
	s25 =	simm.s32 $0x6A00;
	s15 =	sadd.s32 $0xD, s5  }
0x10: {  	s16 =	sadd.s32 $0x1A, s5;
	s7 =	sadd.s32 s2, s7;
	[dreg:$0x4] =	wrdreg s15  }
0x11: {  	s18 =	sadd.s32 $0x25600, s6;
	s19 =	sadd.s32 $0x25C80, s6;
	[dreg:$0x5] =	wrdreg s16  }
0x12: {  	s20 =	sadd.s32 $0x26300, s6;
	s12 =	sadd.s32 $0x26980, s6;
	[dreg:$0x6] =	wrdreg s7  }
0x13: {  	s0 =	sadd.s32 s1, s0;
	s17 =	sadd.s32 s26, s2;
	[dreg:$0x7] =	wrdreg s18  }
0x14: {  	s26 =	simm.s32 $0x9E00;
	s1 =	simm.s32 $0x0;
	[dreg:$0x8] =	wrdreg s19  }
0x15: {  	[dreg:$0x9] =	wrdreg s20;
	s7 =	sshrl.u32 s22, $0x3;
	s15 =	sadd.s32 s24, s2  }
0x16: {  	[dreg:$0x3] =	wrdreg s0;
	s16 =	sadd.s32 $0x1A0, s21;
	s18 =	simm.s32 $0x5  }
0x17: {  	s19 =	simm.s32 $0x80;
	s20 =	simm.s32 $0x68;
	s21 =	simm.s32 $0x100  }
0x18: {  	s22 =	simm.s32 $0x3500;
	s24 =	simm.s32 $0x6980;
	s14 =	sadd.s32 s7, s2  }
.LBB2_1:
0x19: {  	[tilespmem:s3], [sflag:$0x5] =	stream.linear.gather [hbm4b:s5+s3], $0x68, $0x38;
	[tilespmem:$0xD200] =	vst v63  }
0x1a: {  	_ =	swait.ge [sflag:s18], $0x68  }
0x1b: {  	[sflag:s18] =	ssyncset.done $0x0  }
0x1c: {  	s0 =	rddreg [dreg:$0x4];
	[sflag:s18] =	ssyncadd.s32 $0xFFFFFF98  }
0x1d: {  	[tilespmem:s19], [sflag:$0x5] =	stream.linear.gather [hbm4b:s0+s3], $0x68, $0x38;
	[tilespmem:$0xD200] =	vst v63  }
0x1e: {  	_ =	swait.ge [sflag:s18], $0x68  }
0x1f: {  	[sflag:s18] =	ssyncset.done $0x0  }
0x20: {  	[sflag:s18] =	ssyncadd.s32 $0xFFFFFF98  }
0x21: {  	[tilespmem:s21], [sflag:$0x1] =	stream.indirect.gather [hbm4b:s4+s20], $0x80, s3, s20, $0xb8;
	[tilespmem:$0xD200] =	vst v63  }
0x22: {  	_ = 	snop  }
0x23: {  	[tilespmem:s22], [sflag:$0x1] =	stream.indirect.gather [hbm4b:s4+s20], $0x80, s19, s20, $0xb8;
	[tilespmem:$0xD200] =	vst v63  }
0x24: {  	s7 =	rddreg [dreg:$0x5]  }
0x25: {  	[tilespmem:s23], [sflag:$0x5] =	stream.linear.gather [hbm4b:s7+s3], $0x68, $0x38;
	[tilespmem:$0xD200] =	vst v63  }
0x26: {  	_ =	swait.ge [sflag:s18], $0x68  }
0x27: {  	[sflag:s18] =	ssyncset.done $0x0  }
0x28: {  	s8 =	rddreg [dreg:$0x6];
	[sflag:s18] =	ssyncadd.s32 $0xFFFFFF98  }
0x29: {  	[tilespmem:s24], [sflag:$0x5] =	stream.linear.gather [hbm4b:s8+s3], $0x68, $0x38;
	[tilespmem:$0xD200] =	vst v63  }
0x2a: {  	_ =	swait.ge [sflag:s18], $0x68  }
0x2b: {  	[sflag:s18] =	ssyncset.done $0x0  }
0x2c: {  	[sflag:s18] =	ssyncadd.s32 $0xFFFFFF98  }
0x2d: {  	[tilespmem:s25], [sflag:$0x3] =	stream.indirect.gather [hbm4b:s4+s20], $0x80, s23, s20, $0xb8;
	[tilespmem:$0xD200] =	vst v63  }
0x2e: {  	_ = 	snop  }
0x2f: {  	[tilespmem:s26], [sflag:$0x3] =	stream.indirect.gather [hbm4b:s4+s20], $0x80, s24, s20, $0xb8;
	[tilespmem:$0xD200] =	vst v63  }
0x30: {  	_ =	swait.ge [sflag:s28], $0x3400  }
0x31: {  	[sflag:s28] =	ssyncset.done $0x0  }
0x32: {  	[sflag:s28] =	ssyncadd.s32 $0xFFFFCC00  }
0x33: {  	_ =	swait.ge [sflag:s28], $0x3400  }
0x34: {  	s9 =	rddreg [dreg:$0x3];
	[sflag:s28] =	ssyncset.done $0x0  }
0x35: {  	[sflag:s28] =	ssyncadd.s32 $0xFFFFCC00;
	s0 =	sadd.s32 $0x0, s9  }
0x36: {  	[hbm4b:s0+s3] =	stream.linear.scatter [tilespmem:s21], [sflag:$0x2], $0x3400, $0x38;
	[tilespmem:$0xD200] =	vst v63  }
0x37: {  	s6 =	sadd.s32 $0x680, s0  }
0x38: {  	[hbm4b:s6+s3] =	stream.linear.scatter [tilespmem:s22], [sflag:$0x2], $0x3400, $0x38;
	[tilespmem:$0xD200] =	vst v63  }
0x39: {  	_ =	swait.ge [sflag:s29], $0x3400  }
0x3a: {  	[sflag:s29] =	ssyncset.done $0x0  }
0x3b: {  	[sflag:s29] =	ssyncadd.s32 $0xFFFFCC00  }
0x3c: {  	_ =	swait.ge [sflag:s29], $0x3400  }
0x3d: {  	s10 =	sshrl.u32 s16, $0x3;
	[sflag:s29] =	ssyncset.done $0x0  }
0x3e: {  	s6 =	sadd.s32 s2, s10;
	[sflag:s29] =	ssyncadd.s32 $0xFFFFCC00  }
0x3f: {  	[tilespmem:s3], [sflag:$0x5] =	stream.linear.gather [hbm4b:s6+s3], $0x68, $0x38;
	[tilespmem:$0xD200] =	vst v63  }
0x40: {  	_ =	swait.ge [sflag:s18], $0x68  }
0x41: {  	[sflag:s18] =	ssyncset.done $0x0  }
0x42: {  	[sflag:s18] =	ssyncadd.s32 $0xFFFFFF98  }
0x43: {  	[tilespmem:s19], [sflag:$0x5] =	stream.linear.gather [hbm4b:s17+s3], $0x68, $0x38;
	[tilespmem:$0xD200] =	vst v63  }
0x44: {  	_ =	swait.ge [sflag:s18], $0x68  }
0x45: {  	[sflag:s18] =	ssyncset.done $0x0  }
0x46: {  	[sflag:s18] =	ssyncadd.s32 $0xFFFFFF98  }
0x47: {  	[tilespmem:s21], [sflag:$0x1] =	stream.indirect.gather [hbm4b:s4+s20], $0x80, s3, s20, $0xb8;
	[tilespmem:$0xD200] =	vst v63  }
0x48: {  	_ = 	snop  }
0x49: {  	[tilespmem:s22], [sflag:$0x1] =	stream.indirect.gather [hbm4b:s4+s20], $0x80, s19, s20, $0xb8;
	[tilespmem:$0xD200] =	vst v63  }
0x4a: {  	_ =	swait.ge [sflag:s30], $0x3400  }
0x4b: {  	[sflag:s30] =	ssyncset.done $0x0  }
0x4c: {  	[sflag:s30] =	ssyncadd.s32 $0xFFFFCC00  }
0x4d: {  	_ =	swait.ge [sflag:s30], $0x3400  }
0x4e: {  	[sflag:s30] =	ssyncset.done $0x0  }
0x4f: {  	s11 =	sadd.s32 $0xD00, s0;
	[sflag:s30] =	ssyncadd.s32 $0xFFFFCC00  }
0x50: {  	[hbm4b:s11+s3] =	stream.linear.scatter [tilespmem:s25], [sflag:$0x4], $0x3400, $0x38;
	[tilespmem:$0xD200] =	vst v63  }
0x51: {  	s0 =	sadd.s32 $0x1380, s0  }
0x52: {  	[hbm4b:s0+s3] =	stream.linear.scatter [tilespmem:s26], [sflag:$0x4], $0x3400, $0x38;
	[tilespmem:$0xD200] =	vst v63  }
0x53: {  	_ =	swait.ge [sflag:s31], $0x3400  }
0x54: {  	[sflag:s31] =	ssyncset.done $0x0  }
0x55: {  	[sflag:s31] =	ssyncadd.s32 $0xFFFFCC00  }
0x56: {  	_ =	swait.ge [sflag:s31], $0x3400  }
0x57: {  	[sflag:s31] =	ssyncset.done $0x0  }
0x58: {  	[sflag:s31] =	ssyncadd.s32 $0xFFFFCC00  }
0x59: {  	[tilespmem:s23], [sflag:$0x5] =	stream.linear.gather [hbm4b:s14+s3], $0x68, $0x38;
	[tilespmem:$0xD200] =	vst v63  }
0x5a: {  	_ =	swait.ge [sflag:s18], $0x68  }
0x5b: {  	[sflag:s18] =	ssyncset.done $0x0  }
0x5c: {  	[sflag:s18] =	ssyncadd.s32 $0xFFFFFF98  }
0x5d: {  	[tilespmem:s24], [sflag:$0x5] =	stream.linear.gather [hbm4b:s15+s3], $0x68, $0x38;
	[tilespmem:$0xD200] =	vst v63  }
0x5e: {  	s7 =	sadd.s32 $0x34, s14;
	_ =	swait.ge [sflag:s18], $0x68  }
0x5f: {  	s8 =	sadd.s32 $0x34, s15;
	s9 =	sadd.s32 $0x1A0, s16;
	[sflag:s18] =	ssyncset.done $0x0  }
0x60: {  	s6 =	sadd.s32 $0x34, s17;
	s0 =	simm.s32 $0x1A00;
	[sflag:s18] =	ssyncadd.s32 $0xFFFFFF98  }
0x61: {  	[tilespmem:s25], [sflag:$0x3] =	stream.indirect.gather [hbm4b:s4+s20], $0x80, s23, s20, $0xb8;
	[tilespmem:$0xD200] =	vst v63  }
.LBB2_2:
0x62: {  	[tilespmem:s26], [sflag:$0x3] =	stream.indirect.gather [hbm4b:s4+s20], $0x80, s24, s20, $0xb8;
	[tilespmem:$0xD200] =	vst v63  }
0x63: {  	_ =	swait.ge [sflag:s28], $0x3400  }
0x64: {  	[sflag:s28] =	ssyncset.done $0x0  }
0x65: {  	[sflag:s28] =	ssyncadd.s32 $0xFFFFCC00  }
0x66: {  	_ =	swait.ge [sflag:s28], $0x3400  }
0x67: {  	s10 =	smov.u32 s0;
	s11 =	rddreg [dreg:$0x3];
	[sflag:s28] =	ssyncset.done $0x0  }
0x68: {  	[sflag:s28] =	ssyncadd.s32 $0xFFFFCC00;
	s10 =	sadd.s32 s10, s11  }
0x69: {  	[hbm4b:s10+s3] =	stream.linear.scatter [tilespmem:s21], [sflag:$0x2], $0x3400, $0x38;
	[tilespmem:$0xD200] =	vst v63  }
0x6a: {  	s11 =	sadd.s32 $0x680, s10  }
0x6b: {  	[hbm4b:s11+s3] =	stream.linear.scatter [tilespmem:s22], [sflag:$0x2], $0x3400, $0x38;
	[tilespmem:$0xD200] =	vst v63  }
0x6c: {  	_ =	swait.ge [sflag:s29], $0x3400  }
0x6d: {  	[sflag:s29] =	ssyncset.done $0x0  }
0x6e: {  	[sflag:s29] =	ssyncadd.s32 $0xFFFFCC00  }
0x6f: {  	_ =	swait.ge [sflag:s29], $0x3400  }
0x70: {  	s11 =	sshrl.u32 s9, $0x3;
	[sflag:s29] =	ssyncset.done $0x0  }
0x71: {  	s11 =	sadd.s32 s2, s11;
	[sflag:s29] =	ssyncadd.s32 $0xFFFFCC00  }
0x72: {  	[tilespmem:s3], [sflag:$0x5] =	stream.linear.gather [hbm4b:s11+s3], $0x68, $0x38;
	[tilespmem:$0xD200] =	vst v63  }
0x73: {  	_ =	swait.ge [sflag:s18], $0x68  }
0x74: {  	[sflag:s18] =	ssyncset.done $0x0  }
0x75: {  	[sflag:s18] =	ssyncadd.s32 $0xFFFFFF98  }
0x76: {  	[tilespmem:s19], [sflag:$0x5] =	stream.linear.gather [hbm4b:s6+s3], $0x68, $0x38;
	[tilespmem:$0xD200] =	vst v63  }
0x77: {  	_ =	swait.ge [sflag:s18], $0x68  }
0x78: {  	[sflag:s18] =	ssyncset.done $0x0  }
0x79: {  	[sflag:s18] =	ssyncadd.s32 $0xFFFFFF98  }
0x7a: {  	[tilespmem:s21], [sflag:$0x1] =	stream.indirect.gather [hbm4b:s4+s20], $0x80, s3, s20, $0xb8;
	[tilespmem:$0xD200] =	vst v63  }
0x7b: {  	_ = 	snop  }
0x7c: {  	[tilespmem:s22], [sflag:$0x1] =	stream.indirect.gather [hbm4b:s4+s20], $0x80, s19, s20, $0xb8;
	[tilespmem:$0xD200] =	vst v63  }
0x7d: {  	_ =	swait.ge [sflag:s30], $0x3400  }
0x7e: {  	[sflag:s30] =	ssyncset.done $0x0  }
0x7f: {  	[sflag:s30] =	ssyncadd.s32 $0xFFFFCC00  }
0x80: {  	_ =	swait.ge [sflag:s30], $0x3400  }
0x81: {  	[sflag:s30] =	ssyncset.done $0x0  }
0x82: {  	s11 =	sadd.s32 $0xD00, s10;
	[sflag:s30] =	ssyncadd.s32 $0xFFFFCC00  }
0x83: {  	[hbm4b:s11+s3] =	stream.linear.scatter [tilespmem:s25], [sflag:$0x4], $0x3400, $0x38;
	[tilespmem:$0xD200] =	vst v63  }
0x84: {  	s10 =	sadd.s32 $0x1380, s10  }
0x85: {  	[hbm4b:s10+s3] =	stream.linear.scatter [tilespmem:s26], [sflag:$0x4], $0x3400, $0x38;
	[tilespmem:$0xD200] =	vst v63  }
0x86: {  	_ =	swait.ge [sflag:s31], $0x3400  }
0x87: {  	[sflag:s31] =	ssyncset.done $0x0  }
0x88: {  	[sflag:s31] =	ssyncadd.s32 $0xFFFFCC00  }
0x89: {  	_ =	swait.ge [sflag:s31], $0x3400  }
0x8a: {  	[sflag:s31] =	ssyncset.done $0x0  }
0x8b: {  	[sflag:s31] =	ssyncadd.s32 $0xFFFFCC00  }
0x8c: {  	[tilespmem:s23], [sflag:$0x5] =	stream.linear.gather [hbm4b:s7+s3], $0x68, $0x38;
	[tilespmem:$0xD200] =	vst v63  }
0x8d: {  	_ =	swait.ge [sflag:s18], $0x68  }
0x8e: {  	[sflag:s18] =	ssyncset.done $0x0  }
0x8f: {  	p0 =	sne.s32 s0, $0x23C00;
	[sflag:s18] =	ssyncadd.s32 $0xFFFFFF98  }
0x90: {  	[tilespmem:s24], [sflag:$0x5] =	stream.linear.gather [hbm4b:s8+s3], $0x68, $0x38;
	[tilespmem:$0xD200] =	vst v63  }
.Ltmp0:
0x91: {  	_ = 	snop;
	(pc) =	sbr.rel @p0 .LBB2_2-.Ltmp0, $4  }
0x92: {  	s0 =	sadd.s32 $0x1A00, s0;
	_ =	swait.ge [sflag:s18], $0x68  }
0x93: {  	s9 =	sadd.s32 $0x1A0, s9;
	s6 =	sadd.s32 $0x34, s6;
	[sflag:s18] =	ssyncset.done $0x0  }
0x94: {  	s7 =	sadd.s32 $0x34, s7;
	s8 =	sadd.s32 $0x34, s8;
	[sflag:s18] =	ssyncadd.s32 $0xFFFFFF98  }
0x95: {  	[tilespmem:s25], [sflag:$0x3] =	stream.indirect.gather [hbm4b:s4+s20], $0x80, s23, s20, $0xb8;
	[tilespmem:$0xD200] =	vst v63  }
0x96: {  	[tilespmem:s26], [sflag:$0x3] =	stream.indirect.gather [hbm4b:s4+s20], $0x80, s24, s20, $0xb8;
	[tilespmem:$0xD200] =	vst v63  }
0x97: {  	_ =	swait.ge [sflag:s28], $0x3400  }
0x98: {  	[sflag:s28] =	ssyncset.done $0x0  }
0x99: {  	[sflag:s28] =	ssyncadd.s32 $0xFFFFCC00  }
0x9a: {  	_ =	swait.ge [sflag:s28], $0x3400  }
0x9b: {  	[sflag:s28] =	ssyncset.done $0x0  }
0x9c: {  	s0 =	rddreg [dreg:$0x7];
	[sflag:s28] =	ssyncadd.s32 $0xFFFFCC00  }
0x9d: {  	[hbm4b:s0+s3] =	stream.linear.scatter [tilespmem:s21], [sflag:$0x2], $0x3400, $0x38;
	[tilespmem:$0xD200] =	vst v63  }
0x9e: {  	s10 =	rddreg [dreg:$0x8]  }
0x9f: {  	[hbm4b:s10+s3] =	stream.linear.scatter [tilespmem:s22], [sflag:$0x2], $0x3400, $0x38;
	[tilespmem:$0xD200] =	vst v63  }
0xa0: {  	_ =	swait.ge [sflag:s29], $0x3400  }
0xa1: {  	[sflag:s29] =	ssyncset.done $0x0  }
0xa2: {  	[sflag:s29] =	ssyncadd.s32 $0xFFFFCC00  }
0xa3: {  	_ =	swait.ge [sflag:s29], $0x3400  }
0xa4: {  	[sflag:s29] =	ssyncset.done $0x0  }
0xa5: {  	[sflag:s29] =	ssyncadd.s32 $0xFFFFCC00  }
0xa6: {  	_ =	swait.ge [sflag:s30], $0x3400  }
0xa7: {  	[sflag:s30] =	ssyncset.done $0x0  }
0xa8: {  	[sflag:s30] =	ssyncadd.s32 $0xFFFFCC00  }
0xa9: {  	_ =	swait.ge [sflag:s30], $0x3400  }
0xaa: {  	[sflag:s30] =	ssyncset.done $0x0  }
0xab: {  	s11 =	rddreg [dreg:$0x9];
	[sflag:s30] =	ssyncadd.s32 $0xFFFFCC00  }
0xac: {  	[hbm4b:s11+s3] =	stream.linear.scatter [tilespmem:s25], [sflag:$0x4], $0x3400, $0x38;
	[tilespmem:$0xD200] =	vst v63  }
0xad: {  	s1 =	sadd.s32 $0x1, s1  }
0xae: {  	[hbm4b:s12+s3] =	stream.linear.scatter [tilespmem:s26], [sflag:$0x4], $0x3400, $0x38;
	[tilespmem:$0xD200] =	vst v63  }
0xaf: {  	p0 =	sne.s32 s1, s13;
	_ =	swait.ge [sflag:s31], $0x3400  }
.Ltmp1:
0xb0: {  	[sflag:s31] =	ssyncset.done $0x0;
	(pc) =	sbr.rel @p0 .LBB2_1-.Ltmp1, $4  }
0xb1: {  	[sflag:s31] =	ssyncadd.s32 $0xFFFFCC00  }
0xb2: {  	_ =	swait.ge [sflag:s31], $0x3400  }
0xb3: {  	[sflag:s31] =	ssyncset.done $0x0  }
0xb4: {  	[sflag:s31] =	ssyncadd.s32 $0xFFFFCC00  }
0xb5: {  	_ =	sfence.sel $0x180000  }
0xb6: {  	[bflag:$0x0] =	sbarrier.arrive $0xFFFF  }
0xb7: {  	_ =	strace $0x9000004D  }
0xb8: {  	s0 =	stileid.u32;
	[bflag:$0x2] =	sbarrier.arrive $0xFFFF  }
0xb9: {  	p0 =	sne.s32 s0, $0x0;
	s0 =	rddreg [dreg:$0x2]  }
0xba: {  	s0 =	sadd.s32 @!p0 $0x100000, s0  }
0xbb: {  	[sflag:s0] =	ssyncadd.tile.s32 @!p0 $0x1;
	_ =	shalt  }
.Lfunc_end2:
_tile_overlayer_lowered:
.L_overlay_start_2:
0xbc: {  	(tag) =	ssettag $0x2  }
0xbd: {  	s0 =	rddreg [dreg:$0x0];
	s2 =	stileid.u32  }
0xbe: {  	s1 =	rddreg [dreg:$0x1];
	p0 =	sne.s32 s2, $0x0  }
0xbf: {  	s3 =	rddreg [dreg:$0x2];
	[bflag:$0x3] =	sbarrier.arrive $0xFFFF;
	s2 =	simm.s32 @!p0 $0x1C05  }
0xc0: {  	[timem:s3], [sflag:s2] =	dma.local @!p0 [hbm:s0], s1  }
0xc1: {  	s0 =	simm.s32 @!p0 $0x5  }
0xc2: {  	_ =	swait.ge @!p0 [sflag:s0], s1  }
0xc3: {  	s1 =	ssub.s32 @!p0 $0x0, s1;
	[sflag:s0] =	ssyncset.done @!p0 $0x0  }
0xc4: {  	[sflag:s0] =	ssyncadd.s32 @!p0 s1  }
0xc5: {  	[bflag:$0x3] =	sbarrier.arrive $0xFFFF  }
0xc6: {  	_ =	shalt  }

// kernel: kernel.27.cloned.1.call-start
scs
__scs_entry_jumppad:
0x0: {  	(pc) =	sbr.rel $0x88, $3  }
0x1: {  	(tag) =	ssettag $0x0;
	lr =	simm.s32 $0x1  }
0x2: {  	[smem:$0x3F8C] =	sst lr;
	_ =	strace $0xD0000000  }
0x3: {  	_ = 	snop  }
0x4: {  	_ = 	snop  }
0x5: {  	_ = 	snop  }
0x6: {  	_ = 	snop  }
0x7: {  	_ = 	snop  }
__scs_overlays_trampoline_lowered:
0x8: {  	[smem:$0x3F9B] =	sst s0  }
0x9: {  	[smem:$0x3F9C] =	sst s1  }
0xa: {  	[smem:$0x3F9D] =	sst s2  }
0xb: {  	[smem:$0x3F9E] =	sst s3  }
0xc: {  	[smem:$0x3F9F] =	sst s4  }
0xd: {  	[smem:$0x3FA0] =	sst s5  }
0xe: {  	[smem:$0x3FA1] =	sst s6  }
0xf: {  	[smem:$0x3FA2] =	sst s7  }
0x10: {  	[smem:$0x3FA3] =	sst s8  }
0x11: {  	[smem:$0x3FA4] =	sst s9;
	s0 =	simm.s32 @!p0 $0x0  }
0x12: {  	s1 =	sld [smem:$0x3F8A];
	s0 =	simm.s32 @p0 $0x1  }
0x13: {  	[smem:$0x3FA5] =	sst s0;
	s0 =	simm.s32 @!p1 $0x0  }
0x14: {  	s2 =	sld [smem:$0x3F89];
	s0 =	simm.s32 @p1 $0x1  }
0x15: {  	[smem:$0x3FA6] =	sst s0;
	s0 =	simm.s32 @!p2 $0x0  }
0x16: {  	s3 =	sld [smem:$0x3FDB];
	s0 =	simm.s32 @p2 $0x1  }
0x17: {  	s4 =	simm.s32 $0x1BF5;
	[smem:$0x3FA8] =	sst s0  }
0x18: {  	s0 =	sld [smem:$0x3F8B];
	_ =	swait.ge [sflag:s4], $0x0  }
0x19: {  	s7 =	sld [smem:$0x3F8C]  }
0x1a: {  	s8 =	sadd.s32 $0xFFFFE003, lr  }
0x1b: {  	s9 =	sadd.s32 $0xFFFFFEF7, lr;
	s5 =	simm.s32 $0xFFFFFFFF;
	p2 =	slt.u32 s8, $0xFFFFF086  }
0x1c: {  	p1 =	slt.u32 s9, $0xF7A;
	s5 =	simm.s32 @!p2 $0x0  }
0x1d: {  	s5 =	simm.s32 @p1 $0x1;
	p0 =	seq.s32 s7, s2  }
0x1e: {  	s7 =	smul.u32 @!p0 $0xF7A, s2;
	p2 =	seq.s32 @!p0 s5, $0x0  }
0x1f: {  	s9 =	smul.u32 $0xF7A, s1;
	s8 =	simm.s32 @!p0 $0x1BF5;
	p2 =	por !p2, p0  }
0x20: {  	[sflag:s8] =	ssyncset.s32 @!p0 $0xFFFFF086;
	s6 =	sadd.s32 @!p0 s3, s7;
	s7 =	simm.s32 @!p0 $0x108  }
0x21: {  	s3 =	sadd.s32 s3, s9;
	s6 =	sadd.s32 @!p0 $0x88, s6;
	s7 =	simm.s32 @p2 $0x1082  }
0x22: {  	[simem:s7], [sflag:s8] =	dma.local @!p0 [hbm:s6], $0xF7A  }
0x23: {  	s9 =	sor.u32 $0xD0000000, s2;
	s6 =	simm.s32 $0x108;
	_ =	swait.ge @!p0 [sflag:s8], $0x0  }
0x24: {  	s3 =	sadd.s32 $0x88, s3;
	s6 =	simm.s32 @!p1 $0x1082;
	[sflag:s4] =	ssyncset.s32 $0xFFFFF086  }
0x25: {  	[simem:s6], [sflag:s4] =	dma.local [hbm:s3], $0xF7A  }
0x26: {  	[smem:$0x3F8C] =	sst s1;
	(tag) =	ssettag s2;
	_ =	strace s9  }
0x27: {  	s1 =	sld [smem:$0x3F9C]  }
0x28: {  	s2 =	sld [smem:$0x3F9D]  }
0x29: {  	s4 =	sld [smem:$0x3F9F]  }
0x2a: {  	p0 =	seq.s32 s5, $0x0;
	s5 =	sld [smem:$0x3FA0]  }
0x2b: {  	s6 =	sld [smem:$0x3FA1]  }
0x2c: {  	s7 =	sld [smem:$0x3FA2]  }
0x2d: {  	s3 =	simm.s32 $0x108;
	s8 =	sld [smem:$0x3FA3]  }
0x2e: {  	s3 =	simm.s32 @!p0 $0x1082;
	s9 =	sld [smem:$0x3FA4]  }
0x2f: {  	lr =	sadd.s32 s0, s3;
	s0 =	sld [smem:$0x3F9B]  }
0x30: {  	s3 =	sld [smem:$0x3F9E]  }
0x31: {  	[smem:$0x3FA7] =	sst s10  }
0x32: {  	s10 =	sld [smem:$0x3FA5];
	_ =	sdelay $0x3  }
0x33: {  	p0 =	seq.s32 s10, $0x1;
	s10 =	sld [smem:$0x3FA7];
	_ =	sdelay $0x3  }
0x34: {  	[smem:$0x3FA7] =	sst s10  }
0x35: {  	s10 =	sld [smem:$0x3FA6];
	_ =	sdelay $0x3  }
0x36: {  	p1 =	seq.s32 s10, $0x1;
	s10 =	sld [smem:$0x3FA7];
	_ =	sdelay $0x3  }
0x37: {  	[smem:$0x3FA7] =	sst s10  }
0x38: {  	s10 =	sld [smem:$0x3FA8]  }
0x39: {  	_ = 	snop;
	(pc) =	sbr.ind lr, $3  }
0x3a: {  	_ = 	snop  }
0x3b: {  	_ = 	snop  }
0x3c: {  	p2 =	seq.s32 s10, $0x1;
	s10 =	sld [smem:$0x3FA7]  }
0x3d: {  	_ =	shalt  }
0x3e: {  	_ =	shalt  }
0x3f: {  	_ =	shalt  }
0x40: {  	_ =	shalt  }
0x41: {  	_ =	shalt  }
0x42: {  	_ =	shalt  }
0x43: {  	_ =	shalt  }
0x44: {  	_ =	shalt  }
0x45: {  	_ =	shalt  }
0x46: {  	_ =	shalt  }
0x47: {  	_ =	shalt  }
0x48: {  	_ =	shalt  }
0x49: {  	_ =	shalt  }
0x4a: {  	_ =	shalt  }
0x4b: {  	_ =	shalt  }
0x4c: {  	_ =	shalt  }
0x4d: {  	_ =	shalt  }
0x4e: {  	_ =	shalt  }
0x4f: {  	_ =	shalt  }
0x50: {  	_ =	shalt  }
0x51: {  	_ =	shalt  }
0x52: {  	_ =	shalt  }
0x53: {  	_ =	shalt  }
0x54: {  	_ =	shalt  }
0x55: {  	_ =	shalt  }
0x56: {  	_ =	shalt  }
0x57: {  	_ =	shalt  }
0x58: {  	_ =	shalt  }
0x59: {  	_ =	shalt  }
0x5a: {  	_ =	shalt  }
0x5b: {  	_ =	shalt  }
0x5c: {  	_ =	shalt  }
0x5d: {  	_ =	shalt  }
0x5e: {  	_ =	shalt  }
0x5f: {  	_ =	shalt  }
0x60: {  	_ =	shalt  }
0x61: {  	_ =	shalt  }
0x62: {  	_ =	shalt  }
0x63: {  	_ =	shalt  }
0x64: {  	_ =	shalt  }
0x65: {  	_ =	shalt  }
0x66: {  	_ =	shalt  }
0x67: {  	_ =	shalt  }
0x68: {  	_ =	shalt  }
0x69: {  	_ =	shalt  }
0x6a: {  	_ =	shalt  }
0x6b: {  	_ =	shalt  }
0x6c: {  	_ =	shalt  }
0x6d: {  	_ =	shalt  }
0x6e: {  	_ =	shalt  }
0x6f: {  	_ =	shalt  }
0x70: {  	_ =	shalt  }
0x71: {  	_ =	shalt  }
0x72: {  	_ =	shalt  }
0x73: {  	_ =	shalt  }
0x74: {  	_ =	shalt  }
0x75: {  	_ =	shalt  }
0x76: {  	_ =	shalt  }
0x77: {  	_ =	shalt  }
0x78: {  	_ =	shalt  }
0x79: {  	_ =	shalt  }
0x7a: {  	_ =	shalt  }
0x7b: {  	_ =	shalt  }
0x7c: {  	_ =	shalt  }
0x7d: {  	_ =	shalt  }
0x7e: {  	_ =	shalt  }
0x7f: {  	_ =	shalt  }
0x80: {  	_ =	shalt  }
0x81: {  	_ =	shalt  }
0x82: {  	_ =	shalt  }
0x83: {  	_ =	shalt  }
0x84: {  	_ =	shalt  }
0x85: {  	_ =	shalt  }
0x86: {  	_ =	shalt  }
0x87: {  	_ =	shalt  }
.Lfunc_end0:
.L_simem_size_0:
called_computation.3_lowered:
.L_overlay_start_0:
0x88: {  	s2 =	sld [smem:$0x3FD9]  }
0x89: {  	s3 =	sld [smem:$0x3FFE];
	_ =	sdelay $0x1  }
0x8a: {  	s1 =	srdreg.scid  }
0x8b: {  	s0 =	sand.u32 $0x1, s1  }
0x8c: {  	s16 =	sshll.u32 s0, $0xA;
	s2 =	sadd.s32 s3, s2  }
0x8d: {  	s2 =	sadd.s32 s2, s16  }
0x8e: {  	[smem:$0x3FB3] =	sst s2  }
0x8f: {  	_ = 	snop  }
0x90: {  	(tm) =	ssettm $0x1  }
0x91: {  	s17 =	sld [smem:$0x3FFB];
	_ =	sdelay $0x3  }
0x92: {  	_ =	strace s17  }
0x93: {  	s2 =	sld [smem:$0x3FFC];
	_ =	sdelay $0x3  }
0x94: {  	_ =	strace s2  }
0x95: {  	s2 =	sld [smem:$0x3FFD];
	_ =	sdelay $0x3  }
0x96: {  	_ =	strace s2  }
0x97: {  	_ =	strace $0x8FFFFFFF  }
0x98: {  	s18 =	sld [smem:$0x3FDB];
	_ =	sdelay $0x1  }
0x99: {  	s19 =	simm.s32 $_scs_section_size  }
0x9a: {  	s4 =	simm.s32 $_size__tile_overlayer_lowered;
	s5 =	simm.s32 $_tile_overlayer_lowered  }
0x9b: {  	s22 =	simm.s32 $0x1BFF;
	s21 =	sshll.u32 s5, $0x1;
	s2 =	sadd.s32 s19, s18  }
0x9c: {  	s6 =	simm.s32 $0x0;
	s20 =	sshll.u32 s4, $0x1;
	s4 =	sadd.s32 s21, s2  }
0x9d: {  	[timem:s6], [sflag:s22] =	dma.local [hbm:s4], s20  }
0x9e: {  	_ =	swait.ge [sflag:s22], s20  }
0x9f: {  	s3 =	ssub.s32 $0x0, s20;
	[sflag:s22] =	ssyncset.done $0x0  }
0xa0: {  	[sflag:s22] =	ssyncadd.s32 s3;
	_ =	sdelay $0x1  }
0xa1: {  	s23 =	simm.s32 $0x1B8B  }
0xa2: {  	_ =	swait.ge [sflag:s23], $0x1  }
0xa3: {  	[sflag:s23] =	ssyncset.done $0x0  }
0xa4: {  	s25 =	simm.s32 $0x1B8E;
	s24 =	sld [smem:$0x3FFE];
	[sflag:s23] =	ssyncadd.s32 $0xFFFFFFFF  }
0xa5: {  	s26 =	simm.s32 $execute0_lowered;
	[smem:$0x3FD2] =	sst s25  }
0xa6: {  	s4 =	sshll.u32 s26, $0x1;
	_ =	strace $0x8000004F;
	[dreg:$0x1] =	wrdreg $0xFFFFFFFF  }
0xa7: {  	s28 =	simm.s32 $_size_execute0_lowered;
	s2 =	sadd.s32 s2, s4;
	[dreg:$0x0] =	wrdreg $0x0  }
0xa8: {  	s4 =	sshll.u32 s28, $0x1;
	[dreg:$0x2] =	wrdreg s2  }
0xa9: {  	[dreg:$0x3] =	wrdreg s4  }
0xaa: {  	[dreg:$0x4] =	wrdreg $0xC0  }
0xab: {  	_ =	task [dreg:s6], $0x5FFFF  }
0xac: {  	[dreg:$0x1] =	wrdreg $0xFFFFFFFF  }
0xad: {  	[dreg:$0x0] =	wrdreg $0x60  }
0xae: {  	[dreg:$0x2] =	wrdreg s24  }
0xaf: {  	[dreg:$0x3] =	wrdreg $0x9  }
0xb0: {  	_ =	task.clear_ibuf [dreg:s6], $0x4FFFF;
	_ =	strace $0x9000004F  }
0xb1: {  	s29 =	simm.s32 $0x9;
	_ =	strace $0x80000051  }
0xb2: {  	_ =	swait.ge [sflag:s29], $0x1  }
0xb3: {  	[sflag:s29] =	ssyncadd.s32 $0xFFFFFFFF  }
0xb4: {  	_ =	strace $0x90000051  }
0xb5: {  	_ =	sfence  }
0xb6: {  	s30 =	sld [smem:$0x0];
	_ =	sdelay $0x2  }
0xb7: {  	s31 =	sshll.u32 s1, $0xD;
	s1 =	sshrl.u32 s1, $0x2  }
0xb8: {  	s3 =	sand.u32 $0x4000, s31;
	s1 =	sadd.s32 s1, s30  }
0xb9: {  	s0 =	sor.u32 s3, s0;
	s1 =	sshll.u32 s1, $0x11  }
0xba: {  	s0 =	sor.u32 s1, s0  }
0xbb: {  	s0 =	sadd.s32 $0x8F2B, s0  }
0xbc: {  	[sflag:s0] =	ssyncadd.remote.s32 $0x1  }
0xbd: {  	_ =	sfence.sel $0xFFFF  }
0xbe: {  	[dreg:$0x0] =	wrdreg $0xFFFFFFFF;
	(pc) =	sbr.abs _section_cstart, $3  }
0xbf: {  	[dreg:$0x1] =	wrdreg $0xFFFFFFFF  }
0xc0: {  	_ =	task.clear_ibuf [dreg:s6], $0x2FFFF;
	_ =	strace $0x9FFFFFFF  }
0xc1: {  	(tm) =	ssettm $0x7FFFFFFF  }
tec
execute0_lowered:
.L_overlay_start_1:
0x0: {  	(tag) =	ssettag $0x1  }
0x1: {  	s0 =	rddreg [dreg:$0x0]  }
0x2: {  	s2 =	simm.s32 $0x0;
	s1 =	srdreg.scid;
	s3 =	stileid.u32  }
0x3: {  	s19 =	simm.s32 $0x5;
	s20 =	simm.s32 $0x80;
	s28 =	simm.s32 $0xAA00  }
0x4: {  	s29 =	simm.s32 $0x1;
	s30 =	simm.s32 $0x2;
	s31 =	simm.s32 $0x3  }
0x5: {  	[smem:$0x7FF] =	sst s2;
	s1 =	sand.u32 $0x1, s1;
	s5 =	sshll.u32 s3, $0x1  }
0x6: {  	s3 =	sadd.s32 $0xD0F600, s0;
	s4 =	sadd.s32 $0x9FF600, s0;
	s9 =	sor.u32 s1, s5  }
0x7: {  	s7 =	sadd.s32 $0x5B4C00, s0;
	s1 =	ssub.s32 $0x2, s1;
	s6 =	smul.u32 $0x1880, s9  }
0x8: {  	s8 =	sadd.s32 $0x4C00, s0;
	s21 =	sshrl.u32 s1, $0x1;
	s9 =	smul.u32 $0xC4000, s9  }
0x9: {  	_ =	strace $0x80000050;
	s5 =	sadd.s32 $0x5BAE00, s0;
	s0 =	ssub.s32 s1, s21  }
0xa: {  	s21 =	simm.s32 $0x70;
	s22 =	sshrl.u32 s6, $0x3;
	s25 =	sshrl.u32 s9, $0x3  }
0xb: {  	s13 =	sadd.s32 $0xE0, s6;
	s14 =	sor.u32 $0x70, s6;
	s15 =	sadd.s32 $0x150, s6  }
0xc: {  	s18 =	smax.u32 s0, $0x1;
	s0 =	simm.s32 $0x4;
	s10 =	sadd.s32 s5, s22  }
0xd: {  	s23 =	sadd.s32 s7, s22;
	s1 =	sor.u32 $0xE, s22;
	[dreg:$0x2] =	wrdreg s10  }
0xe: {  	s22 =	simm.s32 $0x100;
	[dreg:$0x3] =	wrdreg s23;
	s24 =	sadd.s32 s5, s1  }
0xf: {  	s1 =	sadd.s32 s7, s1;
	s23 =	simm.s32 $0x3900;
	[dreg:$0x4] =	wrdreg s24  }
0x10: {  	[dreg:$0x5] =	wrdreg s1;
	s1 =	sadd.s32 s8, s25;
	s24 =	simm.s32 $0x7100  }
0x11: {  	s25 =	simm.s32 $0x7180;
	s26 =	sadd.s32 $0x17A00, s1;
	s17 =	sadd.s32 $0x18100, s1  }
0x12: {  	s1 =	simm.s32 $0x0;
	[dreg:$0x6] =	wrdreg s26;
	s26 =	simm.s32 $0x7200  }
.LBB2_1:
0x13: {  	s9 =	rddreg [dreg:$0x2]  }
0x14: {  	[tilespmem:s2], [sflag:$0x5] =	stream.linear.gather [hbm4b:s9+s2], $0x70, $0x38;
	[tilespmem:$0xE200] =	vst v63  }
0x15: {  	_ =	swait.ge [sflag:s19], $0x70  }
0x16: {  	[sflag:s19] =	ssyncset.done $0x0  }
0x17: {  	s11 =	rddreg [dreg:$0x3];
	[sflag:s19] =	ssyncadd.s32 $0xFFFFFF90  }
0x18: {  	[tilespmem:s20], [sflag:$0x5] =	stream.linear.gather [hbm4b:s11+s2], $0x70, $0x38;
	[tilespmem:$0xE200] =	vst v63  }
0x19: {  	_ =	swait.ge [sflag:s19], $0x70  }
0x1a: {  	[sflag:s19] =	ssyncset.done $0x0  }
0x1b: {  	[sflag:s19] =	ssyncadd.s32 $0xFFFFFF90  }
0x1c: {  	[tilespmem:s22], [sflag:$0x1] =	stream.indirect.gather [hbm4b:s3+s21], $0x80, s2, s21, $0xb8;
	[tilespmem:$0xE200] =	vst v63  }
0x1d: {  	_ = 	snop  }
0x1e: {  	[tilespmem:s23], [sflag:$0x1] =	stream.indirect.gather [hbm4b:s4+s21], $0x80, s20, s21, $0xb8;
	[tilespmem:$0xE200] =	vst v63  }
0x1f: {  	s12 =	rddreg [dreg:$0x4]  }
0x20: {  	[tilespmem:s24], [sflag:$0x5] =	stream.linear.gather [hbm4b:s12+s2], $0x70, $0x38;
	[tilespmem:$0xE200] =	vst v63  }
0x21: {  	_ =	swait.ge [sflag:s19], $0x70  }
0x22: {  	[sflag:s19] =	ssyncset.done $0x0  }
0x23: {  	s16 =	rddreg [dreg:$0x5];
	[sflag:s19] =	ssyncadd.s32 $0xFFFFFF90  }
0x24: {  	[tilespmem:s25], [sflag:$0x5] =	stream.linear.gather [hbm4b:s16+s2], $0x70, $0x38;
	[tilespmem:$0xE200] =	vst v63  }
0x25: {  	_ =	swait.ge [sflag:s19], $0x70  }
0x26: {  	[sflag:s19] =	ssyncset.done $0x0  }
0x27: {  	[sflag:s19] =	ssyncadd.s32 $0xFFFFFF90  }
0x28: {  	[tilespmem:s26], [sflag:$0x3] =	stream.indirect.gather [hbm4b:s3+s21], $0x80, s24, s21, $0xb8;
	[tilespmem:$0xE200] =	vst v63  }
0x29: {  	s9 =	simm.s32 $0x0  }
0x2a: {  	[tilespmem:s28], [sflag:$0x3] =	stream.indirect.gather [hbm4b:s4+s21], $0x80, s25, s21, $0xb8;
	[tilespmem:$0xE200] =	vst v63  }
.LBB2_2:
0x2b: {  	_ =	swait.ge [sflag:s29], $0x3800  }
0x2c: {  	[sflag:s29] =	ssyncset.done $0x0  }
0x2d: {  	[sflag:s29] =	ssyncadd.s32 $0xFFFFC800  }
0x2e: {  	_ =	swait.ge [sflag:s29], $0x3800  }
0x2f: {  	[sflag:s29] =	ssyncset.done $0x0  }
0x30: {  	s11 =	simm.s32 $0x0;
	[sflag:s29] =	ssyncadd.s32 $0xFFFFC800  }
0x31: {  	v6 =	vld [tilespmem:s11+$0x3900]  }
0x32: {  	v11 =	vld [tilespmem:s11+$0x3910]  }
0x33: {  	v5 =	vld [tilespmem:s11+$0x3920]  }
0x34: {  	v4 =	vld [tilespmem:s11+$0x3930]  }
0x35: {  	v3 =	vld [tilespmem:s11+$0x3940]  }
0x36: {  	v2 =	vld [tilespmem:s11+$0x3950]  }
0x37: {  	v1 =	vld [tilespmem:s11+$0x3960]  }
0x38: {  	v0 =	vld [tilespmem:s11+$0x3970]  }
0x39: {  	v12 =	vld [tilespmem:s11+$0x100]  }
0x3a: {  	v13 =	vld [tilespmem:s11+$0x110]  }
0x3b: {  	v10 =	vld [tilespmem:s11+$0x120]  }
0x3c: {  	v9 =	vld [tilespmem:s11+$0x130]  }
0x3d: {  	v8 =	vld [tilespmem:s11+$0x140]  }
0x3e: {  	v7 =	vld [tilespmem:s11+$0x150];
	v12 =	vsub.f32 v12, v6  }
0x3f: {  	s10 =	simm.s32 $0x200;
	v11 =	vsub.f32 v13, v11;
	v6 =	vld [tilespmem:s11+$0x160]  }
.LBB2_3:
0x40: {  	s12 =	sshra.s32 s10, $0x2;
	p0 =	sne.s32 s10, $0xDE00;
	[tilespmem:s11+$0x100] =	vst v12;
	v5 =	vsub.f32 v10, v5;
	v10 =	vld [tilespmem:s11+$0x170]  }
0x41: {  	v12 =	vld [tilespmem:s12+$0x3900];
	[tilespmem:s11+$0x110] =	vst v11;
	v4 =	vsub.f32 v9, v4  }
0x42: {  	v11 =	vld [tilespmem:s12+$0x3910];
	[tilespmem:s11+$0x120] =	vst v5;
	v3 =	vsub.f32 v8, v3  }
0x43: {  	v5 =	vld [tilespmem:s12+$0x3920];
	[tilespmem:s11+$0x130] =	vst v4;
	v2 =	vsub.f32 v7, v2  }
0x44: {  	v4 =	vld [tilespmem:s12+$0x3930];
	[tilespmem:s11+$0x140] =	vst v3;
	v1 =	vsub.f32 v6, v1  }
0x45: {  	v3 =	vld [tilespmem:s12+$0x3940];
	[tilespmem:s11+$0x150] =	vst v2;
	v0 =	vsub.f32 v10, v0  }
0x46: {  	v2 =	vld [tilespmem:s12+$0x3950];
	[tilespmem:s11+$0x160] =	vst v1  }
0x47: {  	v1 =	vld [tilespmem:s12+$0x3960];
	[tilespmem:s11+$0x170] =	vst v0;
	s11 =	smov.u32 s12  }
0x48: {  	v0 =	vld [tilespmem:s11+$0x3970]  }
0x49: {  	v6 =	vld [tilespmem:s11+$0x100]  }
0x4a: {  	v13 =	vld [tilespmem:s11+$0x110]  }
.Ltmp0:
0x4b: {  	v10 =	vld [tilespmem:s11+$0x120];
	(pc) =	sbr.rel @p0 .LBB2_3-.Ltmp0, $4  }
0x4c: {  	v9 =	vld [tilespmem:s11+$0x130]  }
0x4d: {  	v8 =	vld [tilespmem:s11+$0x140]  }
0x4e: {  	v12 =	vsub.f32 v6, v12;
	v7 =	vld [tilespmem:s11+$0x150]  }
0x4f: {  	s10 =	sadd.s32 $0x200, s10;
	v11 =	vsub.f32 v13, v11;
	v6 =	vld [tilespmem:s11+$0x160]  }
0x50: {  	[tilespmem:s11+$0x100] =	vst v12;
	v5 =	vsub.f32 v10, v5;
	v10 =	vld [tilespmem:s11+$0x170]  }
0x51: {  	[tilespmem:s11+$0x110] =	vst v11;
	v4 =	vsub.f32 v9, v4  }
0x52: {  	[tilespmem:s11+$0x120] =	vst v5;
	v3 =	vsub.f32 v8, v3  }
0x53: {  	s10 =	smul.u32 $0xE0, s9;
	[tilespmem:s11+$0x130] =	vst v4;
	v2 =	vsub.f32 v7, v2  }
0x54: {  	[tilespmem:s11+$0x140] =	vst v3;
	v1 =	vsub.f32 v6, v1  }
0x55: {  	s12 =	sadd.s32 s6, s10;
	[tilespmem:s11+$0x150] =	vst v2;
	v0 =	vsub.f32 v10, v0  }
0x56: {  	s12 =	sshll.u32 s12, $0x4;
	[tilespmem:s11+$0x160] =	vst v1  }
0x57: {  	s16 =	sadd.s32 s8, s12;
	s12 =	simm.s32 $0x0;
	[tilespmem:s11+$0x170] =	vst v0  }
0x58: {  	[hbm4b:s16+s12] =	stream.linear.scatter [tilespmem:s22], [sflag:$0x2], $0x3800, $0x38;
	[tilespmem:$0xE200] =	vst v63  }
0x59: {  	s16 =	sadd.s32 s10, s13;
	_ =	swait.ge [sflag:s30], $0x3800  }
0x5a: {  	s11 =	sshrl.u32 s16, $0x3;
	[sflag:s30] =	ssyncset.done $0x0  }
0x5b: {  	s16 =	sadd.s32 s5, s11;
	[sflag:s30] =	ssyncadd.s32 $0xFFFFC800  }
0x5c: {  	[tilespmem:s12], [sflag:$0x5] =	stream.linear.gather [hbm4b:s16+s12], $0x70, $0x38;
	[tilespmem:$0xE200] =	vst v63  }
0x5d: {  	_ =	swait.ge [sflag:s19], $0x70  }
0x5e: {  	[sflag:s19] =	ssyncset.done $0x0  }
0x5f: {  	s11 =	sadd.s32 s7, s11;
	[sflag:s19] =	ssyncadd.s32 $0xFFFFFF90  }
0x60: {  	[tilespmem:s20], [sflag:$0x5] =	stream.linear.gather [hbm4b:s11+s12], $0x70, $0x38;
	[tilespmem:$0xE200] =	vst v63  }
0x61: {  	_ =	swait.ge [sflag:s19], $0x70  }
0x62: {  	[sflag:s19] =	ssyncset.done $0x0  }
0x63: {  	[sflag:s19] =	ssyncadd.s32 $0xFFFFFF90  }
0x64: {  	[tilespmem:s22], [sflag:$0x1] =	stream.indirect.gather [hbm4b:s3+s21], $0x80, s12, s21, $0xb8;
	[tilespmem:$0xE200] =	vst v63  }
0x65: {  	_ = 	snop  }
0x66: {  	[tilespmem:s23], [sflag:$0x1] =	stream.indirect.gather [hbm4b:s4+s21], $0x80, s20, s21, $0xb8;
	[tilespmem:$0xE200] =	vst v63  }
0x67: {  	_ =	swait.ge [sflag:s31], $0x3800  }
0x68: {  	[sflag:s31] =	ssyncset.done $0x0  }
0x69: {  	[sflag:s31] =	ssyncadd.s32 $0xFFFFC800  }
0x6a: {  	_ =	swait.ge [sflag:s31], $0x3800  }
0x6b: {  	[sflag:s31] =	ssyncset.done $0x0  }
0x6c: {  	s11 =	simm.s32 $0x0;
	[sflag:s31] =	ssyncadd.s32 $0xFFFFC800  }
0x6d: {  	v7 =	vld [tilespmem:s11+$0xAA00]  }
0x6e: {  	v11 =	vld [tilespmem:s11+$0xAA10]  }
0x6f: {  	v5 =	vld [tilespmem:s11+$0xAA20]  }
0x70: {  	v4 =	vld [tilespmem:s11+$0xAA30]  }
0x71: {  	v3 =	vld [tilespmem:s11+$0xAA40]  }
0x72: {  	v2 =	vld [tilespmem:s11+$0xAA50]  }
0x73: {  	v1 =	vld [tilespmem:s11+$0xAA60]  }
0x74: {  	v0 =	vld [tilespmem:s11+$0xAA70]  }
0x75: {  	v12 =	vld [tilespmem:s11+$0x7200]  }
0x76: {  	v13 =	vld [tilespmem:s11+$0x7210]  }
0x77: {  	v10 =	vld [tilespmem:s11+$0x7220]  }
0x78: {  	v9 =	vld [tilespmem:s11+$0x7230]  }
0x79: {  	v8 =	vld [tilespmem:s11+$0x7240]  }
0x7a: {  	v6 =	vld [tilespmem:s11+$0x7250];
	v12 =	vsub.f32 v12, v7  }
0x7b: {  	s12 =	simm.s32 $0x200;
	v11 =	vsub.f32 v13, v11;
	v7 =	vld [tilespmem:s11+$0x7260]  }
.LBB2_5:
0x7c: {  	s16 =	sshra.s32 s12, $0x2;
	p0 =	sne.s32 s12, $0xDE00;
	[tilespmem:s11+$0x7200] =	vst v12;
	v5 =	vsub.f32 v10, v5;
	v10 =	vld [tilespmem:s11+$0x7270]  }
0x7d: {  	v12 =	vld [tilespmem:s16+$0xAA00];
	[tilespmem:s11+$0x7210] =	vst v11;
	v4 =	vsub.f32 v9, v4  }
0x7e: {  	v11 =	vld [tilespmem:s16+$0xAA10];
	[tilespmem:s11+$0x7220] =	vst v5;
	v3 =	vsub.f32 v8, v3  }
0x7f: {  	v5 =	vld [tilespmem:s16+$0xAA20];
	[tilespmem:s11+$0x7230] =	vst v4;
	v2 =	vsub.f32 v6, v2  }
0x80: {  	v4 =	vld [tilespmem:s16+$0xAA30];
	[tilespmem:s11+$0x7240] =	vst v3;
	v1 =	vsub.f32 v7, v1  }
0x81: {  	v3 =	vld [tilespmem:s16+$0xAA40];
	[tilespmem:s11+$0x7250] =	vst v2;
	v0 =	vsub.f32 v10, v0  }
0x82: {  	v2 =	vld [tilespmem:s16+$0xAA50];
	[tilespmem:s11+$0x7260] =	vst v1  }
0x83: {  	v1 =	vld [tilespmem:s16+$0xAA60];
	[tilespmem:s11+$0x7270] =	vst v0;
	s11 =	smov.u32 s16  }
0x84: {  	v0 =	vld [tilespmem:s11+$0xAA70]  }
0x85: {  	v6 =	vld [tilespmem:s11+$0x7200]  }
0x86: {  	v7 =	vld [tilespmem:s11+$0x7210]  }
.Ltmp1:
0x87: {  	v10 =	vld [tilespmem:s11+$0x7220];
	(pc) =	sbr.rel @p0 .LBB2_5-.Ltmp1, $4  }
0x88: {  	v9 =	vld [tilespmem:s11+$0x7230]  }
0x89: {  	v8 =	vld [tilespmem:s11+$0x7240]  }
0x8a: {  	v12 =	vsub.f32 v6, v12;
	v6 =	vld [tilespmem:s11+$0x7250]  }
0x8b: {  	s12 =	sadd.s32 $0x200, s12;
	v11 =	vsub.f32 v7, v11;
	v7 =	vld [tilespmem:s11+$0x7260]  }
0x8c: {  	[tilespmem:s11+$0x7200] =	vst v12;
	v5 =	vsub.f32 v10, v5;
	v63 =	vld [tilespmem:s11+$0x7270]  }
0x8d: {  	[tilespmem:s11+$0x7210] =	vst v11;
	v4 =	vsub.f32 v9, v4  }
0x8e: {  	[tilespmem:s11+$0x7220] =	vst v5;
	v3 =	vsub.f32 v8, v3  }
0x8f: {  	[tilespmem:s11+$0x7230] =	vst v4;
	v2 =	vsub.f32 v6, v2  }
0x90: {  	[tilespmem:s11+$0x7240] =	vst v3;
	v1 =	vsub.f32 v7, v1  }
0x91: {  	s12 =	sadd.s32 s10, s14;
	[tilespmem:s11+$0x7250] =	vst v2;
	v0 =	vsub.f32 v63, v0  }
0x92: {  	s12 =	sshll.u32 s12, $0x4;
	[tilespmem:s11+$0x7260] =	vst v1  }
0x93: {  	s16 =	sadd.s32 s8, s12;
	[tilespmem:s11+$0x7270] =	vst v0  }
0x94: {  	[hbm4b:s16+s2] =	stream.linear.scatter [tilespmem:s26], [sflag:$0x4], $0x3800, $0x38;
	[tilespmem:$0xE200] =	vst v63  }
0x95: {  	s12 =	sadd.s32 s10, s15;
	_ =	swait.ge [sflag:s0], $0x3800  }
0x96: {  	s10 =	sshrl.u32 s12, $0x3;
	[sflag:s0] =	ssyncset.done $0x0  }
0x97: {  	s16 =	sadd.s32 s5, s10;
	[sflag:s0] =	ssyncadd.s32 $0xFFFFC800  }
0x98: {  	[tilespmem:s24], [sflag:$0x5] =	stream.linear.gather [hbm4b:s16+s2], $0x70, $0x38;
	[tilespmem:$0xE200] =	vst v63  }
0x99: {  	_ =	swait.ge [sflag:s19], $0x70  }
0x9a: {  	[sflag:s19] =	ssyncset.done $0x0  }
0x9b: {  	s9 =	sadd.s32 $0x1, s9;
	s10 =	sadd.s32 s7, s10;
	[sflag:s19] =	ssyncadd.s32 $0xFFFFFF90  }
0x9c: {  	[tilespmem:s25], [sflag:$0x5] =	stream.linear.gather [hbm4b:s10+s2], $0x70, $0x38;
	[tilespmem:$0xE200] =	vst v63  }
0x9d: {  	p0 =	sne.s32 s9, $0x1B;
	_ =	swait.ge [sflag:s19], $0x70  }
.Ltmp2:
0x9e: {  	[sflag:s19] =	ssyncset.done $0x0;
	(pc) =	sbr.rel @p0 .LBB2_2-.Ltmp2, $4  }
0x9f: {  	[sflag:s19] =	ssyncadd.s32 $0xFFFFFF90  }
0xa0: {  	[tilespmem:s26], [sflag:$0x3] =	stream.indirect.gather [hbm4b:s3+s21], $0x80, s24, s21, $0xb8;
	[tilespmem:$0xE200] =	vst v63  }
0xa1: {  	_ = 	snop  }
0xa2: {  	[tilespmem:s28], [sflag:$0x3] =	stream.indirect.gather [hbm4b:s4+s21], $0x80, s25, s21, $0xb8;
	[tilespmem:$0xE200] =	vst v63  }
0xa3: {  	_ =	swait.ge [sflag:s29], $0x3800  }
0xa4: {  	[sflag:s29] =	ssyncset.done $0x0  }
0xa5: {  	[sflag:s29] =	ssyncadd.s32 $0xFFFFC800  }
0xa6: {  	_ =	swait.ge [sflag:s29], $0x3800  }
0xa7: {  	[sflag:s29] =	ssyncset.done $0x0  }
0xa8: {  	s9 =	simm.s32 $0x0;
	[sflag:s29] =	ssyncadd.s32 $0xFFFFC800  }
0xa9: {  	v7 =	vld [tilespmem:s9+$0x3900]  }
0xaa: {  	v11 =	vld [tilespmem:s9+$0x3910]  }
0xab: {  	v5 =	vld [tilespmem:s9+$0x3920]  }
0xac: {  	v4 =	vld [tilespmem:s9+$0x3930]  }
0xad: {  	v3 =	vld [tilespmem:s9+$0x3940]  }
0xae: {  	v2 =	vld [tilespmem:s9+$0x3950]  }
0xaf: {  	v1 =	vld [tilespmem:s9+$0x3960]  }
0xb0: {  	v0 =	vld [tilespmem:s9+$0x3970]  }
0xb1: {  	v12 =	vld [tilespmem:s9+$0x100]  }
0xb2: {  	v13 =	vld [tilespmem:s9+$0x110]  }
0xb3: {  	v10 =	vld [tilespmem:s9+$0x120]  }
0xb4: {  	v9 =	vld [tilespmem:s9+$0x130]  }
0xb5: {  	v8 =	vld [tilespmem:s9+$0x140]  }
0xb6: {  	v6 =	vld [tilespmem:s9+$0x150];
	v12 =	vsub.f32 v12, v7  }
0xb7: {  	s10 =	simm.s32 $0x200;
	v11 =	vsub.f32 v13, v11;
	v7 =	vld [tilespmem:s9+$0x160]  }
.LBB2_8:
0xb8: {  	s11 =	sshra.s32 s10, $0x2;
	p0 =	sne.s32 s10, $0xDE00;
	[tilespmem:s9+$0x100] =	vst v12;
	v5 =	vsub.f32 v10, v5;
	v10 =	vld [tilespmem:s9+$0x170]  }
0xb9: {  	v12 =	vld [tilespmem:s11+$0x3900];
	[tilespmem:s9+$0x110] =	vst v11;
	v4 =	vsub.f32 v9, v4  }
0xba: {  	v11 =	vld [tilespmem:s11+$0x3910];
	[tilespmem:s9+$0x120] =	vst v5;
	v3 =	vsub.f32 v8, v3  }
0xbb: {  	v5 =	vld [tilespmem:s11+$0x3920];
	[tilespmem:s9+$0x130] =	vst v4;
	v2 =	vsub.f32 v6, v2  }
0xbc: {  	v4 =	vld [tilespmem:s11+$0x3930];
	[tilespmem:s9+$0x140] =	vst v3;
	v1 =	vsub.f32 v7, v1  }
0xbd: {  	v3 =	vld [tilespmem:s11+$0x3940];
	[tilespmem:s9+$0x150] =	vst v2;
	v0 =	vsub.f32 v10, v0  }
0xbe: {  	v2 =	vld [tilespmem:s11+$0x3950];
	[tilespmem:s9+$0x160] =	vst v1  }
0xbf: {  	v1 =	vld [tilespmem:s11+$0x3960];
	[tilespmem:s9+$0x170] =	vst v0;
	s9 =	smov.u32 s11  }
0xc0: {  	v0 =	vld [tilespmem:s9+$0x3970]  }
0xc1: {  	v6 =	vld [tilespmem:s9+$0x100]  }
0xc2: {  	v7 =	vld [tilespmem:s9+$0x110]  }
.Ltmp3:
0xc3: {  	v10 =	vld [tilespmem:s9+$0x120];
	(pc) =	sbr.rel @p0 .LBB2_8-.Ltmp3, $4  }
0xc4: {  	v9 =	vld [tilespmem:s9+$0x130]  }
0xc5: {  	v8 =	vld [tilespmem:s9+$0x140]  }
0xc6: {  	v12 =	vsub.f32 v6, v12;
	v6 =	vld [tilespmem:s9+$0x150]  }
0xc7: {  	s10 =	sadd.s32 $0x200, s10;
	v11 =	vsub.f32 v7, v11;
	v7 =	vld [tilespmem:s9+$0x160]  }
0xc8: {  	[tilespmem:s9+$0x100] =	vst v12;
	v5 =	vsub.f32 v10, v5;
	v10 =	vld [tilespmem:s9+$0x170]  }
0xc9: {  	[tilespmem:s9+$0x110] =	vst v11;
	v4 =	vsub.f32 v9, v4  }
0xca: {  	[tilespmem:s9+$0x120] =	vst v5;
	v3 =	vsub.f32 v8, v3  }
0xcb: {  	[tilespmem:s9+$0x130] =	vst v4;
	v2 =	vsub.f32 v6, v2  }
0xcc: {  	[tilespmem:s9+$0x140] =	vst v3;
	v1 =	vsub.f32 v7, v1  }
0xcd: {  	[tilespmem:s9+$0x150] =	vst v2;
	v0 =	vsub.f32 v10, v0  }
0xce: {  	[tilespmem:s9+$0x160] =	vst v1  }
0xcf: {  	s16 =	simm.s32 $0x0;
	s10 =	rddreg [dreg:$0x6];
	[tilespmem:s9+$0x170] =	vst v0  }
0xd0: {  	[hbm4b:s10+s16] =	stream.linear.scatter [tilespmem:s22], [sflag:$0x2], $0x3800, $0x38;
	[tilespmem:$0xE200] =	vst v63  }
0xd1: {  	_ =	swait.ge [sflag:s30], $0x3800  }
0xd2: {  	[sflag:s30] =	ssyncset.done $0x0  }
0xd3: {  	[sflag:s30] =	ssyncadd.s32 $0xFFFFC800  }
0xd4: {  	_ =	swait.ge [sflag:s31], $0x3800  }
0xd5: {  	[sflag:s31] =	ssyncset.done $0x0  }
0xd6: {  	[sflag:s31] =	ssyncadd.s32 $0xFFFFC800  }
0xd7: {  	_ =	swait.ge [sflag:s31], $0x3800  }
0xd8: {  	[sflag:s31] =	ssyncset.done $0x0  }
0xd9: {  	s9 =	simm.s32 $0x0;
	[sflag:s31] =	ssyncadd.s32 $0xFFFFC800  }
0xda: {  	v7 =	vld [tilespmem:s9+$0xAA00]  }
0xdb: {  	v11 =	vld [tilespmem:s9+$0xAA10]  }
0xdc: {  	v5 =	vld [tilespmem:s9+$0xAA20]  }
0xdd: {  	v4 =	vld [tilespmem:s9+$0xAA30]  }
0xde: {  	v3 =	vld [tilespmem:s9+$0xAA40]  }
0xdf: {  	v2 =	vld [tilespmem:s9+$0xAA50]  }
0xe0: {  	v1 =	vld [tilespmem:s9+$0xAA60]  }
0xe1: {  	v0 =	vld [tilespmem:s9+$0xAA70]  }
0xe2: {  	v12 =	vld [tilespmem:s9+$0x7200]  }
0xe3: {  	v13 =	vld [tilespmem:s9+$0x7210]  }
0xe4: {  	v10 =	vld [tilespmem:s9+$0x7220]  }
0xe5: {  	v9 =	vld [tilespmem:s9+$0x7230]  }
0xe6: {  	v8 =	vld [tilespmem:s9+$0x7240]  }
0xe7: {  	v6 =	vld [tilespmem:s9+$0x7250];
	v12 =	vsub.f32 v12, v7  }
0xe8: {  	s10 =	simm.s32 $0x200;
	v11 =	vsub.f32 v13, v11;
	v7 =	vld [tilespmem:s9+$0x7260]  }
.LBB2_10:
0xe9: {  	s11 =	sshra.s32 s10, $0x2;
	p0 =	sne.s32 s10, $0xDE00;
	[tilespmem:s9+$0x7200] =	vst v12;
	v5 =	vsub.f32 v10, v5;
	v10 =	vld [tilespmem:s9+$0x7270]  }
0xea: {  	v12 =	vld [tilespmem:s11+$0xAA00];
	[tilespmem:s9+$0x7210] =	vst v11;
	v4 =	vsub.f32 v9, v4  }
0xeb: {  	v11 =	vld [tilespmem:s11+$0xAA10];
	[tilespmem:s9+$0x7220] =	vst v5;
	v3 =	vsub.f32 v8, v3  }
0xec: {  	v5 =	vld [tilespmem:s11+$0xAA20];
	[tilespmem:s9+$0x7230] =	vst v4;
	v2 =	vsub.f32 v6, v2  }
0xed: {  	v4 =	vld [tilespmem:s11+$0xAA30];
	[tilespmem:s9+$0x7240] =	vst v3;
	v1 =	vsub.f32 v7, v1  }
0xee: {  	v3 =	vld [tilespmem:s11+$0xAA40];
	[tilespmem:s9+$0x7250] =	vst v2;
	v0 =	vsub.f32 v10, v0  }
0xef: {  	v2 =	vld [tilespmem:s11+$0xAA50];
	[tilespmem:s9+$0x7260] =	vst v1  }
0xf0: {  	v1 =	vld [tilespmem:s11+$0xAA60];
	[tilespmem:s9+$0x7270] =	vst v0;
	s9 =	smov.u32 s11  }
0xf1: {  	v0 =	vld [tilespmem:s9+$0xAA70]  }
0xf2: {  	v6 =	vld [tilespmem:s9+$0x7200]  }
0xf3: {  	v7 =	vld [tilespmem:s9+$0x7210]  }
.Ltmp4:
0xf4: {  	v10 =	vld [tilespmem:s9+$0x7220];
	(pc) =	sbr.rel @p0 .LBB2_10-.Ltmp4, $4  }
0xf5: {  	v9 =	vld [tilespmem:s9+$0x7230]  }
0xf6: {  	v8 =	vld [tilespmem:s9+$0x7240]  }
0xf7: {  	v12 =	vsub.f32 v6, v12;
	v6 =	vld [tilespmem:s9+$0x7250]  }
0xf8: {  	s10 =	sadd.s32 $0x200, s10;
	v11 =	vsub.f32 v7, v11;
	v7 =	vld [tilespmem:s9+$0x7260]  }
0xf9: {  	[tilespmem:s9+$0x7200] =	vst v12;
	v5 =	vsub.f32 v10, v5;
	v63 =	vld [tilespmem:s9+$0x7270]  }
0xfa: {  	[tilespmem:s9+$0x7210] =	vst v11;
	v4 =	vsub.f32 v9, v4  }
0xfb: {  	[tilespmem:s9+$0x7220] =	vst v5;
	v3 =	vsub.f32 v8, v3  }
0xfc: {  	[tilespmem:s9+$0x7230] =	vst v4;
	v2 =	vsub.f32 v6, v2  }
0xfd: {  	[tilespmem:s9+$0x7240] =	vst v3;
	v1 =	vsub.f32 v7, v1  }
0xfe: {  	s1 =	sadd.s32 $0x1, s1;
	[tilespmem:s9+$0x7250] =	vst v2;
	v0 =	vsub.f32 v63, v0  }
0xff: {  	p0 =	sne.s32 s1, s18;
	[tilespmem:s9+$0x7260] =	vst v1  }
.Ltmp5:
0x100: {  	[tilespmem:s9+$0x7270] =	vst v0;
	(pc) =	sbr.rel @p0 .LBB2_1-.Ltmp5, $4  }
0x101: {  	[hbm4b:s17+s2] =	stream.linear.scatter [tilespmem:s26], [sflag:$0x4], $0x3800, $0x38;
	[tilespmem:$0xE200] =	vst v63  }
0x102: {  	_ =	swait.ge [sflag:s0], $0x3800  }
0x103: {  	[sflag:s0] =	ssyncset.done $0x0  }
0x104: {  	[sflag:s0] =	ssyncadd.s32 $0xFFFFC800  }
0x105: {  	_ =	sfence.sel $0x180000  }
0x106: {  	[bflag:$0x0] =	sbarrier.arrive $0xFFFF  }
0x107: {  	_ =	strace $0x90000050  }
0x108: {  	s0 =	stileid.u32;
	[bflag:$0x2] =	sbarrier.arrive $0xFFFF  }
0x109: {  	p0 =	sne.s32 s0, $0x0;
	s0 =	rddreg [dreg:$0x1]  }
0x10a: {  	s0 =	sadd.s32 @!p0 $0x100000, s0  }
0x10b: {  	[sflag:s0] =	ssyncadd.tile.s32 @!p0 $0x1;
	_ =	shalt  }
.Lfunc_end2:
_tile_overlayer_lowered:
.L_overlay_start_2:
0x10c: {  	(tag) =	ssettag $0x2  }
0x10d: {  	s0 =	rddreg [dreg:$0x0];
	s2 =	stileid.u32  }
0x10e: {  	s1 =	rddreg [dreg:$0x1];
	p0 =	sne.s32 s2, $0x0  }
0x10f: {  	s3 =	rddreg [dreg:$0x2];
	[bflag:$0x3] =	sbarrier.arrive $0xFFFF;
	s2 =	simm.s32 @!p0 $0x1C05  }
0x110: {  	[timem:s3], [sflag:s2] =	dma.local @!p0 [hbm:s0], s1  }
0x111: {  	s0 =	simm.s32 @!p0 $0x5  }
0x112: {  	_ =	swait.ge @!p0 [sflag:s0], s1  }
0x113: {  	s1 =	ssub.s32 @!p0 $0x0, s1;
	[sflag:s0] =	ssyncset.done @!p0 $0x0  }
0x114: {  	[sflag:s0] =	ssyncadd.s32 @!p0 s1  }
0x115: {  	[bflag:$0x3] =	sbarrier.arrive $0xFFFF  }
0x116: {  	_ =	shalt  }

// kernel: kernel.30.cloned.1.call-start
scs
__scs_entry_jumppad:
0x0: {  	(pc) =	sbr.rel $0x88, $3  }
0x1: {  	(tag) =	ssettag $0x0;
	lr =	simm.s32 $0x1  }
0x2: {  	[smem:$0x3F8C] =	sst lr;
	_ =	strace $0xD0000000  }
0x3: {  	_ = 	snop  }
0x4: {  	_ = 	snop  }
0x5: {  	_ = 	snop  }
0x6: {  	_ = 	snop  }
0x7: {  	_ = 	snop  }
__scs_overlays_trampoline_lowered:
0x8: {  	[smem:$0x3F9B] =	sst s0  }
0x9: {  	[smem:$0x3F9C] =	sst s1  }
0xa: {  	[smem:$0x3F9D] =	sst s2  }
0xb: {  	[smem:$0x3F9E] =	sst s3  }
0xc: {  	[smem:$0x3F9F] =	sst s4  }
0xd: {  	[smem:$0x3FA0] =	sst s5  }
0xe: {  	[smem:$0x3FA1] =	sst s6  }
0xf: {  	[smem:$0x3FA2] =	sst s7  }
0x10: {  	[smem:$0x3FA3] =	sst s8  }
0x11: {  	[smem:$0x3FA4] =	sst s9;
	s0 =	simm.s32 @!p0 $0x0  }
0x12: {  	s1 =	sld [smem:$0x3F8A];
	s0 =	simm.s32 @p0 $0x1  }
0x13: {  	[smem:$0x3FA5] =	sst s0;
	s0 =	simm.s32 @!p1 $0x0  }
0x14: {  	s2 =	sld [smem:$0x3F89];
	s0 =	simm.s32 @p1 $0x1  }
0x15: {  	[smem:$0x3FA6] =	sst s0;
	s0 =	simm.s32 @!p2 $0x0  }
0x16: {  	s3 =	sld [smem:$0x3FDB];
	s0 =	simm.s32 @p2 $0x1  }
0x17: {  	s4 =	simm.s32 $0x1BF5;
	[smem:$0x3FA8] =	sst s0  }
0x18: {  	s0 =	sld [smem:$0x3F8B];
	_ =	swait.ge [sflag:s4], $0x0  }
0x19: {  	s7 =	sld [smem:$0x3F8C]  }
0x1a: {  	s8 =	sadd.s32 $0xFFFFE003, lr  }
0x1b: {  	s9 =	sadd.s32 $0xFFFFFEF7, lr;
	s5 =	simm.s32 $0xFFFFFFFF;
	p2 =	slt.u32 s8, $0xFFFFF086  }
0x1c: {  	p1 =	slt.u32 s9, $0xF7A;
	s5 =	simm.s32 @!p2 $0x0  }
0x1d: {  	s5 =	simm.s32 @p1 $0x1;
	p0 =	seq.s32 s7, s2  }
0x1e: {  	s7 =	smul.u32 @!p0 $0xF7A, s2;
	p2 =	seq.s32 @!p0 s5, $0x0  }
0x1f: {  	s9 =	smul.u32 $0xF7A, s1;
	s8 =	simm.s32 @!p0 $0x1BF5;
	p2 =	por !p2, p0  }
0x20: {  	[sflag:s8] =	ssyncset.s32 @!p0 $0xFFFFF086;
	s6 =	sadd.s32 @!p0 s3, s7;
	s7 =	simm.s32 @!p0 $0x108  }
0x21: {  	s3 =	sadd.s32 s3, s9;
	s6 =	sadd.s32 @!p0 $0x88, s6;
	s7 =	simm.s32 @p2 $0x1082  }
0x22: {  	[simem:s7], [sflag:s8] =	dma.local @!p0 [hbm:s6], $0xF7A  }
0x23: {  	s9 =	sor.u32 $0xD0000000, s2;
	s6 =	simm.s32 $0x108;
	_ =	swait.ge @!p0 [sflag:s8], $0x0  }
0x24: {  	s3 =	sadd.s32 $0x88, s3;
	s6 =	simm.s32 @!p1 $0x1082;
	[sflag:s4] =	ssyncset.s32 $0xFFFFF086  }
0x25: {  	[simem:s6], [sflag:s4] =	dma.local [hbm:s3], $0xF7A  }
0x26: {  	[smem:$0x3F8C] =	sst s1;
	(tag) =	ssettag s2;
	_ =	strace s9  }
0x27: {  	s1 =	sld [smem:$0x3F9C]  }
0x28: {  	s2 =	sld [smem:$0x3F9D]  }
0x29: {  	s4 =	sld [smem:$0x3F9F]  }
0x2a: {  	p0 =	seq.s32 s5, $0x0;
	s5 =	sld [smem:$0x3FA0]  }
0x2b: {  	s6 =	sld [smem:$0x3FA1]  }
0x2c: {  	s7 =	sld [smem:$0x3FA2]  }
0x2d: {  	s3 =	simm.s32 $0x108;
	s8 =	sld [smem:$0x3FA3]  }
0x2e: {  	s3 =	simm.s32 @!p0 $0x1082;
	s9 =	sld [smem:$0x3FA4]  }
0x2f: {  	lr =	sadd.s32 s0, s3;
	s0 =	sld [smem:$0x3F9B]  }
0x30: {  	s3 =	sld [smem:$0x3F9E]  }
0x31: {  	[smem:$0x3FA7] =	sst s10  }
0x32: {  	s10 =	sld [smem:$0x3FA5];
	_ =	sdelay $0x3  }
0x33: {  	p0 =	seq.s32 s10, $0x1;
	s10 =	sld [smem:$0x3FA7];
	_ =	sdelay $0x3  }
0x34: {  	[smem:$0x3FA7] =	sst s10  }
0x35: {  	s10 =	sld [smem:$0x3FA6];
	_ =	sdelay $0x3  }
0x36: {  	p1 =	seq.s32 s10, $0x1;
	s10 =	sld [smem:$0x3FA7];
	_ =	sdelay $0x3  }
0x37: {  	[smem:$0x3FA7] =	sst s10  }
0x38: {  	s10 =	sld [smem:$0x3FA8]  }
0x39: {  	_ = 	snop;
	(pc) =	sbr.ind lr, $3  }
0x3a: {  	_ = 	snop  }
0x3b: {  	_ = 	snop  }
0x3c: {  	p2 =	seq.s32 s10, $0x1;
	s10 =	sld [smem:$0x3FA7]  }
0x3d: {  	_ =	shalt  }
0x3e: {  	_ =	shalt  }
0x3f: {  	_ =	shalt  }
0x40: {  	_ =	shalt  }
0x41: {  	_ =	shalt  }
0x42: {  	_ =	shalt  }
0x43: {  	_ =	shalt  }
0x44: {  	_ =	shalt  }
0x45: {  	_ =	shalt  }
0x46: {  	_ =	shalt  }
0x47: {  	_ =	shalt  }
0x48: {  	_ =	shalt  }
0x49: {  	_ =	shalt  }
0x4a: {  	_ =	shalt  }
0x4b: {  	_ =	shalt  }
0x4c: {  	_ =	shalt  }
0x4d: {  	_ =	shalt  }
0x4e: {  	_ =	shalt  }
0x4f: {  	_ =	shalt  }
0x50: {  	_ =	shalt  }
0x51: {  	_ =	shalt  }
0x52: {  	_ =	shalt  }
0x53: {  	_ =	shalt  }
0x54: {  	_ =	shalt  }
0x55: {  	_ =	shalt  }
0x56: {  	_ =	shalt  }
0x57: {  	_ =	shalt  }
0x58: {  	_ =	shalt  }
0x59: {  	_ =	shalt  }
0x5a: {  	_ =	shalt  }
0x5b: {  	_ =	shalt  }
0x5c: {  	_ =	shalt  }
0x5d: {  	_ =	shalt  }
0x5e: {  	_ =	shalt  }
0x5f: {  	_ =	shalt  }
0x60: {  	_ =	shalt  }
0x61: {  	_ =	shalt  }
0x62: {  	_ =	shalt  }
0x63: {  	_ =	shalt  }
0x64: {  	_ =	shalt  }
0x65: {  	_ =	shalt  }
0x66: {  	_ =	shalt  }
0x67: {  	_ =	shalt  }
0x68: {  	_ =	shalt  }
0x69: {  	_ =	shalt  }
0x6a: {  	_ =	shalt  }
0x6b: {  	_ =	shalt  }
0x6c: {  	_ =	shalt  }
0x6d: {  	_ =	shalt  }
0x6e: {  	_ =	shalt  }
0x6f: {  	_ =	shalt  }
0x70: {  	_ =	shalt  }
0x71: {  	_ =	shalt  }
0x72: {  	_ =	shalt  }
0x73: {  	_ =	shalt  }
0x74: {  	_ =	shalt  }
0x75: {  	_ =	shalt  }
0x76: {  	_ =	shalt  }
0x77: {  	_ =	shalt  }
0x78: {  	_ =	shalt  }
0x79: {  	_ =	shalt  }
0x7a: {  	_ =	shalt  }
0x7b: {  	_ =	shalt  }
0x7c: {  	_ =	shalt  }
0x7d: {  	_ =	shalt  }
0x7e: {  	_ =	shalt  }
0x7f: {  	_ =	shalt  }
0x80: {  	_ =	shalt  }
0x81: {  	_ =	shalt  }
0x82: {  	_ =	shalt  }
0x83: {  	_ =	shalt  }
0x84: {  	_ =	shalt  }
0x85: {  	_ =	shalt  }
0x86: {  	_ =	shalt  }
0x87: {  	_ =	shalt  }
.Lfunc_end0:
.L_simem_size_0:
called_computation.4_lowered:
.L_overlay_start_0:
0x88: {  	s2 =	sld [smem:$0x3FD9]  }
0x89: {  	s3 =	sld [smem:$0x3FFE];
	_ =	sdelay $0x1  }
0x8a: {  	s1 =	srdreg.scid  }
0x8b: {  	s0 =	sand.u32 $0x1, s1  }
0x8c: {  	s17 =	sshll.u32 s0, $0xA;
	s2 =	sadd.s32 s3, s2  }
0x8d: {  	s2 =	sadd.s32 s2, s17  }
0x8e: {  	[smem:$0x3FB3] =	sst s2  }
0x8f: {  	_ = 	snop  }
0x90: {  	s2 =	sld [smem:$0x3FD0];
	(tm) =	ssettm $0x1  }
0x91: {  	s18 =	sld [smem:$0x3FFB];
	_ =	sdelay $0x3  }
0x92: {  	_ =	strace s18  }
0x93: {  	s3 =	sld [smem:$0x3FFC];
	_ =	sdelay $0x3  }
0x94: {  	_ =	strace s3  }
0x95: {  	s3 =	sld [smem:$0x3FFD];
	_ =	sdelay $0x3  }
0x96: {  	_ =	strace s3  }
0x97: {  	_ =	strace $0x8FFFFFFF  }
0x98: {  	s19 =	sld [smem:$0x3FDB];
	_ =	sdelay $0x1  }
0x99: {  	s4 =	simm.s32 $_scs_section_size  }
0x9a: {  	s5 =	simm.s32 $_size__tile_overlayer_lowered;
	s6 =	simm.s32 $_tile_overlayer_lowered  }
0x9b: {  	s22 =	simm.s32 $0x1BFF;
	s21 =	sshll.u32 s6, $0x1;
	s3 =	sadd.s32 s4, s19  }
0x9c: {  	s7 =	simm.s32 $0x0;
	s20 =	sshll.u32 s5, $0x1;
	s5 =	sadd.s32 s21, s3  }
0x9d: {  	[timem:s7], [sflag:s22] =	dma.local [hbm:s5], s20  }
0x9e: {  	_ =	swait.ge [sflag:s22], s20  }
0x9f: {  	s4 =	ssub.s32 $0x0, s20;
	[sflag:s22] =	ssyncset.done $0x0  }
0xa0: {  	[sflag:s22] =	ssyncadd.s32 s4;
	_ =	sdelay $0x1  }
0xa1: {  	s23 =	simm.s32 $0x1B8B  }
0xa2: {  	_ =	swait.ge [sflag:s23], $0x1  }
0xa3: {  	[sflag:s23] =	ssyncset.done $0x0  }
0xa4: {  	s25 =	simm.s32 $0x1B8E;
	s24 =	sld [smem:$0x3FFE];
	[sflag:s23] =	ssyncadd.s32 $0xFFFFFFFF  }
0xa5: {  	s26 =	simm.s32 $execute0_lowered;
	[smem:$0x3FD2] =	sst s25  }
0xa6: {  	s5 =	sshll.u32 s26, $0x1;
	_ =	strace $0x80000052;
	[dreg:$0x1] =	wrdreg $0xFFFFFFFF  }
0xa7: {  	s28 =	simm.s32 $_size_execute0_lowered;
	s3 =	sadd.s32 s3, s5;
	[dreg:$0x0] =	wrdreg $0x0  }
0xa8: {  	s5 =	sshll.u32 s28, $0x1;
	[dreg:$0x2] =	wrdreg s3  }
0xa9: {  	[dreg:$0x3] =	wrdreg s5  }
0xaa: {  	[dreg:$0x4] =	wrdreg $0xC0  }
0xab: {  	_ =	task [dreg:s7], $0x5FFFF  }
0xac: {  	[dreg:$0x1] =	wrdreg $0xFFFFFFFF  }
0xad: {  	[dreg:$0x0] =	wrdreg $0x60  }
0xae: {  	[dreg:$0x2] =	wrdreg s24  }
0xaf: {  	[dreg:$0x3] =	wrdreg s2  }
0xb0: {  	[dreg:$0x4] =	wrdreg $0x9  }
0xb1: {  	_ =	task.clear_ibuf [dreg:s7], $0x5FFFF;
	_ =	strace $0x90000052  }
0xb2: {  	s29 =	simm.s32 $0x9;
	_ =	strace $0x80000054  }
0xb3: {  	_ =	swait.ge [sflag:s29], $0x1  }
0xb4: {  	[sflag:s29] =	ssyncadd.s32 $0xFFFFFFFF  }
0xb5: {  	_ =	strace $0x90000054  }
0xb6: {  	_ =	sfence  }
0xb7: {  	s30 =	sld [smem:$0x0];
	_ =	sdelay $0x2  }
0xb8: {  	s31 =	sshll.u32 s1, $0xD;
	s1 =	sshrl.u32 s1, $0x2  }
0xb9: {  	s3 =	sand.u32 $0x4000, s31;
	s1 =	sadd.s32 s1, s30  }
0xba: {  	s0 =	sor.u32 s3, s0;
	s1 =	sshll.u32 s1, $0x11  }
0xbb: {  	s0 =	sor.u32 s1, s0  }
0xbc: {  	s0 =	sadd.s32 $0x8F2B, s0  }
0xbd: {  	[sflag:s0] =	ssyncadd.remote.s32 $0x1  }
0xbe: {  	_ =	sfence.sel $0xFFFF  }
0xbf: {  	[dreg:$0x0] =	wrdreg $0xFFFFFFFF;
	(pc) =	sbr.abs _section_cstart, $3  }
0xc0: {  	[dreg:$0x1] =	wrdreg $0xFFFFFFFF  }
0xc1: {  	_ =	task.clear_ibuf [dreg:s7], $0x2FFFF;
	_ =	strace $0x9FFFFFFF  }
0xc2: {  	(tm) =	ssettm $0x7FFFFFFF  }
0xc3: {  	_ =	shalt  }
tec
execute0_lowered:
.L_overlay_start_1:
0x0: {  	(tag) =	ssettag $0x1  }
0x1: {  	s0 =	rddreg [dreg:$0x0]  }
0x2: {  	s1 =	srdreg.scid;
	s10 =	stileid.u32  }
0x3: {  	s2 =	rddreg [dreg:$0x1];
	s3 =	simm.s32 $0x0;
	s28 =	simm.s32 $0x1  }
0x4: {  	s29 =	simm.s32 $0x2;
	s30 =	simm.s32 $0x3;
	s17 =	smul.u32 $0x4E00, s10  }
0x5: {  	s1 =	sand.u32 $0x1, s1;
	s4 =	sshll.u32 s10, $0x1;
	s23 =	smul.u32 $0x4E000, s10  }
0x6: {  	[smem:$0x7FF] =	sst s3;
	s6 =	sor.u32 s1, s4;
	s13 =	smul.u32 $0x2700, s1  }
0x7: {  	_ =	strace $0x80000053;
	s8 =	ssub.s32 $0x2, s1;
	s1 =	smul.u32 $0x27000, s1  }
0x8: {  	s31 =	simm.s32 $0x4;
	s4 =	sadd.s32 $0x92F600, s0;
	s7 =	smul.u32 $0x2700, s6  }
0x9: {  	s0 =	sadd.s32 $0x4C00, s0;
	s9 =	sshrl.u32 s8, $0x1;
	s6 =	smul.u32 $0x138000, s6  }
0xa: {  	s8 =	ssub.s32 s8, s9;
	s21 =	sadd.s32 s13, s17;
	s5 =	sshrl.u32 s7, $0x3  }
0xb: {  	s7 =	sadd.s32 $0x138, s7;
	s6 =	sshrl.u32 s6, $0x3;
	s13 =	smax.u32 s8, $0x1  }
0xc: {  	s22 =	sadd.s32 $0x270, s21;
	s9 =	sadd.s32 $0x2D8, s21;
	s25 =	sadd.s32 $0x208, s21  }
0xd: {  	s5 =	sadd.s32 s2, s5;
	s7 =	sshrl.u32 s7, $0x3;
	s6 =	sadd.s32 s0, s6  }
0xe: {  	s24 =	sshrl.u32 s9, $0x3;
	s0 =	sadd.s32 s23, s0;
	s26 =	sshrl.u32 s25, $0x3  }
0xf: {  	s23 =	simm.s32 $0x6900;
	s25 =	simm.s32 $0x6A00;
	s15 =	sadd.s32 $0xD, s5  }
0x10: {  	s16 =	sadd.s32 $0x1A, s5;
	s7 =	sadd.s32 s2, s7;
	[dreg:$0x4] =	wrdreg s15  }
0x11: {  	s18 =	sadd.s32 $0x25600, s6;
	s19 =	sadd.s32 $0x25C80, s6;
	[dreg:$0x5] =	wrdreg s16  }
0x12: {  	s20 =	sadd.s32 $0x26300, s6;
	s12 =	sadd.s32 $0x26980, s6;
	[dreg:$0x6] =	wrdreg s7  }
0x13: {  	s0 =	sadd.s32 s1, s0;
	s17 =	sadd.s32 s26, s2;
	[dreg:$0x7] =	wrdreg s18  }
0x14: {  	s26 =	simm.s32 $0x9E00;
	s1 =	simm.s32 $0x0;
	[dreg:$0x8] =	wrdreg s19  }
0x15: {  	[dreg:$0x9] =	wrdreg s20;
	s7 =	sshrl.u32 s22, $0x3;
	s15 =	sadd.s32 s24, s2  }
0x16: {  	[dreg:$0x3] =	wrdreg s0;
	s16 =	sadd.s32 $0x1A0, s21;
	s18 =	simm.s32 $0x5  }
0x17: {  	s19 =	simm.s32 $0x80;
	s20 =	simm.s32 $0x68;
	s21 =	simm.s32 $0x100  }
0x18: {  	s22 =	simm.s32 $0x3500;
	s24 =	simm.s32 $0x6980;
	s14 =	sadd.s32 s7, s2  }
.LBB2_1:
0x19: {  	[tilespmem:s3], [sflag:$0x5] =	stream.linear.gather [hbm4b:s5+s3], $0x68, $0x38;
	[tilespmem:$0xD200] =	vst v63  }
0x1a: {  	_ =	swait.ge [sflag:s18], $0x68  }
0x1b: {  	[sflag:s18] =	ssyncset.done $0x0  }
0x1c: {  	s0 =	rddreg [dreg:$0x4];
	[sflag:s18] =	ssyncadd.s32 $0xFFFFFF98  }
0x1d: {  	[tilespmem:s19], [sflag:$0x5] =	stream.linear.gather [hbm4b:s0+s3], $0x68, $0x38;
	[tilespmem:$0xD200] =	vst v63  }
0x1e: {  	_ =	swait.ge [sflag:s18], $0x68  }
0x1f: {  	[sflag:s18] =	ssyncset.done $0x0  }
0x20: {  	[sflag:s18] =	ssyncadd.s32 $0xFFFFFF98  }
0x21: {  	[tilespmem:s21], [sflag:$0x1] =	stream.indirect.gather [hbm4b:s4+s20], $0x80, s3, s20, $0xb8;
	[tilespmem:$0xD200] =	vst v63  }
0x22: {  	_ = 	snop  }
0x23: {  	[tilespmem:s22], [sflag:$0x1] =	stream.indirect.gather [hbm4b:s4+s20], $0x80, s19, s20, $0xb8;
	[tilespmem:$0xD200] =	vst v63  }
0x24: {  	s7 =	rddreg [dreg:$0x5]  }
0x25: {  	[tilespmem:s23], [sflag:$0x5] =	stream.linear.gather [hbm4b:s7+s3], $0x68, $0x38;
	[tilespmem:$0xD200] =	vst v63  }
0x26: {  	_ =	swait.ge [sflag:s18], $0x68  }
0x27: {  	[sflag:s18] =	ssyncset.done $0x0  }
0x28: {  	s8 =	rddreg [dreg:$0x6];
	[sflag:s18] =	ssyncadd.s32 $0xFFFFFF98  }
0x29: {  	[tilespmem:s24], [sflag:$0x5] =	stream.linear.gather [hbm4b:s8+s3], $0x68, $0x38;
	[tilespmem:$0xD200] =	vst v63  }
0x2a: {  	_ =	swait.ge [sflag:s18], $0x68  }
0x2b: {  	[sflag:s18] =	ssyncset.done $0x0  }
0x2c: {  	[sflag:s18] =	ssyncadd.s32 $0xFFFFFF98  }
0x2d: {  	[tilespmem:s25], [sflag:$0x3] =	stream.indirect.gather [hbm4b:s4+s20], $0x80, s23, s20, $0xb8;
	[tilespmem:$0xD200] =	vst v63  }
0x2e: {  	_ = 	snop  }
0x2f: {  	[tilespmem:s26], [sflag:$0x3] =	stream.indirect.gather [hbm4b:s4+s20], $0x80, s24, s20, $0xb8;
	[tilespmem:$0xD200] =	vst v63  }
0x30: {  	_ =	swait.ge [sflag:s28], $0x3400  }
0x31: {  	[sflag:s28] =	ssyncset.done $0x0  }
0x32: {  	[sflag:s28] =	ssyncadd.s32 $0xFFFFCC00  }
0x33: {  	_ =	swait.ge [sflag:s28], $0x3400  }
0x34: {  	s9 =	rddreg [dreg:$0x3];
	[sflag:s28] =	ssyncset.done $0x0  }
0x35: {  	[sflag:s28] =	ssyncadd.s32 $0xFFFFCC00;
	s0 =	sadd.s32 $0x0, s9  }
0x36: {  	[hbm4b:s0+s3] =	stream.linear.scatter [tilespmem:s21], [sflag:$0x2], $0x3400, $0x38;
	[tilespmem:$0xD200] =	vst v63  }
0x37: {  	s6 =	sadd.s32 $0x680, s0  }
0x38: {  	[hbm4b:s6+s3] =	stream.linear.scatter [tilespmem:s22], [sflag:$0x2], $0x3400, $0x38;
	[tilespmem:$0xD200] =	vst v63  }
0x39: {  	_ =	swait.ge [sflag:s29], $0x3400  }
0x3a: {  	[sflag:s29] =	ssyncset.done $0x0  }
0x3b: {  	[sflag:s29] =	ssyncadd.s32 $0xFFFFCC00  }
0x3c: {  	_ =	swait.ge [sflag:s29], $0x3400  }
0x3d: {  	s10 =	sshrl.u32 s16, $0x3;
	[sflag:s29] =	ssyncset.done $0x0  }
0x3e: {  	s6 =	sadd.s32 s2, s10;
	[sflag:s29] =	ssyncadd.s32 $0xFFFFCC00  }
0x3f: {  	[tilespmem:s3], [sflag:$0x5] =	stream.linear.gather [hbm4b:s6+s3], $0x68, $0x38;
	[tilespmem:$0xD200] =	vst v63  }
0x40: {  	_ =	swait.ge [sflag:s18], $0x68  }
0x41: {  	[sflag:s18] =	ssyncset.done $0x0  }
0x42: {  	[sflag:s18] =	ssyncadd.s32 $0xFFFFFF98  }
0x43: {  	[tilespmem:s19], [sflag:$0x5] =	stream.linear.gather [hbm4b:s17+s3], $0x68, $0x38;
	[tilespmem:$0xD200] =	vst v63  }
0x44: {  	_ =	swait.ge [sflag:s18], $0x68  }
0x45: {  	[sflag:s18] =	ssyncset.done $0x0  }
0x46: {  	[sflag:s18] =	ssyncadd.s32 $0xFFFFFF98  }
0x47: {  	[tilespmem:s21], [sflag:$0x1] =	stream.indirect.gather [hbm4b:s4+s20], $0x80, s3, s20, $0xb8;
	[tilespmem:$0xD200] =	vst v63  }
0x48: {  	_ = 	snop  }
0x49: {  	[tilespmem:s22], [sflag:$0x1] =	stream.indirect.gather [hbm4b:s4+s20], $0x80, s19, s20, $0xb8;
	[tilespmem:$0xD200] =	vst v63  }
0x4a: {  	_ =	swait.ge [sflag:s30], $0x3400  }
0x4b: {  	[sflag:s30] =	ssyncset.done $0x0  }
0x4c: {  	[sflag:s30] =	ssyncadd.s32 $0xFFFFCC00  }
0x4d: {  	_ =	swait.ge [sflag:s30], $0x3400  }
0x4e: {  	[sflag:s30] =	ssyncset.done $0x0  }
0x4f: {  	s11 =	sadd.s32 $0xD00, s0;
	[sflag:s30] =	ssyncadd.s32 $0xFFFFCC00  }
0x50: {  	[hbm4b:s11+s3] =	stream.linear.scatter [tilespmem:s25], [sflag:$0x4], $0x3400, $0x38;
	[tilespmem:$0xD200] =	vst v63  }
0x51: {  	s0 =	sadd.s32 $0x1380, s0  }
0x52: {  	[hbm4b:s0+s3] =	stream.linear.scatter [tilespmem:s26], [sflag:$0x4], $0x3400, $0x38;
	[tilespmem:$0xD200] =	vst v63  }
0x53: {  	_ =	swait.ge [sflag:s31], $0x3400  }
0x54: {  	[sflag:s31] =	ssyncset.done $0x0  }
0x55: {  	[sflag:s31] =	ssyncadd.s32 $0xFFFFCC00  }
0x56: {  	_ =	swait.ge [sflag:s31], $0x3400  }
0x57: {  	[sflag:s31] =	ssyncset.done $0x0  }
0x58: {  	[sflag:s31] =	ssyncadd.s32 $0xFFFFCC00  }
0x59: {  	[tilespmem:s23], [sflag:$0x5] =	stream.linear.gather [hbm4b:s14+s3], $0x68, $0x38;
	[tilespmem:$0xD200] =	vst v63  }
0x5a: {  	_ =	swait.ge [sflag:s18], $0x68  }
0x5b: {  	[sflag:s18] =	ssyncset.done $0x0  }
0x5c: {  	[sflag:s18] =	ssyncadd.s32 $0xFFFFFF98  }
0x5d: {  	[tilespmem:s24], [sflag:$0x5] =	stream.linear.gather [hbm4b:s15+s3], $0x68, $0x38;
	[tilespmem:$0xD200] =	vst v63  }
0x5e: {  	s7 =	sadd.s32 $0x34, s14;
	_ =	swait.ge [sflag:s18], $0x68  }
0x5f: {  	s8 =	sadd.s32 $0x34, s15;
	s9 =	sadd.s32 $0x1A0, s16;
	[sflag:s18] =	ssyncset.done $0x0  }
0x60: {  	s6 =	sadd.s32 $0x34, s17;
	s0 =	simm.s32 $0x1A00;
	[sflag:s18] =	ssyncadd.s32 $0xFFFFFF98  }
0x61: {  	[tilespmem:s25], [sflag:$0x3] =	stream.indirect.gather [hbm4b:s4+s20], $0x80, s23, s20, $0xb8;
	[tilespmem:$0xD200] =	vst v63  }
.LBB2_2:
0x62: {  	[tilespmem:s26], [sflag:$0x3] =	stream.indirect.gather [hbm4b:s4+s20], $0x80, s24, s20, $0xb8;
	[tilespmem:$0xD200] =	vst v63  }
0x63: {  	_ =	swait.ge [sflag:s28], $0x3400  }
0x64: {  	[sflag:s28] =	ssyncset.done $0x0  }
0x65: {  	[sflag:s28] =	ssyncadd.s32 $0xFFFFCC00  }
0x66: {  	_ =	swait.ge [sflag:s28], $0x3400  }
0x67: {  	s10 =	smov.u32 s0;
	s11 =	rddreg [dreg:$0x3];
	[sflag:s28] =	ssyncset.done $0x0  }
0x68: {  	[sflag:s28] =	ssyncadd.s32 $0xFFFFCC00;
	s10 =	sadd.s32 s10, s11  }
0x69: {  	[hbm4b:s10+s3] =	stream.linear.scatter [tilespmem:s21], [sflag:$0x2], $0x3400, $0x38;
	[tilespmem:$0xD200] =	vst v63  }
0x6a: {  	s11 =	sadd.s32 $0x680, s10  }
0x6b: {  	[hbm4b:s11+s3] =	stream.linear.scatter [tilespmem:s22], [sflag:$0x2], $0x3400, $0x38;
	[tilespmem:$0xD200] =	vst v63  }
0x6c: {  	_ =	swait.ge [sflag:s29], $0x3400  }
0x6d: {  	[sflag:s29] =	ssyncset.done $0x0  }
0x6e: {  	[sflag:s29] =	ssyncadd.s32 $0xFFFFCC00  }
0x6f: {  	_ =	swait.ge [sflag:s29], $0x3400  }
0x70: {  	s11 =	sshrl.u32 s9, $0x3;
	[sflag:s29] =	ssyncset.done $0x0  }
0x71: {  	s11 =	sadd.s32 s2, s11;
	[sflag:s29] =	ssyncadd.s32 $0xFFFFCC00  }
0x72: {  	[tilespmem:s3], [sflag:$0x5] =	stream.linear.gather [hbm4b:s11+s3], $0x68, $0x38;
	[tilespmem:$0xD200] =	vst v63  }
0x73: {  	_ =	swait.ge [sflag:s18], $0x68  }
0x74: {  	[sflag:s18] =	ssyncset.done $0x0  }
0x75: {  	[sflag:s18] =	ssyncadd.s32 $0xFFFFFF98  }
0x76: {  	[tilespmem:s19], [sflag:$0x5] =	stream.linear.gather [hbm4b:s6+s3], $0x68, $0x38;
	[tilespmem:$0xD200] =	vst v63  }
0x77: {  	_ =	swait.ge [sflag:s18], $0x68  }
0x78: {  	[sflag:s18] =	ssyncset.done $0x0  }
0x79: {  	[sflag:s18] =	ssyncadd.s32 $0xFFFFFF98  }
0x7a: {  	[tilespmem:s21], [sflag:$0x1] =	stream.indirect.gather [hbm4b:s4+s20], $0x80, s3, s20, $0xb8;
	[tilespmem:$0xD200] =	vst v63  }
0x7b: {  	_ = 	snop  }
0x7c: {  	[tilespmem:s22], [sflag:$0x1] =	stream.indirect.gather [hbm4b:s4+s20], $0x80, s19, s20, $0xb8;
	[tilespmem:$0xD200] =	vst v63  }
0x7d: {  	_ =	swait.ge [sflag:s30], $0x3400  }
0x7e: {  	[sflag:s30] =	ssyncset.done $0x0  }
0x7f: {  	[sflag:s30] =	ssyncadd.s32 $0xFFFFCC00  }
0x80: {  	_ =	swait.ge [sflag:s30], $0x3400  }
0x81: {  	[sflag:s30] =	ssyncset.done $0x0  }
0x82: {  	s11 =	sadd.s32 $0xD00, s10;
	[sflag:s30] =	ssyncadd.s32 $0xFFFFCC00  }
0x83: {  	[hbm4b:s11+s3] =	stream.linear.scatter [tilespmem:s25], [sflag:$0x4], $0x3400, $0x38;
	[tilespmem:$0xD200] =	vst v63  }
0x84: {  	s10 =	sadd.s32 $0x1380, s10  }
0x85: {  	[hbm4b:s10+s3] =	stream.linear.scatter [tilespmem:s26], [sflag:$0x4], $0x3400, $0x38;
	[tilespmem:$0xD200] =	vst v63  }
0x86: {  	_ =	swait.ge [sflag:s31], $0x3400  }
0x87: {  	[sflag:s31] =	ssyncset.done $0x0  }
0x88: {  	[sflag:s31] =	ssyncadd.s32 $0xFFFFCC00  }
0x89: {  	_ =	swait.ge [sflag:s31], $0x3400  }
0x8a: {  	[sflag:s31] =	ssyncset.done $0x0  }
0x8b: {  	[sflag:s31] =	ssyncadd.s32 $0xFFFFCC00  }
0x8c: {  	[tilespmem:s23], [sflag:$0x5] =	stream.linear.gather [hbm4b:s7+s3], $0x68, $0x38;
	[tilespmem:$0xD200] =	vst v63  }
0x8d: {  	_ =	swait.ge [sflag:s18], $0x68  }
0x8e: {  	[sflag:s18] =	ssyncset.done $0x0  }
0x8f: {  	p0 =	sne.s32 s0, $0x23C00;
	[sflag:s18] =	ssyncadd.s32 $0xFFFFFF98  }
0x90: {  	[tilespmem:s24], [sflag:$0x5] =	stream.linear.gather [hbm4b:s8+s3], $0x68, $0x38;
	[tilespmem:$0xD200] =	vst v63  }
.Ltmp0:
0x91: {  	_ = 	snop;
	(pc) =	sbr.rel @p0 .LBB2_2-.Ltmp0, $4  }
0x92: {  	s0 =	sadd.s32 $0x1A00, s0;
	_ =	swait.ge [sflag:s18], $0x68  }
0x93: {  	s9 =	sadd.s32 $0x1A0, s9;
	s6 =	sadd.s32 $0x34, s6;
	[sflag:s18] =	ssyncset.done $0x0  }
0x94: {  	s7 =	sadd.s32 $0x34, s7;
	s8 =	sadd.s32 $0x34, s8;
	[sflag:s18] =	ssyncadd.s32 $0xFFFFFF98  }
0x95: {  	[tilespmem:s25], [sflag:$0x3] =	stream.indirect.gather [hbm4b:s4+s20], $0x80, s23, s20, $0xb8;
	[tilespmem:$0xD200] =	vst v63  }
0x96: {  	[tilespmem:s26], [sflag:$0x3] =	stream.indirect.gather [hbm4b:s4+s20], $0x80, s24, s20, $0xb8;
	[tilespmem:$0xD200] =	vst v63  }
0x97: {  	_ =	swait.ge [sflag:s28], $0x3400  }
0x98: {  	[sflag:s28] =	ssyncset.done $0x0  }
0x99: {  	[sflag:s28] =	ssyncadd.s32 $0xFFFFCC00  }
0x9a: {  	_ =	swait.ge [sflag:s28], $0x3400  }
0x9b: {  	[sflag:s28] =	ssyncset.done $0x0  }
0x9c: {  	s0 =	rddreg [dreg:$0x7];
	[sflag:s28] =	ssyncadd.s32 $0xFFFFCC00  }
0x9d: {  	[hbm4b:s0+s3] =	stream.linear.scatter [tilespmem:s21], [sflag:$0x2], $0x3400, $0x38;
	[tilespmem:$0xD200] =	vst v63  }
0x9e: {  	s10 =	rddreg [dreg:$0x8]  }
0x9f: {  	[hbm4b:s10+s3] =	stream.linear.scatter [tilespmem:s22], [sflag:$0x2], $0x3400, $0x38;
	[tilespmem:$0xD200] =	vst v63  }
0xa0: {  	_ =	swait.ge [sflag:s29], $0x3400  }
0xa1: {  	[sflag:s29] =	ssyncset.done $0x0  }
0xa2: {  	[sflag:s29] =	ssyncadd.s32 $0xFFFFCC00  }
0xa3: {  	_ =	swait.ge [sflag:s29], $0x3400  }
0xa4: {  	[sflag:s29] =	ssyncset.done $0x0  }
0xa5: {  	[sflag:s29] =	ssyncadd.s32 $0xFFFFCC00  }
0xa6: {  	_ =	swait.ge [sflag:s30], $0x3400  }
0xa7: {  	[sflag:s30] =	ssyncset.done $0x0  }
0xa8: {  	[sflag:s30] =	ssyncadd.s32 $0xFFFFCC00  }
0xa9: {  	_ =	swait.ge [sflag:s30], $0x3400  }
0xaa: {  	[sflag:s30] =	ssyncset.done $0x0  }
0xab: {  	s11 =	rddreg [dreg:$0x9];
	[sflag:s30] =	ssyncadd.s32 $0xFFFFCC00  }
0xac: {  	[hbm4b:s11+s3] =	stream.linear.scatter [tilespmem:s25], [sflag:$0x4], $0x3400, $0x38;
	[tilespmem:$0xD200] =	vst v63  }
0xad: {  	s1 =	sadd.s32 $0x1, s1  }
0xae: {  	[hbm4b:s12+s3] =	stream.linear.scatter [tilespmem:s26], [sflag:$0x4], $0x3400, $0x38;
	[tilespmem:$0xD200] =	vst v63  }
0xaf: {  	p0 =	sne.s32 s1, s13;
	_ =	swait.ge [sflag:s31], $0x3400  }
.Ltmp1:
0xb0: {  	[sflag:s31] =	ssyncset.done $0x0;
	(pc) =	sbr.rel @p0 .LBB2_1-.Ltmp1, $4  }
0xb1: {  	[sflag:s31] =	ssyncadd.s32 $0xFFFFCC00  }
0xb2: {  	_ =	swait.ge [sflag:s31], $0x3400  }
0xb3: {  	[sflag:s31] =	ssyncset.done $0x0  }
0xb4: {  	[sflag:s31] =	ssyncadd.s32 $0xFFFFCC00  }
0xb5: {  	_ =	sfence.sel $0x180000  }
0xb6: {  	[bflag:$0x0] =	sbarrier.arrive $0xFFFF  }
0xb7: {  	_ =	strace $0x90000053  }
0xb8: {  	s0 =	stileid.u32;
	[bflag:$0x2] =	sbarrier.arrive $0xFFFF  }
0xb9: {  	p0 =	sne.s32 s0, $0x0;
	s0 =	rddreg [dreg:$0x2]  }
0xba: {  	s0 =	sadd.s32 @!p0 $0x100000, s0  }
0xbb: {  	[sflag:s0] =	ssyncadd.tile.s32 @!p0 $0x1;
	_ =	shalt  }
.Lfunc_end2:
_tile_overlayer_lowered:
.L_overlay_start_2:
0xbc: {  	(tag) =	ssettag $0x2  }
0xbd: {  	s0 =	rddreg [dreg:$0x0];
	s2 =	stileid.u32  }
0xbe: {  	s1 =	rddreg [dreg:$0x1];
	p0 =	sne.s32 s2, $0x0  }
0xbf: {  	s3 =	rddreg [dreg:$0x2];
	[bflag:$0x3] =	sbarrier.arrive $0xFFFF;
	s2 =	simm.s32 @!p0 $0x1C05  }
0xc0: {  	[timem:s3], [sflag:s2] =	dma.local @!p0 [hbm:s0], s1  }
0xc1: {  	s0 =	simm.s32 @!p0 $0x5  }
0xc2: {  	_ =	swait.ge @!p0 [sflag:s0], s1  }
0xc3: {  	s1 =	ssub.s32 @!p0 $0x0, s1;
	[sflag:s0] =	ssyncset.done @!p0 $0x0  }
0xc4: {  	[sflag:s0] =	ssyncadd.s32 @!p0 s1  }
0xc5: {  	[bflag:$0x3] =	sbarrier.arrive $0xFFFF  }
0xc6: {  	_ =	shalt  }

</sc_bundles>
